<compile_context>
chip_gen: v7x
topology: tpu7x:2x2x1
jax: 0.10.2.dev20260603
libtpu: 0.0.44.dev20260713+nightly
codegen_flags: <defaults>
</compile_context>

<pallas_src>
import functools

import numpy as np
import jax
import jax.numpy as jnp
from jax import lax
from jax.experimental import pallas as pl
from jax.experimental.pallas import tpu as pltpu
from jax.experimental.pallas import tpu_sc as plsc

N_SH = 10240
W = 128
NC, NS = 2, 16
NW = NC * NS
NWIN = 80
EP = NW * NWIN * W
RPT = N_SH // NS
BN = 1024
GRID = N_SH // BN

_MESH = plsc.VectorSubcoreMesh(core_axis_name="c", subcore_axis_name="s",
                               num_cores=NC, num_subcores=NS)
_SC_PARAMS = pltpu.CompilerParams(use_tc_tiling_on_sc=False)
_f32 = jnp.float32



NB = 8
LOOK = NB // 2


def _hop_body(F, wide_out, g_hbm, z_hbm, ridx_hbm, cidx_hbm, out_hbm,
              ridx_v, cidx_v, *bufs):
    rbs = bufs[:NB]
    sgs = bufs[NB:2 * NB]
    sss = bufs[2 * NB:3 * NB]
    c = lax.axis_index("c")
    s = lax.axis_index("s")
    wid = c * NS + s
    r0 = s * RPT

    agg_sh = bufs[3 * NB]

    @pl.when(c == 0)
    def _():
        pltpu.sync_copy(g_hbm.at[pl.ds(r0, RPT)], agg_sh.at[pl.ds(r0, RPT)])

    @pl.when(c != 0)
    def _():
        pltpu.sync_copy(z_hbm.at[pl.ds(r0, RPT)], agg_sh.at[pl.ds(r0, RPT)])

    pltpu.sync_copy(ridx_hbm.at[pl.ds(wid * NWIN, NWIN)], ridx_v)
    pltpu.sync_copy(cidx_hbm.at[pl.ds(wid * NWIN, NWIN)], cidx_v)

    for w0 in range(LOOK):
        pltpu.async_copy(g_hbm.at[ridx_v.at[w0]], rbs[w0], sgs[w0])
    plsc.subcore_barrier()

    def outer(i, carry):
        for b in range(NB):
            w = NB * i + b
            bp = (b + LOOK) % NB

            @pl.when(w >= LOOK)
            def _():
                pltpu.make_async_copy(
                    rbs[bp], agg_sh.at[cidx_v.at[w - LOOK]], sss[bp]).wait()

            @pl.when(w + LOOK < NWIN)
            def _():
                pltpu.async_copy(g_hbm.at[ridx_v.at[w + LOOK]], rbs[bp],
                                 sgs[bp])

            pltpu.make_async_copy(g_hbm.at[ridx_v.at[w]], rbs[b],
                                  sgs[b]).wait()
            pltpu.async_copy(rbs[b], agg_sh.at[cidx_v.at[w]], sss[b],
                             add=True)
        return carry

    lax.fori_loop(0, NWIN // NB, outer, 0)
    for w in range(NWIN - LOOK, NWIN):
        pltpu.make_async_copy(rbs[w % NB], agg_sh.at[cidx_v.at[w]],
                              sss[w % NB]).wait()
    plsc.subcore_barrier()
    if wide_out:
        pltpu.sync_copy(agg_sh.at[pl.ds(r0, RPT)],
                        out_hbm.at[pl.ds(c * N_SH + r0, RPT), pl.ds(0, F)])
    else:
        pltpu.sync_copy(agg_sh.at[pl.ds(r0, RPT)],
                        out_hbm.at[pl.ds(c * N_SH + r0, RPT)])


def _make_hop(F, wide_out=False):
    ow = 128 if wide_out else F
    return pl.kernel(
        functools.partial(_hop_body, F, wide_out),
        out_type=jax.ShapeDtypeStruct((2 * N_SH, ow), _f32),
        mesh=_MESH,
        scratch_types=[
            pltpu.VMEM((NWIN, W), jnp.int32),
            pltpu.VMEM((NWIN, W), jnp.int32),
        ] + [pltpu.VMEM((W, F), _f32)] * NB
          + [pltpu.SemaphoreType.DMA] * (2 * NB)
          + [pltpu.VMEM_SHARED((N_SH, F), _f32)],
        compiler_params=_SC_PARAMS,
    )



def _deg_body(cidx_hbm, out_hbm, cidx_v, ones_v, zb_v, deg_sh):
    c = lax.axis_index("c")
    s = lax.axis_index("s")
    wid = c * NS + s
    r0 = s * RPT

    for j in range(W // 16):
        ones_v[pl.ds(j * 16, 16)] = jnp.ones((16,), _f32)

    def zf(i, carry):
        zb_v[pl.ds(i * 16, 16)] = jnp.zeros((16,), _f32)
        return carry

    lax.fori_loop(0, RPT // 16, zf, 0)
    pltpu.sync_copy(zb_v, deg_sh.at[pl.ds(r0, RPT)])
    pltpu.sync_copy(cidx_hbm.at[pl.ds(wid * NWIN, NWIN)], cidx_v)
    plsc.subcore_barrier()

    def wf(w, carry):
        pltpu.sync_copy(ones_v, deg_sh.at[cidx_v.at[w]], add=True)
        return carry

    lax.fori_loop(0, NWIN, wf, 0)
    plsc.subcore_barrier()
    pltpu.sync_copy(deg_sh.at[pl.ds(r0, RPT)],
                    out_hbm.at[pl.ds(c * N_SH + r0, RPT)])


_deg_kernel = pl.kernel(
    _deg_body,
    out_type=jax.ShapeDtypeStruct((2 * N_SH,), _f32),
    mesh=_MESH,
    scratch_types=[
        pltpu.VMEM((NWIN, W), jnp.int32),
        pltpu.VMEM((W,), _f32),
        pltpu.VMEM((RPT,), _f32),
        pltpu.VMEM_SHARED((N_SH,), _f32),
    ],
    compiler_params=_SC_PARAMS,
)




def _mm1_body(x_ref, w_ref, m_ref, g_ref):
    y = jnp.dot(x_ref[...], w_ref[...], preferred_element_type=_f32)
    g_ref[...] = y * m_ref[...]


def _scale_flat_body(p0_ref, p1_ref, m_ref, o_ref):
    m = m_ref[...]
    o_ref[...] = (p0_ref[...] + p1_ref[...]) * (m * m)


def _mm2_body(q0_ref, q1_ref, ma_ref, m32_ref, b_ref, w_ref, g_ref):
    ma = ma_ref[...]
    h = jnp.maximum((q0_ref[...] + q1_ref[...]) * ma + b_ref[...], 0.0)
    g = jnp.dot(h, w_ref[...], preferred_element_type=_f32)
    g_ref[...] = g * m32_ref[...]


def _mm3_body(q0_ref, q1_ref, d0_ref, d1_ref, b_ref, wfc_ref, bfc_ref,
              h2_ref, out_ref):
    F = b_ref.shape[1]
    dinv = lax.rsqrt(jnp.reshape(d0_ref[...] + d1_ref[...] + 1.0, (BN, 1)))
    q = q0_ref[:, :F] + q1_ref[:, :F]
    h = jnp.maximum(q * dinv + b_ref[...], 0.0)
    h2_ref[...] = h
    out_ref[...] = jnp.dot(h, wfc_ref[...],
                           preferred_element_type=_f32) + bfc_ref[...]


def _p_spec(FD, off=0):
    return pl.BlockSpec((BN // 2, FD), lambda i: (i + off, 0))


def _full_spec(a, b):
    return pl.BlockSpec((a, b), lambda i: (0, 0))



def kernel(x, edge_index, W1, b1, W2, b2, Wfc, bfc):
    N, D = x.shape
    H1 = W1.shape[1]
    H2 = W2.shape[1]
    OUT = Wfc.shape[1]
    E = edge_index.shape[1]

    kpad = np.arange(EP - E, dtype=np.int32)
    ridx = jnp.concatenate(
        [edge_index[0], jnp.asarray(kpad % N)]).reshape(NW * NWIN, W)
    cidx = jnp.concatenate(
        [edge_index[1], jnp.asarray(N + kpad % (N_SH - N))]
    ).reshape(NW * NWIN, W)
    z1 = jnp.zeros((N_SH, H1), _f32)
    z2 = jnp.zeros((N_SH, H2), _f32)

    degf = _deg_kernel(cidx)

    NH = N_SH // 2
    deg = degf[:N_SH] + degf[N_SH:] + 1.0
    dinv = lax.rsqrt(deg)
    ma2 = jnp.broadcast_to(dinv.reshape(NH, 2, 1), (NH, 2, H1)
                           ).reshape(NH, 2 * H1)
    maf = ma2.reshape(-1)
    m32 = jnp.broadcast_to(dinv.reshape(NH, 2, 1), (NH, 2, H2)
                           ).reshape(NH, 2 * H2)
    m32f = jnp.broadcast_to(dinv[:, None], (N_SH, H2)).reshape(-1)
    w1bd = jax.scipy.linalg.block_diag(W1, W1)
    w2bd = jax.scipy.linalg.block_diag(W2, W2)
    b1t = jnp.tile(b1, 2)[None]
    xp = x.reshape(N // 2, 2 * D)

    g1p = pl.pallas_call(
        _mm1_body,
        grid=(GRID,),
        in_specs=[_p_spec(2 * D), _full_spec(2 * D, 2 * H1), _p_spec(2 * H1)],
        out_specs=_p_spec(2 * H1),
        out_shape=jax.ShapeDtypeStruct((NH, 2 * H1), _f32),
    )(xp, w1bd, ma2)

    hop1 = _make_hop(H1)
    hop2 = _make_hop(H2)
    hop2w = _make_hop(H2, wide_out=True)

    def scale_flat(p, mf, nel):
        blk = nel // GRID
        return pl.pallas_call(
            _scale_flat_body,
            grid=(GRID,),
            in_specs=[pl.BlockSpec((blk,), lambda i: (i,)),
                      pl.BlockSpec((blk,), lambda i: (i + GRID,)),
                      pl.BlockSpec((blk,), lambda i: (i,))],
            out_specs=pl.BlockSpec((blk,), lambda i: (i,)),
            out_shape=jax.ShapeDtypeStruct((nel,), _f32),
        )(p, p, mf)

    NE1 = N_SH * H1
    NE2 = N_SH * H2
    pA = hop1(g1p.reshape(N_SH, H1), z1, ridx, cidx).reshape(2 * NE1)
    g1bf = scale_flat(pA, maf, NE1)
    qA = hop1(g1bf.reshape(N_SH, H1), z1, ridx, cidx).reshape(NH * 2, 128)

    g2p = pl.pallas_call(
        _mm2_body,
        grid=(GRID,),
        in_specs=[_p_spec(128), _p_spec(128, GRID), _p_spec(128),
                  _p_spec(2 * H2), _full_spec(1, 128),
                  _full_spec(2 * H1, 2 * H2)],
        out_specs=_p_spec(2 * H2),
        out_shape=jax.ShapeDtypeStruct((NH, 2 * H2), _f32),
    )(qA, qA, ma2, m32, b1t, w2bd)

    pB = hop2(g2p.reshape(N_SH, H2), z2, ridx, cidx).reshape(2 * NE2)
    g2bf = scale_flat(pB, m32f, NE2)
    qB = hop2w(g2bf.reshape(N_SH, H2), z2, ridx, cidx)

    dspec = pl.BlockSpec((BN,), lambda i: (i,))
    dspec_hi = pl.BlockSpec((BN,), lambda i: (i + GRID,))
    h2, out = pl.pallas_call(
        _mm3_body,
        grid=(GRID,),
        in_specs=[pl.BlockSpec((BN, 128), lambda i: (i, 0)),
                  pl.BlockSpec((BN, 128), lambda i: (i + GRID, 0)),
                  dspec, dspec_hi, _full_spec(1, H2), _full_spec(H2, OUT),
                  _full_spec(1, OUT)],
        out_specs=[pl.BlockSpec((BN, H2), lambda i: (i, 0)),
                   pl.BlockSpec((BN, OUT), lambda i: (i, 0))],
        out_shape=[jax.ShapeDtypeStruct((N, H2), _f32),
                   jax.ShapeDtypeStruct((N, OUT), _f32)],
    )(qB, qB, degf, degf, b2.reshape(1, H2), Wfc, bfc.reshape(1, OUT))

    return h2, out

# --- scband reference (transcript-rebuilt; emitter-appended) ---
"""Pipeline reference for scband-sgc-5686536700273 (READ-ONLY COPY).

The authoritative reference and input builder live on the scoring server;
editing this copy changes nothing except your own understanding.
"""

import jax, jax.numpy as jnp
import numpy as np

N = 10000
E = 320000
D = 128
H1 = 64
H2 = 32
OUT = 40


def setup_inputs(seed: int = 0) -> dict:
    key = jax.random.key(seed)
    ks = jax.random.split(key, 8)
    x = jax.random.normal(ks[0], (N, D), dtype=jnp.float32)
    edge_index = jax.random.randint(ks[1], (2, E), 0, N, dtype=jnp.int32)
    # SGConv linear weights (PyG Linear: glorot-style init, bias=True)
    W1 = jax.random.normal(ks[2], (D, H1), dtype=jnp.float32) * (1.0 / np.sqrt(D))
    b1 = jnp.zeros((H1,), dtype=jnp.float32)
    W2 = jax.random.normal(ks[3], (H1, H2), dtype=jnp.float32) * (1.0 / np.sqrt(H1))
    b2 = jnp.zeros((H2,), dtype=jnp.float32)
    Wfc = jax.random.normal(ks[4], (H2, OUT), dtype=jnp.float32) * (1.0 / np.sqrt(H2))
    bfc = jnp.zeros((OUT,), dtype=jnp.float32)
    return {"x": x, "edge_index": edge_index, "W1": W1, "b1": b1,
            "W2": W2, "b2": b2, "Wfc": Wfc, "bfc": bfc}


def _sgconv(x, edge_index, W, b, K=2):
    # PyG SGConv: x' = (D^-1/2 (A+I) D^-1/2)^K x W + b
    n = x.shape[0]
    row = edge_index[0]
    col = edge_index[1]
    sl = jnp.arange(n, dtype=row.dtype)
    row2 = jnp.concatenate([row, sl])
    col2 = jnp.concatenate([col, sl])
    deg = jnp.zeros((n,), dtype=x.dtype).at[col2].add(1.0)
    dinv = jnp.where(deg > 0, 1.0 / jnp.sqrt(deg), 0.0)
    norm = dinv[row2] * dinv[col2]
    h = x
    for _ in range(K):
        msg = norm[:, None] * h[row2]
        h = jnp.zeros((n, h.shape[1]), dtype=h.dtype).at[col2].add(msg)
    return h @ W + b


def reference(x, edge_index, W1, b1, W2, b2, Wfc, bfc):
    h = jax.nn.relu(_sgconv(x, edge_index, W1, b1, K=2))
    h = jax.nn.relu(_sgconv(h, edge_index, W2, b2, K=2))
    embedding = h
    out = h @ Wfc + bfc
    return (embedding, out)

if __name__ == "__main__":
    import jax
    _d = setup_inputs()
    print(jax.jit(kernel)(*tuple(_d.values())))

</pallas_src>

<mosaic_0001>
#map = affine_map<(d0, d1) -> (0, 0)>
#map1 = affine_map<(d0, d1) -> (0)>
module attributes {stable_mosaic.version = 14 : i64} {
  func.func @_deg_body(%arg0: i32, %arg1: i32, %arg2: memref<2560x128xi32, #tpu.memory_space<hbm>>, %arg3: memref<20480xf32, #tpu.memory_space<hbm>>, %arg4: memref<80x128xi32, #tpu.memory_space<vmem>>, %arg5: memref<128xf32, #tpu.memory_space<vmem>>, %arg6: memref<640xf32, #tpu.memory_space<vmem>>, %arg7: memref<10240xf32, #tpu.memory_space<vmem_shared>>) attributes {dimension_semantics = [#tpu.dimension_semantics<core_parallel>, #tpu.dimension_semantics<subcore_parallel>], iteration_bounds = array<i64: 2, 16>, scalar_prefetch = 0 : i64, scratch_operands = 4 : i64, tpu.core_type = #tpu.core_type<sc_vector_subcore>, window_params = [{transform_indices = #map}, {transform_indices = #map1}]} {
    %mul3A = arith.constant 16 : i32
    %mul3A_0 = arith.muli %arg0, %mul3A : i32
    %add3A = arith.addi %mul3A_0, %arg1 : i32
    %mul3A_1 = arith.constant 640 : i32
    %mul3A_2 = arith.muli %arg1, %mul3A_1 : i32
    %broadcast_in_dim3A = arith.constant 1.000000e+00 : f32
    %broadcast_in_dim3A_3 = vector.broadcast %broadcast_in_dim3A : f32 to vector<16xf32>
    %swap3A = arith.constant 0 : index
    %swap3A_4 = tpu.vector_load %arg5[%swap3A] {strides = array<i32>} : memref<128xf32, #tpu.memory_space<vmem>>, vector<16xf32>,
    %swap3A_5 = vector.shape_cast %swap3A_4 : vector<16xf32> to vector<16xf32>
    %swap3A_6 = vector.shape_cast %broadcast_in_dim3A_3 : vector<16xf32> to vector<16xf32>
    tpu.vector_store %arg5[%swap3A], %swap3A_6 {strides = array<i32>} : memref<128xf32, #tpu.memory_space<vmem>>, vector<16xf32>,
    %broadcast_in_dim3A_7 = arith.constant 1.000000e+00 : f32
    %broadcast_in_dim3A_8 = vector.broadcast %broadcast_in_dim3A_7 : f32 to vector<16xf32>
    %swap3A_9 = arith.constant 16 : index
    %swap3A_10 = tpu.vector_load %arg5[%swap3A_9] {strides = array<i32>} : memref<128xf32, #tpu.memory_space<vmem>>, vector<16xf32>,
    %swap3A_11 = vector.shape_cast %swap3A_10 : vector<16xf32> to vector<16xf32>
    %swap3A_12 = vector.shape_cast %broadcast_in_dim3A_8 : vector<16xf32> to vector<16xf32>
    tpu.vector_store %arg5[%swap3A_9], %swap3A_12 {strides = array<i32>} : memref<128xf32, #tpu.memory_space<vmem>>, vector<16xf32>,
    %broadcast_in_dim3A_13 = arith.constant 1.000000e+00 : f32
    %broadcast_in_dim3A_14 = vector.broadcast %broadcast_in_dim3A_13 : f32 to vector<16xf32>
    %swap3A_15 = arith.constant 32 : index
    %swap3A_16 = tpu.vector_load %arg5[%swap3A_15] {strides = array<i32>} : memref<128xf32, #tpu.memory_space<vmem>>, vector<16xf32>,
    %swap3A_17 = vector.shape_cast %swap3A_16 : vector<16xf32> to vector<16xf32>
    %swap3A_18 = vector.shape_cast %broadcast_in_dim3A_14 : vector<16xf32> to vector<16xf32>
    tpu.vector_store %arg5[%swap3A_15], %swap3A_18 {strides = array<i32>} : memref<128xf32, #tpu.memory_space<vmem>>, vector<16xf32>,
    %broadcast_in_dim3A_19 = arith.constant 1.000000e+00 : f32
    %broadcast_in_dim3A_20 = vector.broadcast %broadcast_in_dim3A_19 : f32 to vector<16xf32>
    %swap3A_21 = arith.constant 48 : index
    %swap3A_22 = tpu.vector_load %arg5[%swap3A_21] {strides = array<i32>} : memref<128xf32, #tpu.memory_space<vmem>>, vector<16xf32>,
    %swap3A_23 = vector.shape_cast %swap3A_22 : vector<16xf32> to vector<16xf32>
    %swap3A_24 = vector.shape_cast %broadcast_in_dim3A_20 : vector<16xf32> to vector<16xf32>
    tpu.vector_store %arg5[%swap3A_21], %swap3A_24 {strides = array<i32>} : memref<128xf32, #tpu.memory_space<vmem>>, vector<16xf32>,
    %broadcast_in_dim3A_25 = arith.constant 1.000000e+00 : f32
    %broadcast_in_dim3A_26 = vector.broadcast %broadcast_in_dim3A_25 : f32 to vector<16xf32>
    %swap3A_27 = arith.constant 64 : index
    %swap3A_28 = tpu.vector_load %arg5[%swap3A_27] {strides = array<i32>} : memref<128xf32, #tpu.memory_space<vmem>>, vector<16xf32>,
    %swap3A_29 = vector.shape_cast %swap3A_28 : vector<16xf32> to vector<16xf32>
    %swap3A_30 = vector.shape_cast %broadcast_in_dim3A_26 : vector<16xf32> to vector<16xf32>
    tpu.vector_store %arg5[%swap3A_27], %swap3A_30 {strides = array<i32>} : memref<128xf32, #tpu.memory_space<vmem>>, vector<16xf32>,
    %broadcast_in_dim3A_31 = arith.constant 1.000000e+00 : f32
    %broadcast_in_dim3A_32 = vector.broadcast %broadcast_in_dim3A_31 : f32 to vector<16xf32>
    %swap3A_33 = arith.constant 80 : index
    %swap3A_34 = tpu.vector_load %arg5[%swap3A_33] {strides = array<i32>} : memref<128xf32, #tpu.memory_space<vmem>>, vector<16xf32>,
    %swap3A_35 = vector.shape_cast %swap3A_34 : vector<16xf32> to vector<16xf32>
    %swap3A_36 = vector.shape_cast %broadcast_in_dim3A_32 : vector<16xf32> to vector<16xf32>
    tpu.vector_store %arg5[%swap3A_33], %swap3A_36 {strides = array<i32>} : memref<128xf32, #tpu.memory_space<vmem>>, vector<16xf32>,
    %broadcast_in_dim3A_37 = arith.constant 1.000000e+00 : f32
    %broadcast_in_dim3A_38 = vector.broadcast %broadcast_in_dim3A_37 : f32 to vector<16xf32>
    %swap3A_39 = arith.constant 96 : index
    %swap3A_40 = tpu.vector_load %arg5[%swap3A_39] {strides = array<i32>} : memref<128xf32, #tpu.memory_space<vmem>>, vector<16xf32>,
    %swap3A_41 = vector.shape_cast %swap3A_40 : vector<16xf32> to vector<16xf32>
    %swap3A_42 = vector.shape_cast %broadcast_in_dim3A_38 : vector<16xf32> to vector<16xf32>
    tpu.vector_store %arg5[%swap3A_39], %swap3A_42 {strides = array<i32>} : memref<128xf32, #tpu.memory_space<vmem>>, vector<16xf32>,
    %broadcast_in_dim3A_43 = arith.constant 1.000000e+00 : f32
    %broadcast_in_dim3A_44 = vector.broadcast %broadcast_in_dim3A_43 : f32 to vector<16xf32>
    %swap3A_45 = arith.constant 112 : index
    %swap3A_46 = tpu.vector_load %arg5[%swap3A_45] {strides = array<i32>} : memref<128xf32, #tpu.memory_space<vmem>>, vector<16xf32>,
    %swap3A_47 = vector.shape_cast %swap3A_46 : vector<16xf32> to vector<16xf32>
    %swap3A_48 = vector.shape_cast %broadcast_in_dim3A_44 : vector<16xf32> to vector<16xf32>
    tpu.vector_store %arg5[%swap3A_45], %swap3A_48 {strides = array<i32>} : memref<128xf32, #tpu.memory_space<vmem>>, vector<16xf32>,
    %scan3A = arith.constant 0 : i32
    %scan3A_49 = arith.constant 0 : i32
    %scan3A_50 = arith.constant 40 : i32
    %scan3A_51 = arith.addi %scan3A_49, %scan3A_50 : i32
    %scan3A_52 = arith.constant 1 : i32
    scf.for %scan3A_66 = %scan3A_49 to %scan3A_51 step %scan3A_52  : i32 {
      %broadcast_in_dim3A_67 = arith.constant 0.000000e+00 : f32
      %broadcast_in_dim3A_68 = vector.broadcast %broadcast_in_dim3A_67 : f32 to vector<16xf32>
      %mul3A_69 = arith.constant 16 : i32
      %mul3A_70 = arith.muli %scan3A_66, %mul3A_69 : i32
      %swap3A_71 = arith.index_cast %mul3A_70 : i32 to index
      %swap3A_72 = tpu.vector_load %arg6[%swap3A_71] {strides = array<i32>} : memref<640xf32, #tpu.memory_space<vmem>>, vector<16xf32>,
      %swap3A_73 = vector.shape_cast %swap3A_72 : vector<16xf32> to vector<16xf32>
      %swap3A_74 = vector.shape_cast %broadcast_in_dim3A_68 : vector<16xf32> to vector<16xf32>
      tpu.vector_store %arg6[%swap3A_71], %swap3A_74 {strides = array<i32>} : memref<640xf32, #tpu.memory_space<vmem>>, vector<16xf32>,
    }
    %scan3A_53 = arith.constant 40 : i32
    "tpu.region"() ({
      %run_scoped3A = tpu.sem_alloc : memref<!tpu.dma_semaphore, #tpu.memory_space<semaphore_mem>>
      %dma_start3A = tpu.memref_slice %arg7[%mul3A_2] : memref<10240xf32, #tpu.memory_space<vmem_shared>> -> memref<640xf32, #tpu.memory_space<vmem_shared>>
      %dma_start3A_66 = tpu.memref_slice %arg7[%mul3A_2] : memref<10240xf32, #tpu.memory_space<vmem_shared>> -> memref<640xf32, #tpu.memory_space<vmem_shared>>
      tpu.enqueue_dma source(%arg6 : memref<640xf32, #tpu.memory_space<vmem>>) target(%dma_start3A_66 : memref<640xf32, #tpu.memory_space<vmem_shared>>) target_semaphore(%run_scoped3A : memref<!tpu.dma_semaphore, #tpu.memory_space<semaphore_mem>>)
      %dma_wait3A = tpu.memref_slice %arg7[%mul3A_2] : memref<10240xf32, #tpu.memory_space<vmem_shared>> -> memref<640xf32, #tpu.memory_space<vmem_shared>>
      %dma_wait3A_67 = tpu.memref_slice %arg7[%mul3A_2] : memref<10240xf32, #tpu.memory_space<vmem_shared>> -> memref<640xf32, #tpu.memory_space<vmem_shared>>
      tpu.wait_dma2 semaphore(%run_scoped3A : memref<!tpu.dma_semaphore, #tpu.memory_space<semaphore_mem>>) src(%arg6 : memref<640xf32, #tpu.memory_space<vmem>>) dst(%dma_wait3A_67 : memref<640xf32, #tpu.memory_space<vmem_shared>>)
      tpu.yield
    }) : () -> ()
    %mul3A_54 = arith.constant 80 : i32
    %mul3A_55 = arith.muli %add3A, %mul3A_54 : i32
    "tpu.region"() ({
      %run_scoped3A = tpu.sem_alloc : memref<!tpu.dma_semaphore, #tpu.memory_space<semaphore_mem>>
      %dma_start3A = arith.constant 0 : i32
      %dma_start3A_66 = tpu.memref_slice %arg2[%mul3A_55, %dma_start3A] : memref<2560x128xi32, #tpu.memory_space<hbm>> -> memref<80x128xi32, #tpu.memory_space<hbm>>
      %dma_start3A_67 = arith.constant 0 : i32
      %dma_start3A_68 = tpu.memref_slice %arg2[%mul3A_55, %dma_start3A_67] : memref<2560x128xi32, #tpu.memory_space<hbm>> -> memref<80x128xi32, #tpu.memory_space<hbm>>
      tpu.enqueue_dma source(%dma_start3A_68 : memref<80x128xi32, #tpu.memory_space<hbm>>) target(%arg4 : memref<80x128xi32, #tpu.memory_space<vmem>>) target_semaphore(%run_scoped3A : memref<!tpu.dma_semaphore, #tpu.memory_space<semaphore_mem>>)
      %dma_wait3A = arith.constant 0 : i32
      %dma_wait3A_69 = tpu.memref_slice %arg2[%mul3A_55, %dma_wait3A] : memref<2560x128xi32, #tpu.memory_space<hbm>> -> memref<80x128xi32, #tpu.memory_space<hbm>>
      %dma_wait3A_70 = arith.constant 0 : i32
      %dma_wait3A_71 = tpu.memref_slice %arg2[%mul3A_55, %dma_wait3A_70] : memref<2560x128xi32, #tpu.memory_space<hbm>> -> memref<80x128xi32, #tpu.memory_space<hbm>>
      tpu.wait_dma2 semaphore(%run_scoped3A : memref<!tpu.dma_semaphore, #tpu.memory_space<semaphore_mem>>) src(%dma_wait3A_71 : memref<80x128xi32, #tpu.memory_space<hbm>>) dst(%arg4 : memref<80x128xi32, #tpu.memory_space<vmem>>)
      tpu.yield
    }) : () -> ()
    %barrier3A = arith.constant 0 : index
    tpu.barrier barrier_id(%barrier3A)
    %scan3A_56 = arith.constant 0 : i32
    %scan3A_57 = arith.constant 0 : i32
    %scan3A_58 = arith.constant 80 : i32
    %scan3A_59 = arith.addi %scan3A_57, %scan3A_58 : i32
    %scan3A_60 = arith.constant 1 : i32
    scf.for %scan3A_66 = %scan3A_57 to %scan3A_59 step %scan3A_60  : i32 {
      "tpu.region"() ({
        %run_scoped3A = tpu.sem_alloc : memref<!tpu.dma_semaphore, #tpu.memory_space<semaphore_mem>>
        %dma_start3A = arith.constant 0 : i32
        %dma_start3A_67 = tpu.memref_slice %arg4[%scan3A_66, %dma_start3A] : memref<80x128xi32, #tpu.memory_space<vmem>> -> memref<1x128xi32, #tpu.memory_space<vmem>>
        %dma_start3A_68 = tpu.memref_squeeze %dma_start3A_67 : memref<1x128xi32, #tpu.memory_space<vmem>> -> memref<128xi32, #tpu.memory_space<vmem>>
        %dma_start3A_69 = arith.constant 0 : i32
        %dma_start3A_70 = tpu.memref_slice %arg7[%dma_start3A_69] : memref<10240xf32, #tpu.memory_space<vmem_shared>> -> memref<10240xf32, #tpu.memory_space<vmem_shared>>
        tpu.enqueue_indirect_dma source(%arg5 : memref<128xf32, #tpu.memory_space<vmem>>) target(%dma_start3A_70 : memref<10240xf32, #tpu.memory_space<vmem_shared>>) offsets(%dma_start3A_68 : memref<128xi32, #tpu.memory_space<vmem>>) semaphore(%run_scoped3A : memref<!tpu.dma_semaphore, #tpu.memory_space<semaphore_mem>>) {add = true}
        %dma_wait3A = arith.constant 0 : i32
        %dma_wait3A_71 = tpu.memref_slice %arg4[%scan3A_66, %dma_wait3A] : memref<80x128xi32, #tpu.memory_space<vmem>> -> memref<1x128xi32, #tpu.memory_space<vmem>>
        %dma_wait3A_72 = tpu.memref_squeeze %dma_wait3A_71 : memref<1x128xi32, #tpu.memory_space<vmem>> -> memref<128xi32, #tpu.memory_space<vmem>>
        %dma_wait3A_73 = arith.constant 0 : i32
        %dma_wait3A_74 = tpu.memref_slice %arg7[%dma_wait3A_73] : memref<10240xf32, #tpu.memory_space<vmem_shared>> -> memref<10240xf32, #tpu.memory_space<vmem_shared>>
        tpu.wait_indirect_dma semaphore(%run_scoped3A : memref<!tpu.dma_semaphore, #tpu.memory_space<semaphore_mem>>) src(%arg5 : memref<128xf32, #tpu.memory_space<vmem>>) dst(%dma_wait3A_74 : memref<10240xf32, #tpu.memory_space<vmem_shared>>)
        tpu.yield
      }) : () -> ()
    }
    %scan3A_61 = arith.constant 80 : i32
    %barrier3A_62 = arith.constant 0 : index
    tpu.barrier barrier_id(%barrier3A_62)
    %mul3A_63 = arith.constant 10240 : i32
    %mul3A_64 = arith.muli %arg0, %mul3A_63 : i32
    %add3A_65 = arith.addi %mul3A_64, %mul3A_2 : i32
    "tpu.region"() ({
      %run_scoped3A = tpu.sem_alloc : memref<!tpu.dma_semaphore, #tpu.memory_space<semaphore_mem>>
      %dma_start3A = tpu.memref_slice %arg3[%add3A_65] : memref<20480xf32, #tpu.memory_space<hbm>> -> memref<640xf32, #tpu.memory_space<hbm>>
      %dma_start3A_66 = tpu.memref_slice %arg7[%mul3A_2] : memref<10240xf32, #tpu.memory_space<vmem_shared>> -> memref<640xf32, #tpu.memory_space<vmem_shared>>
      tpu.enqueue_dma source(%dma_start3A_66 : memref<640xf32, #tpu.memory_space<vmem_shared>>) target(%dma_start3A : memref<640xf32, #tpu.memory_space<hbm>>) target_semaphore(%run_scoped3A : memref<!tpu.dma_semaphore, #tpu.memory_space<semaphore_mem>>)
      %dma_wait3A = tpu.memref_slice %arg3[%add3A_65] : memref<20480xf32, #tpu.memory_space<hbm>> -> memref<640xf32, #tpu.memory_space<hbm>>
      %dma_wait3A_67 = tpu.memref_slice %arg7[%mul3A_2] : memref<10240xf32, #tpu.memory_space<vmem_shared>> -> memref<640xf32, #tpu.memory_space<vmem_shared>>
      tpu.wait_dma2 semaphore(%run_scoped3A : memref<!tpu.dma_semaphore, #tpu.memory_space<semaphore_mem>>) src(%dma_wait3A_67 : memref<640xf32, #tpu.memory_space<vmem_shared>>) dst(%dma_wait3A : memref<640xf32, #tpu.memory_space<hbm>>)
      tpu.yield
    }) : () -> ()
    return
  }
}

#map = affine_map<(d0, d1) -> (0, 0)>
module attributes {stable_mosaic.version = 14 : i64} {
  func.func @_hop_body(%arg0: i32, %arg1: i32, %arg2: memref<10240x64xf32, #tpu.memory_space<hbm>>, %arg3: memref<10240x64xf32, #tpu.memory_space<hbm>>, %arg4: memref<2560x128xi32, #tpu.memory_space<hbm>>, %arg5: memref<2560x128xi32, #tpu.memory_space<hbm>>, %arg6: memref<20480x64xf32, #tpu.memory_space<hbm>>, %arg7: memref<80x128xi32, #tpu.memory_space<vmem>>, %arg8: memref<80x128xi32, #tpu.memory_space<vmem>>, %arg9: memref<128x64xf32, #tpu.memory_space<vmem>>, %arg10: memref<128x64xf32, #tpu.memory_space<vmem>>, %arg11: memref<128x64xf32, #tpu.memory_space<vmem>>, %arg12: memref<128x64xf32, #tpu.memory_space<vmem>>, %arg13: memref<128x64xf32, #tpu.memory_space<vmem>>, %arg14: memref<128x64xf32, #tpu.memory_space<vmem>>, %arg15: memref<128x64xf32, #tpu.memory_space<vmem>>, %arg16: memref<128x64xf32, #tpu.memory_space<vmem>>, %arg17: memref<!tpu.dma_semaphore, #tpu.memory_space<semaphore_mem>>, %arg18: memref<!tpu.dma_semaphore, #tpu.memory_space<semaphore_mem>>, %arg19: memref<!tpu.dma_semaphore, #tpu.memory_space<semaphore_mem>>, %arg20: memref<!tpu.dma_semaphore, #tpu.memory_space<semaphore_mem>>, %arg21: memref<!tpu.dma_semaphore, #tpu.memory_space<semaphore_mem>>, %arg22: memref<!tpu.dma_semaphore, #tpu.memory_space<semaphore_mem>>, %arg23: memref<!tpu.dma_semaphore, #tpu.memory_space<semaphore_mem>>, %arg24: memref<!tpu.dma_semaphore, #tpu.memory_space<semaphore_mem>>, %arg25: memref<!tpu.dma_semaphore, #tpu.memory_space<semaphore_mem>>, %arg26: memref<!tpu.dma_semaphore, #tpu.memory_space<semaphore_mem>>, %arg27: memref<!tpu.dma_semaphore, #tpu.memory_space<semaphore_mem>>, %arg28: memref<!tpu.dma_semaphore, #tpu.memory_space<semaphore_mem>>, %arg29: memref<!tpu.dma_semaphore, #tpu.memory_space<semaphore_mem>>, %arg30: memref<!tpu.dma_semaphore, #tpu.memory_space<semaphore_mem>>, %arg31: memref<!tpu.dma_semaphore, #tpu.memory_space<semaphore_mem>>, %arg32: memref<!tpu.dma_semaphore, #tpu.memory_space<semaphore_mem>>, %arg33: memref<10240x64xf32, #tpu.memory_space<vmem_shared>>) attributes {dimension_semantics = [#tpu.dimension_semantics<core_parallel>, #tpu.dimension_semantics<subcore_parallel>], iteration_bounds = array<i64: 2, 16>, scalar_prefetch = 0 : i64, scratch_operands = 27 : i64, tpu.core_type = #tpu.core_type<sc_vector_subcore>, window_params = [{transform_indices = #map}, {transform_indices = #map}, {transform_indices = #map}, {transform_indices = #map}, {transform_indices = #map}]} {
    %mul3A = arith.constant 16 : i32
    %mul3A_0 = arith.muli %arg0, %mul3A : i32
    %add3A = arith.addi %mul3A_0, %arg1 : i32
    %mul3A_1 = arith.constant 640 : i32
    %mul3A_2 = arith.muli %arg1, %mul3A_1 : i32
    %eq3A = arith.constant 0 : i32
    %eq3A_3 = arith.cmpi eq, %arg0, %eq3A : i32
    %convert_element_type3A = arith.extui %eq3A_3 : i1 to i32
    %cond3A = arith.constant 0 : i32
    %cond3A_4 = arith.cmpi ne, %convert_element_type3A, %cond3A : i32
    scf.if %cond3A_4 {
      "tpu.region"() ({
        %run_scoped3A = tpu.sem_alloc : memref<!tpu.dma_semaphore, #tpu.memory_space<semaphore_mem>>
        %dma_start3A_76 = arith.constant 0 : i32
        %dma_start3A_77 = tpu.memref_slice %arg33[%mul3A_2, %dma_start3A_76] : memref<10240x64xf32, #tpu.memory_space<vmem_shared>> -> memref<640x64xf32, #tpu.memory_space<vmem_shared>>
        %dma_start3A_78 = arith.constant 0 : i32
        %dma_start3A_79 = tpu.memref_slice %arg2[%mul3A_2, %dma_start3A_78] : memref<10240x64xf32, #tpu.memory_space<hbm>> -> memref<640x64xf32, #tpu.memory_space<hbm>>
        tpu.enqueue_dma source(%dma_start3A_79 : memref<640x64xf32, #tpu.memory_space<hbm>>) target(%dma_start3A_77 : memref<640x64xf32, #tpu.memory_space<vmem_shared>>) target_semaphore(%run_scoped3A : memref<!tpu.dma_semaphore, #tpu.memory_space<semaphore_mem>>)
        %dma_wait3A_80 = arith.constant 0 : i32
        %dma_wait3A_81 = tpu.memref_slice %arg33[%mul3A_2, %dma_wait3A_80] : memref<10240x64xf32, #tpu.memory_space<vmem_shared>> -> memref<640x64xf32, #tpu.memory_space<vmem_shared>>
        %dma_wait3A_82 = arith.constant 0 : i32
        %dma_wait3A_83 = tpu.memref_slice %arg2[%mul3A_2, %dma_wait3A_82] : memref<10240x64xf32, #tpu.memory_space<hbm>> -> memref<640x64xf32, #tpu.memory_space<hbm>>
        tpu.wait_dma2 semaphore(%run_scoped3A : memref<!tpu.dma_semaphore, #tpu.memory_space<semaphore_mem>>) src(%dma_wait3A_83 : memref<640x64xf32, #tpu.memory_space<hbm>>) dst(%dma_wait3A_81 : memref<640x64xf32, #tpu.memory_space<vmem_shared>>)
        tpu.yield
      }) : () -> ()
    } else {
    }
    %ne3A = arith.constant 0 : i32
    %ne3A_5 = arith.cmpi ne, %arg0, %ne3A : i32
    %convert_element_type3A_6 = arith.extui %ne3A_5 : i1 to i32
    %cond3A_7 = arith.constant 0 : i32
    %cond3A_8 = arith.cmpi ne, %convert_element_type3A_6, %cond3A_7 : i32
    scf.if %cond3A_8 {
      "tpu.region"() ({
        %run_scoped3A = tpu.sem_alloc : memref<!tpu.dma_semaphore, #tpu.memory_space<semaphore_mem>>
        %dma_start3A_76 = arith.constant 0 : i32
        %dma_start3A_77 = tpu.memref_slice %arg33[%mul3A_2, %dma_start3A_76] : memref<10240x64xf32, #tpu.memory_space<vmem_shared>> -> memref<640x64xf32, #tpu.memory_space<vmem_shared>>
        %dma_start3A_78 = arith.constant 0 : i32
        %dma_start3A_79 = tpu.memref_slice %arg3[%mul3A_2, %dma_start3A_78] : memref<10240x64xf32, #tpu.memory_space<hbm>> -> memref<640x64xf32, #tpu.memory_space<hbm>>
        tpu.enqueue_dma source(%dma_start3A_79 : memref<640x64xf32, #tpu.memory_space<hbm>>) target(%dma_start3A_77 : memref<640x64xf32, #tpu.memory_space<vmem_shared>>) target_semaphore(%run_scoped3A : memref<!tpu.dma_semaphore, #tpu.memory_space<semaphore_mem>>)
        %dma_wait3A_80 = arith.constant 0 : i32
        %dma_wait3A_81 = tpu.memref_slice %arg33[%mul3A_2, %dma_wait3A_80] : memref<10240x64xf32, #tpu.memory_space<vmem_shared>> -> memref<640x64xf32, #tpu.memory_space<vmem_shared>>
        %dma_wait3A_82 = arith.constant 0 : i32
        %dma_wait3A_83 = tpu.memref_slice %arg3[%mul3A_2, %dma_wait3A_82] : memref<10240x64xf32, #tpu.memory_space<hbm>> -> memref<640x64xf32, #tpu.memory_space<hbm>>
        tpu.wait_dma2 semaphore(%run_scoped3A : memref<!tpu.dma_semaphore, #tpu.memory_space<semaphore_mem>>) src(%dma_wait3A_83 : memref<640x64xf32, #tpu.memory_space<hbm>>) dst(%dma_wait3A_81 : memref<640x64xf32, #tpu.memory_space<vmem_shared>>)
        tpu.yield
      }) : () -> ()
    } else {
    }
    %mul3A_9 = arith.constant 80 : i32
    %mul3A_10 = arith.muli %add3A, %mul3A_9 : i32
    "tpu.region"() ({
      %run_scoped3A = tpu.sem_alloc : memref<!tpu.dma_semaphore, #tpu.memory_space<semaphore_mem>>
      %dma_start3A_76 = arith.constant 0 : i32
      %dma_start3A_77 = tpu.memref_slice %arg4[%mul3A_10, %dma_start3A_76] : memref<2560x128xi32, #tpu.memory_space<hbm>> -> memref<80x128xi32, #tpu.memory_space<hbm>>
      %dma_start3A_78 = arith.constant 0 : i32
      %dma_start3A_79 = tpu.memref_slice %arg4[%mul3A_10, %dma_start3A_78] : memref<2560x128xi32, #tpu.memory_space<hbm>> -> memref<80x128xi32, #tpu.memory_space<hbm>>
      tpu.enqueue_dma source(%dma_start3A_79 : memref<80x128xi32, #tpu.memory_space<hbm>>) target(%arg7 : memref<80x128xi32, #tpu.memory_space<vmem>>) target_semaphore(%run_scoped3A : memref<!tpu.dma_semaphore, #tpu.memory_space<semaphore_mem>>)
      %dma_wait3A_80 = arith.constant 0 : i32
      %dma_wait3A_81 = tpu.memref_slice %arg4[%mul3A_10, %dma_wait3A_80] : memref<2560x128xi32, #tpu.memory_space<hbm>> -> memref<80x128xi32, #tpu.memory_space<hbm>>
      %dma_wait3A_82 = arith.constant 0 : i32
      %dma_wait3A_83 = tpu.memref_slice %arg4[%mul3A_10, %dma_wait3A_82] : memref<2560x128xi32, #tpu.memory_space<hbm>> -> memref<80x128xi32, #tpu.memory_space<hbm>>
      tpu.wait_dma2 semaphore(%run_scoped3A : memref<!tpu.dma_semaphore, #tpu.memory_space<semaphore_mem>>) src(%dma_wait3A_83 : memref<80x128xi32, #tpu.memory_space<hbm>>) dst(%arg7 : memref<80x128xi32, #tpu.memory_space<vmem>>)
      tpu.yield
    }) : () -> ()
    %mul3A_11 = arith.constant 80 : i32
    %mul3A_12 = arith.muli %add3A, %mul3A_11 : i32
    "tpu.region"() ({
      %run_scoped3A = tpu.sem_alloc : memref<!tpu.dma_semaphore, #tpu.memory_space<semaphore_mem>>
      %dma_start3A_76 = arith.constant 0 : i32
      %dma_start3A_77 = tpu.memref_slice %arg5[%mul3A_12, %dma_start3A_76] : memref<2560x128xi32, #tpu.memory_space<hbm>> -> memref<80x128xi32, #tpu.memory_space<hbm>>
      %dma_start3A_78 = arith.constant 0 : i32
      %dma_start3A_79 = tpu.memref_slice %arg5[%mul3A_12, %dma_start3A_78] : memref<2560x128xi32, #tpu.memory_space<hbm>> -> memref<80x128xi32, #tpu.memory_space<hbm>>
      tpu.enqueue_dma source(%dma_start3A_79 : memref<80x128xi32, #tpu.memory_space<hbm>>) target(%arg8 : memref<80x128xi32, #tpu.memory_space<vmem>>) target_semaphore(%run_scoped3A : memref<!tpu.dma_semaphore, #tpu.memory_space<semaphore_mem>>)
      %dma_wait3A_80 = arith.constant 0 : i32
      %dma_wait3A_81 = tpu.memref_slice %arg5[%mul3A_12, %dma_wait3A_80] : memref<2560x128xi32, #tpu.memory_space<hbm>> -> memref<80x128xi32, #tpu.memory_space<hbm>>
      %dma_wait3A_82 = arith.constant 0 : i32
      %dma_wait3A_83 = tpu.memref_slice %arg5[%mul3A_12, %dma_wait3A_82] : memref<2560x128xi32, #tpu.memory_space<hbm>> -> memref<80x128xi32, #tpu.memory_space<hbm>>
      tpu.wait_dma2 semaphore(%run_scoped3A : memref<!tpu.dma_semaphore, #tpu.memory_space<semaphore_mem>>) src(%dma_wait3A_83 : memref<80x128xi32, #tpu.memory_space<hbm>>) dst(%arg8 : memref<80x128xi32, #tpu.memory_space<vmem>>)
      tpu.yield
    }) : () -> ()
    %dma_start3A = arith.constant 0 : i32
    %dma_start3A_13 = arith.constant 0 : i32
    %dma_start3A_14 = tpu.memref_slice %arg7[%dma_start3A, %dma_start3A_13] : memref<80x128xi32, #tpu.memory_space<vmem>> -> memref<1x128xi32, #tpu.memory_space<vmem>>
    %dma_start3A_15 = tpu.memref_squeeze %dma_start3A_14 : memref<1x128xi32, #tpu.memory_space<vmem>> -> memref<128xi32, #tpu.memory_space<vmem>>
    %dma_start3A_16 = arith.constant 0 : i32
    %dma_start3A_17 = arith.constant 0 : i32
    %dma_start3A_18 = tpu.memref_slice %arg2[%dma_start3A_16, %dma_start3A_17] : memref<10240x64xf32, #tpu.memory_space<hbm>> -> memref<10240x64xf32, #tpu.memory_space<hbm>>
    tpu.enqueue_indirect_dma source(%dma_start3A_18 : memref<10240x64xf32, #tpu.memory_space<hbm>>) target(%arg9 : memref<128x64xf32, #tpu.memory_space<vmem>>) offsets(%dma_start3A_15 : memref<128xi32, #tpu.memory_space<vmem>>) semaphore(%arg17 : memref<!tpu.dma_semaphore, #tpu.memory_space<semaphore_mem>>)
    %dma_start3A_19 = arith.constant 1 : i32
    %dma_start3A_20 = arith.constant 0 : i32
    %dma_start3A_21 = tpu.memref_slice %arg7[%dma_start3A_19, %dma_start3A_20] : memref<80x128xi32, #tpu.memory_space<vmem>> -> memref<1x128xi32, #tpu.memory_space<vmem>>
    %dma_start3A_22 = tpu.memref_squeeze %dma_start3A_21 : memref<1x128xi32, #tpu.memory_space<vmem>> -> memref<128xi32, #tpu.memory_space<vmem>>
    %dma_start3A_23 = arith.constant 0 : i32
    %dma_start3A_24 = arith.constant 0 : i32
    %dma_start3A_25 = tpu.memref_slice %arg2[%dma_start3A_23, %dma_start3A_24] : memref<10240x64xf32, #tpu.memory_space<hbm>> -> memref<10240x64xf32, #tpu.memory_space<hbm>>
    tpu.enqueue_indirect_dma source(%dma_start3A_25 : memref<10240x64xf32, #tpu.memory_space<hbm>>) target(%arg10 : memref<128x64xf32, #tpu.memory_space<vmem>>) offsets(%dma_start3A_22 : memref<128xi32, #tpu.memory_space<vmem>>) semaphore(%arg18 : memref<!tpu.dma_semaphore, #tpu.memory_space<semaphore_mem>>)
    %dma_start3A_26 = arith.constant 2 : i32
    %dma_start3A_27 = arith.constant 0 : i32
    %dma_start3A_28 = tpu.memref_slice %arg7[%dma_start3A_26, %dma_start3A_27] : memref<80x128xi32, #tpu.memory_space<vmem>> -> memref<1x128xi32, #tpu.memory_space<vmem>>
    %dma_start3A_29 = tpu.memref_squeeze %dma_start3A_28 : memref<1x128xi32, #tpu.memory_space<vmem>> -> memref<128xi32, #tpu.memory_space<vmem>>
    %dma_start3A_30 = arith.constant 0 : i32
    %dma_start3A_31 = arith.constant 0 : i32
    %dma_start3A_32 = tpu.memref_slice %arg2[%dma_start3A_30, %dma_start3A_31] : memref<10240x64xf32, #tpu.memory_space<hbm>> -> memref<10240x64xf32, #tpu.memory_space<hbm>>
    tpu.enqueue_indirect_dma source(%dma_start3A_32 : memref<10240x64xf32, #tpu.memory_space<hbm>>) target(%arg11 : memref<128x64xf32, #tpu.memory_space<vmem>>) offsets(%dma_start3A_29 : memref<128xi32, #tpu.memory_space<vmem>>) semaphore(%arg19 : memref<!tpu.dma_semaphore, #tpu.memory_space<semaphore_mem>>)
    %dma_start3A_33 = arith.constant 3 : i32
    %dma_start3A_34 = arith.constant 0 : i32
    %dma_start3A_35 = tpu.memref_slice %arg7[%dma_start3A_33, %dma_start3A_34] : memref<80x128xi32, #tpu.memory_space<vmem>> -> memref<1x128xi32, #tpu.memory_space<vmem>>
    %dma_start3A_36 = tpu.memref_squeeze %dma_start3A_35 : memref<1x128xi32, #tpu.memory_space<vmem>> -> memref<128xi32, #tpu.memory_space<vmem>>
    %dma_start3A_37 = arith.constant 0 : i32
    %dma_start3A_38 = arith.constant 0 : i32
    %dma_start3A_39 = tpu.memref_slice %arg2[%dma_start3A_37, %dma_start3A_38] : memref<10240x64xf32, #tpu.memory_space<hbm>> -> memref<10240x64xf32, #tpu.memory_space<hbm>>
    tpu.enqueue_indirect_dma source(%dma_start3A_39 : memref<10240x64xf32, #tpu.memory_space<hbm>>) target(%arg12 : memref<128x64xf32, #tpu.memory_space<vmem>>) offsets(%dma_start3A_36 : memref<128xi32, #tpu.memory_space<vmem>>) semaphore(%arg20 : memref<!tpu.dma_semaphore, #tpu.memory_space<semaphore_mem>>)
    %barrier3A = arith.constant 0 : index
    tpu.barrier barrier_id(%barrier3A)
    %scan3A = arith.constant 0 : i32
    %scan3A_40 = arith.constant 0 : i32
    %scan3A_41 = arith.constant 10 : i32
    %scan3A_42 = arith.addi %scan3A_40, %scan3A_41 : i32
    %scan3A_43 = arith.constant 1 : i32
    scf.for %scan3A_76 = %scan3A_40 to %scan3A_42 step %scan3A_43  : i32 {
      %mul3A_77 = arith.constant 8 : i32
      %mul3A_78 = arith.muli %mul3A_77, %scan3A_76 : i32
      %add3A_79 = arith.constant 0 : i32
      %add3A_80 = arith.addi %mul3A_78, %add3A_79 : i32
      %ge3A = arith.constant 4 : i32
      %ge3A_81 = arith.cmpi sge, %add3A_80, %ge3A : i32
      %convert_element_type3A_82 = arith.extui %ge3A_81 : i1 to i32
      %cond3A_83 = arith.constant 0 : i32
      %cond3A_84 = arith.cmpi ne, %convert_element_type3A_82, %cond3A_83 : i32
      scf.if %cond3A_84 {
        %sub3A = arith.constant 4 : i32
        %sub3A_299 = arith.subi %add3A_80, %sub3A : i32
        %dma_wait3A_300 = arith.constant 0 : i32
        %dma_wait3A_301 = tpu.memref_slice %arg8[%sub3A_299, %dma_wait3A_300] : memref<80x128xi32, #tpu.memory_space<vmem>> -> memref<1x128xi32, #tpu.memory_space<vmem>>
        %dma_wait3A_302 = tpu.memref_squeeze %dma_wait3A_301 : memref<1x128xi32, #tpu.memory_space<vmem>> -> memref<128xi32, #tpu.memory_space<vmem>>
        %dma_wait3A_303 = arith.constant 0 : i32
        %dma_wait3A_304 = arith.constant 0 : i32
        %dma_wait3A_305 = tpu.memref_slice %arg33[%dma_wait3A_303, %dma_wait3A_304] : memref<10240x64xf32, #tpu.memory_space<vmem_shared>> -> memref<10240x64xf32, #tpu.memory_space<vmem_shared>>
        tpu.wait_indirect_dma semaphore(%arg29 : memref<!tpu.dma_semaphore, #tpu.memory_space<semaphore_mem>>) src(%arg13 : memref<128x64xf32, #tpu.memory_space<vmem>>) dst(%dma_wait3A_305 : memref<10240x64xf32, #tpu.memory_space<vmem_shared>>)
      } else {
      }
      %add3A_85 = arith.constant 4 : i32
      %add3A_86 = arith.addi %add3A_80, %add3A_85 : i32
      %lt3A = arith.constant 80 : i32
      %lt3A_87 = arith.cmpi slt, %add3A_86, %lt3A : i32
      %convert_element_type3A_88 = arith.extui %lt3A_87 : i1 to i32
      %cond3A_89 = arith.constant 0 : i32
      %cond3A_90 = arith.cmpi ne, %convert_element_type3A_88, %cond3A_89 : i32
      scf.if %cond3A_90 {
        %add3A_299 = arith.constant 4 : i32
        %add3A_300 = arith.addi %add3A_80, %add3A_299 : i32
        %dma_start3A_301 = arith.constant 0 : i32
        %dma_start3A_302 = tpu.memref_slice %arg7[%add3A_300, %dma_start3A_301] : memref<80x128xi32, #tpu.memory_space<vmem>> -> memref<1x128xi32, #tpu.memory_space<vmem>>
        %dma_start3A_303 = tpu.memref_squeeze %dma_start3A_302 : memref<1x128xi32, #tpu.memory_space<vmem>> -> memref<128xi32, #tpu.memory_space<vmem>>
        %dma_start3A_304 = arith.constant 0 : i32
        %dma_start3A_305 = arith.constant 0 : i32
        %dma_start3A_306 = tpu.memref_slice %arg2[%dma_start3A_304, %dma_start3A_305] : memref<10240x64xf32, #tpu.memory_space<hbm>> -> memref<10240x64xf32, #tpu.memory_space<hbm>>
        tpu.enqueue_indirect_dma source(%dma_start3A_306 : memref<10240x64xf32, #tpu.memory_space<hbm>>) target(%arg13 : memref<128x64xf32, #tpu.memory_space<vmem>>) offsets(%dma_start3A_303 : memref<128xi32, #tpu.memory_space<vmem>>) semaphore(%arg21 : memref<!tpu.dma_semaphore, #tpu.memory_space<semaphore_mem>>)
      } else {
      }
      %dma_wait3A_91 = arith.constant 0 : i32
      %dma_wait3A_92 = tpu.memref_slice %arg7[%add3A_80, %dma_wait3A_91] : memref<80x128xi32, #tpu.memory_space<vmem>> -> memref<1x128xi32, #tpu.memory_space<vmem>>
      %dma_wait3A_93 = tpu.memref_squeeze %dma_wait3A_92 : memref<1x128xi32, #tpu.memory_space<vmem>> -> memref<128xi32, #tpu.memory_space<vmem>>
      %dma_wait3A_94 = arith.constant 0 : i32
      %dma_wait3A_95 = arith.constant 0 : i32
      %dma_wait3A_96 = tpu.memref_slice %arg2[%dma_wait3A_94, %dma_wait3A_95] : memref<10240x64xf32, #tpu.memory_space<hbm>> -> memref<10240x64xf32, #tpu.memory_space<hbm>>
      tpu.wait_indirect_dma semaphore(%arg17 : memref<!tpu.dma_semaphore, #tpu.memory_space<semaphore_mem>>) src(%dma_wait3A_96 : memref<10240x64xf32, #tpu.memory_space<hbm>>) dst(%arg9 : memref<128x64xf32, #tpu.memory_space<vmem>>)
      %dma_start3A_97 = arith.constant 0 : i32
      %dma_start3A_98 = tpu.memref_slice %arg8[%add3A_80, %dma_start3A_97] : memref<80x128xi32, #tpu.memory_space<vmem>> -> memref<1x128xi32, #tpu.memory_space<vmem>>
      %dma_start3A_99 = tpu.memref_squeeze %dma_start3A_98 : memref<1x128xi32, #tpu.memory_space<vmem>> -> memref<128xi32, #tpu.memory_space<vmem>>
      %dma_start3A_100 = arith.constant 0 : i32
      %dma_start3A_101 = arith.constant 0 : i32
      %dma_start3A_102 = tpu.memref_slice %arg33[%dma_start3A_100, %dma_start3A_101] : memref<10240x64xf32, #tpu.memory_space<vmem_shared>> -> memref<10240x64xf32, #tpu.memory_space<vmem_shared>>
      tpu.enqueue_indirect_dma source(%arg9 : memref<128x64xf32, #tpu.memory_space<vmem>>) target(%dma_start3A_102 : memref<10240x64xf32, #tpu.memory_space<vmem_shared>>) offsets(%dma_start3A_99 : memref<128xi32, #tpu.memory_space<vmem>>) semaphore(%arg25 : memref<!tpu.dma_semaphore, #tpu.memory_space<semaphore_mem>>) {add = true}
      %mul3A_103 = arith.constant 8 : i32
      %mul3A_104 = arith.muli %mul3A_103, %scan3A_76 : i32
      %add3A_105 = arith.constant 1 : i32
      %add3A_106 = arith.addi %mul3A_104, %add3A_105 : i32
      %ge3A_107 = arith.constant 4 : i32
      %ge3A_108 = arith.cmpi sge, %add3A_106, %ge3A_107 : i32
      %convert_element_type3A_109 = arith.extui %ge3A_108 : i1 to i32
      %cond3A_110 = arith.constant 0 : i32
      %cond3A_111 = arith.cmpi ne, %convert_element_type3A_109, %cond3A_110 : i32
      scf.if %cond3A_111 {
        %sub3A = arith.constant 4 : i32
        %sub3A_299 = arith.subi %add3A_106, %sub3A : i32
        %dma_wait3A_300 = arith.constant 0 : i32
        %dma_wait3A_301 = tpu.memref_slice %arg8[%sub3A_299, %dma_wait3A_300] : memref<80x128xi32, #tpu.memory_space<vmem>> -> memref<1x128xi32, #tpu.memory_space<vmem>>
        %dma_wait3A_302 = tpu.memref_squeeze %dma_wait3A_301 : memref<1x128xi32, #tpu.memory_space<vmem>> -> memref<128xi32, #tpu.memory_space<vmem>>
        %dma_wait3A_303 = arith.constant 0 : i32
        %dma_wait3A_304 = arith.constant 0 : i32
        %dma_wait3A_305 = tpu.memref_slice %arg33[%dma_wait3A_303, %dma_wait3A_304] : memref<10240x64xf32, #tpu.memory_space<vmem_shared>> -> memref<10240x64xf32, #tpu.memory_space<vmem_shared>>
        tpu.wait_indirect_dma semaphore(%arg30 : memref<!tpu.dma_semaphore, #tpu.memory_space<semaphore_mem>>) src(%arg14 : memref<128x64xf32, #tpu.memory_space<vmem>>) dst(%dma_wait3A_305 : memref<10240x64xf32, #tpu.memory_space<vmem_shared>>)
      } else {
      }
      %add3A_112 = arith.constant 4 : i32
      %add3A_113 = arith.addi %add3A_106, %add3A_112 : i32
      %lt3A_114 = arith.constant 80 : i32
      %lt3A_115 = arith.cmpi slt, %add3A_113, %lt3A_114 : i32
      %convert_element_type3A_116 = arith.extui %lt3A_115 : i1 to i32
      %cond3A_117 = arith.constant 0 : i32
      %cond3A_118 = arith.cmpi ne, %convert_element_type3A_116, %cond3A_117 : i32
      scf.if %cond3A_118 {
        %add3A_299 = arith.constant 4 : i32
        %add3A_300 = arith.addi %add3A_106, %add3A_299 : i32
        %dma_start3A_301 = arith.constant 0 : i32
        %dma_start3A_302 = tpu.memref_slice %arg7[%add3A_300, %dma_start3A_301] : memref<80x128xi32, #tpu.memory_space<vmem>> -> memref<1x128xi32, #tpu.memory_space<vmem>>
        %dma_start3A_303 = tpu.memref_squeeze %dma_start3A_302 : memref<1x128xi32, #tpu.memory_space<vmem>> -> memref<128xi32, #tpu.memory_space<vmem>>
        %dma_start3A_304 = arith.constant 0 : i32
        %dma_start3A_305 = arith.constant 0 : i32
        %dma_start3A_306 = tpu.memref_slice %arg2[%dma_start3A_304, %dma_start3A_305] : memref<10240x64xf32, #tpu.memory_space<hbm>> -> memref<10240x64xf32, #tpu.memory_space<hbm>>
        tpu.enqueue_indirect_dma source(%dma_start3A_306 : memref<10240x64xf32, #tpu.memory_space<hbm>>) target(%arg14 : memref<128x64xf32, #tpu.memory_space<vmem>>) offsets(%dma_start3A_303 : memref<128xi32, #tpu.memory_space<vmem>>) semaphore(%arg22 : memref<!tpu.dma_semaphore, #tpu.memory_space<semaphore_mem>>)
      } else {
      }
      %dma_wait3A_119 = arith.constant 0 : i32
      %dma_wait3A_120 = tpu.memref_slice %arg7[%add3A_106, %dma_wait3A_119] : memref<80x128xi32, #tpu.memory_space<vmem>> -> memref<1x128xi32, #tpu.memory_space<vmem>>
      %dma_wait3A_121 = tpu.memref_squeeze %dma_wait3A_120 : memref<1x128xi32, #tpu.memory_space<vmem>> -> memref<128xi32, #tpu.memory_space<vmem>>
      %dma_wait3A_122 = arith.constant 0 : i32
      %dma_wait3A_123 = arith.constant 0 : i32
      %dma_wait3A_124 = tpu.memref_slice %arg2[%dma_wait3A_122, %dma_wait3A_123] : memref<10240x64xf32, #tpu.memory_space<hbm>> -> memref<10240x64xf32, #tpu.memory_space<hbm>>
      tpu.wait_indirect_dma semaphore(%arg18 : memref<!tpu.dma_semaphore, #tpu.memory_space<semaphore_mem>>) src(%dma_wait3A_124 : memref<10240x64xf32, #tpu.memory_space<hbm>>) dst(%arg10 : memref<128x64xf32, #tpu.memory_space<vmem>>)
      %dma_start3A_125 = arith.constant 0 : i32
      %dma_start3A_126 = tpu.memref_slice %arg8[%add3A_106, %dma_start3A_125] : memref<80x128xi32, #tpu.memory_space<vmem>> -> memref<1x128xi32, #tpu.memory_space<vmem>>
      %dma_start3A_127 = tpu.memref_squeeze %dma_start3A_126 : memref<1x128xi32, #tpu.memory_space<vmem>> -> memref<128xi32, #tpu.memory_space<vmem>>
      %dma_start3A_128 = arith.constant 0 : i32
      %dma_start3A_129 = arith.constant 0 : i32
      %dma_start3A_130 = tpu.memref_slice %arg33[%dma_start3A_128, %dma_start3A_129] : memref<10240x64xf32, #tpu.memory_space<vmem_shared>> -> memref<10240x64xf32, #tpu.memory_space<vmem_shared>>
      tpu.enqueue_indirect_dma source(%arg10 : memref<128x64xf32, #tpu.memory_space<vmem>>) target(%dma_start3A_130 : memref<10240x64xf32, #tpu.memory_space<vmem_shared>>) offsets(%dma_start3A_127 : memref<128xi32, #tpu.memory_space<vmem>>) semaphore(%arg26 : memref<!tpu.dma_semaphore, #tpu.memory_space<semaphore_mem>>) {add = true}
      %mul3A_131 = arith.constant 8 : i32
      %mul3A_132 = arith.muli %mul3A_131, %scan3A_76 : i32
      %add3A_133 = arith.constant 2 : i32
      %add3A_134 = arith.addi %mul3A_132, %add3A_133 : i32
      %ge3A_135 = arith.constant 4 : i32
      %ge3A_136 = arith.cmpi sge, %add3A_134, %ge3A_135 : i32
      %convert_element_type3A_137 = arith.extui %ge3A_136 : i1 to i32
      %cond3A_138 = arith.constant 0 : i32
      %cond3A_139 = arith.cmpi ne, %convert_element_type3A_137, %cond3A_138 : i32
      scf.if %cond3A_139 {
        %sub3A = arith.constant 4 : i32
        %sub3A_299 = arith.subi %add3A_134, %sub3A : i32
        %dma_wait3A_300 = arith.constant 0 : i32
        %dma_wait3A_301 = tpu.memref_slice %arg8[%sub3A_299, %dma_wait3A_300] : memref<80x128xi32, #tpu.memory_space<vmem>> -> memref<1x128xi32, #tpu.memory_space<vmem>>
        %dma_wait3A_302 = tpu.memref_squeeze %dma_wait3A_301 : memref<1x128xi32, #tpu.memory_space<vmem>> -> memref<128xi32, #tpu.memory_space<vmem>>
        %dma_wait3A_303 = arith.constant 0 : i32
        %dma_wait3A_304 = arith.constant 0 : i32
        %dma_wait3A_305 = tpu.memref_slice %arg33[%dma_wait3A_303, %dma_wait3A_304] : memref<10240x64xf32, #tpu.memory_space<vmem_shared>> -> memref<10240x64xf32, #tpu.memory_space<vmem_shared>>
        tpu.wait_indirect_dma semaphore(%arg31 : memref<!tpu.dma_semaphore, #tpu.memory_space<semaphore_mem>>) src(%arg15 : memref<128x64xf32, #tpu.memory_space<vmem>>) dst(%dma_wait3A_305 : memref<10240x64xf32, #tpu.memory_space<vmem_shared>>)
      } else {
      }
      %add3A_140 = arith.constant 4 : i32
      %add3A_141 = arith.addi %add3A_134, %add3A_140 : i32
      %lt3A_142 = arith.constant 80 : i32
      %lt3A_143 = arith.cmpi slt, %add3A_141, %lt3A_142 : i32
      %convert_element_type3A_144 = arith.extui %lt3A_143 : i1 to i32
      %cond3A_145 = arith.constant 0 : i32
      %cond3A_146 = arith.cmpi ne, %convert_element_type3A_144, %cond3A_145 : i32
      scf.if %cond3A_146 {
        %add3A_299 = arith.constant 4 : i32
        %add3A_300 = arith.addi %add3A_134, %add3A_299 : i32
        %dma_start3A_301 = arith.constant 0 : i32
        %dma_start3A_302 = tpu.memref_slice %arg7[%add3A_300, %dma_start3A_301] : memref<80x128xi32, #tpu.memory_space<vmem>> -> memref<1x128xi32, #tpu.memory_space<vmem>>
        %dma_start3A_303 = tpu.memref_squeeze %dma_start3A_302 : memref<1x128xi32, #tpu.memory_space<vmem>> -> memref<128xi32, #tpu.memory_space<vmem>>
        %dma_start3A_304 = arith.constant 0 : i32
        %dma_start3A_305 = arith.constant 0 : i32
        %dma_start3A_306 = tpu.memref_slice %arg2[%dma_start3A_304, %dma_start3A_305] : memref<10240x64xf32, #tpu.memory_space<hbm>> -> memref<10240x64xf32, #tpu.memory_space<hbm>>
        tpu.enqueue_indirect_dma source(%dma_start3A_306 : memref<10240x64xf32, #tpu.memory_space<hbm>>) target(%arg15 : memref<128x64xf32, #tpu.memory_space<vmem>>) offsets(%dma_start3A_303 : memref<128xi32, #tpu.memory_space<vmem>>) semaphore(%arg23 : memref<!tpu.dma_semaphore, #tpu.memory_space<semaphore_mem>>)
      } else {
      }
      %dma_wait3A_147 = arith.constant 0 : i32
      %dma_wait3A_148 = tpu.memref_slice %arg7[%add3A_134, %dma_wait3A_147] : memref<80x128xi32, #tpu.memory_space<vmem>> -> memref<1x128xi32, #tpu.memory_space<vmem>>
      %dma_wait3A_149 = tpu.memref_squeeze %dma_wait3A_148 : memref<1x128xi32, #tpu.memory_space<vmem>> -> memref<128xi32, #tpu.memory_space<vmem>>
      %dma_wait3A_150 = arith.constant 0 : i32
      %dma_wait3A_151 = arith.constant 0 : i32
      %dma_wait3A_152 = tpu.memref_slice %arg2[%dma_wait3A_150, %dma_wait3A_151] : memref<10240x64xf32, #tpu.memory_space<hbm>> -> memref<10240x64xf32, #tpu.memory_space<hbm>>
      tpu.wait_indirect_dma semaphore(%arg19 : memref<!tpu.dma_semaphore, #tpu.memory_space<semaphore_mem>>) src(%dma_wait3A_152 : memref<10240x64xf32, #tpu.memory_space<hbm>>) dst(%arg11 : memref<128x64xf32, #tpu.memory_space<vmem>>)
      %dma_start3A_153 = arith.constant 0 : i32
      %dma_start3A_154 = tpu.memref_slice %arg8[%add3A_134, %dma_start3A_153] : memref<80x128xi32, #tpu.memory_space<vmem>> -> memref<1x128xi32, #tpu.memory_space<vmem>>
      %dma_start3A_155 = tpu.memref_squeeze %dma_start3A_154 : memref<1x128xi32, #tpu.memory_space<vmem>> -> memref<128xi32, #tpu.memory_space<vmem>>
      %dma_start3A_156 = arith.constant 0 : i32
      %dma_start3A_157 = arith.constant 0 : i32
      %dma_start3A_158 = tpu.memref_slice %arg33[%dma_start3A_156, %dma_start3A_157] : memref<10240x64xf32, #tpu.memory_space<vmem_shared>> -> memref<10240x64xf32, #tpu.memory_space<vmem_shared>>
      tpu.enqueue_indirect_dma source(%arg11 : memref<128x64xf32, #tpu.memory_space<vmem>>) target(%dma_start3A_158 : memref<10240x64xf32, #tpu.memory_space<vmem_shared>>) offsets(%dma_start3A_155 : memref<128xi32, #tpu.memory_space<vmem>>) semaphore(%arg27 : memref<!tpu.dma_semaphore, #tpu.memory_space<semaphore_mem>>) {add = true}
      %mul3A_159 = arith.constant 8 : i32
      %mul3A_160 = arith.muli %mul3A_159, %scan3A_76 : i32
      %add3A_161 = arith.constant 3 : i32
      %add3A_162 = arith.addi %mul3A_160, %add3A_161 : i32
      %ge3A_163 = arith.constant 4 : i32
      %ge3A_164 = arith.cmpi sge, %add3A_162, %ge3A_163 : i32
      %convert_element_type3A_165 = arith.extui %ge3A_164 : i1 to i32
      %cond3A_166 = arith.constant 0 : i32
      %cond3A_167 = arith.cmpi ne, %convert_element_type3A_165, %cond3A_166 : i32
      scf.if %cond3A_167 {
        %sub3A = arith.constant 4 : i32
        %sub3A_299 = arith.subi %add3A_162, %sub3A : i32
        %dma_wait3A_300 = arith.constant 0 : i32
        %dma_wait3A_301 = tpu.memref_slice %arg8[%sub3A_299, %dma_wait3A_300] : memref<80x128xi32, #tpu.memory_space<vmem>> -> memref<1x128xi32, #tpu.memory_space<vmem>>
        %dma_wait3A_302 = tpu.memref_squeeze %dma_wait3A_301 : memref<1x128xi32, #tpu.memory_space<vmem>> -> memref<128xi32, #tpu.memory_space<vmem>>
        %dma_wait3A_303 = arith.constant 0 : i32
        %dma_wait3A_304 = arith.constant 0 : i32
        %dma_wait3A_305 = tpu.memref_slice %arg33[%dma_wait3A_303, %dma_wait3A_304] : memref<10240x64xf32, #tpu.memory_space<vmem_shared>> -> memref<10240x64xf32, #tpu.memory_space<vmem_shared>>
        tpu.wait_indirect_dma semaphore(%arg32 : memref<!tpu.dma_semaphore, #tpu.memory_space<semaphore_mem>>) src(%arg16 : memref<128x64xf32, #tpu.memory_space<vmem>>) dst(%dma_wait3A_305 : memref<10240x64xf32, #tpu.memory_space<vmem_shared>>)
      } else {
      }
      %add3A_168 = arith.constant 4 : i32
      %add3A_169 = arith.addi %add3A_162, %add3A_168 : i32
      %lt3A_170 = arith.constant 80 : i32
      %lt3A_171 = arith.cmpi slt, %add3A_169, %lt3A_170 : i32
      %convert_element_type3A_172 = arith.extui %lt3A_171 : i1 to i32
      %cond3A_173 = arith.constant 0 : i32
      %cond3A_174 = arith.cmpi ne, %convert_element_type3A_172, %cond3A_173 : i32
      scf.if %cond3A_174 {
        %add3A_299 = arith.constant 4 : i32
        %add3A_300 = arith.addi %add3A_162, %add3A_299 : i32
        %dma_start3A_301 = arith.constant 0 : i32
        %dma_start3A_302 = tpu.memref_slice %arg7[%add3A_300, %dma_start3A_301] : memref<80x128xi32, #tpu.memory_space<vmem>> -> memref<1x128xi32, #tpu.memory_space<vmem>>
        %dma_start3A_303 = tpu.memref_squeeze %dma_start3A_302 : memref<1x128xi32, #tpu.memory_space<vmem>> -> memref<128xi32, #tpu.memory_space<vmem>>
        %dma_start3A_304 = arith.constant 0 : i32
        %dma_start3A_305 = arith.constant 0 : i32
        %dma_start3A_306 = tpu.memref_slice %arg2[%dma_start3A_304, %dma_start3A_305] : memref<10240x64xf32, #tpu.memory_space<hbm>> -> memref<10240x64xf32, #tpu.memory_space<hbm>>
        tpu.enqueue_indirect_dma source(%dma_start3A_306 : memref<10240x64xf32, #tpu.memory_space<hbm>>) target(%arg16 : memref<128x64xf32, #tpu.memory_space<vmem>>) offsets(%dma_start3A_303 : memref<128xi32, #tpu.memory_space<vmem>>) semaphore(%arg24 : memref<!tpu.dma_semaphore, #tpu.memory_space<semaphore_mem>>)
      } else {
      }
      %dma_wait3A_175 = arith.constant 0 : i32
      %dma_wait3A_176 = tpu.memref_slice %arg7[%add3A_162, %dma_wait3A_175] : memref<80x128xi32, #tpu.memory_space<vmem>> -> memref<1x128xi32, #tpu.memory_space<vmem>>
      %dma_wait3A_177 = tpu.memref_squeeze %dma_wait3A_176 : memref<1x128xi32, #tpu.memory_space<vmem>> -> memref<128xi32, #tpu.memory_space<vmem>>
      %dma_wait3A_178 = arith.constant 0 : i32
      %dma_wait3A_179 = arith.constant 0 : i32
      %dma_wait3A_180 = tpu.memref_slice %arg2[%dma_wait3A_178, %dma_wait3A_179] : memref<10240x64xf32, #tpu.memory_space<hbm>> -> memref<10240x64xf32, #tpu.memory_space<hbm>>
      tpu.wait_indirect_dma semaphore(%arg20 : memref<!tpu.dma_semaphore, #tpu.memory_space<semaphore_mem>>) src(%dma_wait3A_180 : memref<10240x64xf32, #tpu.memory_space<hbm>>) dst(%arg12 : memref<128x64xf32, #tpu.memory_space<vmem>>)
      %dma_start3A_181 = arith.constant 0 : i32
      %dma_start3A_182 = tpu.memref_slice %arg8[%add3A_162, %dma_start3A_181] : memref<80x128xi32, #tpu.memory_space<vmem>> -> memref<1x128xi32, #tpu.memory_space<vmem>>
      %dma_start3A_183 = tpu.memref_squeeze %dma_start3A_182 : memref<1x128xi32, #tpu.memory_space<vmem>> -> memref<128xi32, #tpu.memory_space<vmem>>
      %dma_start3A_184 = arith.constant 0 : i32
      %dma_start3A_185 = arith.constant 0 : i32
      %dma_start3A_186 = tpu.memref_slice %arg33[%dma_start3A_184, %dma_start3A_185] : memref<10240x64xf32, #tpu.memory_space<vmem_shared>> -> memref<10240x64xf32, #tpu.memory_space<vmem_shared>>
      tpu.enqueue_indirect_dma source(%arg12 : memref<128x64xf32, #tpu.memory_space<vmem>>) target(%dma_start3A_186 : memref<10240x64xf32, #tpu.memory_space<vmem_shared>>) offsets(%dma_start3A_183 : memref<128xi32, #tpu.memory_space<vmem>>) semaphore(%arg28 : memref<!tpu.dma_semaphore, #tpu.memory_space<semaphore_mem>>) {add = true}
      %mul3A_187 = arith.constant 8 : i32
      %mul3A_188 = arith.muli %mul3A_187, %scan3A_76 : i32
      %add3A_189 = arith.constant 4 : i32
      %add3A_190 = arith.addi %mul3A_188, %add3A_189 : i32
      %ge3A_191 = arith.constant 4 : i32
      %ge3A_192 = arith.cmpi sge, %add3A_190, %ge3A_191 : i32
      %convert_element_type3A_193 = arith.extui %ge3A_192 : i1 to i32
      %cond3A_194 = arith.constant 0 : i32
      %cond3A_195 = arith.cmpi ne, %convert_element_type3A_193, %cond3A_194 : i32
      scf.if %cond3A_195 {
        %sub3A = arith.constant 4 : i32
        %sub3A_299 = arith.subi %add3A_190, %sub3A : i32
        %dma_wait3A_300 = arith.constant 0 : i32
        %dma_wait3A_301 = tpu.memref_slice %arg8[%sub3A_299, %dma_wait3A_300] : memref<80x128xi32, #tpu.memory_space<vmem>> -> memref<1x128xi32, #tpu.memory_space<vmem>>
        %dma_wait3A_302 = tpu.memref_squeeze %dma_wait3A_301 : memref<1x128xi32, #tpu.memory_space<vmem>> -> memref<128xi32, #tpu.memory_space<vmem>>
        %dma_wait3A_303 = arith.constant 0 : i32
        %dma_wait3A_304 = arith.constant 0 : i32
        %dma_wait3A_305 = tpu.memref_slice %arg33[%dma_wait3A_303, %dma_wait3A_304] : memref<10240x64xf32, #tpu.memory_space<vmem_shared>> -> memref<10240x64xf32, #tpu.memory_space<vmem_shared>>
        tpu.wait_indirect_dma semaphore(%arg25 : memref<!tpu.dma_semaphore, #tpu.memory_space<semaphore_mem>>) src(%arg9 : memref<128x64xf32, #tpu.memory_space<vmem>>) dst(%dma_wait3A_305 : memref<10240x64xf32, #tpu.memory_space<vmem_shared>>)
      } else {
      }
      %add3A_196 = arith.constant 4 : i32
      %add3A_197 = arith.addi %add3A_190, %add3A_196 : i32
      %lt3A_198 = arith.constant 80 : i32
      %lt3A_199 = arith.cmpi slt, %add3A_197, %lt3A_198 : i32
      %convert_element_type3A_200 = arith.extui %lt3A_199 : i1 to i32
      %cond3A_201 = arith.constant 0 : i32
      %cond3A_202 = arith.cmpi ne, %convert_element_type3A_200, %cond3A_201 : i32
      scf.if %cond3A_202 {
        %add3A_299 = arith.constant 4 : i32
        %add3A_300 = arith.addi %add3A_190, %add3A_299 : i32
        %dma_start3A_301 = arith.constant 0 : i32
        %dma_start3A_302 = tpu.memref_slice %arg7[%add3A_300, %dma_start3A_301] : memref<80x128xi32, #tpu.memory_space<vmem>> -> memref<1x128xi32, #tpu.memory_space<vmem>>
        %dma_start3A_303 = tpu.memref_squeeze %dma_start3A_302 : memref<1x128xi32, #tpu.memory_space<vmem>> -> memref<128xi32, #tpu.memory_space<vmem>>
        %dma_start3A_304 = arith.constant 0 : i32
        %dma_start3A_305 = arith.constant 0 : i32
        %dma_start3A_306 = tpu.memref_slice %arg2[%dma_start3A_304, %dma_start3A_305] : memref<10240x64xf32, #tpu.memory_space<hbm>> -> memref<10240x64xf32, #tpu.memory_space<hbm>>
        tpu.enqueue_indirect_dma source(%dma_start3A_306 : memref<10240x64xf32, #tpu.memory_space<hbm>>) target(%arg9 : memref<128x64xf32, #tpu.memory_space<vmem>>) offsets(%dma_start3A_303 : memref<128xi32, #tpu.memory_space<vmem>>) semaphore(%arg17 : memref<!tpu.dma_semaphore, #tpu.memory_space<semaphore_mem>>)
      } else {
      }
      %dma_wait3A_203 = arith.constant 0 : i32
      %dma_wait3A_204 = tpu.memref_slice %arg7[%add3A_190, %dma_wait3A_203] : memref<80x128xi32, #tpu.memory_space<vmem>> -> memref<1x128xi32, #tpu.memory_space<vmem>>
      %dma_wait3A_205 = tpu.memref_squeeze %dma_wait3A_204 : memref<1x128xi32, #tpu.memory_space<vmem>> -> memref<128xi32, #tpu.memory_space<vmem>>
      %dma_wait3A_206 = arith.constant 0 : i32
      %dma_wait3A_207 = arith.constant 0 : i32
      %dma_wait3A_208 = tpu.memref_slice %arg2[%dma_wait3A_206, %dma_wait3A_207] : memref<10240x64xf32, #tpu.memory_space<hbm>> -> memref<10240x64xf32, #tpu.memory_space<hbm>>
      tpu.wait_indirect_dma semaphore(%arg21 : memref<!tpu.dma_semaphore, #tpu.memory_space<semaphore_mem>>) src(%dma_wait3A_208 : memref<10240x64xf32, #tpu.memory_space<hbm>>) dst(%arg13 : memref<128x64xf32, #tpu.memory_space<vmem>>)
      %dma_start3A_209 = arith.constant 0 : i32
      %dma_start3A_210 = tpu.memref_slice %arg8[%add3A_190, %dma_start3A_209] : memref<80x128xi32, #tpu.memory_space<vmem>> -> memref<1x128xi32, #tpu.memory_space<vmem>>
      %dma_start3A_211 = tpu.memref_squeeze %dma_start3A_210 : memref<1x128xi32, #tpu.memory_space<vmem>> -> memref<128xi32, #tpu.memory_space<vmem>>
      %dma_start3A_212 = arith.constant 0 : i32
      %dma_start3A_213 = arith.constant 0 : i32
      %dma_start3A_214 = tpu.memref_slice %arg33[%dma_start3A_212, %dma_start3A_213] : memref<10240x64xf32, #tpu.memory_space<vmem_shared>> -> memref<10240x64xf32, #tpu.memory_space<vmem_shared>>
      tpu.enqueue_indirect_dma source(%arg13 : memref<128x64xf32, #tpu.memory_space<vmem>>) target(%dma_start3A_214 : memref<10240x64xf32, #tpu.memory_space<vmem_shared>>) offsets(%dma_start3A_211 : memref<128xi32, #tpu.memory_space<vmem>>) semaphore(%arg29 : memref<!tpu.dma_semaphore, #tpu.memory_space<semaphore_mem>>) {add = true}
      %mul3A_215 = arith.constant 8 : i32
      %mul3A_216 = arith.muli %mul3A_215, %scan3A_76 : i32
      %add3A_217 = arith.constant 5 : i32
      %add3A_218 = arith.addi %mul3A_216, %add3A_217 : i32
      %ge3A_219 = arith.constant 4 : i32
      %ge3A_220 = arith.cmpi sge, %add3A_218, %ge3A_219 : i32
      %convert_element_type3A_221 = arith.extui %ge3A_220 : i1 to i32
      %cond3A_222 = arith.constant 0 : i32
      %cond3A_223 = arith.cmpi ne, %convert_element_type3A_221, %cond3A_222 : i32
      scf.if %cond3A_223 {
        %sub3A = arith.constant 4 : i32
        %sub3A_299 = arith.subi %add3A_218, %sub3A : i32
        %dma_wait3A_300 = arith.constant 0 : i32
        %dma_wait3A_301 = tpu.memref_slice %arg8[%sub3A_299, %dma_wait3A_300] : memref<80x128xi32, #tpu.memory_space<vmem>> -> memref<1x128xi32, #tpu.memory_space<vmem>>
        %dma_wait3A_302 = tpu.memref_squeeze %dma_wait3A_301 : memref<1x128xi32, #tpu.memory_space<vmem>> -> memref<128xi32, #tpu.memory_space<vmem>>
        %dma_wait3A_303 = arith.constant 0 : i32
        %dma_wait3A_304 = arith.constant 0 : i32
        %dma_wait3A_305 = tpu.memref_slice %arg33[%dma_wait3A_303, %dma_wait3A_304] : memref<10240x64xf32, #tpu.memory_space<vmem_shared>> -> memref<10240x64xf32, #tpu.memory_space<vmem_shared>>
        tpu.wait_indirect_dma semaphore(%arg26 : memref<!tpu.dma_semaphore, #tpu.memory_space<semaphore_mem>>) src(%arg10 : memref<128x64xf32, #tpu.memory_space<vmem>>) dst(%dma_wait3A_305 : memref<10240x64xf32, #tpu.memory_space<vmem_shared>>)
      } else {
      }
      %add3A_224 = arith.constant 4 : i32
      %add3A_225 = arith.addi %add3A_218, %add3A_224 : i32
      %lt3A_226 = arith.constant 80 : i32
      %lt3A_227 = arith.cmpi slt, %add3A_225, %lt3A_226 : i32
      %convert_element_type3A_228 = arith.extui %lt3A_227 : i1 to i32
      %cond3A_229 = arith.constant 0 : i32
      %cond3A_230 = arith.cmpi ne, %convert_element_type3A_228, %cond3A_229 : i32
      scf.if %cond3A_230 {
        %add3A_299 = arith.constant 4 : i32
        %add3A_300 = arith.addi %add3A_218, %add3A_299 : i32
        %dma_start3A_301 = arith.constant 0 : i32
        %dma_start3A_302 = tpu.memref_slice %arg7[%add3A_300, %dma_start3A_301] : memref<80x128xi32, #tpu.memory_space<vmem>> -> memref<1x128xi32, #tpu.memory_space<vmem>>
        %dma_start3A_303 = tpu.memref_squeeze %dma_start3A_302 : memref<1x128xi32, #tpu.memory_space<vmem>> -> memref<128xi32, #tpu.memory_space<vmem>>
        %dma_start3A_304 = arith.constant 0 : i32
        %dma_start3A_305 = arith.constant 0 : i32
        %dma_start3A_306 = tpu.memref_slice %arg2[%dma_start3A_304, %dma_start3A_305] : memref<10240x64xf32, #tpu.memory_space<hbm>> -> memref<10240x64xf32, #tpu.memory_space<hbm>>
        tpu.enqueue_indirect_dma source(%dma_start3A_306 : memref<10240x64xf32, #tpu.memory_space<hbm>>) target(%arg10 : memref<128x64xf32, #tpu.memory_space<vmem>>) offsets(%dma_start3A_303 : memref<128xi32, #tpu.memory_space<vmem>>) semaphore(%arg18 : memref<!tpu.dma_semaphore, #tpu.memory_space<semaphore_mem>>)
      } else {
      }
      %dma_wait3A_231 = arith.constant 0 : i32
      %dma_wait3A_232 = tpu.memref_slice %arg7[%add3A_218, %dma_wait3A_231] : memref<80x128xi32, #tpu.memory_space<vmem>> -> memref<1x128xi32, #tpu.memory_space<vmem>>
      %dma_wait3A_233 = tpu.memref_squeeze %dma_wait3A_232 : memref<1x128xi32, #tpu.memory_space<vmem>> -> memref<128xi32, #tpu.memory_space<vmem>>
      %dma_wait3A_234 = arith.constant 0 : i32
      %dma_wait3A_235 = arith.constant 0 : i32
      %dma_wait3A_236 = tpu.memref_slice %arg2[%dma_wait3A_234, %dma_wait3A_235] : memref<10240x64xf32, #tpu.memory_space<hbm>> -> memref<10240x64xf32, #tpu.memory_space<hbm>>
      tpu.wait_indirect_dma semaphore(%arg22 : memref<!tpu.dma_semaphore, #tpu.memory_space<semaphore_mem>>) src(%dma_wait3A_236 : memref<10240x64xf32, #tpu.memory_space<hbm>>) dst(%arg14 : memref<128x64xf32, #tpu.memory_space<vmem>>)
      %dma_start3A_237 = arith.constant 0 : i32
      %dma_start3A_238 = tpu.memref_slice %arg8[%add3A_218, %dma_start3A_237] : memref<80x128xi32, #tpu.memory_space<vmem>> -> memref<1x128xi32, #tpu.memory_space<vmem>>
      %dma_start3A_239 = tpu.memref_squeeze %dma_start3A_238 : memref<1x128xi32, #tpu.memory_space<vmem>> -> memref<128xi32, #tpu.memory_space<vmem>>
      %dma_start3A_240 = arith.constant 0 : i32
      %dma_start3A_241 = arith.constant 0 : i32
      %dma_start3A_242 = tpu.memref_slice %arg33[%dma_start3A_240, %dma_start3A_241] : memref<10240x64xf32, #tpu.memory_space<vmem_shared>> -> memref<10240x64xf32, #tpu.memory_space<vmem_shared>>
      tpu.enqueue_indirect_dma source(%arg14 : memref<128x64xf32, #tpu.memory_space<vmem>>) target(%dma_start3A_242 : memref<10240x64xf32, #tpu.memory_space<vmem_shared>>) offsets(%dma_start3A_239 : memref<128xi32, #tpu.memory_space<vmem>>) semaphore(%arg30 : memref<!tpu.dma_semaphore, #tpu.memory_space<semaphore_mem>>) {add = true}
      %mul3A_243 = arith.constant 8 : i32
      %mul3A_244 = arith.muli %mul3A_243, %scan3A_76 : i32
      %add3A_245 = arith.constant 6 : i32
      %add3A_246 = arith.addi %mul3A_244, %add3A_245 : i32
      %ge3A_247 = arith.constant 4 : i32
      %ge3A_248 = arith.cmpi sge, %add3A_246, %ge3A_247 : i32
      %convert_element_type3A_249 = arith.extui %ge3A_248 : i1 to i32
      %cond3A_250 = arith.constant 0 : i32
      %cond3A_251 = arith.cmpi ne, %convert_element_type3A_249, %cond3A_250 : i32
      scf.if %cond3A_251 {
        %sub3A = arith.constant 4 : i32
        %sub3A_299 = arith.subi %add3A_246, %sub3A : i32
        %dma_wait3A_300 = arith.constant 0 : i32
        %dma_wait3A_301 = tpu.memref_slice %arg8[%sub3A_299, %dma_wait3A_300] : memref<80x128xi32, #tpu.memory_space<vmem>> -> memref<1x128xi32, #tpu.memory_space<vmem>>
        %dma_wait3A_302 = tpu.memref_squeeze %dma_wait3A_301 : memref<1x128xi32, #tpu.memory_space<vmem>> -> memref<128xi32, #tpu.memory_space<vmem>>
        %dma_wait3A_303 = arith.constant 0 : i32
        %dma_wait3A_304 = arith.constant 0 : i32
        %dma_wait3A_305 = tpu.memref_slice %arg33[%dma_wait3A_303, %dma_wait3A_304] : memref<10240x64xf32, #tpu.memory_space<vmem_shared>> -> memref<10240x64xf32, #tpu.memory_space<vmem_shared>>
        tpu.wait_indirect_dma semaphore(%arg27 : memref<!tpu.dma_semaphore, #tpu.memory_space<semaphore_mem>>) src(%arg11 : memref<128x64xf32, #tpu.memory_space<vmem>>) dst(%dma_wait3A_305 : memref<10240x64xf32, #tpu.memory_space<vmem_shared>>)
      } else {
      }
      %add3A_252 = arith.constant 4 : i32
      %add3A_253 = arith.addi %add3A_246, %add3A_252 : i32
      %lt3A_254 = arith.constant 80 : i32
      %lt3A_255 = arith.cmpi slt, %add3A_253, %lt3A_254 : i32
      %convert_element_type3A_256 = arith.extui %lt3A_255 : i1 to i32
      %cond3A_257 = arith.constant 0 : i32
      %cond3A_258 = arith.cmpi ne, %convert_element_type3A_256, %cond3A_257 : i32
      scf.if %cond3A_258 {
        %add3A_299 = arith.constant 4 : i32
        %add3A_300 = arith.addi %add3A_246, %add3A_299 : i32
        %dma_start3A_301 = arith.constant 0 : i32
        %dma_start3A_302 = tpu.memref_slice %arg7[%add3A_300, %dma_start3A_301] : memref<80x128xi32, #tpu.memory_space<vmem>> -> memref<1x128xi32, #tpu.memory_space<vmem>>
        %dma_start3A_303 = tpu.memref_squeeze %dma_start3A_302 : memref<1x128xi32, #tpu.memory_space<vmem>> -> memref<128xi32, #tpu.memory_space<vmem>>
        %dma_start3A_304 = arith.constant 0 : i32
        %dma_start3A_305 = arith.constant 0 : i32
        %dma_start3A_306 = tpu.memref_slice %arg2[%dma_start3A_304, %dma_start3A_305] : memref<10240x64xf32, #tpu.memory_space<hbm>> -> memref<10240x64xf32, #tpu.memory_space<hbm>>
        tpu.enqueue_indirect_dma source(%dma_start3A_306 : memref<10240x64xf32, #tpu.memory_space<hbm>>) target(%arg11 : memref<128x64xf32, #tpu.memory_space<vmem>>) offsets(%dma_start3A_303 : memref<128xi32, #tpu.memory_space<vmem>>) semaphore(%arg19 : memref<!tpu.dma_semaphore, #tpu.memory_space<semaphore_mem>>)
      } else {
      }
      %dma_wait3A_259 = arith.constant 0 : i32
      %dma_wait3A_260 = tpu.memref_slice %arg7[%add3A_246, %dma_wait3A_259] : memref<80x128xi32, #tpu.memory_space<vmem>> -> memref<1x128xi32, #tpu.memory_space<vmem>>
      %dma_wait3A_261 = tpu.memref_squeeze %dma_wait3A_260 : memref<1x128xi32, #tpu.memory_space<vmem>> -> memref<128xi32, #tpu.memory_space<vmem>>
      %dma_wait3A_262 = arith.constant 0 : i32
      %dma_wait3A_263 = arith.constant 0 : i32
      %dma_wait3A_264 = tpu.memref_slice %arg2[%dma_wait3A_262, %dma_wait3A_263] : memref<10240x64xf32, #tpu.memory_space<hbm>> -> memref<10240x64xf32, #tpu.memory_space<hbm>>
      tpu.wait_indirect_dma semaphore(%arg23 : memref<!tpu.dma_semaphore, #tpu.memory_space<semaphore_mem>>) src(%dma_wait3A_264 : memref<10240x64xf32, #tpu.memory_space<hbm>>) dst(%arg15 : memref<128x64xf32, #tpu.memory_space<vmem>>)
      %dma_start3A_265 = arith.constant 0 : i32
      %dma_start3A_266 = tpu.memref_slice %arg8[%add3A_246, %dma_start3A_265] : memref<80x128xi32, #tpu.memory_space<vmem>> -> memref<1x128xi32, #tpu.memory_space<vmem>>
      %dma_start3A_267 = tpu.memref_squeeze %dma_start3A_266 : memref<1x128xi32, #tpu.memory_space<vmem>> -> memref<128xi32, #tpu.memory_space<vmem>>
      %dma_start3A_268 = arith.constant 0 : i32
      %dma_start3A_269 = arith.constant 0 : i32
      %dma_start3A_270 = tpu.memref_slice %arg33[%dma_start3A_268, %dma_start3A_269] : memref<10240x64xf32, #tpu.memory_space<vmem_shared>> -> memref<10240x64xf32, #tpu.memory_space<vmem_shared>>
      tpu.enqueue_indirect_dma source(%arg15 : memref<128x64xf32, #tpu.memory_space<vmem>>) target(%dma_start3A_270 : memref<10240x64xf32, #tpu.memory_space<vmem_shared>>) offsets(%dma_start3A_267 : memref<128xi32, #tpu.memory_space<vmem>>) semaphore(%arg31 : memref<!tpu.dma_semaphore, #tpu.memory_space<semaphore_mem>>) {add = true}
      %mul3A_271 = arith.constant 8 : i32
      %mul3A_272 = arith.muli %mul3A_271, %scan3A_76 : i32
      %add3A_273 = arith.constant 7 : i32
      %add3A_274 = arith.addi %mul3A_272, %add3A_273 : i32
      %ge3A_275 = arith.constant 4 : i32
      %ge3A_276 = arith.cmpi sge, %add3A_274, %ge3A_275 : i32
      %convert_element_type3A_277 = arith.extui %ge3A_276 : i1 to i32
      %cond3A_278 = arith.constant 0 : i32
      %cond3A_279 = arith.cmpi ne, %convert_element_type3A_277, %cond3A_278 : i32
      scf.if %cond3A_279 {
        %sub3A = arith.constant 4 : i32
        %sub3A_299 = arith.subi %add3A_274, %sub3A : i32
        %dma_wait3A_300 = arith.constant 0 : i32
        %dma_wait3A_301 = tpu.memref_slice %arg8[%sub3A_299, %dma_wait3A_300] : memref<80x128xi32, #tpu.memory_space<vmem>> -> memref<1x128xi32, #tpu.memory_space<vmem>>
        %dma_wait3A_302 = tpu.memref_squeeze %dma_wait3A_301 : memref<1x128xi32, #tpu.memory_space<vmem>> -> memref<128xi32, #tpu.memory_space<vmem>>
        %dma_wait3A_303 = arith.constant 0 : i32
        %dma_wait3A_304 = arith.constant 0 : i32
        %dma_wait3A_305 = tpu.memref_slice %arg33[%dma_wait3A_303, %dma_wait3A_304] : memref<10240x64xf32, #tpu.memory_space<vmem_shared>> -> memref<10240x64xf32, #tpu.memory_space<vmem_shared>>
        tpu.wait_indirect_dma semaphore(%arg28 : memref<!tpu.dma_semaphore, #tpu.memory_space<semaphore_mem>>) src(%arg12 : memref<128x64xf32, #tpu.memory_space<vmem>>) dst(%dma_wait3A_305 : memref<10240x64xf32, #tpu.memory_space<vmem_shared>>)
      } else {
      }
      %add3A_280 = arith.constant 4 : i32
      %add3A_281 = arith.addi %add3A_274, %add3A_280 : i32
      %lt3A_282 = arith.constant 80 : i32
      %lt3A_283 = arith.cmpi slt, %add3A_281, %lt3A_282 : i32
      %convert_element_type3A_284 = arith.extui %lt3A_283 : i1 to i32
      %cond3A_285 = arith.constant 0 : i32
      %cond3A_286 = arith.cmpi ne, %convert_element_type3A_284, %cond3A_285 : i32
      scf.if %cond3A_286 {
        %add3A_299 = arith.constant 4 : i32
        %add3A_300 = arith.addi %add3A_274, %add3A_299 : i32
        %dma_start3A_301 = arith.constant 0 : i32
        %dma_start3A_302 = tpu.memref_slice %arg7[%add3A_300, %dma_start3A_301] : memref<80x128xi32, #tpu.memory_space<vmem>> -> memref<1x128xi32, #tpu.memory_space<vmem>>
        %dma_start3A_303 = tpu.memref_squeeze %dma_start3A_302 : memref<1x128xi32, #tpu.memory_space<vmem>> -> memref<128xi32, #tpu.memory_space<vmem>>
        %dma_start3A_304 = arith.constant 0 : i32
        %dma_start3A_305 = arith.constant 0 : i32
        %dma_start3A_306 = tpu.memref_slice %arg2[%dma_start3A_304, %dma_start3A_305] : memref<10240x64xf32, #tpu.memory_space<hbm>> -> memref<10240x64xf32, #tpu.memory_space<hbm>>
        tpu.enqueue_indirect_dma source(%dma_start3A_306 : memref<10240x64xf32, #tpu.memory_space<hbm>>) target(%arg12 : memref<128x64xf32, #tpu.memory_space<vmem>>) offsets(%dma_start3A_303 : memref<128xi32, #tpu.memory_space<vmem>>) semaphore(%arg20 : memref<!tpu.dma_semaphore, #tpu.memory_space<semaphore_mem>>)
      } else {
      }
      %dma_wait3A_287 = arith.constant 0 : i32
      %dma_wait3A_288 = tpu.memref_slice %arg7[%add3A_274, %dma_wait3A_287] : memref<80x128xi32, #tpu.memory_space<vmem>> -> memref<1x128xi32, #tpu.memory_space<vmem>>
      %dma_wait3A_289 = tpu.memref_squeeze %dma_wait3A_288 : memref<1x128xi32, #tpu.memory_space<vmem>> -> memref<128xi32, #tpu.memory_space<vmem>>
      %dma_wait3A_290 = arith.constant 0 : i32
      %dma_wait3A_291 = arith.constant 0 : i32
      %dma_wait3A_292 = tpu.memref_slice %arg2[%dma_wait3A_290, %dma_wait3A_291] : memref<10240x64xf32, #tpu.memory_space<hbm>> -> memref<10240x64xf32, #tpu.memory_space<hbm>>
      tpu.wait_indirect_dma semaphore(%arg24 : memref<!tpu.dma_semaphore, #tpu.memory_space<semaphore_mem>>) src(%dma_wait3A_292 : memref<10240x64xf32, #tpu.memory_space<hbm>>) dst(%arg16 : memref<128x64xf32, #tpu.memory_space<vmem>>)
      %dma_start3A_293 = arith.constant 0 : i32
      %dma_start3A_294 = tpu.memref_slice %arg8[%add3A_274, %dma_start3A_293] : memref<80x128xi32, #tpu.memory_space<vmem>> -> memref<1x128xi32, #tpu.memory_space<vmem>>
      %dma_start3A_295 = tpu.memref_squeeze %dma_start3A_294 : memref<1x128xi32, #tpu.memory_space<vmem>> -> memref<128xi32, #tpu.memory_space<vmem>>
      %dma_start3A_296 = arith.constant 0 : i32
      %dma_start3A_297 = arith.constant 0 : i32
      %dma_start3A_298 = tpu.memref_slice %arg33[%dma_start3A_296, %dma_start3A_297] : memref<10240x64xf32, #tpu.memory_space<vmem_shared>> -> memref<10240x64xf32, #tpu.memory_space<vmem_shared>>
      tpu.enqueue_indirect_dma source(%arg16 : memref<128x64xf32, #tpu.memory_space<vmem>>) target(%dma_start3A_298 : memref<10240x64xf32, #tpu.memory_space<vmem_shared>>) offsets(%dma_start3A_295 : memref<128xi32, #tpu.memory_space<vmem>>) semaphore(%arg32 : memref<!tpu.dma_semaphore, #tpu.memory_space<semaphore_mem>>) {add = true}
    }
    %scan3A_44 = arith.constant 10 : i32
    %dma_wait3A = arith.constant 76 : i32
    %dma_wait3A_45 = arith.constant 0 : i32
    %dma_wait3A_46 = tpu.memref_slice %arg8[%dma_wait3A, %dma_wait3A_45] : memref<80x128xi32, #tpu.memory_space<vmem>> -> memref<1x128xi32, #tpu.memory_space<vmem>>
    %dma_wait3A_47 = tpu.memref_squeeze %dma_wait3A_46 : memref<1x128xi32, #tpu.memory_space<vmem>> -> memref<128xi32, #tpu.memory_space<vmem>>
    %dma_wait3A_48 = arith.constant 0 : i32
    %dma_wait3A_49 = arith.constant 0 : i32
    %dma_wait3A_50 = tpu.memref_slice %arg33[%dma_wait3A_48, %dma_wait3A_49] : memref<10240x64xf32, #tpu.memory_space<vmem_shared>> -> memref<10240x64xf32, #tpu.memory_space<vmem_shared>>
    tpu.wait_indirect_dma semaphore(%arg29 : memref<!tpu.dma_semaphore, #tpu.memory_space<semaphore_mem>>) src(%arg13 : memref<128x64xf32, #tpu.memory_space<vmem>>) dst(%dma_wait3A_50 : memref<10240x64xf32, #tpu.memory_space<vmem_shared>>)
    %dma_wait3A_51 = arith.constant 77 : i32
    %dma_wait3A_52 = arith.constant 0 : i32
    %dma_wait3A_53 = tpu.memref_slice %arg8[%dma_wait3A_51, %dma_wait3A_52] : memref<80x128xi32, #tpu.memory_space<vmem>> -> memref<1x128xi32, #tpu.memory_space<vmem>>
    %dma_wait3A_54 = tpu.memref_squeeze %dma_wait3A_53 : memref<1x128xi32, #tpu.memory_space<vmem>> -> memref<128xi32, #tpu.memory_space<vmem>>
    %dma_wait3A_55 = arith.constant 0 : i32
    %dma_wait3A_56 = arith.constant 0 : i32
    %dma_wait3A_57 = tpu.memref_slice %arg33[%dma_wait3A_55, %dma_wait3A_56] : memref<10240x64xf32, #tpu.memory_space<vmem_shared>> -> memref<10240x64xf32, #tpu.memory_space<vmem_shared>>
    tpu.wait_indirect_dma semaphore(%arg30 : memref<!tpu.dma_semaphore, #tpu.memory_space<semaphore_mem>>) src(%arg14 : memref<128x64xf32, #tpu.memory_space<vmem>>) dst(%dma_wait3A_57 : memref<10240x64xf32, #tpu.memory_space<vmem_shared>>)
    %dma_wait3A_58 = arith.constant 78 : i32
    %dma_wait3A_59 = arith.constant 0 : i32
    %dma_wait3A_60 = tpu.memref_slice %arg8[%dma_wait3A_58, %dma_wait3A_59] : memref<80x128xi32, #tpu.memory_space<vmem>> -> memref<1x128xi32, #tpu.memory_space<vmem>>
    %dma_wait3A_61 = tpu.memref_squeeze %dma_wait3A_60 : memref<1x128xi32, #tpu.memory_space<vmem>> -> memref<128xi32, #tpu.memory_space<vmem>>
    %dma_wait3A_62 = arith.constant 0 : i32
    %dma_wait3A_63 = arith.constant 0 : i32
    %dma_wait3A_64 = tpu.memref_slice %arg33[%dma_wait3A_62, %dma_wait3A_63] : memref<10240x64xf32, #tpu.memory_space<vmem_shared>> -> memref<10240x64xf32, #tpu.memory_space<vmem_shared>>
    tpu.wait_indirect_dma semaphore(%arg31 : memref<!tpu.dma_semaphore, #tpu.memory_space<semaphore_mem>>) src(%arg15 : memref<128x64xf32, #tpu.memory_space<vmem>>) dst(%dma_wait3A_64 : memref<10240x64xf32, #tpu.memory_space<vmem_shared>>)
    %dma_wait3A_65 = arith.constant 79 : i32
    %dma_wait3A_66 = arith.constant 0 : i32
    %dma_wait3A_67 = tpu.memref_slice %arg8[%dma_wait3A_65, %dma_wait3A_66] : memref<80x128xi32, #tpu.memory_space<vmem>> -> memref<1x128xi32, #tpu.memory_space<vmem>>
    %dma_wait3A_68 = tpu.memref_squeeze %dma_wait3A_67 : memref<1x128xi32, #tpu.memory_space<vmem>> -> memref<128xi32, #tpu.memory_space<vmem>>
    %dma_wait3A_69 = arith.constant 0 : i32
    %dma_wait3A_70 = arith.constant 0 : i32
    %dma_wait3A_71 = tpu.memref_slice %arg33[%dma_wait3A_69, %dma_wait3A_70] : memref<10240x64xf32, #tpu.memory_space<vmem_shared>> -> memref<10240x64xf32, #tpu.memory_space<vmem_shared>>
    tpu.wait_indirect_dma semaphore(%arg32 : memref<!tpu.dma_semaphore, #tpu.memory_space<semaphore_mem>>) src(%arg16 : memref<128x64xf32, #tpu.memory_space<vmem>>) dst(%dma_wait3A_71 : memref<10240x64xf32, #tpu.memory_space<vmem_shared>>)
    %barrier3A_72 = arith.constant 0 : index
    tpu.barrier barrier_id(%barrier3A_72)
    %mul3A_73 = arith.constant 10240 : i32
    %mul3A_74 = arith.muli %arg0, %mul3A_73 : i32
    %add3A_75 = arith.addi %mul3A_74, %mul3A_2 : i32
    "tpu.region"() ({
      %run_scoped3A = tpu.sem_alloc : memref<!tpu.dma_semaphore, #tpu.memory_space<semaphore_mem>>
      %dma_start3A_76 = arith.constant 0 : i32
      %dma_start3A_77 = tpu.memref_slice %arg6[%add3A_75, %dma_start3A_76] : memref<20480x64xf32, #tpu.memory_space<hbm>> -> memref<640x64xf32, #tpu.memory_space<hbm>>
      %dma_start3A_78 = arith.constant 0 : i32
      %dma_start3A_79 = tpu.memref_slice %arg33[%mul3A_2, %dma_start3A_78] : memref<10240x64xf32, #tpu.memory_space<vmem_shared>> -> memref<640x64xf32, #tpu.memory_space<vmem_shared>>
      tpu.enqueue_dma source(%dma_start3A_79 : memref<640x64xf32, #tpu.memory_space<vmem_shared>>) target(%dma_start3A_77 : memref<640x64xf32, #tpu.memory_space<hbm>>) target_semaphore(%run_scoped3A : memref<!tpu.dma_semaphore, #tpu.memory_space<semaphore_mem>>)
      %dma_wait3A_80 = arith.constant 0 : i32
      %dma_wait3A_81 = tpu.memref_slice %arg6[%add3A_75, %dma_wait3A_80] : memref<20480x64xf32, #tpu.memory_space<hbm>> -> memref<640x64xf32, #tpu.memory_space<hbm>>
      %dma_wait3A_82 = arith.constant 0 : i32
      %dma_wait3A_83 = tpu.memref_slice %arg33[%mul3A_2, %dma_wait3A_82] : memref<10240x64xf32, #tpu.memory_space<vmem_shared>> -> memref<640x64xf32, #tpu.memory_space<vmem_shared>>
      tpu.wait_dma2 semaphore(%run_scoped3A : memref<!tpu.dma_semaphore, #tpu.memory_space<semaphore_mem>>) src(%dma_wait3A_83 : memref<640x64xf32, #tpu.memory_space<vmem_shared>>) dst(%dma_wait3A_81 : memref<640x64xf32, #tpu.memory_space<hbm>>)
      tpu.yield
    }) : () -> ()
    return
  }
}

#map = affine_map<(d0, d1) -> (0, 0)>
module attributes {stable_mosaic.version = 14 : i64} {
  func.func @_hop_body(%arg0: i32, %arg1: i32, %arg2: memref<10240x64xf32, #tpu.memory_space<hbm>>, %arg3: memref<10240x64xf32, #tpu.memory_space<hbm>>, %arg4: memref<2560x128xi32, #tpu.memory_space<hbm>>, %arg5: memref<2560x128xi32, #tpu.memory_space<hbm>>, %arg6: memref<20480x64xf32, #tpu.memory_space<hbm>>, %arg7: memref<80x128xi32, #tpu.memory_space<vmem>>, %arg8: memref<80x128xi32, #tpu.memory_space<vmem>>, %arg9: memref<128x64xf32, #tpu.memory_space<vmem>>, %arg10: memref<128x64xf32, #tpu.memory_space<vmem>>, %arg11: memref<128x64xf32, #tpu.memory_space<vmem>>, %arg12: memref<128x64xf32, #tpu.memory_space<vmem>>, %arg13: memref<128x64xf32, #tpu.memory_space<vmem>>, %arg14: memref<128x64xf32, #tpu.memory_space<vmem>>, %arg15: memref<128x64xf32, #tpu.memory_space<vmem>>, %arg16: memref<128x64xf32, #tpu.memory_space<vmem>>, %arg17: memref<!tpu.dma_semaphore, #tpu.memory_space<semaphore_mem>>, %arg18: memref<!tpu.dma_semaphore, #tpu.memory_space<semaphore_mem>>, %arg19: memref<!tpu.dma_semaphore, #tpu.memory_space<semaphore_mem>>, %arg20: memref<!tpu.dma_semaphore, #tpu.memory_space<semaphore_mem>>, %arg21: memref<!tpu.dma_semaphore, #tpu.memory_space<semaphore_mem>>, %arg22: memref<!tpu.dma_semaphore, #tpu.memory_space<semaphore_mem>>, %arg23: memref<!tpu.dma_semaphore, #tpu.memory_space<semaphore_mem>>, %arg24: memref<!tpu.dma_semaphore, #tpu.memory_space<semaphore_mem>>, %arg25: memref<!tpu.dma_semaphore, #tpu.memory_space<semaphore_mem>>, %arg26: memref<!tpu.dma_semaphore, #tpu.memory_space<semaphore_mem>>, %arg27: memref<!tpu.dma_semaphore, #tpu.memory_space<semaphore_mem>>, %arg28: memref<!tpu.dma_semaphore, #tpu.memory_space<semaphore_mem>>, %arg29: memref<!tpu.dma_semaphore, #tpu.memory_space<semaphore_mem>>, %arg30: memref<!tpu.dma_semaphore, #tpu.memory_space<semaphore_mem>>, %arg31: memref<!tpu.dma_semaphore, #tpu.memory_space<semaphore_mem>>, %arg32: memref<!tpu.dma_semaphore, #tpu.memory_space<semaphore_mem>>, %arg33: memref<10240x64xf32, #tpu.memory_space<vmem_shared>>) attributes {dimension_semantics = [#tpu.dimension_semantics<core_parallel>, #tpu.dimension_semantics<subcore_parallel>], iteration_bounds = array<i64: 2, 16>, scalar_prefetch = 0 : i64, scratch_operands = 27 : i64, tpu.core_type = #tpu.core_type<sc_vector_subcore>, window_params = [{transform_indices = #map}, {transform_indices = #map}, {transform_indices = #map}, {transform_indices = #map}, {transform_indices = #map}]} {
    %mul3A = arith.constant 16 : i32
    %mul3A_0 = arith.muli %arg0, %mul3A : i32
    %add3A = arith.addi %mul3A_0, %arg1 : i32
    %mul3A_1 = arith.constant 640 : i32
    %mul3A_2 = arith.muli %arg1, %mul3A_1 : i32
    %eq3A = arith.constant 0 : i32
    %eq3A_3 = arith.cmpi eq, %arg0, %eq3A : i32
    %convert_element_type3A = arith.extui %eq3A_3 : i1 to i32
    %cond3A = arith.constant 0 : i32
    %cond3A_4 = arith.cmpi ne, %convert_element_type3A, %cond3A : i32
    scf.if %cond3A_4 {
      "tpu.region"() ({
        %run_scoped3A = tpu.sem_alloc : memref<!tpu.dma_semaphore, #tpu.memory_space<semaphore_mem>>
        %dma_start3A_76 = arith.constant 0 : i32
        %dma_start3A_77 = tpu.memref_slice %arg33[%mul3A_2, %dma_start3A_76] : memref<10240x64xf32, #tpu.memory_space<vmem_shared>> -> memref<640x64xf32, #tpu.memory_space<vmem_shared>>
        %dma_start3A_78 = arith.constant 0 : i32
        %dma_start3A_79 = tpu.memref_slice %arg2[%mul3A_2, %dma_start3A_78] : memref<10240x64xf32, #tpu.memory_space<hbm>> -> memref<640x64xf32, #tpu.memory_space<hbm>>
        tpu.enqueue_dma source(%dma_start3A_79 : memref<640x64xf32, #tpu.memory_space<hbm>>) target(%dma_start3A_77 : memref<640x64xf32, #tpu.memory_space<vmem_shared>>) target_semaphore(%run_scoped3A : memref<!tpu.dma_semaphore, #tpu.memory_space<semaphore_mem>>)
        %dma_wait3A_80 = arith.constant 0 : i32
        %dma_wait3A_81 = tpu.memref_slice %arg33[%mul3A_2, %dma_wait3A_80] : memref<10240x64xf32, #tpu.memory_space<vmem_shared>> -> memref<640x64xf32, #tpu.memory_space<vmem_shared>>
        %dma_wait3A_82 = arith.constant 0 : i32
        %dma_wait3A_83 = tpu.memref_slice %arg2[%mul3A_2, %dma_wait3A_82] : memref<10240x64xf32, #tpu.memory_space<hbm>> -> memref<640x64xf32, #tpu.memory_space<hbm>>
        tpu.wait_dma2 semaphore(%run_scoped3A : memref<!tpu.dma_semaphore, #tpu.memory_space<semaphore_mem>>) src(%dma_wait3A_83 : memref<640x64xf32, #tpu.memory_space<hbm>>) dst(%dma_wait3A_81 : memref<640x64xf32, #tpu.memory_space<vmem_shared>>)
        tpu.yield
      }) : () -> ()
    } else {
    }
    %ne3A = arith.constant 0 : i32
    %ne3A_5 = arith.cmpi ne, %arg0, %ne3A : i32
    %convert_element_type3A_6 = arith.extui %ne3A_5 : i1 to i32
    %cond3A_7 = arith.constant 0 : i32
    %cond3A_8 = arith.cmpi ne, %convert_element_type3A_6, %cond3A_7 : i32
    scf.if %cond3A_8 {
      "tpu.region"() ({
        %run_scoped3A = tpu.sem_alloc : memref<!tpu.dma_semaphore, #tpu.memory_space<semaphore_mem>>
        %dma_start3A_76 = arith.constant 0 : i32
        %dma_start3A_77 = tpu.memref_slice %arg33[%mul3A_2, %dma_start3A_76] : memref<10240x64xf32, #tpu.memory_space<vmem_shared>> -> memref<640x64xf32, #tpu.memory_space<vmem_shared>>
        %dma_start3A_78 = arith.constant 0 : i32
        %dma_start3A_79 = tpu.memref_slice %arg3[%mul3A_2, %dma_start3A_78] : memref<10240x64xf32, #tpu.memory_space<hbm>> -> memref<640x64xf32, #tpu.memory_space<hbm>>
        tpu.enqueue_dma source(%dma_start3A_79 : memref<640x64xf32, #tpu.memory_space<hbm>>) target(%dma_start3A_77 : memref<640x64xf32, #tpu.memory_space<vmem_shared>>) target_semaphore(%run_scoped3A : memref<!tpu.dma_semaphore, #tpu.memory_space<semaphore_mem>>)
        %dma_wait3A_80 = arith.constant 0 : i32
        %dma_wait3A_81 = tpu.memref_slice %arg33[%mul3A_2, %dma_wait3A_80] : memref<10240x64xf32, #tpu.memory_space<vmem_shared>> -> memref<640x64xf32, #tpu.memory_space<vmem_shared>>
        %dma_wait3A_82 = arith.constant 0 : i32
        %dma_wait3A_83 = tpu.memref_slice %arg3[%mul3A_2, %dma_wait3A_82] : memref<10240x64xf32, #tpu.memory_space<hbm>> -> memref<640x64xf32, #tpu.memory_space<hbm>>
        tpu.wait_dma2 semaphore(%run_scoped3A : memref<!tpu.dma_semaphore, #tpu.memory_space<semaphore_mem>>) src(%dma_wait3A_83 : memref<640x64xf32, #tpu.memory_space<hbm>>) dst(%dma_wait3A_81 : memref<640x64xf32, #tpu.memory_space<vmem_shared>>)
        tpu.yield
      }) : () -> ()
    } else {
    }
    %mul3A_9 = arith.constant 80 : i32
    %mul3A_10 = arith.muli %add3A, %mul3A_9 : i32
    "tpu.region"() ({
      %run_scoped3A = tpu.sem_alloc : memref<!tpu.dma_semaphore, #tpu.memory_space<semaphore_mem>>
      %dma_start3A_76 = arith.constant 0 : i32
      %dma_start3A_77 = tpu.memref_slice %arg4[%mul3A_10, %dma_start3A_76] : memref<2560x128xi32, #tpu.memory_space<hbm>> -> memref<80x128xi32, #tpu.memory_space<hbm>>
      %dma_start3A_78 = arith.constant 0 : i32
      %dma_start3A_79 = tpu.memref_slice %arg4[%mul3A_10, %dma_start3A_78] : memref<2560x128xi32, #tpu.memory_space<hbm>> -> memref<80x128xi32, #tpu.memory_space<hbm>>
      tpu.enqueue_dma source(%dma_start3A_79 : memref<80x128xi32, #tpu.memory_space<hbm>>) target(%arg7 : memref<80x128xi32, #tpu.memory_space<vmem>>) target_semaphore(%run_scoped3A : memref<!tpu.dma_semaphore, #tpu.memory_space<semaphore_mem>>)
      %dma_wait3A_80 = arith.constant 0 : i32
      %dma_wait3A_81 = tpu.memref_slice %arg4[%mul3A_10, %dma_wait3A_80] : memref<2560x128xi32, #tpu.memory_space<hbm>> -> memref<80x128xi32, #tpu.memory_space<hbm>>
      %dma_wait3A_82 = arith.constant 0 : i32
      %dma_wait3A_83 = tpu.memref_slice %arg4[%mul3A_10, %dma_wait3A_82] : memref<2560x128xi32, #tpu.memory_space<hbm>> -> memref<80x128xi32, #tpu.memory_space<hbm>>
      tpu.wait_dma2 semaphore(%run_scoped3A : memref<!tpu.dma_semaphore, #tpu.memory_space<semaphore_mem>>) src(%dma_wait3A_83 : memref<80x128xi32, #tpu.memory_space<hbm>>) dst(%arg7 : memref<80x128xi32, #tpu.memory_space<vmem>>)
      tpu.yield
    }) : () -> ()
    %mul3A_11 = arith.constant 80 : i32
    %mul3A_12 = arith.muli %add3A, %mul3A_11 : i32
    "tpu.region"() ({
      %run_scoped3A = tpu.sem_alloc : memref<!tpu.dma_semaphore, #tpu.memory_space<semaphore_mem>>
      %dma_start3A_76 = arith.constant 0 : i32
      %dma_start3A_77 = tpu.memref_slice %arg5[%mul3A_12, %dma_start3A_76] : memref<2560x128xi32, #tpu.memory_space<hbm>> -> memref<80x128xi32, #tpu.memory_space<hbm>>
      %dma_start3A_78 = arith.constant 0 : i32
      %dma_start3A_79 = tpu.memref_slice %arg5[%mul3A_12, %dma_start3A_78] : memref<2560x128xi32, #tpu.memory_space<hbm>> -> memref<80x128xi32, #tpu.memory_space<hbm>>
      tpu.enqueue_dma source(%dma_start3A_79 : memref<80x128xi32, #tpu.memory_space<hbm>>) target(%arg8 : memref<80x128xi32, #tpu.memory_space<vmem>>) target_semaphore(%run_scoped3A : memref<!tpu.dma_semaphore, #tpu.memory_space<semaphore_mem>>)
      %dma_wait3A_80 = arith.constant 0 : i32
      %dma_wait3A_81 = tpu.memref_slice %arg5[%mul3A_12, %dma_wait3A_80] : memref<2560x128xi32, #tpu.memory_space<hbm>> -> memref<80x128xi32, #tpu.memory_space<hbm>>
      %dma_wait3A_82 = arith.constant 0 : i32
      %dma_wait3A_83 = tpu.memref_slice %arg5[%mul3A_12, %dma_wait3A_82] : memref<2560x128xi32, #tpu.memory_space<hbm>> -> memref<80x128xi32, #tpu.memory_space<hbm>>
      tpu.wait_dma2 semaphore(%run_scoped3A : memref<!tpu.dma_semaphore, #tpu.memory_space<semaphore_mem>>) src(%dma_wait3A_83 : memref<80x128xi32, #tpu.memory_space<hbm>>) dst(%arg8 : memref<80x128xi32, #tpu.memory_space<vmem>>)
      tpu.yield
    }) : () -> ()
    %dma_start3A = arith.constant 0 : i32
    %dma_start3A_13 = arith.constant 0 : i32
    %dma_start3A_14 = tpu.memref_slice %arg7[%dma_start3A, %dma_start3A_13] : memref<80x128xi32, #tpu.memory_space<vmem>> -> memref<1x128xi32, #tpu.memory_space<vmem>>
    %dma_start3A_15 = tpu.memref_squeeze %dma_start3A_14 : memref<1x128xi32, #tpu.memory_space<vmem>> -> memref<128xi32, #tpu.memory_space<vmem>>
    %dma_start3A_16 = arith.constant 0 : i32
    %dma_start3A_17 = arith.constant 0 : i32
    %dma_start3A_18 = tpu.memref_slice %arg2[%dma_start3A_16, %dma_start3A_17] : memref<10240x64xf32, #tpu.memory_space<hbm>> -> memref<10240x64xf32, #tpu.memory_space<hbm>>
    tpu.enqueue_indirect_dma source(%dma_start3A_18 : memref<10240x64xf32, #tpu.memory_space<hbm>>) target(%arg9 : memref<128x64xf32, #tpu.memory_space<vmem>>) offsets(%dma_start3A_15 : memref<128xi32, #tpu.memory_space<vmem>>) semaphore(%arg17 : memref<!tpu.dma_semaphore, #tpu.memory_space<semaphore_mem>>)
    %dma_start3A_19 = arith.constant 1 : i32
    %dma_start3A_20 = arith.constant 0 : i32
    %dma_start3A_21 = tpu.memref_slice %arg7[%dma_start3A_19, %dma_start3A_20] : memref<80x128xi32, #tpu.memory_space<vmem>> -> memref<1x128xi32, #tpu.memory_space<vmem>>
    %dma_start3A_22 = tpu.memref_squeeze %dma_start3A_21 : memref<1x128xi32, #tpu.memory_space<vmem>> -> memref<128xi32, #tpu.memory_space<vmem>>
    %dma_start3A_23 = arith.constant 0 : i32
    %dma_start3A_24 = arith.constant 0 : i32
    %dma_start3A_25 = tpu.memref_slice %arg2[%dma_start3A_23, %dma_start3A_24] : memref<10240x64xf32, #tpu.memory_space<hbm>> -> memref<10240x64xf32, #tpu.memory_space<hbm>>
    tpu.enqueue_indirect_dma source(%dma_start3A_25 : memref<10240x64xf32, #tpu.memory_space<hbm>>) target(%arg10 : memref<128x64xf32, #tpu.memory_space<vmem>>) offsets(%dma_start3A_22 : memref<128xi32, #tpu.memory_space<vmem>>) semaphore(%arg18 : memref<!tpu.dma_semaphore, #tpu.memory_space<semaphore_mem>>)
    %dma_start3A_26 = arith.constant 2 : i32
    %dma_start3A_27 = arith.constant 0 : i32
    %dma_start3A_28 = tpu.memref_slice %arg7[%dma_start3A_26, %dma_start3A_27] : memref<80x128xi32, #tpu.memory_space<vmem>> -> memref<1x128xi32, #tpu.memory_space<vmem>>
    %dma_start3A_29 = tpu.memref_squeeze %dma_start3A_28 : memref<1x128xi32, #tpu.memory_space<vmem>> -> memref<128xi32, #tpu.memory_space<vmem>>
    %dma_start3A_30 = arith.constant 0 : i32
    %dma_start3A_31 = arith.constant 0 : i32
    %dma_start3A_32 = tpu.memref_slice %arg2[%dma_start3A_30, %dma_start3A_31] : memref<10240x64xf32, #tpu.memory_space<hbm>> -> memref<10240x64xf32, #tpu.memory_space<hbm>>
    tpu.enqueue_indirect_dma source(%dma_start3A_32 : memref<10240x64xf32, #tpu.memory_space<hbm>>) target(%arg11 : memref<128x64xf32, #tpu.memory_space<vmem>>) offsets(%dma_start3A_29 : memref<128xi32, #tpu.memory_space<vmem>>) semaphore(%arg19 : memref<!tpu.dma_semaphore, #tpu.memory_space<semaphore_mem>>)
    %dma_start3A_33 = arith.constant 3 : i32
    %dma_start3A_34 = arith.constant 0 : i32
    %dma_start3A_35 = tpu.memref_slice %arg7[%dma_start3A_33, %dma_start3A_34] : memref<80x128xi32, #tpu.memory_space<vmem>> -> memref<1x128xi32, #tpu.memory_space<vmem>>
    %dma_start3A_36 = tpu.memref_squeeze %dma_start3A_35 : memref<1x128xi32, #tpu.memory_space<vmem>> -> memref<128xi32, #tpu.memory_space<vmem>>
    %dma_start3A_37 = arith.constant 0 : i32
    %dma_start3A_38 = arith.constant 0 : i32
    %dma_start3A_39 = tpu.memref_slice %arg2[%dma_start3A_37, %dma_start3A_38] : memref<10240x64xf32, #tpu.memory_space<hbm>> -> memref<10240x64xf32, #tpu.memory_space<hbm>>
    tpu.enqueue_indirect_dma source(%dma_start3A_39 : memref<10240x64xf32, #tpu.memory_space<hbm>>) target(%arg12 : memref<128x64xf32, #tpu.memory_space<vmem>>) offsets(%dma_start3A_36 : memref<128xi32, #tpu.memory_space<vmem>>) semaphore(%arg20 : memref<!tpu.dma_semaphore, #tpu.memory_space<semaphore_mem>>)
    %barrier3A = arith.constant 0 : index
    tpu.barrier barrier_id(%barrier3A)
    %scan3A = arith.constant 0 : i32
    %scan3A_40 = arith.constant 0 : i32
    %scan3A_41 = arith.constant 10 : i32
    %scan3A_42 = arith.addi %scan3A_40, %scan3A_41 : i32
    %scan3A_43 = arith.constant 1 : i32
    scf.for %scan3A_76 = %scan3A_40 to %scan3A_42 step %scan3A_43  : i32 {
      %mul3A_77 = arith.constant 8 : i32
      %mul3A_78 = arith.muli %mul3A_77, %scan3A_76 : i32
      %add3A_79 = arith.constant 0 : i32
      %add3A_80 = arith.addi %mul3A_78, %add3A_79 : i32
      %ge3A = arith.constant 4 : i32
      %ge3A_81 = arith.cmpi sge, %add3A_80, %ge3A : i32
      %convert_element_type3A_82 = arith.extui %ge3A_81 : i1 to i32
      %cond3A_83 = arith.constant 0 : i32
      %cond3A_84 = arith.cmpi ne, %convert_element_type3A_82, %cond3A_83 : i32
      scf.if %cond3A_84 {
        %sub3A = arith.constant 4 : i32
        %sub3A_299 = arith.subi %add3A_80, %sub3A : i32
        %dma_wait3A_300 = arith.constant 0 : i32
        %dma_wait3A_301 = tpu.memref_slice %arg8[%sub3A_299, %dma_wait3A_300] : memref<80x128xi32, #tpu.memory_space<vmem>> -> memref<1x128xi32, #tpu.memory_space<vmem>>
        %dma_wait3A_302 = tpu.memref_squeeze %dma_wait3A_301 : memref<1x128xi32, #tpu.memory_space<vmem>> -> memref<128xi32, #tpu.memory_space<vmem>>
        %dma_wait3A_303 = arith.constant 0 : i32
        %dma_wait3A_304 = arith.constant 0 : i32
        %dma_wait3A_305 = tpu.memref_slice %arg33[%dma_wait3A_303, %dma_wait3A_304] : memref<10240x64xf32, #tpu.memory_space<vmem_shared>> -> memref<10240x64xf32, #tpu.memory_space<vmem_shared>>
        tpu.wait_indirect_dma semaphore(%arg29 : memref<!tpu.dma_semaphore, #tpu.memory_space<semaphore_mem>>) src(%arg13 : memref<128x64xf32, #tpu.memory_space<vmem>>) dst(%dma_wait3A_305 : memref<10240x64xf32, #tpu.memory_space<vmem_shared>>)
      } else {
      }
      %add3A_85 = arith.constant 4 : i32
      %add3A_86 = arith.addi %add3A_80, %add3A_85 : i32
      %lt3A = arith.constant 80 : i32
      %lt3A_87 = arith.cmpi slt, %add3A_86, %lt3A : i32
      %convert_element_type3A_88 = arith.extui %lt3A_87 : i1 to i32
      %cond3A_89 = arith.constant 0 : i32
      %cond3A_90 = arith.cmpi ne, %convert_element_type3A_88, %cond3A_89 : i32
      scf.if %cond3A_90 {
        %add3A_299 = arith.constant 4 : i32
        %add3A_300 = arith.addi %add3A_80, %add3A_299 : i32
        %dma_start3A_301 = arith.constant 0 : i32
        %dma_start3A_302 = tpu.memref_slice %arg7[%add3A_300, %dma_start3A_301] : memref<80x128xi32, #tpu.memory_space<vmem>> -> memref<1x128xi32, #tpu.memory_space<vmem>>
        %dma_start3A_303 = tpu.memref_squeeze %dma_start3A_302 : memref<1x128xi32, #tpu.memory_space<vmem>> -> memref<128xi32, #tpu.memory_space<vmem>>
        %dma_start3A_304 = arith.constant 0 : i32
        %dma_start3A_305 = arith.constant 0 : i32
        %dma_start3A_306 = tpu.memref_slice %arg2[%dma_start3A_304, %dma_start3A_305] : memref<10240x64xf32, #tpu.memory_space<hbm>> -> memref<10240x64xf32, #tpu.memory_space<hbm>>
        tpu.enqueue_indirect_dma source(%dma_start3A_306 : memref<10240x64xf32, #tpu.memory_space<hbm>>) target(%arg13 : memref<128x64xf32, #tpu.memory_space<vmem>>) offsets(%dma_start3A_303 : memref<128xi32, #tpu.memory_space<vmem>>) semaphore(%arg21 : memref<!tpu.dma_semaphore, #tpu.memory_space<semaphore_mem>>)
      } else {
      }
      %dma_wait3A_91 = arith.constant 0 : i32
      %dma_wait3A_92 = tpu.memref_slice %arg7[%add3A_80, %dma_wait3A_91] : memref<80x128xi32, #tpu.memory_space<vmem>> -> memref<1x128xi32, #tpu.memory_space<vmem>>
      %dma_wait3A_93 = tpu.memref_squeeze %dma_wait3A_92 : memref<1x128xi32, #tpu.memory_space<vmem>> -> memref<128xi32, #tpu.memory_space<vmem>>
      %dma_wait3A_94 = arith.constant 0 : i32
      %dma_wait3A_95 = arith.constant 0 : i32
      %dma_wait3A_96 = tpu.memref_slice %arg2[%dma_wait3A_94, %dma_wait3A_95] : memref<10240x64xf32, #tpu.memory_space<hbm>> -> memref<10240x64xf32, #tpu.memory_space<hbm>>
      tpu.wait_indirect_dma semaphore(%arg17 : memref<!tpu.dma_semaphore, #tpu.memory_space<semaphore_mem>>) src(%dma_wait3A_96 : memref<10240x64xf32, #tpu.memory_space<hbm>>) dst(%arg9 : memref<128x64xf32, #tpu.memory_space<vmem>>)
      %dma_start3A_97 = arith.constant 0 : i32
      %dma_start3A_98 = tpu.memref_slice %arg8[%add3A_80, %dma_start3A_97] : memref<80x128xi32, #tpu.memory_space<vmem>> -> memref<1x128xi32, #tpu.memory_space<vmem>>
      %dma_start3A_99 = tpu.memref_squeeze %dma_start3A_98 : memref<1x128xi32, #tpu.memory_space<vmem>> -> memref<128xi32, #tpu.memory_space<vmem>>
      %dma_start3A_100 = arith.constant 0 : i32
      %dma_start3A_101 = arith.constant 0 : i32
      %dma_start3A_102 = tpu.memref_slice %arg33[%dma_start3A_100, %dma_start3A_101] : memref<10240x64xf32, #tpu.memory_space<vmem_shared>> -> memref<10240x64xf32, #tpu.memory_space<vmem_shared>>
      tpu.enqueue_indirect_dma source(%arg9 : memref<128x64xf32, #tpu.memory_space<vmem>>) target(%dma_start3A_102 : memref<10240x64xf32, #tpu.memory_space<vmem_shared>>) offsets(%dma_start3A_99 : memref<128xi32, #tpu.memory_space<vmem>>) semaphore(%arg25 : memref<!tpu.dma_semaphore, #tpu.memory_space<semaphore_mem>>) {add = true}
      %mul3A_103 = arith.constant 8 : i32
      %mul3A_104 = arith.muli %mul3A_103, %scan3A_76 : i32
      %add3A_105 = arith.constant 1 : i32
      %add3A_106 = arith.addi %mul3A_104, %add3A_105 : i32
      %ge3A_107 = arith.constant 4 : i32
      %ge3A_108 = arith.cmpi sge, %add3A_106, %ge3A_107 : i32
      %convert_element_type3A_109 = arith.extui %ge3A_108 : i1 to i32
      %cond3A_110 = arith.constant 0 : i32
      %cond3A_111 = arith.cmpi ne, %convert_element_type3A_109, %cond3A_110 : i32
      scf.if %cond3A_111 {
        %sub3A = arith.constant 4 : i32
        %sub3A_299 = arith.subi %add3A_106, %sub3A : i32
        %dma_wait3A_300 = arith.constant 0 : i32
        %dma_wait3A_301 = tpu.memref_slice %arg8[%sub3A_299, %dma_wait3A_300] : memref<80x128xi32, #tpu.memory_space<vmem>> -> memref<1x128xi32, #tpu.memory_space<vmem>>
        %dma_wait3A_302 = tpu.memref_squeeze %dma_wait3A_301 : memref<1x128xi32, #tpu.memory_space<vmem>> -> memref<128xi32, #tpu.memory_space<vmem>>
        %dma_wait3A_303 = arith.constant 0 : i32
        %dma_wait3A_304 = arith.constant 0 : i32
        %dma_wait3A_305 = tpu.memref_slice %arg33[%dma_wait3A_303, %dma_wait3A_304] : memref<10240x64xf32, #tpu.memory_space<vmem_shared>> -> memref<10240x64xf32, #tpu.memory_space<vmem_shared>>
        tpu.wait_indirect_dma semaphore(%arg30 : memref<!tpu.dma_semaphore, #tpu.memory_space<semaphore_mem>>) src(%arg14 : memref<128x64xf32, #tpu.memory_space<vmem>>) dst(%dma_wait3A_305 : memref<10240x64xf32, #tpu.memory_space<vmem_shared>>)
      } else {
      }
      %add3A_112 = arith.constant 4 : i32
      %add3A_113 = arith.addi %add3A_106, %add3A_112 : i32
      %lt3A_114 = arith.constant 80 : i32
      %lt3A_115 = arith.cmpi slt, %add3A_113, %lt3A_114 : i32
      %convert_element_type3A_116 = arith.extui %lt3A_115 : i1 to i32
      %cond3A_117 = arith.constant 0 : i32
      %cond3A_118 = arith.cmpi ne, %convert_element_type3A_116, %cond3A_117 : i32
      scf.if %cond3A_118 {
        %add3A_299 = arith.constant 4 : i32
        %add3A_300 = arith.addi %add3A_106, %add3A_299 : i32
        %dma_start3A_301 = arith.constant 0 : i32
        %dma_start3A_302 = tpu.memref_slice %arg7[%add3A_300, %dma_start3A_301] : memref<80x128xi32, #tpu.memory_space<vmem>> -> memref<1x128xi32, #tpu.memory_space<vmem>>
        %dma_start3A_303 = tpu.memref_squeeze %dma_start3A_302 : memref<1x128xi32, #tpu.memory_space<vmem>> -> memref<128xi32, #tpu.memory_space<vmem>>
        %dma_start3A_304 = arith.constant 0 : i32
        %dma_start3A_305 = arith.constant 0 : i32
        %dma_start3A_306 = tpu.memref_slice %arg2[%dma_start3A_304, %dma_start3A_305] : memref<10240x64xf32, #tpu.memory_space<hbm>> -> memref<10240x64xf32, #tpu.memory_space<hbm>>
        tpu.enqueue_indirect_dma source(%dma_start3A_306 : memref<10240x64xf32, #tpu.memory_space<hbm>>) target(%arg14 : memref<128x64xf32, #tpu.memory_space<vmem>>) offsets(%dma_start3A_303 : memref<128xi32, #tpu.memory_space<vmem>>) semaphore(%arg22 : memref<!tpu.dma_semaphore, #tpu.memory_space<semaphore_mem>>)
      } else {
      }
      %dma_wait3A_119 = arith.constant 0 : i32
      %dma_wait3A_120 = tpu.memref_slice %arg7[%add3A_106, %dma_wait3A_119] : memref<80x128xi32, #tpu.memory_space<vmem>> -> memref<1x128xi32, #tpu.memory_space<vmem>>
      %dma_wait3A_121 = tpu.memref_squeeze %dma_wait3A_120 : memref<1x128xi32, #tpu.memory_space<vmem>> -> memref<128xi32, #tpu.memory_space<vmem>>
      %dma_wait3A_122 = arith.constant 0 : i32
      %dma_wait3A_123 = arith.constant 0 : i32
      %dma_wait3A_124 = tpu.memref_slice %arg2[%dma_wait3A_122, %dma_wait3A_123] : memref<10240x64xf32, #tpu.memory_space<hbm>> -> memref<10240x64xf32, #tpu.memory_space<hbm>>
      tpu.wait_indirect_dma semaphore(%arg18 : memref<!tpu.dma_semaphore, #tpu.memory_space<semaphore_mem>>) src(%dma_wait3A_124 : memref<10240x64xf32, #tpu.memory_space<hbm>>) dst(%arg10 : memref<128x64xf32, #tpu.memory_space<vmem>>)
      %dma_start3A_125 = arith.constant 0 : i32
      %dma_start3A_126 = tpu.memref_slice %arg8[%add3A_106, %dma_start3A_125] : memref<80x128xi32, #tpu.memory_space<vmem>> -> memref<1x128xi32, #tpu.memory_space<vmem>>
      %dma_start3A_127 = tpu.memref_squeeze %dma_start3A_126 : memref<1x128xi32, #tpu.memory_space<vmem>> -> memref<128xi32, #tpu.memory_space<vmem>>
      %dma_start3A_128 = arith.constant 0 : i32
      %dma_start3A_129 = arith.constant 0 : i32
      %dma_start3A_130 = tpu.memref_slice %arg33[%dma_start3A_128, %dma_start3A_129] : memref<10240x64xf32, #tpu.memory_space<vmem_shared>> -> memref<10240x64xf32, #tpu.memory_space<vmem_shared>>
      tpu.enqueue_indirect_dma source(%arg10 : memref<128x64xf32, #tpu.memory_space<vmem>>) target(%dma_start3A_130 : memref<10240x64xf32, #tpu.memory_space<vmem_shared>>) offsets(%dma_start3A_127 : memref<128xi32, #tpu.memory_space<vmem>>) semaphore(%arg26 : memref<!tpu.dma_semaphore, #tpu.memory_space<semaphore_mem>>) {add = true}
      %mul3A_131 = arith.constant 8 : i32
      %mul3A_132 = arith.muli %mul3A_131, %scan3A_76 : i32
      %add3A_133 = arith.constant 2 : i32
      %add3A_134 = arith.addi %mul3A_132, %add3A_133 : i32
      %ge3A_135 = arith.constant 4 : i32
      %ge3A_136 = arith.cmpi sge, %add3A_134, %ge3A_135 : i32
      %convert_element_type3A_137 = arith.extui %ge3A_136 : i1 to i32
      %cond3A_138 = arith.constant 0 : i32
      %cond3A_139 = arith.cmpi ne, %convert_element_type3A_137, %cond3A_138 : i32
      scf.if %cond3A_139 {
        %sub3A = arith.constant 4 : i32
        %sub3A_299 = arith.subi %add3A_134, %sub3A : i32
        %dma_wait3A_300 = arith.constant 0 : i32
        %dma_wait3A_301 = tpu.memref_slice %arg8[%sub3A_299, %dma_wait3A_300] : memref<80x128xi32, #tpu.memory_space<vmem>> -> memref<1x128xi32, #tpu.memory_space<vmem>>
        %dma_wait3A_302 = tpu.memref_squeeze %dma_wait3A_301 : memref<1x128xi32, #tpu.memory_space<vmem>> -> memref<128xi32, #tpu.memory_space<vmem>>
        %dma_wait3A_303 = arith.constant 0 : i32
        %dma_wait3A_304 = arith.constant 0 : i32
        %dma_wait3A_305 = tpu.memref_slice %arg33[%dma_wait3A_303, %dma_wait3A_304] : memref<10240x64xf32, #tpu.memory_space<vmem_shared>> -> memref<10240x64xf32, #tpu.memory_space<vmem_shared>>
        tpu.wait_indirect_dma semaphore(%arg31 : memref<!tpu.dma_semaphore, #tpu.memory_space<semaphore_mem>>) src(%arg15 : memref<128x64xf32, #tpu.memory_space<vmem>>) dst(%dma_wait3A_305 : memref<10240x64xf32, #tpu.memory_space<vmem_shared>>)
      } else {
      }
      %add3A_140 = arith.constant 4 : i32
      %add3A_141 = arith.addi %add3A_134, %add3A_140 : i32
      %lt3A_142 = arith.constant 80 : i32
      %lt3A_143 = arith.cmpi slt, %add3A_141, %lt3A_142 : i32
      %convert_element_type3A_144 = arith.extui %lt3A_143 : i1 to i32
      %cond3A_145 = arith.constant 0 : i32
      %cond3A_146 = arith.cmpi ne, %convert_element_type3A_144, %cond3A_145 : i32
      scf.if %cond3A_146 {
        %add3A_299 = arith.constant 4 : i32
        %add3A_300 = arith.addi %add3A_134, %add3A_299 : i32
        %dma_start3A_301 = arith.constant 0 : i32
        %dma_start3A_302 = tpu.memref_slice %arg7[%add3A_300, %dma_start3A_301] : memref<80x128xi32, #tpu.memory_space<vmem>> -> memref<1x128xi32, #tpu.memory_space<vmem>>
        %dma_start3A_303 = tpu.memref_squeeze %dma_start3A_302 : memref<1x128xi32, #tpu.memory_space<vmem>> -> memref<128xi32, #tpu.memory_space<vmem>>
        %dma_start3A_304 = arith.constant 0 : i32
        %dma_start3A_305 = arith.constant 0 : i32
        %dma_start3A_306 = tpu.memref_slice %arg2[%dma_start3A_304, %dma_start3A_305] : memref<10240x64xf32, #tpu.memory_space<hbm>> -> memref<10240x64xf32, #tpu.memory_space<hbm>>
        tpu.enqueue_indirect_dma source(%dma_start3A_306 : memref<10240x64xf32, #tpu.memory_space<hbm>>) target(%arg15 : memref<128x64xf32, #tpu.memory_space<vmem>>) offsets(%dma_start3A_303 : memref<128xi32, #tpu.memory_space<vmem>>) semaphore(%arg23 : memref<!tpu.dma_semaphore, #tpu.memory_space<semaphore_mem>>)
      } else {
      }
      %dma_wait3A_147 = arith.constant 0 : i32
      %dma_wait3A_148 = tpu.memref_slice %arg7[%add3A_134, %dma_wait3A_147] : memref<80x128xi32, #tpu.memory_space<vmem>> -> memref<1x128xi32, #tpu.memory_space<vmem>>
      %dma_wait3A_149 = tpu.memref_squeeze %dma_wait3A_148 : memref<1x128xi32, #tpu.memory_space<vmem>> -> memref<128xi32, #tpu.memory_space<vmem>>
      %dma_wait3A_150 = arith.constant 0 : i32
      %dma_wait3A_151 = arith.constant 0 : i32
      %dma_wait3A_152 = tpu.memref_slice %arg2[%dma_wait3A_150, %dma_wait3A_151] : memref<10240x64xf32, #tpu.memory_space<hbm>> -> memref<10240x64xf32, #tpu.memory_space<hbm>>
      tpu.wait_indirect_dma semaphore(%arg19 : memref<!tpu.dma_semaphore, #tpu.memory_space<semaphore_mem>>) src(%dma_wait3A_152 : memref<10240x64xf32, #tpu.memory_space<hbm>>) dst(%arg11 : memref<128x64xf32, #tpu.memory_space<vmem>>)
      %dma_start3A_153 = arith.constant 0 : i32
      %dma_start3A_154 = tpu.memref_slice %arg8[%add3A_134, %dma_start3A_153] : memref<80x128xi32, #tpu.memory_space<vmem>> -> memref<1x128xi32, #tpu.memory_space<vmem>>
      %dma_start3A_155 = tpu.memref_squeeze %dma_start3A_154 : memref<1x128xi32, #tpu.memory_space<vmem>> -> memref<128xi32, #tpu.memory_space<vmem>>
      %dma_start3A_156 = arith.constant 0 : i32
      %dma_start3A_157 = arith.constant 0 : i32
      %dma_start3A_158 = tpu.memref_slice %arg33[%dma_start3A_156, %dma_start3A_157] : memref<10240x64xf32, #tpu.memory_space<vmem_shared>> -> memref<10240x64xf32, #tpu.memory_space<vmem_shared>>
      tpu.enqueue_indirect_dma source(%arg11 : memref<128x64xf32, #tpu.memory_space<vmem>>) target(%dma_start3A_158 : memref<10240x64xf32, #tpu.memory_space<vmem_shared>>) offsets(%dma_start3A_155 : memref<128xi32, #tpu.memory_space<vmem>>) semaphore(%arg27 : memref<!tpu.dma_semaphore, #tpu.memory_space<semaphore_mem>>) {add = true}
      %mul3A_159 = arith.constant 8 : i32
      %mul3A_160 = arith.muli %mul3A_159, %scan3A_76 : i32
      %add3A_161 = arith.constant 3 : i32
      %add3A_162 = arith.addi %mul3A_160, %add3A_161 : i32
      %ge3A_163 = arith.constant 4 : i32
      %ge3A_164 = arith.cmpi sge, %add3A_162, %ge3A_163 : i32
      %convert_element_type3A_165 = arith.extui %ge3A_164 : i1 to i32
      %cond3A_166 = arith.constant 0 : i32
      %cond3A_167 = arith.cmpi ne, %convert_element_type3A_165, %cond3A_166 : i32
      scf.if %cond3A_167 {
        %sub3A = arith.constant 4 : i32
        %sub3A_299 = arith.subi %add3A_162, %sub3A : i32
        %dma_wait3A_300 = arith.constant 0 : i32
        %dma_wait3A_301 = tpu.memref_slice %arg8[%sub3A_299, %dma_wait3A_300] : memref<80x128xi32, #tpu.memory_space<vmem>> -> memref<1x128xi32, #tpu.memory_space<vmem>>
        %dma_wait3A_302 = tpu.memref_squeeze %dma_wait3A_301 : memref<1x128xi32, #tpu.memory_space<vmem>> -> memref<128xi32, #tpu.memory_space<vmem>>
        %dma_wait3A_303 = arith.constant 0 : i32
        %dma_wait3A_304 = arith.constant 0 : i32
        %dma_wait3A_305 = tpu.memref_slice %arg33[%dma_wait3A_303, %dma_wait3A_304] : memref<10240x64xf32, #tpu.memory_space<vmem_shared>> -> memref<10240x64xf32, #tpu.memory_space<vmem_shared>>
        tpu.wait_indirect_dma semaphore(%arg32 : memref<!tpu.dma_semaphore, #tpu.memory_space<semaphore_mem>>) src(%arg16 : memref<128x64xf32, #tpu.memory_space<vmem>>) dst(%dma_wait3A_305 : memref<10240x64xf32, #tpu.memory_space<vmem_shared>>)
      } else {
      }
      %add3A_168 = arith.constant 4 : i32
      %add3A_169 = arith.addi %add3A_162, %add3A_168 : i32
      %lt3A_170 = arith.constant 80 : i32
      %lt3A_171 = arith.cmpi slt, %add3A_169, %lt3A_170 : i32
      %convert_element_type3A_172 = arith.extui %lt3A_171 : i1 to i32
      %cond3A_173 = arith.constant 0 : i32
      %cond3A_174 = arith.cmpi ne, %convert_element_type3A_172, %cond3A_173 : i32
      scf.if %cond3A_174 {
        %add3A_299 = arith.constant 4 : i32
        %add3A_300 = arith.addi %add3A_162, %add3A_299 : i32
        %dma_start3A_301 = arith.constant 0 : i32
        %dma_start3A_302 = tpu.memref_slice %arg7[%add3A_300, %dma_start3A_301] : memref<80x128xi32, #tpu.memory_space<vmem>> -> memref<1x128xi32, #tpu.memory_space<vmem>>
        %dma_start3A_303 = tpu.memref_squeeze %dma_start3A_302 : memref<1x128xi32, #tpu.memory_space<vmem>> -> memref<128xi32, #tpu.memory_space<vmem>>
        %dma_start3A_304 = arith.constant 0 : i32
        %dma_start3A_305 = arith.constant 0 : i32
        %dma_start3A_306 = tpu.memref_slice %arg2[%dma_start3A_304, %dma_start3A_305] : memref<10240x64xf32, #tpu.memory_space<hbm>> -> memref<10240x64xf32, #tpu.memory_space<hbm>>
        tpu.enqueue_indirect_dma source(%dma_start3A_306 : memref<10240x64xf32, #tpu.memory_space<hbm>>) target(%arg16 : memref<128x64xf32, #tpu.memory_space<vmem>>) offsets(%dma_start3A_303 : memref<128xi32, #tpu.memory_space<vmem>>) semaphore(%arg24 : memref<!tpu.dma_semaphore, #tpu.memory_space<semaphore_mem>>)
      } else {
      }
      %dma_wait3A_175 = arith.constant 0 : i32
      %dma_wait3A_176 = tpu.memref_slice %arg7[%add3A_162, %dma_wait3A_175] : memref<80x128xi32, #tpu.memory_space<vmem>> -> memref<1x128xi32, #tpu.memory_space<vmem>>
      %dma_wait3A_177 = tpu.memref_squeeze %dma_wait3A_176 : memref<1x128xi32, #tpu.memory_space<vmem>> -> memref<128xi32, #tpu.memory_space<vmem>>
      %dma_wait3A_178 = arith.constant 0 : i32
      %dma_wait3A_179 = arith.constant 0 : i32
      %dma_wait3A_180 = tpu.memref_slice %arg2[%dma_wait3A_178, %dma_wait3A_179] : memref<10240x64xf32, #tpu.memory_space<hbm>> -> memref<10240x64xf32, #tpu.memory_space<hbm>>
      tpu.wait_indirect_dma semaphore(%arg20 : memref<!tpu.dma_semaphore, #tpu.memory_space<semaphore_mem>>) src(%dma_wait3A_180 : memref<10240x64xf32, #tpu.memory_space<hbm>>) dst(%arg12 : memref<128x64xf32, #tpu.memory_space<vmem>>)
      %dma_start3A_181 = arith.constant 0 : i32
      %dma_start3A_182 = tpu.memref_slice %arg8[%add3A_162, %dma_start3A_181] : memref<80x128xi32, #tpu.memory_space<vmem>> -> memref<1x128xi32, #tpu.memory_space<vmem>>
      %dma_start3A_183 = tpu.memref_squeeze %dma_start3A_182 : memref<1x128xi32, #tpu.memory_space<vmem>> -> memref<128xi32, #tpu.memory_space<vmem>>
      %dma_start3A_184 = arith.constant 0 : i32
      %dma_start3A_185 = arith.constant 0 : i32
      %dma_start3A_186 = tpu.memref_slice %arg33[%dma_start3A_184, %dma_start3A_185] : memref<10240x64xf32, #tpu.memory_space<vmem_shared>> -> memref<10240x64xf32, #tpu.memory_space<vmem_shared>>
      tpu.enqueue_indirect_dma source(%arg12 : memref<128x64xf32, #tpu.memory_space<vmem>>) target(%dma_start3A_186 : memref<10240x64xf32, #tpu.memory_space<vmem_shared>>) offsets(%dma_start3A_183 : memref<128xi32, #tpu.memory_space<vmem>>) semaphore(%arg28 : memref<!tpu.dma_semaphore, #tpu.memory_space<semaphore_mem>>) {add = true}
      %mul3A_187 = arith.constant 8 : i32
      %mul3A_188 = arith.muli %mul3A_187, %scan3A_76 : i32
      %add3A_189 = arith.constant 4 : i32
      %add3A_190 = arith.addi %mul3A_188, %add3A_189 : i32
      %ge3A_191 = arith.constant 4 : i32
      %ge3A_192 = arith.cmpi sge, %add3A_190, %ge3A_191 : i32
      %convert_element_type3A_193 = arith.extui %ge3A_192 : i1 to i32
      %cond3A_194 = arith.constant 0 : i32
      %cond3A_195 = arith.cmpi ne, %convert_element_type3A_193, %cond3A_194 : i32
      scf.if %cond3A_195 {
        %sub3A = arith.constant 4 : i32
        %sub3A_299 = arith.subi %add3A_190, %sub3A : i32
        %dma_wait3A_300 = arith.constant 0 : i32
        %dma_wait3A_301 = tpu.memref_slice %arg8[%sub3A_299, %dma_wait3A_300] : memref<80x128xi32, #tpu.memory_space<vmem>> -> memref<1x128xi32, #tpu.memory_space<vmem>>
        %dma_wait3A_302 = tpu.memref_squeeze %dma_wait3A_301 : memref<1x128xi32, #tpu.memory_space<vmem>> -> memref<128xi32, #tpu.memory_space<vmem>>
        %dma_wait3A_303 = arith.constant 0 : i32
        %dma_wait3A_304 = arith.constant 0 : i32
        %dma_wait3A_305 = tpu.memref_slice %arg33[%dma_wait3A_303, %dma_wait3A_304] : memref<10240x64xf32, #tpu.memory_space<vmem_shared>> -> memref<10240x64xf32, #tpu.memory_space<vmem_shared>>
        tpu.wait_indirect_dma semaphore(%arg25 : memref<!tpu.dma_semaphore, #tpu.memory_space<semaphore_mem>>) src(%arg9 : memref<128x64xf32, #tpu.memory_space<vmem>>) dst(%dma_wait3A_305 : memref<10240x64xf32, #tpu.memory_space<vmem_shared>>)
      } else {
      }
      %add3A_196 = arith.constant 4 : i32
      %add3A_197 = arith.addi %add3A_190, %add3A_196 : i32
      %lt3A_198 = arith.constant 80 : i32
      %lt3A_199 = arith.cmpi slt, %add3A_197, %lt3A_198 : i32
      %convert_element_type3A_200 = arith.extui %lt3A_199 : i1 to i32
      %cond3A_201 = arith.constant 0 : i32
      %cond3A_202 = arith.cmpi ne, %convert_element_type3A_200, %cond3A_201 : i32
      scf.if %cond3A_202 {
        %add3A_299 = arith.constant 4 : i32
        %add3A_300 = arith.addi %add3A_190, %add3A_299 : i32
        %dma_start3A_301 = arith.constant 0 : i32
        %dma_start3A_302 = tpu.memref_slice %arg7[%add3A_300, %dma_start3A_301] : memref<80x128xi32, #tpu.memory_space<vmem>> -> memref<1x128xi32, #tpu.memory_space<vmem>>
        %dma_start3A_303 = tpu.memref_squeeze %dma_start3A_302 : memref<1x128xi32, #tpu.memory_space<vmem>> -> memref<128xi32, #tpu.memory_space<vmem>>
        %dma_start3A_304 = arith.constant 0 : i32
        %dma_start3A_305 = arith.constant 0 : i32
        %dma_start3A_306 = tpu.memref_slice %arg2[%dma_start3A_304, %dma_start3A_305] : memref<10240x64xf32, #tpu.memory_space<hbm>> -> memref<10240x64xf32, #tpu.memory_space<hbm>>
        tpu.enqueue_indirect_dma source(%dma_start3A_306 : memref<10240x64xf32, #tpu.memory_space<hbm>>) target(%arg9 : memref<128x64xf32, #tpu.memory_space<vmem>>) offsets(%dma_start3A_303 : memref<128xi32, #tpu.memory_space<vmem>>) semaphore(%arg17 : memref<!tpu.dma_semaphore, #tpu.memory_space<semaphore_mem>>)
      } else {
      }
      %dma_wait3A_203 = arith.constant 0 : i32
      %dma_wait3A_204 = tpu.memref_slice %arg7[%add3A_190, %dma_wait3A_203] : memref<80x128xi32, #tpu.memory_space<vmem>> -> memref<1x128xi32, #tpu.memory_space<vmem>>
      %dma_wait3A_205 = tpu.memref_squeeze %dma_wait3A_204 : memref<1x128xi32, #tpu.memory_space<vmem>> -> memref<128xi32, #tpu.memory_space<vmem>>
      %dma_wait3A_206 = arith.constant 0 : i32
      %dma_wait3A_207 = arith.constant 0 : i32
      %dma_wait3A_208 = tpu.memref_slice %arg2[%dma_wait3A_206, %dma_wait3A_207] : memref<10240x64xf32, #tpu.memory_space<hbm>> -> memref<10240x64xf32, #tpu.memory_space<hbm>>
      tpu.wait_indirect_dma semaphore(%arg21 : memref<!tpu.dma_semaphore, #tpu.memory_space<semaphore_mem>>) src(%dma_wait3A_208 : memref<10240x64xf32, #tpu.memory_space<hbm>>) dst(%arg13 : memref<128x64xf32, #tpu.memory_space<vmem>>)
      %dma_start3A_209 = arith.constant 0 : i32
      %dma_start3A_210 = tpu.memref_slice %arg8[%add3A_190, %dma_start3A_209] : memref<80x128xi32, #tpu.memory_space<vmem>> -> memref<1x128xi32, #tpu.memory_space<vmem>>
      %dma_start3A_211 = tpu.memref_squeeze %dma_start3A_210 : memref<1x128xi32, #tpu.memory_space<vmem>> -> memref<128xi32, #tpu.memory_space<vmem>>
      %dma_start3A_212 = arith.constant 0 : i32
      %dma_start3A_213 = arith.constant 0 : i32
      %dma_start3A_214 = tpu.memref_slice %arg33[%dma_start3A_212, %dma_start3A_213] : memref<10240x64xf32, #tpu.memory_space<vmem_shared>> -> memref<10240x64xf32, #tpu.memory_space<vmem_shared>>
      tpu.enqueue_indirect_dma source(%arg13 : memref<128x64xf32, #tpu.memory_space<vmem>>) target(%dma_start3A_214 : memref<10240x64xf32, #tpu.memory_space<vmem_shared>>) offsets(%dma_start3A_211 : memref<128xi32, #tpu.memory_space<vmem>>) semaphore(%arg29 : memref<!tpu.dma_semaphore, #tpu.memory_space<semaphore_mem>>) {add = true}
      %mul3A_215 = arith.constant 8 : i32
      %mul3A_216 = arith.muli %mul3A_215, %scan3A_76 : i32
      %add3A_217 = arith.constant 5 : i32
      %add3A_218 = arith.addi %mul3A_216, %add3A_217 : i32
      %ge3A_219 = arith.constant 4 : i32
      %ge3A_220 = arith.cmpi sge, %add3A_218, %ge3A_219 : i32
      %convert_element_type3A_221 = arith.extui %ge3A_220 : i1 to i32
      %cond3A_222 = arith.constant 0 : i32
      %cond3A_223 = arith.cmpi ne, %convert_element_type3A_221, %cond3A_222 : i32
      scf.if %cond3A_223 {
        %sub3A = arith.constant 4 : i32
        %sub3A_299 = arith.subi %add3A_218, %sub3A : i32
        %dma_wait3A_300 = arith.constant 0 : i32
        %dma_wait3A_301 = tpu.memref_slice %arg8[%sub3A_299, %dma_wait3A_300] : memref<80x128xi32, #tpu.memory_space<vmem>> -> memref<1x128xi32, #tpu.memory_space<vmem>>
        %dma_wait3A_302 = tpu.memref_squeeze %dma_wait3A_301 : memref<1x128xi32, #tpu.memory_space<vmem>> -> memref<128xi32, #tpu.memory_space<vmem>>
        %dma_wait3A_303 = arith.constant 0 : i32
        %dma_wait3A_304 = arith.constant 0 : i32
        %dma_wait3A_305 = tpu.memref_slice %arg33[%dma_wait3A_303, %dma_wait3A_304] : memref<10240x64xf32, #tpu.memory_space<vmem_shared>> -> memref<10240x64xf32, #tpu.memory_space<vmem_shared>>
        tpu.wait_indirect_dma semaphore(%arg26 : memref<!tpu.dma_semaphore, #tpu.memory_space<semaphore_mem>>) src(%arg10 : memref<128x64xf32, #tpu.memory_space<vmem>>) dst(%dma_wait3A_305 : memref<10240x64xf32, #tpu.memory_space<vmem_shared>>)
      } else {
      }
      %add3A_224 = arith.constant 4 : i32
      %add3A_225 = arith.addi %add3A_218, %add3A_224 : i32
      %lt3A_226 = arith.constant 80 : i32
      %lt3A_227 = arith.cmpi slt, %add3A_225, %lt3A_226 : i32
      %convert_element_type3A_228 = arith.extui %lt3A_227 : i1 to i32
      %cond3A_229 = arith.constant 0 : i32
      %cond3A_230 = arith.cmpi ne, %convert_element_type3A_228, %cond3A_229 : i32
      scf.if %cond3A_230 {
        %add3A_299 = arith.constant 4 : i32
        %add3A_300 = arith.addi %add3A_218, %add3A_299 : i32
        %dma_start3A_301 = arith.constant 0 : i32
        %dma_start3A_302 = tpu.memref_slice %arg7[%add3A_300, %dma_start3A_301] : memref<80x128xi32, #tpu.memory_space<vmem>> -> memref<1x128xi32, #tpu.memory_space<vmem>>
        %dma_start3A_303 = tpu.memref_squeeze %dma_start3A_302 : memref<1x128xi32, #tpu.memory_space<vmem>> -> memref<128xi32, #tpu.memory_space<vmem>>
        %dma_start3A_304 = arith.constant 0 : i32
        %dma_start3A_305 = arith.constant 0 : i32
        %dma_start3A_306 = tpu.memref_slice %arg2[%dma_start3A_304, %dma_start3A_305] : memref<10240x64xf32, #tpu.memory_space<hbm>> -> memref<10240x64xf32, #tpu.memory_space<hbm>>
        tpu.enqueue_indirect_dma source(%dma_start3A_306 : memref<10240x64xf32, #tpu.memory_space<hbm>>) target(%arg10 : memref<128x64xf32, #tpu.memory_space<vmem>>) offsets(%dma_start3A_303 : memref<128xi32, #tpu.memory_space<vmem>>) semaphore(%arg18 : memref<!tpu.dma_semaphore, #tpu.memory_space<semaphore_mem>>)
      } else {
      }
      %dma_wait3A_231 = arith.constant 0 : i32
      %dma_wait3A_232 = tpu.memref_slice %arg7[%add3A_218, %dma_wait3A_231] : memref<80x128xi32, #tpu.memory_space<vmem>> -> memref<1x128xi32, #tpu.memory_space<vmem>>
      %dma_wait3A_233 = tpu.memref_squeeze %dma_wait3A_232 : memref<1x128xi32, #tpu.memory_space<vmem>> -> memref<128xi32, #tpu.memory_space<vmem>>
      %dma_wait3A_234 = arith.constant 0 : i32
      %dma_wait3A_235 = arith.constant 0 : i32
      %dma_wait3A_236 = tpu.memref_slice %arg2[%dma_wait3A_234, %dma_wait3A_235] : memref<10240x64xf32, #tpu.memory_space<hbm>> -> memref<10240x64xf32, #tpu.memory_space<hbm>>
      tpu.wait_indirect_dma semaphore(%arg22 : memref<!tpu.dma_semaphore, #tpu.memory_space<semaphore_mem>>) src(%dma_wait3A_236 : memref<10240x64xf32, #tpu.memory_space<hbm>>) dst(%arg14 : memref<128x64xf32, #tpu.memory_space<vmem>>)
      %dma_start3A_237 = arith.constant 0 : i32
      %dma_start3A_238 = tpu.memref_slice %arg8[%add3A_218, %dma_start3A_237] : memref<80x128xi32, #tpu.memory_space<vmem>> -> memref<1x128xi32, #tpu.memory_space<vmem>>
      %dma_start3A_239 = tpu.memref_squeeze %dma_start3A_238 : memref<1x128xi32, #tpu.memory_space<vmem>> -> memref<128xi32, #tpu.memory_space<vmem>>
      %dma_start3A_240 = arith.constant 0 : i32
      %dma_start3A_241 = arith.constant 0 : i32
      %dma_start3A_242 = tpu.memref_slice %arg33[%dma_start3A_240, %dma_start3A_241] : memref<10240x64xf32, #tpu.memory_space<vmem_shared>> -> memref<10240x64xf32, #tpu.memory_space<vmem_shared>>
      tpu.enqueue_indirect_dma source(%arg14 : memref<128x64xf32, #tpu.memory_space<vmem>>) target(%dma_start3A_242 : memref<10240x64xf32, #tpu.memory_space<vmem_shared>>) offsets(%dma_start3A_239 : memref<128xi32, #tpu.memory_space<vmem>>) semaphore(%arg30 : memref<!tpu.dma_semaphore, #tpu.memory_space<semaphore_mem>>) {add = true}
      %mul3A_243 = arith.constant 8 : i32
      %mul3A_244 = arith.muli %mul3A_243, %scan3A_76 : i32
      %add3A_245 = arith.constant 6 : i32
      %add3A_246 = arith.addi %mul3A_244, %add3A_245 : i32
      %ge3A_247 = arith.constant 4 : i32
      %ge3A_248 = arith.cmpi sge, %add3A_246, %ge3A_247 : i32
      %convert_element_type3A_249 = arith.extui %ge3A_248 : i1 to i32
      %cond3A_250 = arith.constant 0 : i32
      %cond3A_251 = arith.cmpi ne, %convert_element_type3A_249, %cond3A_250 : i32
      scf.if %cond3A_251 {
        %sub3A = arith.constant 4 : i32
        %sub3A_299 = arith.subi %add3A_246, %sub3A : i32
        %dma_wait3A_300 = arith.constant 0 : i32
        %dma_wait3A_301 = tpu.memref_slice %arg8[%sub3A_299, %dma_wait3A_300] : memref<80x128xi32, #tpu.memory_space<vmem>> -> memref<1x128xi32, #tpu.memory_space<vmem>>
        %dma_wait3A_302 = tpu.memref_squeeze %dma_wait3A_301 : memref<1x128xi32, #tpu.memory_space<vmem>> -> memref<128xi32, #tpu.memory_space<vmem>>
        %dma_wait3A_303 = arith.constant 0 : i32
        %dma_wait3A_304 = arith.constant 0 : i32
        %dma_wait3A_305 = tpu.memref_slice %arg33[%dma_wait3A_303, %dma_wait3A_304] : memref<10240x64xf32, #tpu.memory_space<vmem_shared>> -> memref<10240x64xf32, #tpu.memory_space<vmem_shared>>
        tpu.wait_indirect_dma semaphore(%arg27 : memref<!tpu.dma_semaphore, #tpu.memory_space<semaphore_mem>>) src(%arg11 : memref<128x64xf32, #tpu.memory_space<vmem>>) dst(%dma_wait3A_305 : memref<10240x64xf32, #tpu.memory_space<vmem_shared>>)
      } else {
      }
      %add3A_252 = arith.constant 4 : i32
      %add3A_253 = arith.addi %add3A_246, %add3A_252 : i32
      %lt3A_254 = arith.constant 80 : i32
      %lt3A_255 = arith.cmpi slt, %add3A_253, %lt3A_254 : i32
      %convert_element_type3A_256 = arith.extui %lt3A_255 : i1 to i32
      %cond3A_257 = arith.constant 0 : i32
      %cond3A_258 = arith.cmpi ne, %convert_element_type3A_256, %cond3A_257 : i32
      scf.if %cond3A_258 {
        %add3A_299 = arith.constant 4 : i32
        %add3A_300 = arith.addi %add3A_246, %add3A_299 : i32
        %dma_start3A_301 = arith.constant 0 : i32
        %dma_start3A_302 = tpu.memref_slice %arg7[%add3A_300, %dma_start3A_301] : memref<80x128xi32, #tpu.memory_space<vmem>> -> memref<1x128xi32, #tpu.memory_space<vmem>>
        %dma_start3A_303 = tpu.memref_squeeze %dma_start3A_302 : memref<1x128xi32, #tpu.memory_space<vmem>> -> memref<128xi32, #tpu.memory_space<vmem>>
        %dma_start3A_304 = arith.constant 0 : i32
        %dma_start3A_305 = arith.constant 0 : i32
        %dma_start3A_306 = tpu.memref_slice %arg2[%dma_start3A_304, %dma_start3A_305] : memref<10240x64xf32, #tpu.memory_space<hbm>> -> memref<10240x64xf32, #tpu.memory_space<hbm>>
        tpu.enqueue_indirect_dma source(%dma_start3A_306 : memref<10240x64xf32, #tpu.memory_space<hbm>>) target(%arg11 : memref<128x64xf32, #tpu.memory_space<vmem>>) offsets(%dma_start3A_303 : memref<128xi32, #tpu.memory_space<vmem>>) semaphore(%arg19 : memref<!tpu.dma_semaphore, #tpu.memory_space<semaphore_mem>>)
      } else {
      }
      %dma_wait3A_259 = arith.constant 0 : i32
      %dma_wait3A_260 = tpu.memref_slice %arg7[%add3A_246, %dma_wait3A_259] : memref<80x128xi32, #tpu.memory_space<vmem>> -> memref<1x128xi32, #tpu.memory_space<vmem>>
      %dma_wait3A_261 = tpu.memref_squeeze %dma_wait3A_260 : memref<1x128xi32, #tpu.memory_space<vmem>> -> memref<128xi32, #tpu.memory_space<vmem>>
      %dma_wait3A_262 = arith.constant 0 : i32
      %dma_wait3A_263 = arith.constant 0 : i32
      %dma_wait3A_264 = tpu.memref_slice %arg2[%dma_wait3A_262, %dma_wait3A_263] : memref<10240x64xf32, #tpu.memory_space<hbm>> -> memref<10240x64xf32, #tpu.memory_space<hbm>>
      tpu.wait_indirect_dma semaphore(%arg23 : memref<!tpu.dma_semaphore, #tpu.memory_space<semaphore_mem>>) src(%dma_wait3A_264 : memref<10240x64xf32, #tpu.memory_space<hbm>>) dst(%arg15 : memref<128x64xf32, #tpu.memory_space<vmem>>)
      %dma_start3A_265 = arith.constant 0 : i32
      %dma_start3A_266 = tpu.memref_slice %arg8[%add3A_246, %dma_start3A_265] : memref<80x128xi32, #tpu.memory_space<vmem>> -> memref<1x128xi32, #tpu.memory_space<vmem>>
      %dma_start3A_267 = tpu.memref_squeeze %dma_start3A_266 : memref<1x128xi32, #tpu.memory_space<vmem>> -> memref<128xi32, #tpu.memory_space<vmem>>
      %dma_start3A_268 = arith.constant 0 : i32
      %dma_start3A_269 = arith.constant 0 : i32
      %dma_start3A_270 = tpu.memref_slice %arg33[%dma_start3A_268, %dma_start3A_269] : memref<10240x64xf32, #tpu.memory_space<vmem_shared>> -> memref<10240x64xf32, #tpu.memory_space<vmem_shared>>
      tpu.enqueue_indirect_dma source(%arg15 : memref<128x64xf32, #tpu.memory_space<vmem>>) target(%dma_start3A_270 : memref<10240x64xf32, #tpu.memory_space<vmem_shared>>) offsets(%dma_start3A_267 : memref<128xi32, #tpu.memory_space<vmem>>) semaphore(%arg31 : memref<!tpu.dma_semaphore, #tpu.memory_space<semaphore_mem>>) {add = true}
      %mul3A_271 = arith.constant 8 : i32
      %mul3A_272 = arith.muli %mul3A_271, %scan3A_76 : i32
      %add3A_273 = arith.constant 7 : i32
      %add3A_274 = arith.addi %mul3A_272, %add3A_273 : i32
      %ge3A_275 = arith.constant 4 : i32
      %ge3A_276 = arith.cmpi sge, %add3A_274, %ge3A_275 : i32
      %convert_element_type3A_277 = arith.extui %ge3A_276 : i1 to i32
      %cond3A_278 = arith.constant 0 : i32
      %cond3A_279 = arith.cmpi ne, %convert_element_type3A_277, %cond3A_278 : i32
      scf.if %cond3A_279 {
        %sub3A = arith.constant 4 : i32
        %sub3A_299 = arith.subi %add3A_274, %sub3A : i32
        %dma_wait3A_300 = arith.constant 0 : i32
        %dma_wait3A_301 = tpu.memref_slice %arg8[%sub3A_299, %dma_wait3A_300] : memref<80x128xi32, #tpu.memory_space<vmem>> -> memref<1x128xi32, #tpu.memory_space<vmem>>
        %dma_wait3A_302 = tpu.memref_squeeze %dma_wait3A_301 : memref<1x128xi32, #tpu.memory_space<vmem>> -> memref<128xi32, #tpu.memory_space<vmem>>
        %dma_wait3A_303 = arith.constant 0 : i32
        %dma_wait3A_304 = arith.constant 0 : i32
        %dma_wait3A_305 = tpu.memref_slice %arg33[%dma_wait3A_303, %dma_wait3A_304] : memref<10240x64xf32, #tpu.memory_space<vmem_shared>> -> memref<10240x64xf32, #tpu.memory_space<vmem_shared>>
        tpu.wait_indirect_dma semaphore(%arg28 : memref<!tpu.dma_semaphore, #tpu.memory_space<semaphore_mem>>) src(%arg12 : memref<128x64xf32, #tpu.memory_space<vmem>>) dst(%dma_wait3A_305 : memref<10240x64xf32, #tpu.memory_space<vmem_shared>>)
      } else {
      }
      %add3A_280 = arith.constant 4 : i32
      %add3A_281 = arith.addi %add3A_274, %add3A_280 : i32
      %lt3A_282 = arith.constant 80 : i32
      %lt3A_283 = arith.cmpi slt, %add3A_281, %lt3A_282 : i32
      %convert_element_type3A_284 = arith.extui %lt3A_283 : i1 to i32
      %cond3A_285 = arith.constant 0 : i32
      %cond3A_286 = arith.cmpi ne, %convert_element_type3A_284, %cond3A_285 : i32
      scf.if %cond3A_286 {
        %add3A_299 = arith.constant 4 : i32
        %add3A_300 = arith.addi %add3A_274, %add3A_299 : i32
        %dma_start3A_301 = arith.constant 0 : i32
        %dma_start3A_302 = tpu.memref_slice %arg7[%add3A_300, %dma_start3A_301] : memref<80x128xi32, #tpu.memory_space<vmem>> -> memref<1x128xi32, #tpu.memory_space<vmem>>
        %dma_start3A_303 = tpu.memref_squeeze %dma_start3A_302 : memref<1x128xi32, #tpu.memory_space<vmem>> -> memref<128xi32, #tpu.memory_space<vmem>>
        %dma_start3A_304 = arith.constant 0 : i32
        %dma_start3A_305 = arith.constant 0 : i32
        %dma_start3A_306 = tpu.memref_slice %arg2[%dma_start3A_304, %dma_start3A_305] : memref<10240x64xf32, #tpu.memory_space<hbm>> -> memref<10240x64xf32, #tpu.memory_space<hbm>>
        tpu.enqueue_indirect_dma source(%dma_start3A_306 : memref<10240x64xf32, #tpu.memory_space<hbm>>) target(%arg12 : memref<128x64xf32, #tpu.memory_space<vmem>>) offsets(%dma_start3A_303 : memref<128xi32, #tpu.memory_space<vmem>>) semaphore(%arg20 : memref<!tpu.dma_semaphore, #tpu.memory_space<semaphore_mem>>)
      } else {
      }
      %dma_wait3A_287 = arith.constant 0 : i32
      %dma_wait3A_288 = tpu.memref_slice %arg7[%add3A_274, %dma_wait3A_287] : memref<80x128xi32, #tpu.memory_space<vmem>> -> memref<1x128xi32, #tpu.memory_space<vmem>>
      %dma_wait3A_289 = tpu.memref_squeeze %dma_wait3A_288 : memref<1x128xi32, #tpu.memory_space<vmem>> -> memref<128xi32, #tpu.memory_space<vmem>>
      %dma_wait3A_290 = arith.constant 0 : i32
      %dma_wait3A_291 = arith.constant 0 : i32
      %dma_wait3A_292 = tpu.memref_slice %arg2[%dma_wait3A_290, %dma_wait3A_291] : memref<10240x64xf32, #tpu.memory_space<hbm>> -> memref<10240x64xf32, #tpu.memory_space<hbm>>
      tpu.wait_indirect_dma semaphore(%arg24 : memref<!tpu.dma_semaphore, #tpu.memory_space<semaphore_mem>>) src(%dma_wait3A_292 : memref<10240x64xf32, #tpu.memory_space<hbm>>) dst(%arg16 : memref<128x64xf32, #tpu.memory_space<vmem>>)
      %dma_start3A_293 = arith.constant 0 : i32
      %dma_start3A_294 = tpu.memref_slice %arg8[%add3A_274, %dma_start3A_293] : memref<80x128xi32, #tpu.memory_space<vmem>> -> memref<1x128xi32, #tpu.memory_space<vmem>>
      %dma_start3A_295 = tpu.memref_squeeze %dma_start3A_294 : memref<1x128xi32, #tpu.memory_space<vmem>> -> memref<128xi32, #tpu.memory_space<vmem>>
      %dma_start3A_296 = arith.constant 0 : i32
      %dma_start3A_297 = arith.constant 0 : i32
      %dma_start3A_298 = tpu.memref_slice %arg33[%dma_start3A_296, %dma_start3A_297] : memref<10240x64xf32, #tpu.memory_space<vmem_shared>> -> memref<10240x64xf32, #tpu.memory_space<vmem_shared>>
      tpu.enqueue_indirect_dma source(%arg16 : memref<128x64xf32, #tpu.memory_space<vmem>>) target(%dma_start3A_298 : memref<10240x64xf32, #tpu.memory_space<vmem_shared>>) offsets(%dma_start3A_295 : memref<128xi32, #tpu.memory_space<vmem>>) semaphore(%arg32 : memref<!tpu.dma_semaphore, #tpu.memory_space<semaphore_mem>>) {add = true}
    }
    %scan3A_44 = arith.constant 10 : i32
    %dma_wait3A = arith.constant 76 : i32
    %dma_wait3A_45 = arith.constant 0 : i32
    %dma_wait3A_46 = tpu.memref_slice %arg8[%dma_wait3A, %dma_wait3A_45] : memref<80x128xi32, #tpu.memory_space<vmem>> -> memref<1x128xi32, #tpu.memory_space<vmem>>
    %dma_wait3A_47 = tpu.memref_squeeze %dma_wait3A_46 : memref<1x128xi32, #tpu.memory_space<vmem>> -> memref<128xi32, #tpu.memory_space<vmem>>
    %dma_wait3A_48 = arith.constant 0 : i32
    %dma_wait3A_49 = arith.constant 0 : i32
    %dma_wait3A_50 = tpu.memref_slice %arg33[%dma_wait3A_48, %dma_wait3A_49] : memref<10240x64xf32, #tpu.memory_space<vmem_shared>> -> memref<10240x64xf32, #tpu.memory_space<vmem_shared>>
    tpu.wait_indirect_dma semaphore(%arg29 : memref<!tpu.dma_semaphore, #tpu.memory_space<semaphore_mem>>) src(%arg13 : memref<128x64xf32, #tpu.memory_space<vmem>>) dst(%dma_wait3A_50 : memref<10240x64xf32, #tpu.memory_space<vmem_shared>>)
    %dma_wait3A_51 = arith.constant 77 : i32
    %dma_wait3A_52 = arith.constant 0 : i32
    %dma_wait3A_53 = tpu.memref_slice %arg8[%dma_wait3A_51, %dma_wait3A_52] : memref<80x128xi32, #tpu.memory_space<vmem>> -> memref<1x128xi32, #tpu.memory_space<vmem>>
    %dma_wait3A_54 = tpu.memref_squeeze %dma_wait3A_53 : memref<1x128xi32, #tpu.memory_space<vmem>> -> memref<128xi32, #tpu.memory_space<vmem>>
    %dma_wait3A_55 = arith.constant 0 : i32
    %dma_wait3A_56 = arith.constant 0 : i32
    %dma_wait3A_57 = tpu.memref_slice %arg33[%dma_wait3A_55, %dma_wait3A_56] : memref<10240x64xf32, #tpu.memory_space<vmem_shared>> -> memref<10240x64xf32, #tpu.memory_space<vmem_shared>>
    tpu.wait_indirect_dma semaphore(%arg30 : memref<!tpu.dma_semaphore, #tpu.memory_space<semaphore_mem>>) src(%arg14 : memref<128x64xf32, #tpu.memory_space<vmem>>) dst(%dma_wait3A_57 : memref<10240x64xf32, #tpu.memory_space<vmem_shared>>)
    %dma_wait3A_58 = arith.constant 78 : i32
    %dma_wait3A_59 = arith.constant 0 : i32
    %dma_wait3A_60 = tpu.memref_slice %arg8[%dma_wait3A_58, %dma_wait3A_59] : memref<80x128xi32, #tpu.memory_space<vmem>> -> memref<1x128xi32, #tpu.memory_space<vmem>>
    %dma_wait3A_61 = tpu.memref_squeeze %dma_wait3A_60 : memref<1x128xi32, #tpu.memory_space<vmem>> -> memref<128xi32, #tpu.memory_space<vmem>>
    %dma_wait3A_62 = arith.constant 0 : i32
    %dma_wait3A_63 = arith.constant 0 : i32
    %dma_wait3A_64 = tpu.memref_slice %arg33[%dma_wait3A_62, %dma_wait3A_63] : memref<10240x64xf32, #tpu.memory_space<vmem_shared>> -> memref<10240x64xf32, #tpu.memory_space<vmem_shared>>
    tpu.wait_indirect_dma semaphore(%arg31 : memref<!tpu.dma_semaphore, #tpu.memory_space<semaphore_mem>>) src(%arg15 : memref<128x64xf32, #tpu.memory_space<vmem>>) dst(%dma_wait3A_64 : memref<10240x64xf32, #tpu.memory_space<vmem_shared>>)
    %dma_wait3A_65 = arith.constant 79 : i32
    %dma_wait3A_66 = arith.constant 0 : i32
    %dma_wait3A_67 = tpu.memref_slice %arg8[%dma_wait3A_65, %dma_wait3A_66] : memref<80x128xi32, #tpu.memory_space<vmem>> -> memref<1x128xi32, #tpu.memory_space<vmem>>
    %dma_wait3A_68 = tpu.memref_squeeze %dma_wait3A_67 : memref<1x128xi32, #tpu.memory_space<vmem>> -> memref<128xi32, #tpu.memory_space<vmem>>
    %dma_wait3A_69 = arith.constant 0 : i32
    %dma_wait3A_70 = arith.constant 0 : i32
    %dma_wait3A_71 = tpu.memref_slice %arg33[%dma_wait3A_69, %dma_wait3A_70] : memref<10240x64xf32, #tpu.memory_space<vmem_shared>> -> memref<10240x64xf32, #tpu.memory_space<vmem_shared>>
    tpu.wait_indirect_dma semaphore(%arg32 : memref<!tpu.dma_semaphore, #tpu.memory_space<semaphore_mem>>) src(%arg16 : memref<128x64xf32, #tpu.memory_space<vmem>>) dst(%dma_wait3A_71 : memref<10240x64xf32, #tpu.memory_space<vmem_shared>>)
    %barrier3A_72 = arith.constant 0 : index
    tpu.barrier barrier_id(%barrier3A_72)
    %mul3A_73 = arith.constant 10240 : i32
    %mul3A_74 = arith.muli %arg0, %mul3A_73 : i32
    %add3A_75 = arith.addi %mul3A_74, %mul3A_2 : i32
    "tpu.region"() ({
      %run_scoped3A = tpu.sem_alloc : memref<!tpu.dma_semaphore, #tpu.memory_space<semaphore_mem>>
      %dma_start3A_76 = arith.constant 0 : i32
      %dma_start3A_77 = tpu.memref_slice %arg6[%add3A_75, %dma_start3A_76] : memref<20480x64xf32, #tpu.memory_space<hbm>> -> memref<640x64xf32, #tpu.memory_space<hbm>>
      %dma_start3A_78 = arith.constant 0 : i32
      %dma_start3A_79 = tpu.memref_slice %arg33[%mul3A_2, %dma_start3A_78] : memref<10240x64xf32, #tpu.memory_space<vmem_shared>> -> memref<640x64xf32, #tpu.memory_space<vmem_shared>>
      tpu.enqueue_dma source(%dma_start3A_79 : memref<640x64xf32, #tpu.memory_space<vmem_shared>>) target(%dma_start3A_77 : memref<640x64xf32, #tpu.memory_space<hbm>>) target_semaphore(%run_scoped3A : memref<!tpu.dma_semaphore, #tpu.memory_space<semaphore_mem>>)
      %dma_wait3A_80 = arith.constant 0 : i32
      %dma_wait3A_81 = tpu.memref_slice %arg6[%add3A_75, %dma_wait3A_80] : memref<20480x64xf32, #tpu.memory_space<hbm>> -> memref<640x64xf32, #tpu.memory_space<hbm>>
      %dma_wait3A_82 = arith.constant 0 : i32
      %dma_wait3A_83 = tpu.memref_slice %arg33[%mul3A_2, %dma_wait3A_82] : memref<10240x64xf32, #tpu.memory_space<vmem_shared>> -> memref<640x64xf32, #tpu.memory_space<vmem_shared>>
      tpu.wait_dma2 semaphore(%run_scoped3A : memref<!tpu.dma_semaphore, #tpu.memory_space<semaphore_mem>>) src(%dma_wait3A_83 : memref<640x64xf32, #tpu.memory_space<vmem_shared>>) dst(%dma_wait3A_81 : memref<640x64xf32, #tpu.memory_space<hbm>>)
      tpu.yield
    }) : () -> ()
    return
  }
}

#map = affine_map<(d0, d1) -> (0, 0)>
module attributes {stable_mosaic.version = 14 : i64} {
  func.func @_hop_body(%arg0: i32, %arg1: i32, %arg2: memref<10240x32xf32, #tpu.memory_space<hbm>>, %arg3: memref<10240x32xf32, #tpu.memory_space<hbm>>, %arg4: memref<2560x128xi32, #tpu.memory_space<hbm>>, %arg5: memref<2560x128xi32, #tpu.memory_space<hbm>>, %arg6: memref<20480x32xf32, #tpu.memory_space<hbm>>, %arg7: memref<80x128xi32, #tpu.memory_space<vmem>>, %arg8: memref<80x128xi32, #tpu.memory_space<vmem>>, %arg9: memref<128x32xf32, #tpu.memory_space<vmem>>, %arg10: memref<128x32xf32, #tpu.memory_space<vmem>>, %arg11: memref<128x32xf32, #tpu.memory_space<vmem>>, %arg12: memref<128x32xf32, #tpu.memory_space<vmem>>, %arg13: memref<128x32xf32, #tpu.memory_space<vmem>>, %arg14: memref<128x32xf32, #tpu.memory_space<vmem>>, %arg15: memref<128x32xf32, #tpu.memory_space<vmem>>, %arg16: memref<128x32xf32, #tpu.memory_space<vmem>>, %arg17: memref<!tpu.dma_semaphore, #tpu.memory_space<semaphore_mem>>, %arg18: memref<!tpu.dma_semaphore, #tpu.memory_space<semaphore_mem>>, %arg19: memref<!tpu.dma_semaphore, #tpu.memory_space<semaphore_mem>>, %arg20: memref<!tpu.dma_semaphore, #tpu.memory_space<semaphore_mem>>, %arg21: memref<!tpu.dma_semaphore, #tpu.memory_space<semaphore_mem>>, %arg22: memref<!tpu.dma_semaphore, #tpu.memory_space<semaphore_mem>>, %arg23: memref<!tpu.dma_semaphore, #tpu.memory_space<semaphore_mem>>, %arg24: memref<!tpu.dma_semaphore, #tpu.memory_space<semaphore_mem>>, %arg25: memref<!tpu.dma_semaphore, #tpu.memory_space<semaphore_mem>>, %arg26: memref<!tpu.dma_semaphore, #tpu.memory_space<semaphore_mem>>, %arg27: memref<!tpu.dma_semaphore, #tpu.memory_space<semaphore_mem>>, %arg28: memref<!tpu.dma_semaphore, #tpu.memory_space<semaphore_mem>>, %arg29: memref<!tpu.dma_semaphore, #tpu.memory_space<semaphore_mem>>, %arg30: memref<!tpu.dma_semaphore, #tpu.memory_space<semaphore_mem>>, %arg31: memref<!tpu.dma_semaphore, #tpu.memory_space<semaphore_mem>>, %arg32: memref<!tpu.dma_semaphore, #tpu.memory_space<semaphore_mem>>, %arg33: memref<10240x32xf32, #tpu.memory_space<vmem_shared>>) attributes {dimension_semantics = [#tpu.dimension_semantics<core_parallel>, #tpu.dimension_semantics<subcore_parallel>], iteration_bounds = array<i64: 2, 16>, scalar_prefetch = 0 : i64, scratch_operands = 27 : i64, tpu.core_type = #tpu.core_type<sc_vector_subcore>, window_params = [{transform_indices = #map}, {transform_indices = #map}, {transform_indices = #map}, {transform_indices = #map}, {transform_indices = #map}]} {
    %mul3A = arith.constant 16 : i32
    %mul3A_0 = arith.muli %arg0, %mul3A : i32
    %add3A = arith.addi %mul3A_0, %arg1 : i32
    %mul3A_1 = arith.constant 640 : i32
    %mul3A_2 = arith.muli %arg1, %mul3A_1 : i32
    %eq3A = arith.constant 0 : i32
    %eq3A_3 = arith.cmpi eq, %arg0, %eq3A : i32
    %convert_element_type3A = arith.extui %eq3A_3 : i1 to i32
    %cond3A = arith.constant 0 : i32
    %cond3A_4 = arith.cmpi ne, %convert_element_type3A, %cond3A : i32
    scf.if %cond3A_4 {
      "tpu.region"() ({
        %run_scoped3A = tpu.sem_alloc : memref<!tpu.dma_semaphore, #tpu.memory_space<semaphore_mem>>
        %dma_start3A_76 = arith.constant 0 : i32
        %dma_start3A_77 = tpu.memref_slice %arg33[%mul3A_2, %dma_start3A_76] : memref<10240x32xf32, #tpu.memory_space<vmem_shared>> -> memref<640x32xf32, #tpu.memory_space<vmem_shared>>
        %dma_start3A_78 = arith.constant 0 : i32
        %dma_start3A_79 = tpu.memref_slice %arg2[%mul3A_2, %dma_start3A_78] : memref<10240x32xf32, #tpu.memory_space<hbm>> -> memref<640x32xf32, #tpu.memory_space<hbm>>
        tpu.enqueue_dma source(%dma_start3A_79 : memref<640x32xf32, #tpu.memory_space<hbm>>) target(%dma_start3A_77 : memref<640x32xf32, #tpu.memory_space<vmem_shared>>) target_semaphore(%run_scoped3A : memref<!tpu.dma_semaphore, #tpu.memory_space<semaphore_mem>>)
        %dma_wait3A_80 = arith.constant 0 : i32
        %dma_wait3A_81 = tpu.memref_slice %arg33[%mul3A_2, %dma_wait3A_80] : memref<10240x32xf32, #tpu.memory_space<vmem_shared>> -> memref<640x32xf32, #tpu.memory_space<vmem_shared>>
        %dma_wait3A_82 = arith.constant 0 : i32
        %dma_wait3A_83 = tpu.memref_slice %arg2[%mul3A_2, %dma_wait3A_82] : memref<10240x32xf32, #tpu.memory_space<hbm>> -> memref<640x32xf32, #tpu.memory_space<hbm>>
        tpu.wait_dma2 semaphore(%run_scoped3A : memref<!tpu.dma_semaphore, #tpu.memory_space<semaphore_mem>>) src(%dma_wait3A_83 : memref<640x32xf32, #tpu.memory_space<hbm>>) dst(%dma_wait3A_81 : memref<640x32xf32, #tpu.memory_space<vmem_shared>>)
        tpu.yield
      }) : () -> ()
    } else {
    }
    %ne3A = arith.constant 0 : i32
    %ne3A_5 = arith.cmpi ne, %arg0, %ne3A : i32
    %convert_element_type3A_6 = arith.extui %ne3A_5 : i1 to i32
    %cond3A_7 = arith.constant 0 : i32
    %cond3A_8 = arith.cmpi ne, %convert_element_type3A_6, %cond3A_7 : i32
    scf.if %cond3A_8 {
      "tpu.region"() ({
        %run_scoped3A = tpu.sem_alloc : memref<!tpu.dma_semaphore, #tpu.memory_space<semaphore_mem>>
        %dma_start3A_76 = arith.constant 0 : i32
        %dma_start3A_77 = tpu.memref_slice %arg33[%mul3A_2, %dma_start3A_76] : memref<10240x32xf32, #tpu.memory_space<vmem_shared>> -> memref<640x32xf32, #tpu.memory_space<vmem_shared>>
        %dma_start3A_78 = arith.constant 0 : i32
        %dma_start3A_79 = tpu.memref_slice %arg3[%mul3A_2, %dma_start3A_78] : memref<10240x32xf32, #tpu.memory_space<hbm>> -> memref<640x32xf32, #tpu.memory_space<hbm>>
        tpu.enqueue_dma source(%dma_start3A_79 : memref<640x32xf32, #tpu.memory_space<hbm>>) target(%dma_start3A_77 : memref<640x32xf32, #tpu.memory_space<vmem_shared>>) target_semaphore(%run_scoped3A : memref<!tpu.dma_semaphore, #tpu.memory_space<semaphore_mem>>)
        %dma_wait3A_80 = arith.constant 0 : i32
        %dma_wait3A_81 = tpu.memref_slice %arg33[%mul3A_2, %dma_wait3A_80] : memref<10240x32xf32, #tpu.memory_space<vmem_shared>> -> memref<640x32xf32, #tpu.memory_space<vmem_shared>>
        %dma_wait3A_82 = arith.constant 0 : i32
        %dma_wait3A_83 = tpu.memref_slice %arg3[%mul3A_2, %dma_wait3A_82] : memref<10240x32xf32, #tpu.memory_space<hbm>> -> memref<640x32xf32, #tpu.memory_space<hbm>>
        tpu.wait_dma2 semaphore(%run_scoped3A : memref<!tpu.dma_semaphore, #tpu.memory_space<semaphore_mem>>) src(%dma_wait3A_83 : memref<640x32xf32, #tpu.memory_space<hbm>>) dst(%dma_wait3A_81 : memref<640x32xf32, #tpu.memory_space<vmem_shared>>)
        tpu.yield
      }) : () -> ()
    } else {
    }
    %mul3A_9 = arith.constant 80 : i32
    %mul3A_10 = arith.muli %add3A, %mul3A_9 : i32
    "tpu.region"() ({
      %run_scoped3A = tpu.sem_alloc : memref<!tpu.dma_semaphore, #tpu.memory_space<semaphore_mem>>
      %dma_start3A_76 = arith.constant 0 : i32
      %dma_start3A_77 = tpu.memref_slice %arg4[%mul3A_10, %dma_start3A_76] : memref<2560x128xi32, #tpu.memory_space<hbm>> -> memref<80x128xi32, #tpu.memory_space<hbm>>
      %dma_start3A_78 = arith.constant 0 : i32
      %dma_start3A_79 = tpu.memref_slice %arg4[%mul3A_10, %dma_start3A_78] : memref<2560x128xi32, #tpu.memory_space<hbm>> -> memref<80x128xi32, #tpu.memory_space<hbm>>
      tpu.enqueue_dma source(%dma_start3A_79 : memref<80x128xi32, #tpu.memory_space<hbm>>) target(%arg7 : memref<80x128xi32, #tpu.memory_space<vmem>>) target_semaphore(%run_scoped3A : memref<!tpu.dma_semaphore, #tpu.memory_space<semaphore_mem>>)
      %dma_wait3A_80 = arith.constant 0 : i32
      %dma_wait3A_81 = tpu.memref_slice %arg4[%mul3A_10, %dma_wait3A_80] : memref<2560x128xi32, #tpu.memory_space<hbm>> -> memref<80x128xi32, #tpu.memory_space<hbm>>
      %dma_wait3A_82 = arith.constant 0 : i32
      %dma_wait3A_83 = tpu.memref_slice %arg4[%mul3A_10, %dma_wait3A_82] : memref<2560x128xi32, #tpu.memory_space<hbm>> -> memref<80x128xi32, #tpu.memory_space<hbm>>
      tpu.wait_dma2 semaphore(%run_scoped3A : memref<!tpu.dma_semaphore, #tpu.memory_space<semaphore_mem>>) src(%dma_wait3A_83 : memref<80x128xi32, #tpu.memory_space<hbm>>) dst(%arg7 : memref<80x128xi32, #tpu.memory_space<vmem>>)
      tpu.yield
    }) : () -> ()
    %mul3A_11 = arith.constant 80 : i32
    %mul3A_12 = arith.muli %add3A, %mul3A_11 : i32
    "tpu.region"() ({
      %run_scoped3A = tpu.sem_alloc : memref<!tpu.dma_semaphore, #tpu.memory_space<semaphore_mem>>
      %dma_start3A_76 = arith.constant 0 : i32
      %dma_start3A_77 = tpu.memref_slice %arg5[%mul3A_12, %dma_start3A_76] : memref<2560x128xi32, #tpu.memory_space<hbm>> -> memref<80x128xi32, #tpu.memory_space<hbm>>
      %dma_start3A_78 = arith.constant 0 : i32
      %dma_start3A_79 = tpu.memref_slice %arg5[%mul3A_12, %dma_start3A_78] : memref<2560x128xi32, #tpu.memory_space<hbm>> -> memref<80x128xi32, #tpu.memory_space<hbm>>
      tpu.enqueue_dma source(%dma_start3A_79 : memref<80x128xi32, #tpu.memory_space<hbm>>) target(%arg8 : memref<80x128xi32, #tpu.memory_space<vmem>>) target_semaphore(%run_scoped3A : memref<!tpu.dma_semaphore, #tpu.memory_space<semaphore_mem>>)
      %dma_wait3A_80 = arith.constant 0 : i32
      %dma_wait3A_81 = tpu.memref_slice %arg5[%mul3A_12, %dma_wait3A_80] : memref<2560x128xi32, #tpu.memory_space<hbm>> -> memref<80x128xi32, #tpu.memory_space<hbm>>
      %dma_wait3A_82 = arith.constant 0 : i32
      %dma_wait3A_83 = tpu.memref_slice %arg5[%mul3A_12, %dma_wait3A_82] : memref<2560x128xi32, #tpu.memory_space<hbm>> -> memref<80x128xi32, #tpu.memory_space<hbm>>
      tpu.wait_dma2 semaphore(%run_scoped3A : memref<!tpu.dma_semaphore, #tpu.memory_space<semaphore_mem>>) src(%dma_wait3A_83 : memref<80x128xi32, #tpu.memory_space<hbm>>) dst(%arg8 : memref<80x128xi32, #tpu.memory_space<vmem>>)
      tpu.yield
    }) : () -> ()
    %dma_start3A = arith.constant 0 : i32
    %dma_start3A_13 = arith.constant 0 : i32
    %dma_start3A_14 = tpu.memref_slice %arg7[%dma_start3A, %dma_start3A_13] : memref<80x128xi32, #tpu.memory_space<vmem>> -> memref<1x128xi32, #tpu.memory_space<vmem>>
    %dma_start3A_15 = tpu.memref_squeeze %dma_start3A_14 : memref<1x128xi32, #tpu.memory_space<vmem>> -> memref<128xi32, #tpu.memory_space<vmem>>
    %dma_start3A_16 = arith.constant 0 : i32
    %dma_start3A_17 = arith.constant 0 : i32
    %dma_start3A_18 = tpu.memref_slice %arg2[%dma_start3A_16, %dma_start3A_17] : memref<10240x32xf32, #tpu.memory_space<hbm>> -> memref<10240x32xf32, #tpu.memory_space<hbm>>
    tpu.enqueue_indirect_dma source(%dma_start3A_18 : memref<10240x32xf32, #tpu.memory_space<hbm>>) target(%arg9 : memref<128x32xf32, #tpu.memory_space<vmem>>) offsets(%dma_start3A_15 : memref<128xi32, #tpu.memory_space<vmem>>) semaphore(%arg17 : memref<!tpu.dma_semaphore, #tpu.memory_space<semaphore_mem>>)
    %dma_start3A_19 = arith.constant 1 : i32
    %dma_start3A_20 = arith.constant 0 : i32
    %dma_start3A_21 = tpu.memref_slice %arg7[%dma_start3A_19, %dma_start3A_20] : memref<80x128xi32, #tpu.memory_space<vmem>> -> memref<1x128xi32, #tpu.memory_space<vmem>>
    %dma_start3A_22 = tpu.memref_squeeze %dma_start3A_21 : memref<1x128xi32, #tpu.memory_space<vmem>> -> memref<128xi32, #tpu.memory_space<vmem>>
    %dma_start3A_23 = arith.constant 0 : i32
    %dma_start3A_24 = arith.constant 0 : i32
    %dma_start3A_25 = tpu.memref_slice %arg2[%dma_start3A_23, %dma_start3A_24] : memref<10240x32xf32, #tpu.memory_space<hbm>> -> memref<10240x32xf32, #tpu.memory_space<hbm>>
    tpu.enqueue_indirect_dma source(%dma_start3A_25 : memref<10240x32xf32, #tpu.memory_space<hbm>>) target(%arg10 : memref<128x32xf32, #tpu.memory_space<vmem>>) offsets(%dma_start3A_22 : memref<128xi32, #tpu.memory_space<vmem>>) semaphore(%arg18 : memref<!tpu.dma_semaphore, #tpu.memory_space<semaphore_mem>>)
    %dma_start3A_26 = arith.constant 2 : i32
    %dma_start3A_27 = arith.constant 0 : i32
    %dma_start3A_28 = tpu.memref_slice %arg7[%dma_start3A_26, %dma_start3A_27] : memref<80x128xi32, #tpu.memory_space<vmem>> -> memref<1x128xi32, #tpu.memory_space<vmem>>
    %dma_start3A_29 = tpu.memref_squeeze %dma_start3A_28 : memref<1x128xi32, #tpu.memory_space<vmem>> -> memref<128xi32, #tpu.memory_space<vmem>>
    %dma_start3A_30 = arith.constant 0 : i32
    %dma_start3A_31 = arith.constant 0 : i32
    %dma_start3A_32 = tpu.memref_slice %arg2[%dma_start3A_30, %dma_start3A_31] : memref<10240x32xf32, #tpu.memory_space<hbm>> -> memref<10240x32xf32, #tpu.memory_space<hbm>>
    tpu.enqueue_indirect_dma source(%dma_start3A_32 : memref<10240x32xf32, #tpu.memory_space<hbm>>) target(%arg11 : memref<128x32xf32, #tpu.memory_space<vmem>>) offsets(%dma_start3A_29 : memref<128xi32, #tpu.memory_space<vmem>>) semaphore(%arg19 : memref<!tpu.dma_semaphore, #tpu.memory_space<semaphore_mem>>)
    %dma_start3A_33 = arith.constant 3 : i32
    %dma_start3A_34 = arith.constant 0 : i32
    %dma_start3A_35 = tpu.memref_slice %arg7[%dma_start3A_33, %dma_start3A_34] : memref<80x128xi32, #tpu.memory_space<vmem>> -> memref<1x128xi32, #tpu.memory_space<vmem>>
    %dma_start3A_36 = tpu.memref_squeeze %dma_start3A_35 : memref<1x128xi32, #tpu.memory_space<vmem>> -> memref<128xi32, #tpu.memory_space<vmem>>
    %dma_start3A_37 = arith.constant 0 : i32
    %dma_start3A_38 = arith.constant 0 : i32
    %dma_start3A_39 = tpu.memref_slice %arg2[%dma_start3A_37, %dma_start3A_38] : memref<10240x32xf32, #tpu.memory_space<hbm>> -> memref<10240x32xf32, #tpu.memory_space<hbm>>
    tpu.enqueue_indirect_dma source(%dma_start3A_39 : memref<10240x32xf32, #tpu.memory_space<hbm>>) target(%arg12 : memref<128x32xf32, #tpu.memory_space<vmem>>) offsets(%dma_start3A_36 : memref<128xi32, #tpu.memory_space<vmem>>) semaphore(%arg20 : memref<!tpu.dma_semaphore, #tpu.memory_space<semaphore_mem>>)
    %barrier3A = arith.constant 0 : index
    tpu.barrier barrier_id(%barrier3A)
    %scan3A = arith.constant 0 : i32
    %scan3A_40 = arith.constant 0 : i32
    %scan3A_41 = arith.constant 10 : i32
    %scan3A_42 = arith.addi %scan3A_40, %scan3A_41 : i32
    %scan3A_43 = arith.constant 1 : i32
    scf.for %scan3A_76 = %scan3A_40 to %scan3A_42 step %scan3A_43  : i32 {
      %mul3A_77 = arith.constant 8 : i32
      %mul3A_78 = arith.muli %mul3A_77, %scan3A_76 : i32
      %add3A_79 = arith.constant 0 : i32
      %add3A_80 = arith.addi %mul3A_78, %add3A_79 : i32
      %ge3A = arith.constant 4 : i32
      %ge3A_81 = arith.cmpi sge, %add3A_80, %ge3A : i32
      %convert_element_type3A_82 = arith.extui %ge3A_81 : i1 to i32
      %cond3A_83 = arith.constant 0 : i32
      %cond3A_84 = arith.cmpi ne, %convert_element_type3A_82, %cond3A_83 : i32
      scf.if %cond3A_84 {
        %sub3A = arith.constant 4 : i32
        %sub3A_299 = arith.subi %add3A_80, %sub3A : i32
        %dma_wait3A_300 = arith.constant 0 : i32
        %dma_wait3A_301 = tpu.memref_slice %arg8[%sub3A_299, %dma_wait3A_300] : memref<80x128xi32, #tpu.memory_space<vmem>> -> memref<1x128xi32, #tpu.memory_space<vmem>>
        %dma_wait3A_302 = tpu.memref_squeeze %dma_wait3A_301 : memref<1x128xi32, #tpu.memory_space<vmem>> -> memref<128xi32, #tpu.memory_space<vmem>>
        %dma_wait3A_303 = arith.constant 0 : i32
        %dma_wait3A_304 = arith.constant 0 : i32
        %dma_wait3A_305 = tpu.memref_slice %arg33[%dma_wait3A_303, %dma_wait3A_304] : memref<10240x32xf32, #tpu.memory_space<vmem_shared>> -> memref<10240x32xf32, #tpu.memory_space<vmem_shared>>
        tpu.wait_indirect_dma semaphore(%arg29 : memref<!tpu.dma_semaphore, #tpu.memory_space<semaphore_mem>>) src(%arg13 : memref<128x32xf32, #tpu.memory_space<vmem>>) dst(%dma_wait3A_305 : memref<10240x32xf32, #tpu.memory_space<vmem_shared>>)
      } else {
      }
      %add3A_85 = arith.constant 4 : i32
      %add3A_86 = arith.addi %add3A_80, %add3A_85 : i32
      %lt3A = arith.constant 80 : i32
      %lt3A_87 = arith.cmpi slt, %add3A_86, %lt3A : i32
      %convert_element_type3A_88 = arith.extui %lt3A_87 : i1 to i32
      %cond3A_89 = arith.constant 0 : i32
      %cond3A_90 = arith.cmpi ne, %convert_element_type3A_88, %cond3A_89 : i32
      scf.if %cond3A_90 {
        %add3A_299 = arith.constant 4 : i32
        %add3A_300 = arith.addi %add3A_80, %add3A_299 : i32
        %dma_start3A_301 = arith.constant 0 : i32
        %dma_start3A_302 = tpu.memref_slice %arg7[%add3A_300, %dma_start3A_301] : memref<80x128xi32, #tpu.memory_space<vmem>> -> memref<1x128xi32, #tpu.memory_space<vmem>>
        %dma_start3A_303 = tpu.memref_squeeze %dma_start3A_302 : memref<1x128xi32, #tpu.memory_space<vmem>> -> memref<128xi32, #tpu.memory_space<vmem>>
        %dma_start3A_304 = arith.constant 0 : i32
        %dma_start3A_305 = arith.constant 0 : i32
        %dma_start3A_306 = tpu.memref_slice %arg2[%dma_start3A_304, %dma_start3A_305] : memref<10240x32xf32, #tpu.memory_space<hbm>> -> memref<10240x32xf32, #tpu.memory_space<hbm>>
        tpu.enqueue_indirect_dma source(%dma_start3A_306 : memref<10240x32xf32, #tpu.memory_space<hbm>>) target(%arg13 : memref<128x32xf32, #tpu.memory_space<vmem>>) offsets(%dma_start3A_303 : memref<128xi32, #tpu.memory_space<vmem>>) semaphore(%arg21 : memref<!tpu.dma_semaphore, #tpu.memory_space<semaphore_mem>>)
      } else {
      }
      %dma_wait3A_91 = arith.constant 0 : i32
      %dma_wait3A_92 = tpu.memref_slice %arg7[%add3A_80, %dma_wait3A_91] : memref<80x128xi32, #tpu.memory_space<vmem>> -> memref<1x128xi32, #tpu.memory_space<vmem>>
      %dma_wait3A_93 = tpu.memref_squeeze %dma_wait3A_92 : memref<1x128xi32, #tpu.memory_space<vmem>> -> memref<128xi32, #tpu.memory_space<vmem>>
      %dma_wait3A_94 = arith.constant 0 : i32
      %dma_wait3A_95 = arith.constant 0 : i32
      %dma_wait3A_96 = tpu.memref_slice %arg2[%dma_wait3A_94, %dma_wait3A_95] : memref<10240x32xf32, #tpu.memory_space<hbm>> -> memref<10240x32xf32, #tpu.memory_space<hbm>>
      tpu.wait_indirect_dma semaphore(%arg17 : memref<!tpu.dma_semaphore, #tpu.memory_space<semaphore_mem>>) src(%dma_wait3A_96 : memref<10240x32xf32, #tpu.memory_space<hbm>>) dst(%arg9 : memref<128x32xf32, #tpu.memory_space<vmem>>)
      %dma_start3A_97 = arith.constant 0 : i32
      %dma_start3A_98 = tpu.memref_slice %arg8[%add3A_80, %dma_start3A_97] : memref<80x128xi32, #tpu.memory_space<vmem>> -> memref<1x128xi32, #tpu.memory_space<vmem>>
      %dma_start3A_99 = tpu.memref_squeeze %dma_start3A_98 : memref<1x128xi32, #tpu.memory_space<vmem>> -> memref<128xi32, #tpu.memory_space<vmem>>
      %dma_start3A_100 = arith.constant 0 : i32
      %dma_start3A_101 = arith.constant 0 : i32
      %dma_start3A_102 = tpu.memref_slice %arg33[%dma_start3A_100, %dma_start3A_101] : memref<10240x32xf32, #tpu.memory_space<vmem_shared>> -> memref<10240x32xf32, #tpu.memory_space<vmem_shared>>
      tpu.enqueue_indirect_dma source(%arg9 : memref<128x32xf32, #tpu.memory_space<vmem>>) target(%dma_start3A_102 : memref<10240x32xf32, #tpu.memory_space<vmem_shared>>) offsets(%dma_start3A_99 : memref<128xi32, #tpu.memory_space<vmem>>) semaphore(%arg25 : memref<!tpu.dma_semaphore, #tpu.memory_space<semaphore_mem>>) {add = true}
      %mul3A_103 = arith.constant 8 : i32
      %mul3A_104 = arith.muli %mul3A_103, %scan3A_76 : i32
      %add3A_105 = arith.constant 1 : i32
      %add3A_106 = arith.addi %mul3A_104, %add3A_105 : i32
      %ge3A_107 = arith.constant 4 : i32
      %ge3A_108 = arith.cmpi sge, %add3A_106, %ge3A_107 : i32
      %convert_element_type3A_109 = arith.extui %ge3A_108 : i1 to i32
      %cond3A_110 = arith.constant 0 : i32
      %cond3A_111 = arith.cmpi ne, %convert_element_type3A_109, %cond3A_110 : i32
      scf.if %cond3A_111 {
        %sub3A = arith.constant 4 : i32
        %sub3A_299 = arith.subi %add3A_106, %sub3A : i32
        %dma_wait3A_300 = arith.constant 0 : i32
        %dma_wait3A_301 = tpu.memref_slice %arg8[%sub3A_299, %dma_wait3A_300] : memref<80x128xi32, #tpu.memory_space<vmem>> -> memref<1x128xi32, #tpu.memory_space<vmem>>
        %dma_wait3A_302 = tpu.memref_squeeze %dma_wait3A_301 : memref<1x128xi32, #tpu.memory_space<vmem>> -> memref<128xi32, #tpu.memory_space<vmem>>
        %dma_wait3A_303 = arith.constant 0 : i32
        %dma_wait3A_304 = arith.constant 0 : i32
        %dma_wait3A_305 = tpu.memref_slice %arg33[%dma_wait3A_303, %dma_wait3A_304] : memref<10240x32xf32, #tpu.memory_space<vmem_shared>> -> memref<10240x32xf32, #tpu.memory_space<vmem_shared>>
        tpu.wait_indirect_dma semaphore(%arg30 : memref<!tpu.dma_semaphore, #tpu.memory_space<semaphore_mem>>) src(%arg14 : memref<128x32xf32, #tpu.memory_space<vmem>>) dst(%dma_wait3A_305 : memref<10240x32xf32, #tpu.memory_space<vmem_shared>>)
      } else {
      }
      %add3A_112 = arith.constant 4 : i32
      %add3A_113 = arith.addi %add3A_106, %add3A_112 : i32
      %lt3A_114 = arith.constant 80 : i32
      %lt3A_115 = arith.cmpi slt, %add3A_113, %lt3A_114 : i32
      %convert_element_type3A_116 = arith.extui %lt3A_115 : i1 to i32
      %cond3A_117 = arith.constant 0 : i32
      %cond3A_118 = arith.cmpi ne, %convert_element_type3A_116, %cond3A_117 : i32
      scf.if %cond3A_118 {
        %add3A_299 = arith.constant 4 : i32
        %add3A_300 = arith.addi %add3A_106, %add3A_299 : i32
        %dma_start3A_301 = arith.constant 0 : i32
        %dma_start3A_302 = tpu.memref_slice %arg7[%add3A_300, %dma_start3A_301] : memref<80x128xi32, #tpu.memory_space<vmem>> -> memref<1x128xi32, #tpu.memory_space<vmem>>
        %dma_start3A_303 = tpu.memref_squeeze %dma_start3A_302 : memref<1x128xi32, #tpu.memory_space<vmem>> -> memref<128xi32, #tpu.memory_space<vmem>>
        %dma_start3A_304 = arith.constant 0 : i32
        %dma_start3A_305 = arith.constant 0 : i32
        %dma_start3A_306 = tpu.memref_slice %arg2[%dma_start3A_304, %dma_start3A_305] : memref<10240x32xf32, #tpu.memory_space<hbm>> -> memref<10240x32xf32, #tpu.memory_space<hbm>>
        tpu.enqueue_indirect_dma source(%dma_start3A_306 : memref<10240x32xf32, #tpu.memory_space<hbm>>) target(%arg14 : memref<128x32xf32, #tpu.memory_space<vmem>>) offsets(%dma_start3A_303 : memref<128xi32, #tpu.memory_space<vmem>>) semaphore(%arg22 : memref<!tpu.dma_semaphore, #tpu.memory_space<semaphore_mem>>)
      } else {
      }
      %dma_wait3A_119 = arith.constant 0 : i32
      %dma_wait3A_120 = tpu.memref_slice %arg7[%add3A_106, %dma_wait3A_119] : memref<80x128xi32, #tpu.memory_space<vmem>> -> memref<1x128xi32, #tpu.memory_space<vmem>>
      %dma_wait3A_121 = tpu.memref_squeeze %dma_wait3A_120 : memref<1x128xi32, #tpu.memory_space<vmem>> -> memref<128xi32, #tpu.memory_space<vmem>>
      %dma_wait3A_122 = arith.constant 0 : i32
      %dma_wait3A_123 = arith.constant 0 : i32
      %dma_wait3A_124 = tpu.memref_slice %arg2[%dma_wait3A_122, %dma_wait3A_123] : memref<10240x32xf32, #tpu.memory_space<hbm>> -> memref<10240x32xf32, #tpu.memory_space<hbm>>
      tpu.wait_indirect_dma semaphore(%arg18 : memref<!tpu.dma_semaphore, #tpu.memory_space<semaphore_mem>>) src(%dma_wait3A_124 : memref<10240x32xf32, #tpu.memory_space<hbm>>) dst(%arg10 : memref<128x32xf32, #tpu.memory_space<vmem>>)
      %dma_start3A_125 = arith.constant 0 : i32
      %dma_start3A_126 = tpu.memref_slice %arg8[%add3A_106, %dma_start3A_125] : memref<80x128xi32, #tpu.memory_space<vmem>> -> memref<1x128xi32, #tpu.memory_space<vmem>>
      %dma_start3A_127 = tpu.memref_squeeze %dma_start3A_126 : memref<1x128xi32, #tpu.memory_space<vmem>> -> memref<128xi32, #tpu.memory_space<vmem>>
      %dma_start3A_128 = arith.constant 0 : i32
      %dma_start3A_129 = arith.constant 0 : i32
      %dma_start3A_130 = tpu.memref_slice %arg33[%dma_start3A_128, %dma_start3A_129] : memref<10240x32xf32, #tpu.memory_space<vmem_shared>> -> memref<10240x32xf32, #tpu.memory_space<vmem_shared>>
      tpu.enqueue_indirect_dma source(%arg10 : memref<128x32xf32, #tpu.memory_space<vmem>>) target(%dma_start3A_130 : memref<10240x32xf32, #tpu.memory_space<vmem_shared>>) offsets(%dma_start3A_127 : memref<128xi32, #tpu.memory_space<vmem>>) semaphore(%arg26 : memref<!tpu.dma_semaphore, #tpu.memory_space<semaphore_mem>>) {add = true}
      %mul3A_131 = arith.constant 8 : i32
      %mul3A_132 = arith.muli %mul3A_131, %scan3A_76 : i32
      %add3A_133 = arith.constant 2 : i32
      %add3A_134 = arith.addi %mul3A_132, %add3A_133 : i32
      %ge3A_135 = arith.constant 4 : i32
      %ge3A_136 = arith.cmpi sge, %add3A_134, %ge3A_135 : i32
      %convert_element_type3A_137 = arith.extui %ge3A_136 : i1 to i32
      %cond3A_138 = arith.constant 0 : i32
      %cond3A_139 = arith.cmpi ne, %convert_element_type3A_137, %cond3A_138 : i32
      scf.if %cond3A_139 {
        %sub3A = arith.constant 4 : i32
        %sub3A_299 = arith.subi %add3A_134, %sub3A : i32
        %dma_wait3A_300 = arith.constant 0 : i32
        %dma_wait3A_301 = tpu.memref_slice %arg8[%sub3A_299, %dma_wait3A_300] : memref<80x128xi32, #tpu.memory_space<vmem>> -> memref<1x128xi32, #tpu.memory_space<vmem>>
        %dma_wait3A_302 = tpu.memref_squeeze %dma_wait3A_301 : memref<1x128xi32, #tpu.memory_space<vmem>> -> memref<128xi32, #tpu.memory_space<vmem>>
        %dma_wait3A_303 = arith.constant 0 : i32
        %dma_wait3A_304 = arith.constant 0 : i32
        %dma_wait3A_305 = tpu.memref_slice %arg33[%dma_wait3A_303, %dma_wait3A_304] : memref<10240x32xf32, #tpu.memory_space<vmem_shared>> -> memref<10240x32xf32, #tpu.memory_space<vmem_shared>>
        tpu.wait_indirect_dma semaphore(%arg31 : memref<!tpu.dma_semaphore, #tpu.memory_space<semaphore_mem>>) src(%arg15 : memref<128x32xf32, #tpu.memory_space<vmem>>) dst(%dma_wait3A_305 : memref<10240x32xf32, #tpu.memory_space<vmem_shared>>)
      } else {
      }
      %add3A_140 = arith.constant 4 : i32
      %add3A_141 = arith.addi %add3A_134, %add3A_140 : i32
      %lt3A_142 = arith.constant 80 : i32
      %lt3A_143 = arith.cmpi slt, %add3A_141, %lt3A_142 : i32
      %convert_element_type3A_144 = arith.extui %lt3A_143 : i1 to i32
      %cond3A_145 = arith.constant 0 : i32
      %cond3A_146 = arith.cmpi ne, %convert_element_type3A_144, %cond3A_145 : i32
      scf.if %cond3A_146 {
        %add3A_299 = arith.constant 4 : i32
        %add3A_300 = arith.addi %add3A_134, %add3A_299 : i32
        %dma_start3A_301 = arith.constant 0 : i32
        %dma_start3A_302 = tpu.memref_slice %arg7[%add3A_300, %dma_start3A_301] : memref<80x128xi32, #tpu.memory_space<vmem>> -> memref<1x128xi32, #tpu.memory_space<vmem>>
        %dma_start3A_303 = tpu.memref_squeeze %dma_start3A_302 : memref<1x128xi32, #tpu.memory_space<vmem>> -> memref<128xi32, #tpu.memory_space<vmem>>
        %dma_start3A_304 = arith.constant 0 : i32
        %dma_start3A_305 = arith.constant 0 : i32
        %dma_start3A_306 = tpu.memref_slice %arg2[%dma_start3A_304, %dma_start3A_305] : memref<10240x32xf32, #tpu.memory_space<hbm>> -> memref<10240x32xf32, #tpu.memory_space<hbm>>
        tpu.enqueue_indirect_dma source(%dma_start3A_306 : memref<10240x32xf32, #tpu.memory_space<hbm>>) target(%arg15 : memref<128x32xf32, #tpu.memory_space<vmem>>) offsets(%dma_start3A_303 : memref<128xi32, #tpu.memory_space<vmem>>) semaphore(%arg23 : memref<!tpu.dma_semaphore, #tpu.memory_space<semaphore_mem>>)
      } else {
      }
      %dma_wait3A_147 = arith.constant 0 : i32
      %dma_wait3A_148 = tpu.memref_slice %arg7[%add3A_134, %dma_wait3A_147] : memref<80x128xi32, #tpu.memory_space<vmem>> -> memref<1x128xi32, #tpu.memory_space<vmem>>
      %dma_wait3A_149 = tpu.memref_squeeze %dma_wait3A_148 : memref<1x128xi32, #tpu.memory_space<vmem>> -> memref<128xi32, #tpu.memory_space<vmem>>
      %dma_wait3A_150 = arith.constant 0 : i32
      %dma_wait3A_151 = arith.constant 0 : i32
      %dma_wait3A_152 = tpu.memref_slice %arg2[%dma_wait3A_150, %dma_wait3A_151] : memref<10240x32xf32, #tpu.memory_space<hbm>> -> memref<10240x32xf32, #tpu.memory_space<hbm>>
      tpu.wait_indirect_dma semaphore(%arg19 : memref<!tpu.dma_semaphore, #tpu.memory_space<semaphore_mem>>) src(%dma_wait3A_152 : memref<10240x32xf32, #tpu.memory_space<hbm>>) dst(%arg11 : memref<128x32xf32, #tpu.memory_space<vmem>>)
      %dma_start3A_153 = arith.constant 0 : i32
      %dma_start3A_154 = tpu.memref_slice %arg8[%add3A_134, %dma_start3A_153] : memref<80x128xi32, #tpu.memory_space<vmem>> -> memref<1x128xi32, #tpu.memory_space<vmem>>
      %dma_start3A_155 = tpu.memref_squeeze %dma_start3A_154 : memref<1x128xi32, #tpu.memory_space<vmem>> -> memref<128xi32, #tpu.memory_space<vmem>>
      %dma_start3A_156 = arith.constant 0 : i32
      %dma_start3A_157 = arith.constant 0 : i32
      %dma_start3A_158 = tpu.memref_slice %arg33[%dma_start3A_156, %dma_start3A_157] : memref<10240x32xf32, #tpu.memory_space<vmem_shared>> -> memref<10240x32xf32, #tpu.memory_space<vmem_shared>>
      tpu.enqueue_indirect_dma source(%arg11 : memref<128x32xf32, #tpu.memory_space<vmem>>) target(%dma_start3A_158 : memref<10240x32xf32, #tpu.memory_space<vmem_shared>>) offsets(%dma_start3A_155 : memref<128xi32, #tpu.memory_space<vmem>>) semaphore(%arg27 : memref<!tpu.dma_semaphore, #tpu.memory_space<semaphore_mem>>) {add = true}
      %mul3A_159 = arith.constant 8 : i32
      %mul3A_160 = arith.muli %mul3A_159, %scan3A_76 : i32
      %add3A_161 = arith.constant 3 : i32
      %add3A_162 = arith.addi %mul3A_160, %add3A_161 : i32
      %ge3A_163 = arith.constant 4 : i32
      %ge3A_164 = arith.cmpi sge, %add3A_162, %ge3A_163 : i32
      %convert_element_type3A_165 = arith.extui %ge3A_164 : i1 to i32
      %cond3A_166 = arith.constant 0 : i32
      %cond3A_167 = arith.cmpi ne, %convert_element_type3A_165, %cond3A_166 : i32
      scf.if %cond3A_167 {
        %sub3A = arith.constant 4 : i32
        %sub3A_299 = arith.subi %add3A_162, %sub3A : i32
        %dma_wait3A_300 = arith.constant 0 : i32
        %dma_wait3A_301 = tpu.memref_slice %arg8[%sub3A_299, %dma_wait3A_300] : memref<80x128xi32, #tpu.memory_space<vmem>> -> memref<1x128xi32, #tpu.memory_space<vmem>>
        %dma_wait3A_302 = tpu.memref_squeeze %dma_wait3A_301 : memref<1x128xi32, #tpu.memory_space<vmem>> -> memref<128xi32, #tpu.memory_space<vmem>>
        %dma_wait3A_303 = arith.constant 0 : i32
        %dma_wait3A_304 = arith.constant 0 : i32
        %dma_wait3A_305 = tpu.memref_slice %arg33[%dma_wait3A_303, %dma_wait3A_304] : memref<10240x32xf32, #tpu.memory_space<vmem_shared>> -> memref<10240x32xf32, #tpu.memory_space<vmem_shared>>
        tpu.wait_indirect_dma semaphore(%arg32 : memref<!tpu.dma_semaphore, #tpu.memory_space<semaphore_mem>>) src(%arg16 : memref<128x32xf32, #tpu.memory_space<vmem>>) dst(%dma_wait3A_305 : memref<10240x32xf32, #tpu.memory_space<vmem_shared>>)
      } else {
      }
      %add3A_168 = arith.constant 4 : i32
      %add3A_169 = arith.addi %add3A_162, %add3A_168 : i32
      %lt3A_170 = arith.constant 80 : i32
      %lt3A_171 = arith.cmpi slt, %add3A_169, %lt3A_170 : i32
      %convert_element_type3A_172 = arith.extui %lt3A_171 : i1 to i32
      %cond3A_173 = arith.constant 0 : i32
      %cond3A_174 = arith.cmpi ne, %convert_element_type3A_172, %cond3A_173 : i32
      scf.if %cond3A_174 {
        %add3A_299 = arith.constant 4 : i32
        %add3A_300 = arith.addi %add3A_162, %add3A_299 : i32
        %dma_start3A_301 = arith.constant 0 : i32
        %dma_start3A_302 = tpu.memref_slice %arg7[%add3A_300, %dma_start3A_301] : memref<80x128xi32, #tpu.memory_space<vmem>> -> memref<1x128xi32, #tpu.memory_space<vmem>>
        %dma_start3A_303 = tpu.memref_squeeze %dma_start3A_302 : memref<1x128xi32, #tpu.memory_space<vmem>> -> memref<128xi32, #tpu.memory_space<vmem>>
        %dma_start3A_304 = arith.constant 0 : i32
        %dma_start3A_305 = arith.constant 0 : i32
        %dma_start3A_306 = tpu.memref_slice %arg2[%dma_start3A_304, %dma_start3A_305] : memref<10240x32xf32, #tpu.memory_space<hbm>> -> memref<10240x32xf32, #tpu.memory_space<hbm>>
        tpu.enqueue_indirect_dma source(%dma_start3A_306 : memref<10240x32xf32, #tpu.memory_space<hbm>>) target(%arg16 : memref<128x32xf32, #tpu.memory_space<vmem>>) offsets(%dma_start3A_303 : memref<128xi32, #tpu.memory_space<vmem>>) semaphore(%arg24 : memref<!tpu.dma_semaphore, #tpu.memory_space<semaphore_mem>>)
      } else {
      }
      %dma_wait3A_175 = arith.constant 0 : i32
      %dma_wait3A_176 = tpu.memref_slice %arg7[%add3A_162, %dma_wait3A_175] : memref<80x128xi32, #tpu.memory_space<vmem>> -> memref<1x128xi32, #tpu.memory_space<vmem>>
      %dma_wait3A_177 = tpu.memref_squeeze %dma_wait3A_176 : memref<1x128xi32, #tpu.memory_space<vmem>> -> memref<128xi32, #tpu.memory_space<vmem>>
      %dma_wait3A_178 = arith.constant 0 : i32
      %dma_wait3A_179 = arith.constant 0 : i32
      %dma_wait3A_180 = tpu.memref_slice %arg2[%dma_wait3A_178, %dma_wait3A_179] : memref<10240x32xf32, #tpu.memory_space<hbm>> -> memref<10240x32xf32, #tpu.memory_space<hbm>>
      tpu.wait_indirect_dma semaphore(%arg20 : memref<!tpu.dma_semaphore, #tpu.memory_space<semaphore_mem>>) src(%dma_wait3A_180 : memref<10240x32xf32, #tpu.memory_space<hbm>>) dst(%arg12 : memref<128x32xf32, #tpu.memory_space<vmem>>)
      %dma_start3A_181 = arith.constant 0 : i32
      %dma_start3A_182 = tpu.memref_slice %arg8[%add3A_162, %dma_start3A_181] : memref<80x128xi32, #tpu.memory_space<vmem>> -> memref<1x128xi32, #tpu.memory_space<vmem>>
      %dma_start3A_183 = tpu.memref_squeeze %dma_start3A_182 : memref<1x128xi32, #tpu.memory_space<vmem>> -> memref<128xi32, #tpu.memory_space<vmem>>
      %dma_start3A_184 = arith.constant 0 : i32
      %dma_start3A_185 = arith.constant 0 : i32
      %dma_start3A_186 = tpu.memref_slice %arg33[%dma_start3A_184, %dma_start3A_185] : memref<10240x32xf32, #tpu.memory_space<vmem_shared>> -> memref<10240x32xf32, #tpu.memory_space<vmem_shared>>
      tpu.enqueue_indirect_dma source(%arg12 : memref<128x32xf32, #tpu.memory_space<vmem>>) target(%dma_start3A_186 : memref<10240x32xf32, #tpu.memory_space<vmem_shared>>) offsets(%dma_start3A_183 : memref<128xi32, #tpu.memory_space<vmem>>) semaphore(%arg28 : memref<!tpu.dma_semaphore, #tpu.memory_space<semaphore_mem>>) {add = true}
      %mul3A_187 = arith.constant 8 : i32
      %mul3A_188 = arith.muli %mul3A_187, %scan3A_76 : i32
      %add3A_189 = arith.constant 4 : i32
      %add3A_190 = arith.addi %mul3A_188, %add3A_189 : i32
      %ge3A_191 = arith.constant 4 : i32
      %ge3A_192 = arith.cmpi sge, %add3A_190, %ge3A_191 : i32
      %convert_element_type3A_193 = arith.extui %ge3A_192 : i1 to i32
      %cond3A_194 = arith.constant 0 : i32
      %cond3A_195 = arith.cmpi ne, %convert_element_type3A_193, %cond3A_194 : i32
      scf.if %cond3A_195 {
        %sub3A = arith.constant 4 : i32
        %sub3A_299 = arith.subi %add3A_190, %sub3A : i32
        %dma_wait3A_300 = arith.constant 0 : i32
        %dma_wait3A_301 = tpu.memref_slice %arg8[%sub3A_299, %dma_wait3A_300] : memref<80x128xi32, #tpu.memory_space<vmem>> -> memref<1x128xi32, #tpu.memory_space<vmem>>
        %dma_wait3A_302 = tpu.memref_squeeze %dma_wait3A_301 : memref<1x128xi32, #tpu.memory_space<vmem>> -> memref<128xi32, #tpu.memory_space<vmem>>
        %dma_wait3A_303 = arith.constant 0 : i32
        %dma_wait3A_304 = arith.constant 0 : i32
        %dma_wait3A_305 = tpu.memref_slice %arg33[%dma_wait3A_303, %dma_wait3A_304] : memref<10240x32xf32, #tpu.memory_space<vmem_shared>> -> memref<10240x32xf32, #tpu.memory_space<vmem_shared>>
        tpu.wait_indirect_dma semaphore(%arg25 : memref<!tpu.dma_semaphore, #tpu.memory_space<semaphore_mem>>) src(%arg9 : memref<128x32xf32, #tpu.memory_space<vmem>>) dst(%dma_wait3A_305 : memref<10240x32xf32, #tpu.memory_space<vmem_shared>>)
      } else {
      }
      %add3A_196 = arith.constant 4 : i32
      %add3A_197 = arith.addi %add3A_190, %add3A_196 : i32
      %lt3A_198 = arith.constant 80 : i32
      %lt3A_199 = arith.cmpi slt, %add3A_197, %lt3A_198 : i32
      %convert_element_type3A_200 = arith.extui %lt3A_199 : i1 to i32
      %cond3A_201 = arith.constant 0 : i32
      %cond3A_202 = arith.cmpi ne, %convert_element_type3A_200, %cond3A_201 : i32
      scf.if %cond3A_202 {
        %add3A_299 = arith.constant 4 : i32
        %add3A_300 = arith.addi %add3A_190, %add3A_299 : i32
        %dma_start3A_301 = arith.constant 0 : i32
        %dma_start3A_302 = tpu.memref_slice %arg7[%add3A_300, %dma_start3A_301] : memref<80x128xi32, #tpu.memory_space<vmem>> -> memref<1x128xi32, #tpu.memory_space<vmem>>
        %dma_start3A_303 = tpu.memref_squeeze %dma_start3A_302 : memref<1x128xi32, #tpu.memory_space<vmem>> -> memref<128xi32, #tpu.memory_space<vmem>>
        %dma_start3A_304 = arith.constant 0 : i32
        %dma_start3A_305 = arith.constant 0 : i32
        %dma_start3A_306 = tpu.memref_slice %arg2[%dma_start3A_304, %dma_start3A_305] : memref<10240x32xf32, #tpu.memory_space<hbm>> -> memref<10240x32xf32, #tpu.memory_space<hbm>>
        tpu.enqueue_indirect_dma source(%dma_start3A_306 : memref<10240x32xf32, #tpu.memory_space<hbm>>) target(%arg9 : memref<128x32xf32, #tpu.memory_space<vmem>>) offsets(%dma_start3A_303 : memref<128xi32, #tpu.memory_space<vmem>>) semaphore(%arg17 : memref<!tpu.dma_semaphore, #tpu.memory_space<semaphore_mem>>)
      } else {
      }
      %dma_wait3A_203 = arith.constant 0 : i32
      %dma_wait3A_204 = tpu.memref_slice %arg7[%add3A_190, %dma_wait3A_203] : memref<80x128xi32, #tpu.memory_space<vmem>> -> memref<1x128xi32, #tpu.memory_space<vmem>>
      %dma_wait3A_205 = tpu.memref_squeeze %dma_wait3A_204 : memref<1x128xi32, #tpu.memory_space<vmem>> -> memref<128xi32, #tpu.memory_space<vmem>>
      %dma_wait3A_206 = arith.constant 0 : i32
      %dma_wait3A_207 = arith.constant 0 : i32
      %dma_wait3A_208 = tpu.memref_slice %arg2[%dma_wait3A_206, %dma_wait3A_207] : memref<10240x32xf32, #tpu.memory_space<hbm>> -> memref<10240x32xf32, #tpu.memory_space<hbm>>
      tpu.wait_indirect_dma semaphore(%arg21 : memref<!tpu.dma_semaphore, #tpu.memory_space<semaphore_mem>>) src(%dma_wait3A_208 : memref<10240x32xf32, #tpu.memory_space<hbm>>) dst(%arg13 : memref<128x32xf32, #tpu.memory_space<vmem>>)
      %dma_start3A_209 = arith.constant 0 : i32
      %dma_start3A_210 = tpu.memref_slice %arg8[%add3A_190, %dma_start3A_209] : memref<80x128xi32, #tpu.memory_space<vmem>> -> memref<1x128xi32, #tpu.memory_space<vmem>>
      %dma_start3A_211 = tpu.memref_squeeze %dma_start3A_210 : memref<1x128xi32, #tpu.memory_space<vmem>> -> memref<128xi32, #tpu.memory_space<vmem>>
      %dma_start3A_212 = arith.constant 0 : i32
      %dma_start3A_213 = arith.constant 0 : i32
      %dma_start3A_214 = tpu.memref_slice %arg33[%dma_start3A_212, %dma_start3A_213] : memref<10240x32xf32, #tpu.memory_space<vmem_shared>> -> memref<10240x32xf32, #tpu.memory_space<vmem_shared>>
      tpu.enqueue_indirect_dma source(%arg13 : memref<128x32xf32, #tpu.memory_space<vmem>>) target(%dma_start3A_214 : memref<10240x32xf32, #tpu.memory_space<vmem_shared>>) offsets(%dma_start3A_211 : memref<128xi32, #tpu.memory_space<vmem>>) semaphore(%arg29 : memref<!tpu.dma_semaphore, #tpu.memory_space<semaphore_mem>>) {add = true}
      %mul3A_215 = arith.constant 8 : i32
      %mul3A_216 = arith.muli %mul3A_215, %scan3A_76 : i32
      %add3A_217 = arith.constant 5 : i32
      %add3A_218 = arith.addi %mul3A_216, %add3A_217 : i32
      %ge3A_219 = arith.constant 4 : i32
      %ge3A_220 = arith.cmpi sge, %add3A_218, %ge3A_219 : i32
      %convert_element_type3A_221 = arith.extui %ge3A_220 : i1 to i32
      %cond3A_222 = arith.constant 0 : i32
      %cond3A_223 = arith.cmpi ne, %convert_element_type3A_221, %cond3A_222 : i32
      scf.if %cond3A_223 {
        %sub3A = arith.constant 4 : i32
        %sub3A_299 = arith.subi %add3A_218, %sub3A : i32
        %dma_wait3A_300 = arith.constant 0 : i32
        %dma_wait3A_301 = tpu.memref_slice %arg8[%sub3A_299, %dma_wait3A_300] : memref<80x128xi32, #tpu.memory_space<vmem>> -> memref<1x128xi32, #tpu.memory_space<vmem>>
        %dma_wait3A_302 = tpu.memref_squeeze %dma_wait3A_301 : memref<1x128xi32, #tpu.memory_space<vmem>> -> memref<128xi32, #tpu.memory_space<vmem>>
        %dma_wait3A_303 = arith.constant 0 : i32
        %dma_wait3A_304 = arith.constant 0 : i32
        %dma_wait3A_305 = tpu.memref_slice %arg33[%dma_wait3A_303, %dma_wait3A_304] : memref<10240x32xf32, #tpu.memory_space<vmem_shared>> -> memref<10240x32xf32, #tpu.memory_space<vmem_shared>>
        tpu.wait_indirect_dma semaphore(%arg26 : memref<!tpu.dma_semaphore, #tpu.memory_space<semaphore_mem>>) src(%arg10 : memref<128x32xf32, #tpu.memory_space<vmem>>) dst(%dma_wait3A_305 : memref<10240x32xf32, #tpu.memory_space<vmem_shared>>)
      } else {
      }
      %add3A_224 = arith.constant 4 : i32
      %add3A_225 = arith.addi %add3A_218, %add3A_224 : i32
      %lt3A_226 = arith.constant 80 : i32
      %lt3A_227 = arith.cmpi slt, %add3A_225, %lt3A_226 : i32
      %convert_element_type3A_228 = arith.extui %lt3A_227 : i1 to i32
      %cond3A_229 = arith.constant 0 : i32
      %cond3A_230 = arith.cmpi ne, %convert_element_type3A_228, %cond3A_229 : i32
      scf.if %cond3A_230 {
        %add3A_299 = arith.constant 4 : i32
        %add3A_300 = arith.addi %add3A_218, %add3A_299 : i32
        %dma_start3A_301 = arith.constant 0 : i32
        %dma_start3A_302 = tpu.memref_slice %arg7[%add3A_300, %dma_start3A_301] : memref<80x128xi32, #tpu.memory_space<vmem>> -> memref<1x128xi32, #tpu.memory_space<vmem>>
        %dma_start3A_303 = tpu.memref_squeeze %dma_start3A_302 : memref<1x128xi32, #tpu.memory_space<vmem>> -> memref<128xi32, #tpu.memory_space<vmem>>
        %dma_start3A_304 = arith.constant 0 : i32
        %dma_start3A_305 = arith.constant 0 : i32
        %dma_start3A_306 = tpu.memref_slice %arg2[%dma_start3A_304, %dma_start3A_305] : memref<10240x32xf32, #tpu.memory_space<hbm>> -> memref<10240x32xf32, #tpu.memory_space<hbm>>
        tpu.enqueue_indirect_dma source(%dma_start3A_306 : memref<10240x32xf32, #tpu.memory_space<hbm>>) target(%arg10 : memref<128x32xf32, #tpu.memory_space<vmem>>) offsets(%dma_start3A_303 : memref<128xi32, #tpu.memory_space<vmem>>) semaphore(%arg18 : memref<!tpu.dma_semaphore, #tpu.memory_space<semaphore_mem>>)
      } else {
      }
      %dma_wait3A_231 = arith.constant 0 : i32
      %dma_wait3A_232 = tpu.memref_slice %arg7[%add3A_218, %dma_wait3A_231] : memref<80x128xi32, #tpu.memory_space<vmem>> -> memref<1x128xi32, #tpu.memory_space<vmem>>
      %dma_wait3A_233 = tpu.memref_squeeze %dma_wait3A_232 : memref<1x128xi32, #tpu.memory_space<vmem>> -> memref<128xi32, #tpu.memory_space<vmem>>
      %dma_wait3A_234 = arith.constant 0 : i32
      %dma_wait3A_235 = arith.constant 0 : i32
      %dma_wait3A_236 = tpu.memref_slice %arg2[%dma_wait3A_234, %dma_wait3A_235] : memref<10240x32xf32, #tpu.memory_space<hbm>> -> memref<10240x32xf32, #tpu.memory_space<hbm>>
      tpu.wait_indirect_dma semaphore(%arg22 : memref<!tpu.dma_semaphore, #tpu.memory_space<semaphore_mem>>) src(%dma_wait3A_236 : memref<10240x32xf32, #tpu.memory_space<hbm>>) dst(%arg14 : memref<128x32xf32, #tpu.memory_space<vmem>>)
      %dma_start3A_237 = arith.constant 0 : i32
      %dma_start3A_238 = tpu.memref_slice %arg8[%add3A_218, %dma_start3A_237] : memref<80x128xi32, #tpu.memory_space<vmem>> -> memref<1x128xi32, #tpu.memory_space<vmem>>
      %dma_start3A_239 = tpu.memref_squeeze %dma_start3A_238 : memref<1x128xi32, #tpu.memory_space<vmem>> -> memref<128xi32, #tpu.memory_space<vmem>>
      %dma_start3A_240 = arith.constant 0 : i32
      %dma_start3A_241 = arith.constant 0 : i32
      %dma_start3A_242 = tpu.memref_slice %arg33[%dma_start3A_240, %dma_start3A_241] : memref<10240x32xf32, #tpu.memory_space<vmem_shared>> -> memref<10240x32xf32, #tpu.memory_space<vmem_shared>>
      tpu.enqueue_indirect_dma source(%arg14 : memref<128x32xf32, #tpu.memory_space<vmem>>) target(%dma_start3A_242 : memref<10240x32xf32, #tpu.memory_space<vmem_shared>>) offsets(%dma_start3A_239 : memref<128xi32, #tpu.memory_space<vmem>>) semaphore(%arg30 : memref<!tpu.dma_semaphore, #tpu.memory_space<semaphore_mem>>) {add = true}
      %mul3A_243 = arith.constant 8 : i32
      %mul3A_244 = arith.muli %mul3A_243, %scan3A_76 : i32
      %add3A_245 = arith.constant 6 : i32
      %add3A_246 = arith.addi %mul3A_244, %add3A_245 : i32
      %ge3A_247 = arith.constant 4 : i32
      %ge3A_248 = arith.cmpi sge, %add3A_246, %ge3A_247 : i32
      %convert_element_type3A_249 = arith.extui %ge3A_248 : i1 to i32
      %cond3A_250 = arith.constant 0 : i32
      %cond3A_251 = arith.cmpi ne, %convert_element_type3A_249, %cond3A_250 : i32
      scf.if %cond3A_251 {
        %sub3A = arith.constant 4 : i32
        %sub3A_299 = arith.subi %add3A_246, %sub3A : i32
        %dma_wait3A_300 = arith.constant 0 : i32
        %dma_wait3A_301 = tpu.memref_slice %arg8[%sub3A_299, %dma_wait3A_300] : memref<80x128xi32, #tpu.memory_space<vmem>> -> memref<1x128xi32, #tpu.memory_space<vmem>>
        %dma_wait3A_302 = tpu.memref_squeeze %dma_wait3A_301 : memref<1x128xi32, #tpu.memory_space<vmem>> -> memref<128xi32, #tpu.memory_space<vmem>>
        %dma_wait3A_303 = arith.constant 0 : i32
        %dma_wait3A_304 = arith.constant 0 : i32
        %dma_wait3A_305 = tpu.memref_slice %arg33[%dma_wait3A_303, %dma_wait3A_304] : memref<10240x32xf32, #tpu.memory_space<vmem_shared>> -> memref<10240x32xf32, #tpu.memory_space<vmem_shared>>
        tpu.wait_indirect_dma semaphore(%arg27 : memref<!tpu.dma_semaphore, #tpu.memory_space<semaphore_mem>>) src(%arg11 : memref<128x32xf32, #tpu.memory_space<vmem>>) dst(%dma_wait3A_305 : memref<10240x32xf32, #tpu.memory_space<vmem_shared>>)
      } else {
      }
      %add3A_252 = arith.constant 4 : i32
      %add3A_253 = arith.addi %add3A_246, %add3A_252 : i32
      %lt3A_254 = arith.constant 80 : i32
      %lt3A_255 = arith.cmpi slt, %add3A_253, %lt3A_254 : i32
      %convert_element_type3A_256 = arith.extui %lt3A_255 : i1 to i32
      %cond3A_257 = arith.constant 0 : i32
      %cond3A_258 = arith.cmpi ne, %convert_element_type3A_256, %cond3A_257 : i32
      scf.if %cond3A_258 {
        %add3A_299 = arith.constant 4 : i32
        %add3A_300 = arith.addi %add3A_246, %add3A_299 : i32
        %dma_start3A_301 = arith.constant 0 : i32
        %dma_start3A_302 = tpu.memref_slice %arg7[%add3A_300, %dma_start3A_301] : memref<80x128xi32, #tpu.memory_space<vmem>> -> memref<1x128xi32, #tpu.memory_space<vmem>>
        %dma_start3A_303 = tpu.memref_squeeze %dma_start3A_302 : memref<1x128xi32, #tpu.memory_space<vmem>> -> memref<128xi32, #tpu.memory_space<vmem>>
        %dma_start3A_304 = arith.constant 0 : i32
        %dma_start3A_305 = arith.constant 0 : i32
        %dma_start3A_306 = tpu.memref_slice %arg2[%dma_start3A_304, %dma_start3A_305] : memref<10240x32xf32, #tpu.memory_space<hbm>> -> memref<10240x32xf32, #tpu.memory_space<hbm>>
        tpu.enqueue_indirect_dma source(%dma_start3A_306 : memref<10240x32xf32, #tpu.memory_space<hbm>>) target(%arg11 : memref<128x32xf32, #tpu.memory_space<vmem>>) offsets(%dma_start3A_303 : memref<128xi32, #tpu.memory_space<vmem>>) semaphore(%arg19 : memref<!tpu.dma_semaphore, #tpu.memory_space<semaphore_mem>>)
      } else {
      }
      %dma_wait3A_259 = arith.constant 0 : i32
      %dma_wait3A_260 = tpu.memref_slice %arg7[%add3A_246, %dma_wait3A_259] : memref<80x128xi32, #tpu.memory_space<vmem>> -> memref<1x128xi32, #tpu.memory_space<vmem>>
      %dma_wait3A_261 = tpu.memref_squeeze %dma_wait3A_260 : memref<1x128xi32, #tpu.memory_space<vmem>> -> memref<128xi32, #tpu.memory_space<vmem>>
      %dma_wait3A_262 = arith.constant 0 : i32
      %dma_wait3A_263 = arith.constant 0 : i32
      %dma_wait3A_264 = tpu.memref_slice %arg2[%dma_wait3A_262, %dma_wait3A_263] : memref<10240x32xf32, #tpu.memory_space<hbm>> -> memref<10240x32xf32, #tpu.memory_space<hbm>>
      tpu.wait_indirect_dma semaphore(%arg23 : memref<!tpu.dma_semaphore, #tpu.memory_space<semaphore_mem>>) src(%dma_wait3A_264 : memref<10240x32xf32, #tpu.memory_space<hbm>>) dst(%arg15 : memref<128x32xf32, #tpu.memory_space<vmem>>)
      %dma_start3A_265 = arith.constant 0 : i32
      %dma_start3A_266 = tpu.memref_slice %arg8[%add3A_246, %dma_start3A_265] : memref<80x128xi32, #tpu.memory_space<vmem>> -> memref<1x128xi32, #tpu.memory_space<vmem>>
      %dma_start3A_267 = tpu.memref_squeeze %dma_start3A_266 : memref<1x128xi32, #tpu.memory_space<vmem>> -> memref<128xi32, #tpu.memory_space<vmem>>
      %dma_start3A_268 = arith.constant 0 : i32
      %dma_start3A_269 = arith.constant 0 : i32
      %dma_start3A_270 = tpu.memref_slice %arg33[%dma_start3A_268, %dma_start3A_269] : memref<10240x32xf32, #tpu.memory_space<vmem_shared>> -> memref<10240x32xf32, #tpu.memory_space<vmem_shared>>
      tpu.enqueue_indirect_dma source(%arg15 : memref<128x32xf32, #tpu.memory_space<vmem>>) target(%dma_start3A_270 : memref<10240x32xf32, #tpu.memory_space<vmem_shared>>) offsets(%dma_start3A_267 : memref<128xi32, #tpu.memory_space<vmem>>) semaphore(%arg31 : memref<!tpu.dma_semaphore, #tpu.memory_space<semaphore_mem>>) {add = true}
      %mul3A_271 = arith.constant 8 : i32
      %mul3A_272 = arith.muli %mul3A_271, %scan3A_76 : i32
      %add3A_273 = arith.constant 7 : i32
      %add3A_274 = arith.addi %mul3A_272, %add3A_273 : i32
      %ge3A_275 = arith.constant 4 : i32
      %ge3A_276 = arith.cmpi sge, %add3A_274, %ge3A_275 : i32
      %convert_element_type3A_277 = arith.extui %ge3A_276 : i1 to i32
      %cond3A_278 = arith.constant 0 : i32
      %cond3A_279 = arith.cmpi ne, %convert_element_type3A_277, %cond3A_278 : i32
      scf.if %cond3A_279 {
        %sub3A = arith.constant 4 : i32
        %sub3A_299 = arith.subi %add3A_274, %sub3A : i32
        %dma_wait3A_300 = arith.constant 0 : i32
        %dma_wait3A_301 = tpu.memref_slice %arg8[%sub3A_299, %dma_wait3A_300] : memref<80x128xi32, #tpu.memory_space<vmem>> -> memref<1x128xi32, #tpu.memory_space<vmem>>
        %dma_wait3A_302 = tpu.memref_squeeze %dma_wait3A_301 : memref<1x128xi32, #tpu.memory_space<vmem>> -> memref<128xi32, #tpu.memory_space<vmem>>
        %dma_wait3A_303 = arith.constant 0 : i32
        %dma_wait3A_304 = arith.constant 0 : i32
        %dma_wait3A_305 = tpu.memref_slice %arg33[%dma_wait3A_303, %dma_wait3A_304] : memref<10240x32xf32, #tpu.memory_space<vmem_shared>> -> memref<10240x32xf32, #tpu.memory_space<vmem_shared>>
        tpu.wait_indirect_dma semaphore(%arg28 : memref<!tpu.dma_semaphore, #tpu.memory_space<semaphore_mem>>) src(%arg12 : memref<128x32xf32, #tpu.memory_space<vmem>>) dst(%dma_wait3A_305 : memref<10240x32xf32, #tpu.memory_space<vmem_shared>>)
      } else {
      }
      %add3A_280 = arith.constant 4 : i32
      %add3A_281 = arith.addi %add3A_274, %add3A_280 : i32
      %lt3A_282 = arith.constant 80 : i32
      %lt3A_283 = arith.cmpi slt, %add3A_281, %lt3A_282 : i32
      %convert_element_type3A_284 = arith.extui %lt3A_283 : i1 to i32
      %cond3A_285 = arith.constant 0 : i32
      %cond3A_286 = arith.cmpi ne, %convert_element_type3A_284, %cond3A_285 : i32
      scf.if %cond3A_286 {
        %add3A_299 = arith.constant 4 : i32
        %add3A_300 = arith.addi %add3A_274, %add3A_299 : i32
        %dma_start3A_301 = arith.constant 0 : i32
        %dma_start3A_302 = tpu.memref_slice %arg7[%add3A_300, %dma_start3A_301] : memref<80x128xi32, #tpu.memory_space<vmem>> -> memref<1x128xi32, #tpu.memory_space<vmem>>
        %dma_start3A_303 = tpu.memref_squeeze %dma_start3A_302 : memref<1x128xi32, #tpu.memory_space<vmem>> -> memref<128xi32, #tpu.memory_space<vmem>>
        %dma_start3A_304 = arith.constant 0 : i32
        %dma_start3A_305 = arith.constant 0 : i32
        %dma_start3A_306 = tpu.memref_slice %arg2[%dma_start3A_304, %dma_start3A_305] : memref<10240x32xf32, #tpu.memory_space<hbm>> -> memref<10240x32xf32, #tpu.memory_space<hbm>>
        tpu.enqueue_indirect_dma source(%dma_start3A_306 : memref<10240x32xf32, #tpu.memory_space<hbm>>) target(%arg12 : memref<128x32xf32, #tpu.memory_space<vmem>>) offsets(%dma_start3A_303 : memref<128xi32, #tpu.memory_space<vmem>>) semaphore(%arg20 : memref<!tpu.dma_semaphore, #tpu.memory_space<semaphore_mem>>)
      } else {
      }
      %dma_wait3A_287 = arith.constant 0 : i32
      %dma_wait3A_288 = tpu.memref_slice %arg7[%add3A_274, %dma_wait3A_287] : memref<80x128xi32, #tpu.memory_space<vmem>> -> memref<1x128xi32, #tpu.memory_space<vmem>>
      %dma_wait3A_289 = tpu.memref_squeeze %dma_wait3A_288 : memref<1x128xi32, #tpu.memory_space<vmem>> -> memref<128xi32, #tpu.memory_space<vmem>>
      %dma_wait3A_290 = arith.constant 0 : i32
      %dma_wait3A_291 = arith.constant 0 : i32
      %dma_wait3A_292 = tpu.memref_slice %arg2[%dma_wait3A_290, %dma_wait3A_291] : memref<10240x32xf32, #tpu.memory_space<hbm>> -> memref<10240x32xf32, #tpu.memory_space<hbm>>
      tpu.wait_indirect_dma semaphore(%arg24 : memref<!tpu.dma_semaphore, #tpu.memory_space<semaphore_mem>>) src(%dma_wait3A_292 : memref<10240x32xf32, #tpu.memory_space<hbm>>) dst(%arg16 : memref<128x32xf32, #tpu.memory_space<vmem>>)
      %dma_start3A_293 = arith.constant 0 : i32
      %dma_start3A_294 = tpu.memref_slice %arg8[%add3A_274, %dma_start3A_293] : memref<80x128xi32, #tpu.memory_space<vmem>> -> memref<1x128xi32, #tpu.memory_space<vmem>>
      %dma_start3A_295 = tpu.memref_squeeze %dma_start3A_294 : memref<1x128xi32, #tpu.memory_space<vmem>> -> memref<128xi32, #tpu.memory_space<vmem>>
      %dma_start3A_296 = arith.constant 0 : i32
      %dma_start3A_297 = arith.constant 0 : i32
      %dma_start3A_298 = tpu.memref_slice %arg33[%dma_start3A_296, %dma_start3A_297] : memref<10240x32xf32, #tpu.memory_space<vmem_shared>> -> memref<10240x32xf32, #tpu.memory_space<vmem_shared>>
      tpu.enqueue_indirect_dma source(%arg16 : memref<128x32xf32, #tpu.memory_space<vmem>>) target(%dma_start3A_298 : memref<10240x32xf32, #tpu.memory_space<vmem_shared>>) offsets(%dma_start3A_295 : memref<128xi32, #tpu.memory_space<vmem>>) semaphore(%arg32 : memref<!tpu.dma_semaphore, #tpu.memory_space<semaphore_mem>>) {add = true}
    }
    %scan3A_44 = arith.constant 10 : i32
    %dma_wait3A = arith.constant 76 : i32
    %dma_wait3A_45 = arith.constant 0 : i32
    %dma_wait3A_46 = tpu.memref_slice %arg8[%dma_wait3A, %dma_wait3A_45] : memref<80x128xi32, #tpu.memory_space<vmem>> -> memref<1x128xi32, #tpu.memory_space<vmem>>
    %dma_wait3A_47 = tpu.memref_squeeze %dma_wait3A_46 : memref<1x128xi32, #tpu.memory_space<vmem>> -> memref<128xi32, #tpu.memory_space<vmem>>
    %dma_wait3A_48 = arith.constant 0 : i32
    %dma_wait3A_49 = arith.constant 0 : i32
    %dma_wait3A_50 = tpu.memref_slice %arg33[%dma_wait3A_48, %dma_wait3A_49] : memref<10240x32xf32, #tpu.memory_space<vmem_shared>> -> memref<10240x32xf32, #tpu.memory_space<vmem_shared>>
    tpu.wait_indirect_dma semaphore(%arg29 : memref<!tpu.dma_semaphore, #tpu.memory_space<semaphore_mem>>) src(%arg13 : memref<128x32xf32, #tpu.memory_space<vmem>>) dst(%dma_wait3A_50 : memref<10240x32xf32, #tpu.memory_space<vmem_shared>>)
    %dma_wait3A_51 = arith.constant 77 : i32
    %dma_wait3A_52 = arith.constant 0 : i32
    %dma_wait3A_53 = tpu.memref_slice %arg8[%dma_wait3A_51, %dma_wait3A_52] : memref<80x128xi32, #tpu.memory_space<vmem>> -> memref<1x128xi32, #tpu.memory_space<vmem>>
    %dma_wait3A_54 = tpu.memref_squeeze %dma_wait3A_53 : memref<1x128xi32, #tpu.memory_space<vmem>> -> memref<128xi32, #tpu.memory_space<vmem>>
    %dma_wait3A_55 = arith.constant 0 : i32
    %dma_wait3A_56 = arith.constant 0 : i32
    %dma_wait3A_57 = tpu.memref_slice %arg33[%dma_wait3A_55, %dma_wait3A_56] : memref<10240x32xf32, #tpu.memory_space<vmem_shared>> -> memref<10240x32xf32, #tpu.memory_space<vmem_shared>>
    tpu.wait_indirect_dma semaphore(%arg30 : memref<!tpu.dma_semaphore, #tpu.memory_space<semaphore_mem>>) src(%arg14 : memref<128x32xf32, #tpu.memory_space<vmem>>) dst(%dma_wait3A_57 : memref<10240x32xf32, #tpu.memory_space<vmem_shared>>)
    %dma_wait3A_58 = arith.constant 78 : i32
    %dma_wait3A_59 = arith.constant 0 : i32
    %dma_wait3A_60 = tpu.memref_slice %arg8[%dma_wait3A_58, %dma_wait3A_59] : memref<80x128xi32, #tpu.memory_space<vmem>> -> memref<1x128xi32, #tpu.memory_space<vmem>>
    %dma_wait3A_61 = tpu.memref_squeeze %dma_wait3A_60 : memref<1x128xi32, #tpu.memory_space<vmem>> -> memref<128xi32, #tpu.memory_space<vmem>>
    %dma_wait3A_62 = arith.constant 0 : i32
    %dma_wait3A_63 = arith.constant 0 : i32
    %dma_wait3A_64 = tpu.memref_slice %arg33[%dma_wait3A_62, %dma_wait3A_63] : memref<10240x32xf32, #tpu.memory_space<vmem_shared>> -> memref<10240x32xf32, #tpu.memory_space<vmem_shared>>
    tpu.wait_indirect_dma semaphore(%arg31 : memref<!tpu.dma_semaphore, #tpu.memory_space<semaphore_mem>>) src(%arg15 : memref<128x32xf32, #tpu.memory_space<vmem>>) dst(%dma_wait3A_64 : memref<10240x32xf32, #tpu.memory_space<vmem_shared>>)
    %dma_wait3A_65 = arith.constant 79 : i32
    %dma_wait3A_66 = arith.constant 0 : i32
    %dma_wait3A_67 = tpu.memref_slice %arg8[%dma_wait3A_65, %dma_wait3A_66] : memref<80x128xi32, #tpu.memory_space<vmem>> -> memref<1x128xi32, #tpu.memory_space<vmem>>
    %dma_wait3A_68 = tpu.memref_squeeze %dma_wait3A_67 : memref<1x128xi32, #tpu.memory_space<vmem>> -> memref<128xi32, #tpu.memory_space<vmem>>
    %dma_wait3A_69 = arith.constant 0 : i32
    %dma_wait3A_70 = arith.constant 0 : i32
    %dma_wait3A_71 = tpu.memref_slice %arg33[%dma_wait3A_69, %dma_wait3A_70] : memref<10240x32xf32, #tpu.memory_space<vmem_shared>> -> memref<10240x32xf32, #tpu.memory_space<vmem_shared>>
    tpu.wait_indirect_dma semaphore(%arg32 : memref<!tpu.dma_semaphore, #tpu.memory_space<semaphore_mem>>) src(%arg16 : memref<128x32xf32, #tpu.memory_space<vmem>>) dst(%dma_wait3A_71 : memref<10240x32xf32, #tpu.memory_space<vmem_shared>>)
    %barrier3A_72 = arith.constant 0 : index
    tpu.barrier barrier_id(%barrier3A_72)
    %mul3A_73 = arith.constant 10240 : i32
    %mul3A_74 = arith.muli %arg0, %mul3A_73 : i32
    %add3A_75 = arith.addi %mul3A_74, %mul3A_2 : i32
    "tpu.region"() ({
      %run_scoped3A = tpu.sem_alloc : memref<!tpu.dma_semaphore, #tpu.memory_space<semaphore_mem>>
      %dma_start3A_76 = arith.constant 0 : i32
      %dma_start3A_77 = tpu.memref_slice %arg6[%add3A_75, %dma_start3A_76] : memref<20480x32xf32, #tpu.memory_space<hbm>> -> memref<640x32xf32, #tpu.memory_space<hbm>>
      %dma_start3A_78 = arith.constant 0 : i32
      %dma_start3A_79 = tpu.memref_slice %arg33[%mul3A_2, %dma_start3A_78] : memref<10240x32xf32, #tpu.memory_space<vmem_shared>> -> memref<640x32xf32, #tpu.memory_space<vmem_shared>>
      tpu.enqueue_dma source(%dma_start3A_79 : memref<640x32xf32, #tpu.memory_space<vmem_shared>>) target(%dma_start3A_77 : memref<640x32xf32, #tpu.memory_space<hbm>>) target_semaphore(%run_scoped3A : memref<!tpu.dma_semaphore, #tpu.memory_space<semaphore_mem>>)
      %dma_wait3A_80 = arith.constant 0 : i32
      %dma_wait3A_81 = tpu.memref_slice %arg6[%add3A_75, %dma_wait3A_80] : memref<20480x32xf32, #tpu.memory_space<hbm>> -> memref<640x32xf32, #tpu.memory_space<hbm>>
      %dma_wait3A_82 = arith.constant 0 : i32
      %dma_wait3A_83 = tpu.memref_slice %arg33[%mul3A_2, %dma_wait3A_82] : memref<10240x32xf32, #tpu.memory_space<vmem_shared>> -> memref<640x32xf32, #tpu.memory_space<vmem_shared>>
      tpu.wait_dma2 semaphore(%run_scoped3A : memref<!tpu.dma_semaphore, #tpu.memory_space<semaphore_mem>>) src(%dma_wait3A_83 : memref<640x32xf32, #tpu.memory_space<vmem_shared>>) dst(%dma_wait3A_81 : memref<640x32xf32, #tpu.memory_space<hbm>>)
      tpu.yield
    }) : () -> ()
    return
  }
}

#map = affine_map<(d0, d1) -> (0, 0)>
module attributes {stable_mosaic.version = 14 : i64} {
  func.func @_hop_body(%arg0: i32, %arg1: i32, %arg2: memref<10240x32xf32, #tpu.memory_space<hbm>>, %arg3: memref<10240x32xf32, #tpu.memory_space<hbm>>, %arg4: memref<2560x128xi32, #tpu.memory_space<hbm>>, %arg5: memref<2560x128xi32, #tpu.memory_space<hbm>>, %arg6: memref<20480x128xf32, #tpu.memory_space<hbm>>, %arg7: memref<80x128xi32, #tpu.memory_space<vmem>>, %arg8: memref<80x128xi32, #tpu.memory_space<vmem>>, %arg9: memref<128x32xf32, #tpu.memory_space<vmem>>, %arg10: memref<128x32xf32, #tpu.memory_space<vmem>>, %arg11: memref<128x32xf32, #tpu.memory_space<vmem>>, %arg12: memref<128x32xf32, #tpu.memory_space<vmem>>, %arg13: memref<128x32xf32, #tpu.memory_space<vmem>>, %arg14: memref<128x32xf32, #tpu.memory_space<vmem>>, %arg15: memref<128x32xf32, #tpu.memory_space<vmem>>, %arg16: memref<128x32xf32, #tpu.memory_space<vmem>>, %arg17: memref<!tpu.dma_semaphore, #tpu.memory_space<semaphore_mem>>, %arg18: memref<!tpu.dma_semaphore, #tpu.memory_space<semaphore_mem>>, %arg19: memref<!tpu.dma_semaphore, #tpu.memory_space<semaphore_mem>>, %arg20: memref<!tpu.dma_semaphore, #tpu.memory_space<semaphore_mem>>, %arg21: memref<!tpu.dma_semaphore, #tpu.memory_space<semaphore_mem>>, %arg22: memref<!tpu.dma_semaphore, #tpu.memory_space<semaphore_mem>>, %arg23: memref<!tpu.dma_semaphore, #tpu.memory_space<semaphore_mem>>, %arg24: memref<!tpu.dma_semaphore, #tpu.memory_space<semaphore_mem>>, %arg25: memref<!tpu.dma_semaphore, #tpu.memory_space<semaphore_mem>>, %arg26: memref<!tpu.dma_semaphore, #tpu.memory_space<semaphore_mem>>, %arg27: memref<!tpu.dma_semaphore, #tpu.memory_space<semaphore_mem>>, %arg28: memref<!tpu.dma_semaphore, #tpu.memory_space<semaphore_mem>>, %arg29: memref<!tpu.dma_semaphore, #tpu.memory_space<semaphore_mem>>, %arg30: memref<!tpu.dma_semaphore, #tpu.memory_space<semaphore_mem>>, %arg31: memref<!tpu.dma_semaphore, #tpu.memory_space<semaphore_mem>>, %arg32: memref<!tpu.dma_semaphore, #tpu.memory_space<semaphore_mem>>, %arg33: memref<10240x32xf32, #tpu.memory_space<vmem_shared>>) attributes {dimension_semantics = [#tpu.dimension_semantics<core_parallel>, #tpu.dimension_semantics<subcore_parallel>], iteration_bounds = array<i64: 2, 16>, scalar_prefetch = 0 : i64, scratch_operands = 27 : i64, tpu.core_type = #tpu.core_type<sc_vector_subcore>, window_params = [{transform_indices = #map}, {transform_indices = #map}, {transform_indices = #map}, {transform_indices = #map}, {transform_indices = #map}]} {
    %mul3A = arith.constant 16 : i32
    %mul3A_0 = arith.muli %arg0, %mul3A : i32
    %add3A = arith.addi %mul3A_0, %arg1 : i32
    %mul3A_1 = arith.constant 640 : i32
    %mul3A_2 = arith.muli %arg1, %mul3A_1 : i32
    %eq3A = arith.constant 0 : i32
    %eq3A_3 = arith.cmpi eq, %arg0, %eq3A : i32
    %convert_element_type3A = arith.extui %eq3A_3 : i1 to i32
    %cond3A = arith.constant 0 : i32
    %cond3A_4 = arith.cmpi ne, %convert_element_type3A, %cond3A : i32
    scf.if %cond3A_4 {
      "tpu.region"() ({
        %run_scoped3A = tpu.sem_alloc : memref<!tpu.dma_semaphore, #tpu.memory_space<semaphore_mem>>
        %dma_start3A_76 = arith.constant 0 : i32
        %dma_start3A_77 = tpu.memref_slice %arg33[%mul3A_2, %dma_start3A_76] : memref<10240x32xf32, #tpu.memory_space<vmem_shared>> -> memref<640x32xf32, #tpu.memory_space<vmem_shared>>
        %dma_start3A_78 = arith.constant 0 : i32
        %dma_start3A_79 = tpu.memref_slice %arg2[%mul3A_2, %dma_start3A_78] : memref<10240x32xf32, #tpu.memory_space<hbm>> -> memref<640x32xf32, #tpu.memory_space<hbm>>
        tpu.enqueue_dma source(%dma_start3A_79 : memref<640x32xf32, #tpu.memory_space<hbm>>) target(%dma_start3A_77 : memref<640x32xf32, #tpu.memory_space<vmem_shared>>) target_semaphore(%run_scoped3A : memref<!tpu.dma_semaphore, #tpu.memory_space<semaphore_mem>>)
        %dma_wait3A_80 = arith.constant 0 : i32
        %dma_wait3A_81 = tpu.memref_slice %arg33[%mul3A_2, %dma_wait3A_80] : memref<10240x32xf32, #tpu.memory_space<vmem_shared>> -> memref<640x32xf32, #tpu.memory_space<vmem_shared>>
        %dma_wait3A_82 = arith.constant 0 : i32
        %dma_wait3A_83 = tpu.memref_slice %arg2[%mul3A_2, %dma_wait3A_82] : memref<10240x32xf32, #tpu.memory_space<hbm>> -> memref<640x32xf32, #tpu.memory_space<hbm>>
        tpu.wait_dma2 semaphore(%run_scoped3A : memref<!tpu.dma_semaphore, #tpu.memory_space<semaphore_mem>>) src(%dma_wait3A_83 : memref<640x32xf32, #tpu.memory_space<hbm>>) dst(%dma_wait3A_81 : memref<640x32xf32, #tpu.memory_space<vmem_shared>>)
        tpu.yield
      }) : () -> ()
    } else {
    }
    %ne3A = arith.constant 0 : i32
    %ne3A_5 = arith.cmpi ne, %arg0, %ne3A : i32
    %convert_element_type3A_6 = arith.extui %ne3A_5 : i1 to i32
    %cond3A_7 = arith.constant 0 : i32
    %cond3A_8 = arith.cmpi ne, %convert_element_type3A_6, %cond3A_7 : i32
    scf.if %cond3A_8 {
      "tpu.region"() ({
        %run_scoped3A = tpu.sem_alloc : memref<!tpu.dma_semaphore, #tpu.memory_space<semaphore_mem>>
        %dma_start3A_76 = arith.constant 0 : i32
        %dma_start3A_77 = tpu.memref_slice %arg33[%mul3A_2, %dma_start3A_76] : memref<10240x32xf32, #tpu.memory_space<vmem_shared>> -> memref<640x32xf32, #tpu.memory_space<vmem_shared>>
        %dma_start3A_78 = arith.constant 0 : i32
        %dma_start3A_79 = tpu.memref_slice %arg3[%mul3A_2, %dma_start3A_78] : memref<10240x32xf32, #tpu.memory_space<hbm>> -> memref<640x32xf32, #tpu.memory_space<hbm>>
        tpu.enqueue_dma source(%dma_start3A_79 : memref<640x32xf32, #tpu.memory_space<hbm>>) target(%dma_start3A_77 : memref<640x32xf32, #tpu.memory_space<vmem_shared>>) target_semaphore(%run_scoped3A : memref<!tpu.dma_semaphore, #tpu.memory_space<semaphore_mem>>)
        %dma_wait3A_80 = arith.constant 0 : i32
        %dma_wait3A_81 = tpu.memref_slice %arg33[%mul3A_2, %dma_wait3A_80] : memref<10240x32xf32, #tpu.memory_space<vmem_shared>> -> memref<640x32xf32, #tpu.memory_space<vmem_shared>>
        %dma_wait3A_82 = arith.constant 0 : i32
        %dma_wait3A_83 = tpu.memref_slice %arg3[%mul3A_2, %dma_wait3A_82] : memref<10240x32xf32, #tpu.memory_space<hbm>> -> memref<640x32xf32, #tpu.memory_space<hbm>>
        tpu.wait_dma2 semaphore(%run_scoped3A : memref<!tpu.dma_semaphore, #tpu.memory_space<semaphore_mem>>) src(%dma_wait3A_83 : memref<640x32xf32, #tpu.memory_space<hbm>>) dst(%dma_wait3A_81 : memref<640x32xf32, #tpu.memory_space<vmem_shared>>)
        tpu.yield
      }) : () -> ()
    } else {
    }
    %mul3A_9 = arith.constant 80 : i32
    %mul3A_10 = arith.muli %add3A, %mul3A_9 : i32
    "tpu.region"() ({
      %run_scoped3A = tpu.sem_alloc : memref<!tpu.dma_semaphore, #tpu.memory_space<semaphore_mem>>
      %dma_start3A_76 = arith.constant 0 : i32
      %dma_start3A_77 = tpu.memref_slice %arg4[%mul3A_10, %dma_start3A_76] : memref<2560x128xi32, #tpu.memory_space<hbm>> -> memref<80x128xi32, #tpu.memory_space<hbm>>
      %dma_start3A_78 = arith.constant 0 : i32
      %dma_start3A_79 = tpu.memref_slice %arg4[%mul3A_10, %dma_start3A_78] : memref<2560x128xi32, #tpu.memory_space<hbm>> -> memref<80x128xi32, #tpu.memory_space<hbm>>
      tpu.enqueue_dma source(%dma_start3A_79 : memref<80x128xi32, #tpu.memory_space<hbm>>) target(%arg7 : memref<80x128xi32, #tpu.memory_space<vmem>>) target_semaphore(%run_scoped3A : memref<!tpu.dma_semaphore, #tpu.memory_space<semaphore_mem>>)
      %dma_wait3A_80 = arith.constant 0 : i32
      %dma_wait3A_81 = tpu.memref_slice %arg4[%mul3A_10, %dma_wait3A_80] : memref<2560x128xi32, #tpu.memory_space<hbm>> -> memref<80x128xi32, #tpu.memory_space<hbm>>
      %dma_wait3A_82 = arith.constant 0 : i32
      %dma_wait3A_83 = tpu.memref_slice %arg4[%mul3A_10, %dma_wait3A_82] : memref<2560x128xi32, #tpu.memory_space<hbm>> -> memref<80x128xi32, #tpu.memory_space<hbm>>
      tpu.wait_dma2 semaphore(%run_scoped3A : memref<!tpu.dma_semaphore, #tpu.memory_space<semaphore_mem>>) src(%dma_wait3A_83 : memref<80x128xi32, #tpu.memory_space<hbm>>) dst(%arg7 : memref<80x128xi32, #tpu.memory_space<vmem>>)
      tpu.yield
    }) : () -> ()
    %mul3A_11 = arith.constant 80 : i32
    %mul3A_12 = arith.muli %add3A, %mul3A_11 : i32
    "tpu.region"() ({
      %run_scoped3A = tpu.sem_alloc : memref<!tpu.dma_semaphore, #tpu.memory_space<semaphore_mem>>
      %dma_start3A_76 = arith.constant 0 : i32
      %dma_start3A_77 = tpu.memref_slice %arg5[%mul3A_12, %dma_start3A_76] : memref<2560x128xi32, #tpu.memory_space<hbm>> -> memref<80x128xi32, #tpu.memory_space<hbm>>
      %dma_start3A_78 = arith.constant 0 : i32
      %dma_start3A_79 = tpu.memref_slice %arg5[%mul3A_12, %dma_start3A_78] : memref<2560x128xi32, #tpu.memory_space<hbm>> -> memref<80x128xi32, #tpu.memory_space<hbm>>
      tpu.enqueue_dma source(%dma_start3A_79 : memref<80x128xi32, #tpu.memory_space<hbm>>) target(%arg8 : memref<80x128xi32, #tpu.memory_space<vmem>>) target_semaphore(%run_scoped3A : memref<!tpu.dma_semaphore, #tpu.memory_space<semaphore_mem>>)
      %dma_wait3A_80 = arith.constant 0 : i32
      %dma_wait3A_81 = tpu.memref_slice %arg5[%mul3A_12, %dma_wait3A_80] : memref<2560x128xi32, #tpu.memory_space<hbm>> -> memref<80x128xi32, #tpu.memory_space<hbm>>
      %dma_wait3A_82 = arith.constant 0 : i32
      %dma_wait3A_83 = tpu.memref_slice %arg5[%mul3A_12, %dma_wait3A_82] : memref<2560x128xi32, #tpu.memory_space<hbm>> -> memref<80x128xi32, #tpu.memory_space<hbm>>
      tpu.wait_dma2 semaphore(%run_scoped3A : memref<!tpu.dma_semaphore, #tpu.memory_space<semaphore_mem>>) src(%dma_wait3A_83 : memref<80x128xi32, #tpu.memory_space<hbm>>) dst(%arg8 : memref<80x128xi32, #tpu.memory_space<vmem>>)
      tpu.yield
    }) : () -> ()
    %dma_start3A = arith.constant 0 : i32
    %dma_start3A_13 = arith.constant 0 : i32
    %dma_start3A_14 = tpu.memref_slice %arg7[%dma_start3A, %dma_start3A_13] : memref<80x128xi32, #tpu.memory_space<vmem>> -> memref<1x128xi32, #tpu.memory_space<vmem>>
    %dma_start3A_15 = tpu.memref_squeeze %dma_start3A_14 : memref<1x128xi32, #tpu.memory_space<vmem>> -> memref<128xi32, #tpu.memory_space<vmem>>
    %dma_start3A_16 = arith.constant 0 : i32
    %dma_start3A_17 = arith.constant 0 : i32
    %dma_start3A_18 = tpu.memref_slice %arg2[%dma_start3A_16, %dma_start3A_17] : memref<10240x32xf32, #tpu.memory_space<hbm>> -> memref<10240x32xf32, #tpu.memory_space<hbm>>
    tpu.enqueue_indirect_dma source(%dma_start3A_18 : memref<10240x32xf32, #tpu.memory_space<hbm>>) target(%arg9 : memref<128x32xf32, #tpu.memory_space<vmem>>) offsets(%dma_start3A_15 : memref<128xi32, #tpu.memory_space<vmem>>) semaphore(%arg17 : memref<!tpu.dma_semaphore, #tpu.memory_space<semaphore_mem>>)
    %dma_start3A_19 = arith.constant 1 : i32
    %dma_start3A_20 = arith.constant 0 : i32
    %dma_start3A_21 = tpu.memref_slice %arg7[%dma_start3A_19, %dma_start3A_20] : memref<80x128xi32, #tpu.memory_space<vmem>> -> memref<1x128xi32, #tpu.memory_space<vmem>>
    %dma_start3A_22 = tpu.memref_squeeze %dma_start3A_21 : memref<1x128xi32, #tpu.memory_space<vmem>> -> memref<128xi32, #tpu.memory_space<vmem>>
    %dma_start3A_23 = arith.constant 0 : i32
    %dma_start3A_24 = arith.constant 0 : i32
    %dma_start3A_25 = tpu.memref_slice %arg2[%dma_start3A_23, %dma_start3A_24] : memref<10240x32xf32, #tpu.memory_space<hbm>> -> memref<10240x32xf32, #tpu.memory_space<hbm>>
    tpu.enqueue_indirect_dma source(%dma_start3A_25 : memref<10240x32xf32, #tpu.memory_space<hbm>>) target(%arg10 : memref<128x32xf32, #tpu.memory_space<vmem>>) offsets(%dma_start3A_22 : memref<128xi32, #tpu.memory_space<vmem>>) semaphore(%arg18 : memref<!tpu.dma_semaphore, #tpu.memory_space<semaphore_mem>>)
    %dma_start3A_26 = arith.constant 2 : i32
    %dma_start3A_27 = arith.constant 0 : i32
    %dma_start3A_28 = tpu.memref_slice %arg7[%dma_start3A_26, %dma_start3A_27] : memref<80x128xi32, #tpu.memory_space<vmem>> -> memref<1x128xi32, #tpu.memory_space<vmem>>
    %dma_start3A_29 = tpu.memref_squeeze %dma_start3A_28 : memref<1x128xi32, #tpu.memory_space<vmem>> -> memref<128xi32, #tpu.memory_space<vmem>>
    %dma_start3A_30 = arith.constant 0 : i32
    %dma_start3A_31 = arith.constant 0 : i32
    %dma_start3A_32 = tpu.memref_slice %arg2[%dma_start3A_30, %dma_start3A_31] : memref<10240x32xf32, #tpu.memory_space<hbm>> -> memref<10240x32xf32, #tpu.memory_space<hbm>>
    tpu.enqueue_indirect_dma source(%dma_start3A_32 : memref<10240x32xf32, #tpu.memory_space<hbm>>) target(%arg11 : memref<128x32xf32, #tpu.memory_space<vmem>>) offsets(%dma_start3A_29 : memref<128xi32, #tpu.memory_space<vmem>>) semaphore(%arg19 : memref<!tpu.dma_semaphore, #tpu.memory_space<semaphore_mem>>)
    %dma_start3A_33 = arith.constant 3 : i32
    %dma_start3A_34 = arith.constant 0 : i32
    %dma_start3A_35 = tpu.memref_slice %arg7[%dma_start3A_33, %dma_start3A_34] : memref<80x128xi32, #tpu.memory_space<vmem>> -> memref<1x128xi32, #tpu.memory_space<vmem>>
    %dma_start3A_36 = tpu.memref_squeeze %dma_start3A_35 : memref<1x128xi32, #tpu.memory_space<vmem>> -> memref<128xi32, #tpu.memory_space<vmem>>
    %dma_start3A_37 = arith.constant 0 : i32
    %dma_start3A_38 = arith.constant 0 : i32
    %dma_start3A_39 = tpu.memref_slice %arg2[%dma_start3A_37, %dma_start3A_38] : memref<10240x32xf32, #tpu.memory_space<hbm>> -> memref<10240x32xf32, #tpu.memory_space<hbm>>
    tpu.enqueue_indirect_dma source(%dma_start3A_39 : memref<10240x32xf32, #tpu.memory_space<hbm>>) target(%arg12 : memref<128x32xf32, #tpu.memory_space<vmem>>) offsets(%dma_start3A_36 : memref<128xi32, #tpu.memory_space<vmem>>) semaphore(%arg20 : memref<!tpu.dma_semaphore, #tpu.memory_space<semaphore_mem>>)
    %barrier3A = arith.constant 0 : index
    tpu.barrier barrier_id(%barrier3A)
    %scan3A = arith.constant 0 : i32
    %scan3A_40 = arith.constant 0 : i32
    %scan3A_41 = arith.constant 10 : i32
    %scan3A_42 = arith.addi %scan3A_40, %scan3A_41 : i32
    %scan3A_43 = arith.constant 1 : i32
    scf.for %scan3A_76 = %scan3A_40 to %scan3A_42 step %scan3A_43  : i32 {
      %mul3A_77 = arith.constant 8 : i32
      %mul3A_78 = arith.muli %mul3A_77, %scan3A_76 : i32
      %add3A_79 = arith.constant 0 : i32
      %add3A_80 = arith.addi %mul3A_78, %add3A_79 : i32
      %ge3A = arith.constant 4 : i32
      %ge3A_81 = arith.cmpi sge, %add3A_80, %ge3A : i32
      %convert_element_type3A_82 = arith.extui %ge3A_81 : i1 to i32
      %cond3A_83 = arith.constant 0 : i32
      %cond3A_84 = arith.cmpi ne, %convert_element_type3A_82, %cond3A_83 : i32
      scf.if %cond3A_84 {
        %sub3A = arith.constant 4 : i32
        %sub3A_299 = arith.subi %add3A_80, %sub3A : i32
        %dma_wait3A_300 = arith.constant 0 : i32
        %dma_wait3A_301 = tpu.memref_slice %arg8[%sub3A_299, %dma_wait3A_300] : memref<80x128xi32, #tpu.memory_space<vmem>> -> memref<1x128xi32, #tpu.memory_space<vmem>>
        %dma_wait3A_302 = tpu.memref_squeeze %dma_wait3A_301 : memref<1x128xi32, #tpu.memory_space<vmem>> -> memref<128xi32, #tpu.memory_space<vmem>>
        %dma_wait3A_303 = arith.constant 0 : i32
        %dma_wait3A_304 = arith.constant 0 : i32
        %dma_wait3A_305 = tpu.memref_slice %arg33[%dma_wait3A_303, %dma_wait3A_304] : memref<10240x32xf32, #tpu.memory_space<vmem_shared>> -> memref<10240x32xf32, #tpu.memory_space<vmem_shared>>
        tpu.wait_indirect_dma semaphore(%arg29 : memref<!tpu.dma_semaphore, #tpu.memory_space<semaphore_mem>>) src(%arg13 : memref<128x32xf32, #tpu.memory_space<vmem>>) dst(%dma_wait3A_305 : memref<10240x32xf32, #tpu.memory_space<vmem_shared>>)
      } else {
      }
      %add3A_85 = arith.constant 4 : i32
      %add3A_86 = arith.addi %add3A_80, %add3A_85 : i32
      %lt3A = arith.constant 80 : i32
      %lt3A_87 = arith.cmpi slt, %add3A_86, %lt3A : i32
      %convert_element_type3A_88 = arith.extui %lt3A_87 : i1 to i32
      %cond3A_89 = arith.constant 0 : i32
      %cond3A_90 = arith.cmpi ne, %convert_element_type3A_88, %cond3A_89 : i32
      scf.if %cond3A_90 {
        %add3A_299 = arith.constant 4 : i32
        %add3A_300 = arith.addi %add3A_80, %add3A_299 : i32
        %dma_start3A_301 = arith.constant 0 : i32
        %dma_start3A_302 = tpu.memref_slice %arg7[%add3A_300, %dma_start3A_301] : memref<80x128xi32, #tpu.memory_space<vmem>> -> memref<1x128xi32, #tpu.memory_space<vmem>>
        %dma_start3A_303 = tpu.memref_squeeze %dma_start3A_302 : memref<1x128xi32, #tpu.memory_space<vmem>> -> memref<128xi32, #tpu.memory_space<vmem>>
        %dma_start3A_304 = arith.constant 0 : i32
        %dma_start3A_305 = arith.constant 0 : i32
        %dma_start3A_306 = tpu.memref_slice %arg2[%dma_start3A_304, %dma_start3A_305] : memref<10240x32xf32, #tpu.memory_space<hbm>> -> memref<10240x32xf32, #tpu.memory_space<hbm>>
        tpu.enqueue_indirect_dma source(%dma_start3A_306 : memref<10240x32xf32, #tpu.memory_space<hbm>>) target(%arg13 : memref<128x32xf32, #tpu.memory_space<vmem>>) offsets(%dma_start3A_303 : memref<128xi32, #tpu.memory_space<vmem>>) semaphore(%arg21 : memref<!tpu.dma_semaphore, #tpu.memory_space<semaphore_mem>>)
      } else {
      }
      %dma_wait3A_91 = arith.constant 0 : i32
      %dma_wait3A_92 = tpu.memref_slice %arg7[%add3A_80, %dma_wait3A_91] : memref<80x128xi32, #tpu.memory_space<vmem>> -> memref<1x128xi32, #tpu.memory_space<vmem>>
      %dma_wait3A_93 = tpu.memref_squeeze %dma_wait3A_92 : memref<1x128xi32, #tpu.memory_space<vmem>> -> memref<128xi32, #tpu.memory_space<vmem>>
      %dma_wait3A_94 = arith.constant 0 : i32
      %dma_wait3A_95 = arith.constant 0 : i32
      %dma_wait3A_96 = tpu.memref_slice %arg2[%dma_wait3A_94, %dma_wait3A_95] : memref<10240x32xf32, #tpu.memory_space<hbm>> -> memref<10240x32xf32, #tpu.memory_space<hbm>>
      tpu.wait_indirect_dma semaphore(%arg17 : memref<!tpu.dma_semaphore, #tpu.memory_space<semaphore_mem>>) src(%dma_wait3A_96 : memref<10240x32xf32, #tpu.memory_space<hbm>>) dst(%arg9 : memref<128x32xf32, #tpu.memory_space<vmem>>)
      %dma_start3A_97 = arith.constant 0 : i32
      %dma_start3A_98 = tpu.memref_slice %arg8[%add3A_80, %dma_start3A_97] : memref<80x128xi32, #tpu.memory_space<vmem>> -> memref<1x128xi32, #tpu.memory_space<vmem>>
      %dma_start3A_99 = tpu.memref_squeeze %dma_start3A_98 : memref<1x128xi32, #tpu.memory_space<vmem>> -> memref<128xi32, #tpu.memory_space<vmem>>
      %dma_start3A_100 = arith.constant 0 : i32
      %dma_start3A_101 = arith.constant 0 : i32
      %dma_start3A_102 = tpu.memref_slice %arg33[%dma_start3A_100, %dma_start3A_101] : memref<10240x32xf32, #tpu.memory_space<vmem_shared>> -> memref<10240x32xf32, #tpu.memory_space<vmem_shared>>
      tpu.enqueue_indirect_dma source(%arg9 : memref<128x32xf32, #tpu.memory_space<vmem>>) target(%dma_start3A_102 : memref<10240x32xf32, #tpu.memory_space<vmem_shared>>) offsets(%dma_start3A_99 : memref<128xi32, #tpu.memory_space<vmem>>) semaphore(%arg25 : memref<!tpu.dma_semaphore, #tpu.memory_space<semaphore_mem>>) {add = true}
      %mul3A_103 = arith.constant 8 : i32
      %mul3A_104 = arith.muli %mul3A_103, %scan3A_76 : i32
      %add3A_105 = arith.constant 1 : i32
      %add3A_106 = arith.addi %mul3A_104, %add3A_105 : i32
      %ge3A_107 = arith.constant 4 : i32
      %ge3A_108 = arith.cmpi sge, %add3A_106, %ge3A_107 : i32
      %convert_element_type3A_109 = arith.extui %ge3A_108 : i1 to i32
      %cond3A_110 = arith.constant 0 : i32
      %cond3A_111 = arith.cmpi ne, %convert_element_type3A_109, %cond3A_110 : i32
      scf.if %cond3A_111 {
        %sub3A = arith.constant 4 : i32
        %sub3A_299 = arith.subi %add3A_106, %sub3A : i32
        %dma_wait3A_300 = arith.constant 0 : i32
        %dma_wait3A_301 = tpu.memref_slice %arg8[%sub3A_299, %dma_wait3A_300] : memref<80x128xi32, #tpu.memory_space<vmem>> -> memref<1x128xi32, #tpu.memory_space<vmem>>
        %dma_wait3A_302 = tpu.memref_squeeze %dma_wait3A_301 : memref<1x128xi32, #tpu.memory_space<vmem>> -> memref<128xi32, #tpu.memory_space<vmem>>
        %dma_wait3A_303 = arith.constant 0 : i32
        %dma_wait3A_304 = arith.constant 0 : i32
        %dma_wait3A_305 = tpu.memref_slice %arg33[%dma_wait3A_303, %dma_wait3A_304] : memref<10240x32xf32, #tpu.memory_space<vmem_shared>> -> memref<10240x32xf32, #tpu.memory_space<vmem_shared>>
        tpu.wait_indirect_dma semaphore(%arg30 : memref<!tpu.dma_semaphore, #tpu.memory_space<semaphore_mem>>) src(%arg14 : memref<128x32xf32, #tpu.memory_space<vmem>>) dst(%dma_wait3A_305 : memref<10240x32xf32, #tpu.memory_space<vmem_shared>>)
      } else {
      }
      %add3A_112 = arith.constant 4 : i32
      %add3A_113 = arith.addi %add3A_106, %add3A_112 : i32
      %lt3A_114 = arith.constant 80 : i32
      %lt3A_115 = arith.cmpi slt, %add3A_113, %lt3A_114 : i32
      %convert_element_type3A_116 = arith.extui %lt3A_115 : i1 to i32
      %cond3A_117 = arith.constant 0 : i32
      %cond3A_118 = arith.cmpi ne, %convert_element_type3A_116, %cond3A_117 : i32
      scf.if %cond3A_118 {
        %add3A_299 = arith.constant 4 : i32
        %add3A_300 = arith.addi %add3A_106, %add3A_299 : i32
        %dma_start3A_301 = arith.constant 0 : i32
        %dma_start3A_302 = tpu.memref_slice %arg7[%add3A_300, %dma_start3A_301] : memref<80x128xi32, #tpu.memory_space<vmem>> -> memref<1x128xi32, #tpu.memory_space<vmem>>
        %dma_start3A_303 = tpu.memref_squeeze %dma_start3A_302 : memref<1x128xi32, #tpu.memory_space<vmem>> -> memref<128xi32, #tpu.memory_space<vmem>>
        %dma_start3A_304 = arith.constant 0 : i32
        %dma_start3A_305 = arith.constant 0 : i32
        %dma_start3A_306 = tpu.memref_slice %arg2[%dma_start3A_304, %dma_start3A_305] : memref<10240x32xf32, #tpu.memory_space<hbm>> -> memref<10240x32xf32, #tpu.memory_space<hbm>>
        tpu.enqueue_indirect_dma source(%dma_start3A_306 : memref<10240x32xf32, #tpu.memory_space<hbm>>) target(%arg14 : memref<128x32xf32, #tpu.memory_space<vmem>>) offsets(%dma_start3A_303 : memref<128xi32, #tpu.memory_space<vmem>>) semaphore(%arg22 : memref<!tpu.dma_semaphore, #tpu.memory_space<semaphore_mem>>)
      } else {
      }
      %dma_wait3A_119 = arith.constant 0 : i32
      %dma_wait3A_120 = tpu.memref_slice %arg7[%add3A_106, %dma_wait3A_119] : memref<80x128xi32, #tpu.memory_space<vmem>> -> memref<1x128xi32, #tpu.memory_space<vmem>>
      %dma_wait3A_121 = tpu.memref_squeeze %dma_wait3A_120 : memref<1x128xi32, #tpu.memory_space<vmem>> -> memref<128xi32, #tpu.memory_space<vmem>>
      %dma_wait3A_122 = arith.constant 0 : i32
      %dma_wait3A_123 = arith.constant 0 : i32
      %dma_wait3A_124 = tpu.memref_slice %arg2[%dma_wait3A_122, %dma_wait3A_123] : memref<10240x32xf32, #tpu.memory_space<hbm>> -> memref<10240x32xf32, #tpu.memory_space<hbm>>
      tpu.wait_indirect_dma semaphore(%arg18 : memref<!tpu.dma_semaphore, #tpu.memory_space<semaphore_mem>>) src(%dma_wait3A_124 : memref<10240x32xf32, #tpu.memory_space<hbm>>) dst(%arg10 : memref<128x32xf32, #tpu.memory_space<vmem>>)
      %dma_start3A_125 = arith.constant 0 : i32
      %dma_start3A_126 = tpu.memref_slice %arg8[%add3A_106, %dma_start3A_125] : memref<80x128xi32, #tpu.memory_space<vmem>> -> memref<1x128xi32, #tpu.memory_space<vmem>>
      %dma_start3A_127 = tpu.memref_squeeze %dma_start3A_126 : memref<1x128xi32, #tpu.memory_space<vmem>> -> memref<128xi32, #tpu.memory_space<vmem>>
      %dma_start3A_128 = arith.constant 0 : i32
      %dma_start3A_129 = arith.constant 0 : i32
      %dma_start3A_130 = tpu.memref_slice %arg33[%dma_start3A_128, %dma_start3A_129] : memref<10240x32xf32, #tpu.memory_space<vmem_shared>> -> memref<10240x32xf32, #tpu.memory_space<vmem_shared>>
      tpu.enqueue_indirect_dma source(%arg10 : memref<128x32xf32, #tpu.memory_space<vmem>>) target(%dma_start3A_130 : memref<10240x32xf32, #tpu.memory_space<vmem_shared>>) offsets(%dma_start3A_127 : memref<128xi32, #tpu.memory_space<vmem>>) semaphore(%arg26 : memref<!tpu.dma_semaphore, #tpu.memory_space<semaphore_mem>>) {add = true}
      %mul3A_131 = arith.constant 8 : i32
      %mul3A_132 = arith.muli %mul3A_131, %scan3A_76 : i32
      %add3A_133 = arith.constant 2 : i32
      %add3A_134 = arith.addi %mul3A_132, %add3A_133 : i32
      %ge3A_135 = arith.constant 4 : i32
      %ge3A_136 = arith.cmpi sge, %add3A_134, %ge3A_135 : i32
      %convert_element_type3A_137 = arith.extui %ge3A_136 : i1 to i32
      %cond3A_138 = arith.constant 0 : i32
      %cond3A_139 = arith.cmpi ne, %convert_element_type3A_137, %cond3A_138 : i32
      scf.if %cond3A_139 {
        %sub3A = arith.constant 4 : i32
        %sub3A_299 = arith.subi %add3A_134, %sub3A : i32
        %dma_wait3A_300 = arith.constant 0 : i32
        %dma_wait3A_301 = tpu.memref_slice %arg8[%sub3A_299, %dma_wait3A_300] : memref<80x128xi32, #tpu.memory_space<vmem>> -> memref<1x128xi32, #tpu.memory_space<vmem>>
        %dma_wait3A_302 = tpu.memref_squeeze %dma_wait3A_301 : memref<1x128xi32, #tpu.memory_space<vmem>> -> memref<128xi32, #tpu.memory_space<vmem>>
        %dma_wait3A_303 = arith.constant 0 : i32
        %dma_wait3A_304 = arith.constant 0 : i32
        %dma_wait3A_305 = tpu.memref_slice %arg33[%dma_wait3A_303, %dma_wait3A_304] : memref<10240x32xf32, #tpu.memory_space<vmem_shared>> -> memref<10240x32xf32, #tpu.memory_space<vmem_shared>>
        tpu.wait_indirect_dma semaphore(%arg31 : memref<!tpu.dma_semaphore, #tpu.memory_space<semaphore_mem>>) src(%arg15 : memref<128x32xf32, #tpu.memory_space<vmem>>) dst(%dma_wait3A_305 : memref<10240x32xf32, #tpu.memory_space<vmem_shared>>)
      } else {
      }
      %add3A_140 = arith.constant 4 : i32
      %add3A_141 = arith.addi %add3A_134, %add3A_140 : i32
      %lt3A_142 = arith.constant 80 : i32
      %lt3A_143 = arith.cmpi slt, %add3A_141, %lt3A_142 : i32
      %convert_element_type3A_144 = arith.extui %lt3A_143 : i1 to i32
      %cond3A_145 = arith.constant 0 : i32
      %cond3A_146 = arith.cmpi ne, %convert_element_type3A_144, %cond3A_145 : i32
      scf.if %cond3A_146 {
        %add3A_299 = arith.constant 4 : i32
        %add3A_300 = arith.addi %add3A_134, %add3A_299 : i32
        %dma_start3A_301 = arith.constant 0 : i32
        %dma_start3A_302 = tpu.memref_slice %arg7[%add3A_300, %dma_start3A_301] : memref<80x128xi32, #tpu.memory_space<vmem>> -> memref<1x128xi32, #tpu.memory_space<vmem>>
        %dma_start3A_303 = tpu.memref_squeeze %dma_start3A_302 : memref<1x128xi32, #tpu.memory_space<vmem>> -> memref<128xi32, #tpu.memory_space<vmem>>
        %dma_start3A_304 = arith.constant 0 : i32
        %dma_start3A_305 = arith.constant 0 : i32
        %dma_start3A_306 = tpu.memref_slice %arg2[%dma_start3A_304, %dma_start3A_305] : memref<10240x32xf32, #tpu.memory_space<hbm>> -> memref<10240x32xf32, #tpu.memory_space<hbm>>
        tpu.enqueue_indirect_dma source(%dma_start3A_306 : memref<10240x32xf32, #tpu.memory_space<hbm>>) target(%arg15 : memref<128x32xf32, #tpu.memory_space<vmem>>) offsets(%dma_start3A_303 : memref<128xi32, #tpu.memory_space<vmem>>) semaphore(%arg23 : memref<!tpu.dma_semaphore, #tpu.memory_space<semaphore_mem>>)
      } else {
      }
      %dma_wait3A_147 = arith.constant 0 : i32
      %dma_wait3A_148 = tpu.memref_slice %arg7[%add3A_134, %dma_wait3A_147] : memref<80x128xi32, #tpu.memory_space<vmem>> -> memref<1x128xi32, #tpu.memory_space<vmem>>
      %dma_wait3A_149 = tpu.memref_squeeze %dma_wait3A_148 : memref<1x128xi32, #tpu.memory_space<vmem>> -> memref<128xi32, #tpu.memory_space<vmem>>
      %dma_wait3A_150 = arith.constant 0 : i32
      %dma_wait3A_151 = arith.constant 0 : i32
      %dma_wait3A_152 = tpu.memref_slice %arg2[%dma_wait3A_150, %dma_wait3A_151] : memref<10240x32xf32, #tpu.memory_space<hbm>> -> memref<10240x32xf32, #tpu.memory_space<hbm>>
      tpu.wait_indirect_dma semaphore(%arg19 : memref<!tpu.dma_semaphore, #tpu.memory_space<semaphore_mem>>) src(%dma_wait3A_152 : memref<10240x32xf32, #tpu.memory_space<hbm>>) dst(%arg11 : memref<128x32xf32, #tpu.memory_space<vmem>>)
      %dma_start3A_153 = arith.constant 0 : i32
      %dma_start3A_154 = tpu.memref_slice %arg8[%add3A_134, %dma_start3A_153] : memref<80x128xi32, #tpu.memory_space<vmem>> -> memref<1x128xi32, #tpu.memory_space<vmem>>
      %dma_start3A_155 = tpu.memref_squeeze %dma_start3A_154 : memref<1x128xi32, #tpu.memory_space<vmem>> -> memref<128xi32, #tpu.memory_space<vmem>>
      %dma_start3A_156 = arith.constant 0 : i32
      %dma_start3A_157 = arith.constant 0 : i32
      %dma_start3A_158 = tpu.memref_slice %arg33[%dma_start3A_156, %dma_start3A_157] : memref<10240x32xf32, #tpu.memory_space<vmem_shared>> -> memref<10240x32xf32, #tpu.memory_space<vmem_shared>>
      tpu.enqueue_indirect_dma source(%arg11 : memref<128x32xf32, #tpu.memory_space<vmem>>) target(%dma_start3A_158 : memref<10240x32xf32, #tpu.memory_space<vmem_shared>>) offsets(%dma_start3A_155 : memref<128xi32, #tpu.memory_space<vmem>>) semaphore(%arg27 : memref<!tpu.dma_semaphore, #tpu.memory_space<semaphore_mem>>) {add = true}
      %mul3A_159 = arith.constant 8 : i32
      %mul3A_160 = arith.muli %mul3A_159, %scan3A_76 : i32
      %add3A_161 = arith.constant 3 : i32
      %add3A_162 = arith.addi %mul3A_160, %add3A_161 : i32
      %ge3A_163 = arith.constant 4 : i32
      %ge3A_164 = arith.cmpi sge, %add3A_162, %ge3A_163 : i32
      %convert_element_type3A_165 = arith.extui %ge3A_164 : i1 to i32
      %cond3A_166 = arith.constant 0 : i32
      %cond3A_167 = arith.cmpi ne, %convert_element_type3A_165, %cond3A_166 : i32
      scf.if %cond3A_167 {
        %sub3A = arith.constant 4 : i32
        %sub3A_299 = arith.subi %add3A_162, %sub3A : i32
        %dma_wait3A_300 = arith.constant 0 : i32
        %dma_wait3A_301 = tpu.memref_slice %arg8[%sub3A_299, %dma_wait3A_300] : memref<80x128xi32, #tpu.memory_space<vmem>> -> memref<1x128xi32, #tpu.memory_space<vmem>>
        %dma_wait3A_302 = tpu.memref_squeeze %dma_wait3A_301 : memref<1x128xi32, #tpu.memory_space<vmem>> -> memref<128xi32, #tpu.memory_space<vmem>>
        %dma_wait3A_303 = arith.constant 0 : i32
        %dma_wait3A_304 = arith.constant 0 : i32
        %dma_wait3A_305 = tpu.memref_slice %arg33[%dma_wait3A_303, %dma_wait3A_304] : memref<10240x32xf32, #tpu.memory_space<vmem_shared>> -> memref<10240x32xf32, #tpu.memory_space<vmem_shared>>
        tpu.wait_indirect_dma semaphore(%arg32 : memref<!tpu.dma_semaphore, #tpu.memory_space<semaphore_mem>>) src(%arg16 : memref<128x32xf32, #tpu.memory_space<vmem>>) dst(%dma_wait3A_305 : memref<10240x32xf32, #tpu.memory_space<vmem_shared>>)
      } else {
      }
      %add3A_168 = arith.constant 4 : i32
      %add3A_169 = arith.addi %add3A_162, %add3A_168 : i32
      %lt3A_170 = arith.constant 80 : i32
      %lt3A_171 = arith.cmpi slt, %add3A_169, %lt3A_170 : i32
      %convert_element_type3A_172 = arith.extui %lt3A_171 : i1 to i32
      %cond3A_173 = arith.constant 0 : i32
      %cond3A_174 = arith.cmpi ne, %convert_element_type3A_172, %cond3A_173 : i32
      scf.if %cond3A_174 {
        %add3A_299 = arith.constant 4 : i32
        %add3A_300 = arith.addi %add3A_162, %add3A_299 : i32
        %dma_start3A_301 = arith.constant 0 : i32
        %dma_start3A_302 = tpu.memref_slice %arg7[%add3A_300, %dma_start3A_301] : memref<80x128xi32, #tpu.memory_space<vmem>> -> memref<1x128xi32, #tpu.memory_space<vmem>>
        %dma_start3A_303 = tpu.memref_squeeze %dma_start3A_302 : memref<1x128xi32, #tpu.memory_space<vmem>> -> memref<128xi32, #tpu.memory_space<vmem>>
        %dma_start3A_304 = arith.constant 0 : i32
        %dma_start3A_305 = arith.constant 0 : i32
        %dma_start3A_306 = tpu.memref_slice %arg2[%dma_start3A_304, %dma_start3A_305] : memref<10240x32xf32, #tpu.memory_space<hbm>> -> memref<10240x32xf32, #tpu.memory_space<hbm>>
        tpu.enqueue_indirect_dma source(%dma_start3A_306 : memref<10240x32xf32, #tpu.memory_space<hbm>>) target(%arg16 : memref<128x32xf32, #tpu.memory_space<vmem>>) offsets(%dma_start3A_303 : memref<128xi32, #tpu.memory_space<vmem>>) semaphore(%arg24 : memref<!tpu.dma_semaphore, #tpu.memory_space<semaphore_mem>>)
      } else {
      }
      %dma_wait3A_175 = arith.constant 0 : i32
      %dma_wait3A_176 = tpu.memref_slice %arg7[%add3A_162, %dma_wait3A_175] : memref<80x128xi32, #tpu.memory_space<vmem>> -> memref<1x128xi32, #tpu.memory_space<vmem>>
      %dma_wait3A_177 = tpu.memref_squeeze %dma_wait3A_176 : memref<1x128xi32, #tpu.memory_space<vmem>> -> memref<128xi32, #tpu.memory_space<vmem>>
      %dma_wait3A_178 = arith.constant 0 : i32
      %dma_wait3A_179 = arith.constant 0 : i32
      %dma_wait3A_180 = tpu.memref_slice %arg2[%dma_wait3A_178, %dma_wait3A_179] : memref<10240x32xf32, #tpu.memory_space<hbm>> -> memref<10240x32xf32, #tpu.memory_space<hbm>>
      tpu.wait_indirect_dma semaphore(%arg20 : memref<!tpu.dma_semaphore, #tpu.memory_space<semaphore_mem>>) src(%dma_wait3A_180 : memref<10240x32xf32, #tpu.memory_space<hbm>>) dst(%arg12 : memref<128x32xf32, #tpu.memory_space<vmem>>)
      %dma_start3A_181 = arith.constant 0 : i32
      %dma_start3A_182 = tpu.memref_slice %arg8[%add3A_162, %dma_start3A_181] : memref<80x128xi32, #tpu.memory_space<vmem>> -> memref<1x128xi32, #tpu.memory_space<vmem>>
      %dma_start3A_183 = tpu.memref_squeeze %dma_start3A_182 : memref<1x128xi32, #tpu.memory_space<vmem>> -> memref<128xi32, #tpu.memory_space<vmem>>
      %dma_start3A_184 = arith.constant 0 : i32
      %dma_start3A_185 = arith.constant 0 : i32
      %dma_start3A_186 = tpu.memref_slice %arg33[%dma_start3A_184, %dma_start3A_185] : memref<10240x32xf32, #tpu.memory_space<vmem_shared>> -> memref<10240x32xf32, #tpu.memory_space<vmem_shared>>
      tpu.enqueue_indirect_dma source(%arg12 : memref<128x32xf32, #tpu.memory_space<vmem>>) target(%dma_start3A_186 : memref<10240x32xf32, #tpu.memory_space<vmem_shared>>) offsets(%dma_start3A_183 : memref<128xi32, #tpu.memory_space<vmem>>) semaphore(%arg28 : memref<!tpu.dma_semaphore, #tpu.memory_space<semaphore_mem>>) {add = true}
      %mul3A_187 = arith.constant 8 : i32
      %mul3A_188 = arith.muli %mul3A_187, %scan3A_76 : i32
      %add3A_189 = arith.constant 4 : i32
      %add3A_190 = arith.addi %mul3A_188, %add3A_189 : i32
      %ge3A_191 = arith.constant 4 : i32
      %ge3A_192 = arith.cmpi sge, %add3A_190, %ge3A_191 : i32
      %convert_element_type3A_193 = arith.extui %ge3A_192 : i1 to i32
      %cond3A_194 = arith.constant 0 : i32
      %cond3A_195 = arith.cmpi ne, %convert_element_type3A_193, %cond3A_194 : i32
      scf.if %cond3A_195 {
        %sub3A = arith.constant 4 : i32
        %sub3A_299 = arith.subi %add3A_190, %sub3A : i32
        %dma_wait3A_300 = arith.constant 0 : i32
        %dma_wait3A_301 = tpu.memref_slice %arg8[%sub3A_299, %dma_wait3A_300] : memref<80x128xi32, #tpu.memory_space<vmem>> -> memref<1x128xi32, #tpu.memory_space<vmem>>
        %dma_wait3A_302 = tpu.memref_squeeze %dma_wait3A_301 : memref<1x128xi32, #tpu.memory_space<vmem>> -> memref<128xi32, #tpu.memory_space<vmem>>
        %dma_wait3A_303 = arith.constant 0 : i32
        %dma_wait3A_304 = arith.constant 0 : i32
        %dma_wait3A_305 = tpu.memref_slice %arg33[%dma_wait3A_303, %dma_wait3A_304] : memref<10240x32xf32, #tpu.memory_space<vmem_shared>> -> memref<10240x32xf32, #tpu.memory_space<vmem_shared>>
        tpu.wait_indirect_dma semaphore(%arg25 : memref<!tpu.dma_semaphore, #tpu.memory_space<semaphore_mem>>) src(%arg9 : memref<128x32xf32, #tpu.memory_space<vmem>>) dst(%dma_wait3A_305 : memref<10240x32xf32, #tpu.memory_space<vmem_shared>>)
      } else {
      }
      %add3A_196 = arith.constant 4 : i32
      %add3A_197 = arith.addi %add3A_190, %add3A_196 : i32
      %lt3A_198 = arith.constant 80 : i32
      %lt3A_199 = arith.cmpi slt, %add3A_197, %lt3A_198 : i32
      %convert_element_type3A_200 = arith.extui %lt3A_199 : i1 to i32
      %cond3A_201 = arith.constant 0 : i32
      %cond3A_202 = arith.cmpi ne, %convert_element_type3A_200, %cond3A_201 : i32
      scf.if %cond3A_202 {
        %add3A_299 = arith.constant 4 : i32
        %add3A_300 = arith.addi %add3A_190, %add3A_299 : i32
        %dma_start3A_301 = arith.constant 0 : i32
        %dma_start3A_302 = tpu.memref_slice %arg7[%add3A_300, %dma_start3A_301] : memref<80x128xi32, #tpu.memory_space<vmem>> -> memref<1x128xi32, #tpu.memory_space<vmem>>
        %dma_start3A_303 = tpu.memref_squeeze %dma_start3A_302 : memref<1x128xi32, #tpu.memory_space<vmem>> -> memref<128xi32, #tpu.memory_space<vmem>>
        %dma_start3A_304 = arith.constant 0 : i32
        %dma_start3A_305 = arith.constant 0 : i32
        %dma_start3A_306 = tpu.memref_slice %arg2[%dma_start3A_304, %dma_start3A_305] : memref<10240x32xf32, #tpu.memory_space<hbm>> -> memref<10240x32xf32, #tpu.memory_space<hbm>>
        tpu.enqueue_indirect_dma source(%dma_start3A_306 : memref<10240x32xf32, #tpu.memory_space<hbm>>) target(%arg9 : memref<128x32xf32, #tpu.memory_space<vmem>>) offsets(%dma_start3A_303 : memref<128xi32, #tpu.memory_space<vmem>>) semaphore(%arg17 : memref<!tpu.dma_semaphore, #tpu.memory_space<semaphore_mem>>)
      } else {
      }
      %dma_wait3A_203 = arith.constant 0 : i32
      %dma_wait3A_204 = tpu.memref_slice %arg7[%add3A_190, %dma_wait3A_203] : memref<80x128xi32, #tpu.memory_space<vmem>> -> memref<1x128xi32, #tpu.memory_space<vmem>>
      %dma_wait3A_205 = tpu.memref_squeeze %dma_wait3A_204 : memref<1x128xi32, #tpu.memory_space<vmem>> -> memref<128xi32, #tpu.memory_space<vmem>>
      %dma_wait3A_206 = arith.constant 0 : i32
      %dma_wait3A_207 = arith.constant 0 : i32
      %dma_wait3A_208 = tpu.memref_slice %arg2[%dma_wait3A_206, %dma_wait3A_207] : memref<10240x32xf32, #tpu.memory_space<hbm>> -> memref<10240x32xf32, #tpu.memory_space<hbm>>
      tpu.wait_indirect_dma semaphore(%arg21 : memref<!tpu.dma_semaphore, #tpu.memory_space<semaphore_mem>>) src(%dma_wait3A_208 : memref<10240x32xf32, #tpu.memory_space<hbm>>) dst(%arg13 : memref<128x32xf32, #tpu.memory_space<vmem>>)
      %dma_start3A_209 = arith.constant 0 : i32
      %dma_start3A_210 = tpu.memref_slice %arg8[%add3A_190, %dma_start3A_209] : memref<80x128xi32, #tpu.memory_space<vmem>> -> memref<1x128xi32, #tpu.memory_space<vmem>>
      %dma_start3A_211 = tpu.memref_squeeze %dma_start3A_210 : memref<1x128xi32, #tpu.memory_space<vmem>> -> memref<128xi32, #tpu.memory_space<vmem>>
      %dma_start3A_212 = arith.constant 0 : i32
      %dma_start3A_213 = arith.constant 0 : i32
      %dma_start3A_214 = tpu.memref_slice %arg33[%dma_start3A_212, %dma_start3A_213] : memref<10240x32xf32, #tpu.memory_space<vmem_shared>> -> memref<10240x32xf32, #tpu.memory_space<vmem_shared>>
      tpu.enqueue_indirect_dma source(%arg13 : memref<128x32xf32, #tpu.memory_space<vmem>>) target(%dma_start3A_214 : memref<10240x32xf32, #tpu.memory_space<vmem_shared>>) offsets(%dma_start3A_211 : memref<128xi32, #tpu.memory_space<vmem>>) semaphore(%arg29 : memref<!tpu.dma_semaphore, #tpu.memory_space<semaphore_mem>>) {add = true}
      %mul3A_215 = arith.constant 8 : i32
      %mul3A_216 = arith.muli %mul3A_215, %scan3A_76 : i32
      %add3A_217 = arith.constant 5 : i32
      %add3A_218 = arith.addi %mul3A_216, %add3A_217 : i32
      %ge3A_219 = arith.constant 4 : i32
      %ge3A_220 = arith.cmpi sge, %add3A_218, %ge3A_219 : i32
      %convert_element_type3A_221 = arith.extui %ge3A_220 : i1 to i32
      %cond3A_222 = arith.constant 0 : i32
      %cond3A_223 = arith.cmpi ne, %convert_element_type3A_221, %cond3A_222 : i32
      scf.if %cond3A_223 {
        %sub3A = arith.constant 4 : i32
        %sub3A_299 = arith.subi %add3A_218, %sub3A : i32
        %dma_wait3A_300 = arith.constant 0 : i32
        %dma_wait3A_301 = tpu.memref_slice %arg8[%sub3A_299, %dma_wait3A_300] : memref<80x128xi32, #tpu.memory_space<vmem>> -> memref<1x128xi32, #tpu.memory_space<vmem>>
        %dma_wait3A_302 = tpu.memref_squeeze %dma_wait3A_301 : memref<1x128xi32, #tpu.memory_space<vmem>> -> memref<128xi32, #tpu.memory_space<vmem>>
        %dma_wait3A_303 = arith.constant 0 : i32
        %dma_wait3A_304 = arith.constant 0 : i32
        %dma_wait3A_305 = tpu.memref_slice %arg33[%dma_wait3A_303, %dma_wait3A_304] : memref<10240x32xf32, #tpu.memory_space<vmem_shared>> -> memref<10240x32xf32, #tpu.memory_space<vmem_shared>>
        tpu.wait_indirect_dma semaphore(%arg26 : memref<!tpu.dma_semaphore, #tpu.memory_space<semaphore_mem>>) src(%arg10 : memref<128x32xf32, #tpu.memory_space<vmem>>) dst(%dma_wait3A_305 : memref<10240x32xf32, #tpu.memory_space<vmem_shared>>)
      } else {
      }
      %add3A_224 = arith.constant 4 : i32
      %add3A_225 = arith.addi %add3A_218, %add3A_224 : i32
      %lt3A_226 = arith.constant 80 : i32
      %lt3A_227 = arith.cmpi slt, %add3A_225, %lt3A_226 : i32
      %convert_element_type3A_228 = arith.extui %lt3A_227 : i1 to i32
      %cond3A_229 = arith.constant 0 : i32
      %cond3A_230 = arith.cmpi ne, %convert_element_type3A_228, %cond3A_229 : i32
      scf.if %cond3A_230 {
        %add3A_299 = arith.constant 4 : i32
        %add3A_300 = arith.addi %add3A_218, %add3A_299 : i32
        %dma_start3A_301 = arith.constant 0 : i32
        %dma_start3A_302 = tpu.memref_slice %arg7[%add3A_300, %dma_start3A_301] : memref<80x128xi32, #tpu.memory_space<vmem>> -> memref<1x128xi32, #tpu.memory_space<vmem>>
        %dma_start3A_303 = tpu.memref_squeeze %dma_start3A_302 : memref<1x128xi32, #tpu.memory_space<vmem>> -> memref<128xi32, #tpu.memory_space<vmem>>
        %dma_start3A_304 = arith.constant 0 : i32
        %dma_start3A_305 = arith.constant 0 : i32
        %dma_start3A_306 = tpu.memref_slice %arg2[%dma_start3A_304, %dma_start3A_305] : memref<10240x32xf32, #tpu.memory_space<hbm>> -> memref<10240x32xf32, #tpu.memory_space<hbm>>
        tpu.enqueue_indirect_dma source(%dma_start3A_306 : memref<10240x32xf32, #tpu.memory_space<hbm>>) target(%arg10 : memref<128x32xf32, #tpu.memory_space<vmem>>) offsets(%dma_start3A_303 : memref<128xi32, #tpu.memory_space<vmem>>) semaphore(%arg18 : memref<!tpu.dma_semaphore, #tpu.memory_space<semaphore_mem>>)
      } else {
      }
      %dma_wait3A_231 = arith.constant 0 : i32
      %dma_wait3A_232 = tpu.memref_slice %arg7[%add3A_218, %dma_wait3A_231] : memref<80x128xi32, #tpu.memory_space<vmem>> -> memref<1x128xi32, #tpu.memory_space<vmem>>
      %dma_wait3A_233 = tpu.memref_squeeze %dma_wait3A_232 : memref<1x128xi32, #tpu.memory_space<vmem>> -> memref<128xi32, #tpu.memory_space<vmem>>
      %dma_wait3A_234 = arith.constant 0 : i32
      %dma_wait3A_235 = arith.constant 0 : i32
      %dma_wait3A_236 = tpu.memref_slice %arg2[%dma_wait3A_234, %dma_wait3A_235] : memref<10240x32xf32, #tpu.memory_space<hbm>> -> memref<10240x32xf32, #tpu.memory_space<hbm>>
      tpu.wait_indirect_dma semaphore(%arg22 : memref<!tpu.dma_semaphore, #tpu.memory_space<semaphore_mem>>) src(%dma_wait3A_236 : memref<10240x32xf32, #tpu.memory_space<hbm>>) dst(%arg14 : memref<128x32xf32, #tpu.memory_space<vmem>>)
      %dma_start3A_237 = arith.constant 0 : i32
      %dma_start3A_238 = tpu.memref_slice %arg8[%add3A_218, %dma_start3A_237] : memref<80x128xi32, #tpu.memory_space<vmem>> -> memref<1x128xi32, #tpu.memory_space<vmem>>
      %dma_start3A_239 = tpu.memref_squeeze %dma_start3A_238 : memref<1x128xi32, #tpu.memory_space<vmem>> -> memref<128xi32, #tpu.memory_space<vmem>>
      %dma_start3A_240 = arith.constant 0 : i32
      %dma_start3A_241 = arith.constant 0 : i32
      %dma_start3A_242 = tpu.memref_slice %arg33[%dma_start3A_240, %dma_start3A_241] : memref<10240x32xf32, #tpu.memory_space<vmem_shared>> -> memref<10240x32xf32, #tpu.memory_space<vmem_shared>>
      tpu.enqueue_indirect_dma source(%arg14 : memref<128x32xf32, #tpu.memory_space<vmem>>) target(%dma_start3A_242 : memref<10240x32xf32, #tpu.memory_space<vmem_shared>>) offsets(%dma_start3A_239 : memref<128xi32, #tpu.memory_space<vmem>>) semaphore(%arg30 : memref<!tpu.dma_semaphore, #tpu.memory_space<semaphore_mem>>) {add = true}
      %mul3A_243 = arith.constant 8 : i32
      %mul3A_244 = arith.muli %mul3A_243, %scan3A_76 : i32
      %add3A_245 = arith.constant 6 : i32
      %add3A_246 = arith.addi %mul3A_244, %add3A_245 : i32
      %ge3A_247 = arith.constant 4 : i32
      %ge3A_248 = arith.cmpi sge, %add3A_246, %ge3A_247 : i32
      %convert_element_type3A_249 = arith.extui %ge3A_248 : i1 to i32
      %cond3A_250 = arith.constant 0 : i32
      %cond3A_251 = arith.cmpi ne, %convert_element_type3A_249, %cond3A_250 : i32
      scf.if %cond3A_251 {
        %sub3A = arith.constant 4 : i32
        %sub3A_299 = arith.subi %add3A_246, %sub3A : i32
        %dma_wait3A_300 = arith.constant 0 : i32
        %dma_wait3A_301 = tpu.memref_slice %arg8[%sub3A_299, %dma_wait3A_300] : memref<80x128xi32, #tpu.memory_space<vmem>> -> memref<1x128xi32, #tpu.memory_space<vmem>>
        %dma_wait3A_302 = tpu.memref_squeeze %dma_wait3A_301 : memref<1x128xi32, #tpu.memory_space<vmem>> -> memref<128xi32, #tpu.memory_space<vmem>>
        %dma_wait3A_303 = arith.constant 0 : i32
        %dma_wait3A_304 = arith.constant 0 : i32
        %dma_wait3A_305 = tpu.memref_slice %arg33[%dma_wait3A_303, %dma_wait3A_304] : memref<10240x32xf32, #tpu.memory_space<vmem_shared>> -> memref<10240x32xf32, #tpu.memory_space<vmem_shared>>
        tpu.wait_indirect_dma semaphore(%arg27 : memref<!tpu.dma_semaphore, #tpu.memory_space<semaphore_mem>>) src(%arg11 : memref<128x32xf32, #tpu.memory_space<vmem>>) dst(%dma_wait3A_305 : memref<10240x32xf32, #tpu.memory_space<vmem_shared>>)
      } else {
      }
      %add3A_252 = arith.constant 4 : i32
      %add3A_253 = arith.addi %add3A_246, %add3A_252 : i32
      %lt3A_254 = arith.constant 80 : i32
      %lt3A_255 = arith.cmpi slt, %add3A_253, %lt3A_254 : i32
      %convert_element_type3A_256 = arith.extui %lt3A_255 : i1 to i32
      %cond3A_257 = arith.constant 0 : i32
      %cond3A_258 = arith.cmpi ne, %convert_element_type3A_256, %cond3A_257 : i32
      scf.if %cond3A_258 {
        %add3A_299 = arith.constant 4 : i32
        %add3A_300 = arith.addi %add3A_246, %add3A_299 : i32
        %dma_start3A_301 = arith.constant 0 : i32
        %dma_start3A_302 = tpu.memref_slice %arg7[%add3A_300, %dma_start3A_301] : memref<80x128xi32, #tpu.memory_space<vmem>> -> memref<1x128xi32, #tpu.memory_space<vmem>>
        %dma_start3A_303 = tpu.memref_squeeze %dma_start3A_302 : memref<1x128xi32, #tpu.memory_space<vmem>> -> memref<128xi32, #tpu.memory_space<vmem>>
        %dma_start3A_304 = arith.constant 0 : i32
        %dma_start3A_305 = arith.constant 0 : i32
        %dma_start3A_306 = tpu.memref_slice %arg2[%dma_start3A_304, %dma_start3A_305] : memref<10240x32xf32, #tpu.memory_space<hbm>> -> memref<10240x32xf32, #tpu.memory_space<hbm>>
        tpu.enqueue_indirect_dma source(%dma_start3A_306 : memref<10240x32xf32, #tpu.memory_space<hbm>>) target(%arg11 : memref<128x32xf32, #tpu.memory_space<vmem>>) offsets(%dma_start3A_303 : memref<128xi32, #tpu.memory_space<vmem>>) semaphore(%arg19 : memref<!tpu.dma_semaphore, #tpu.memory_space<semaphore_mem>>)
      } else {
      }
      %dma_wait3A_259 = arith.constant 0 : i32
      %dma_wait3A_260 = tpu.memref_slice %arg7[%add3A_246, %dma_wait3A_259] : memref<80x128xi32, #tpu.memory_space<vmem>> -> memref<1x128xi32, #tpu.memory_space<vmem>>
      %dma_wait3A_261 = tpu.memref_squeeze %dma_wait3A_260 : memref<1x128xi32, #tpu.memory_space<vmem>> -> memref<128xi32, #tpu.memory_space<vmem>>
      %dma_wait3A_262 = arith.constant 0 : i32
      %dma_wait3A_263 = arith.constant 0 : i32
      %dma_wait3A_264 = tpu.memref_slice %arg2[%dma_wait3A_262, %dma_wait3A_263] : memref<10240x32xf32, #tpu.memory_space<hbm>> -> memref<10240x32xf32, #tpu.memory_space<hbm>>
      tpu.wait_indirect_dma semaphore(%arg23 : memref<!tpu.dma_semaphore, #tpu.memory_space<semaphore_mem>>) src(%dma_wait3A_264 : memref<10240x32xf32, #tpu.memory_space<hbm>>) dst(%arg15 : memref<128x32xf32, #tpu.memory_space<vmem>>)
      %dma_start3A_265 = arith.constant 0 : i32
      %dma_start3A_266 = tpu.memref_slice %arg8[%add3A_246, %dma_start3A_265] : memref<80x128xi32, #tpu.memory_space<vmem>> -> memref<1x128xi32, #tpu.memory_space<vmem>>
      %dma_start3A_267 = tpu.memref_squeeze %dma_start3A_266 : memref<1x128xi32, #tpu.memory_space<vmem>> -> memref<128xi32, #tpu.memory_space<vmem>>
      %dma_start3A_268 = arith.constant 0 : i32
      %dma_start3A_269 = arith.constant 0 : i32
      %dma_start3A_270 = tpu.memref_slice %arg33[%dma_start3A_268, %dma_start3A_269] : memref<10240x32xf32, #tpu.memory_space<vmem_shared>> -> memref<10240x32xf32, #tpu.memory_space<vmem_shared>>
      tpu.enqueue_indirect_dma source(%arg15 : memref<128x32xf32, #tpu.memory_space<vmem>>) target(%dma_start3A_270 : memref<10240x32xf32, #tpu.memory_space<vmem_shared>>) offsets(%dma_start3A_267 : memref<128xi32, #tpu.memory_space<vmem>>) semaphore(%arg31 : memref<!tpu.dma_semaphore, #tpu.memory_space<semaphore_mem>>) {add = true}
      %mul3A_271 = arith.constant 8 : i32
      %mul3A_272 = arith.muli %mul3A_271, %scan3A_76 : i32
      %add3A_273 = arith.constant 7 : i32
      %add3A_274 = arith.addi %mul3A_272, %add3A_273 : i32
      %ge3A_275 = arith.constant 4 : i32
      %ge3A_276 = arith.cmpi sge, %add3A_274, %ge3A_275 : i32
      %convert_element_type3A_277 = arith.extui %ge3A_276 : i1 to i32
      %cond3A_278 = arith.constant 0 : i32
      %cond3A_279 = arith.cmpi ne, %convert_element_type3A_277, %cond3A_278 : i32
      scf.if %cond3A_279 {
        %sub3A = arith.constant 4 : i32
        %sub3A_299 = arith.subi %add3A_274, %sub3A : i32
        %dma_wait3A_300 = arith.constant 0 : i32
        %dma_wait3A_301 = tpu.memref_slice %arg8[%sub3A_299, %dma_wait3A_300] : memref<80x128xi32, #tpu.memory_space<vmem>> -> memref<1x128xi32, #tpu.memory_space<vmem>>
        %dma_wait3A_302 = tpu.memref_squeeze %dma_wait3A_301 : memref<1x128xi32, #tpu.memory_space<vmem>> -> memref<128xi32, #tpu.memory_space<vmem>>
        %dma_wait3A_303 = arith.constant 0 : i32
        %dma_wait3A_304 = arith.constant 0 : i32
        %dma_wait3A_305 = tpu.memref_slice %arg33[%dma_wait3A_303, %dma_wait3A_304] : memref<10240x32xf32, #tpu.memory_space<vmem_shared>> -> memref<10240x32xf32, #tpu.memory_space<vmem_shared>>
        tpu.wait_indirect_dma semaphore(%arg28 : memref<!tpu.dma_semaphore, #tpu.memory_space<semaphore_mem>>) src(%arg12 : memref<128x32xf32, #tpu.memory_space<vmem>>) dst(%dma_wait3A_305 : memref<10240x32xf32, #tpu.memory_space<vmem_shared>>)
      } else {
      }
      %add3A_280 = arith.constant 4 : i32
      %add3A_281 = arith.addi %add3A_274, %add3A_280 : i32
      %lt3A_282 = arith.constant 80 : i32
      %lt3A_283 = arith.cmpi slt, %add3A_281, %lt3A_282 : i32
      %convert_element_type3A_284 = arith.extui %lt3A_283 : i1 to i32
      %cond3A_285 = arith.constant 0 : i32
      %cond3A_286 = arith.cmpi ne, %convert_element_type3A_284, %cond3A_285 : i32
      scf.if %cond3A_286 {
        %add3A_299 = arith.constant 4 : i32
        %add3A_300 = arith.addi %add3A_274, %add3A_299 : i32
        %dma_start3A_301 = arith.constant 0 : i32
        %dma_start3A_302 = tpu.memref_slice %arg7[%add3A_300, %dma_start3A_301] : memref<80x128xi32, #tpu.memory_space<vmem>> -> memref<1x128xi32, #tpu.memory_space<vmem>>
        %dma_start3A_303 = tpu.memref_squeeze %dma_start3A_302 : memref<1x128xi32, #tpu.memory_space<vmem>> -> memref<128xi32, #tpu.memory_space<vmem>>
        %dma_start3A_304 = arith.constant 0 : i32
        %dma_start3A_305 = arith.constant 0 : i32
        %dma_start3A_306 = tpu.memref_slice %arg2[%dma_start3A_304, %dma_start3A_305] : memref<10240x32xf32, #tpu.memory_space<hbm>> -> memref<10240x32xf32, #tpu.memory_space<hbm>>
        tpu.enqueue_indirect_dma source(%dma_start3A_306 : memref<10240x32xf32, #tpu.memory_space<hbm>>) target(%arg12 : memref<128x32xf32, #tpu.memory_space<vmem>>) offsets(%dma_start3A_303 : memref<128xi32, #tpu.memory_space<vmem>>) semaphore(%arg20 : memref<!tpu.dma_semaphore, #tpu.memory_space<semaphore_mem>>)
      } else {
      }
      %dma_wait3A_287 = arith.constant 0 : i32
      %dma_wait3A_288 = tpu.memref_slice %arg7[%add3A_274, %dma_wait3A_287] : memref<80x128xi32, #tpu.memory_space<vmem>> -> memref<1x128xi32, #tpu.memory_space<vmem>>
      %dma_wait3A_289 = tpu.memref_squeeze %dma_wait3A_288 : memref<1x128xi32, #tpu.memory_space<vmem>> -> memref<128xi32, #tpu.memory_space<vmem>>
      %dma_wait3A_290 = arith.constant 0 : i32
      %dma_wait3A_291 = arith.constant 0 : i32
      %dma_wait3A_292 = tpu.memref_slice %arg2[%dma_wait3A_290, %dma_wait3A_291] : memref<10240x32xf32, #tpu.memory_space<hbm>> -> memref<10240x32xf32, #tpu.memory_space<hbm>>
      tpu.wait_indirect_dma semaphore(%arg24 : memref<!tpu.dma_semaphore, #tpu.memory_space<semaphore_mem>>) src(%dma_wait3A_292 : memref<10240x32xf32, #tpu.memory_space<hbm>>) dst(%arg16 : memref<128x32xf32, #tpu.memory_space<vmem>>)
      %dma_start3A_293 = arith.constant 0 : i32
      %dma_start3A_294 = tpu.memref_slice %arg8[%add3A_274, %dma_start3A_293] : memref<80x128xi32, #tpu.memory_space<vmem>> -> memref<1x128xi32, #tpu.memory_space<vmem>>
      %dma_start3A_295 = tpu.memref_squeeze %dma_start3A_294 : memref<1x128xi32, #tpu.memory_space<vmem>> -> memref<128xi32, #tpu.memory_space<vmem>>
      %dma_start3A_296 = arith.constant 0 : i32
      %dma_start3A_297 = arith.constant 0 : i32
      %dma_start3A_298 = tpu.memref_slice %arg33[%dma_start3A_296, %dma_start3A_297] : memref<10240x32xf32, #tpu.memory_space<vmem_shared>> -> memref<10240x32xf32, #tpu.memory_space<vmem_shared>>
      tpu.enqueue_indirect_dma source(%arg16 : memref<128x32xf32, #tpu.memory_space<vmem>>) target(%dma_start3A_298 : memref<10240x32xf32, #tpu.memory_space<vmem_shared>>) offsets(%dma_start3A_295 : memref<128xi32, #tpu.memory_space<vmem>>) semaphore(%arg32 : memref<!tpu.dma_semaphore, #tpu.memory_space<semaphore_mem>>) {add = true}
    }
    %scan3A_44 = arith.constant 10 : i32
    %dma_wait3A = arith.constant 76 : i32
    %dma_wait3A_45 = arith.constant 0 : i32
    %dma_wait3A_46 = tpu.memref_slice %arg8[%dma_wait3A, %dma_wait3A_45] : memref<80x128xi32, #tpu.memory_space<vmem>> -> memref<1x128xi32, #tpu.memory_space<vmem>>
    %dma_wait3A_47 = tpu.memref_squeeze %dma_wait3A_46 : memref<1x128xi32, #tpu.memory_space<vmem>> -> memref<128xi32, #tpu.memory_space<vmem>>
    %dma_wait3A_48 = arith.constant 0 : i32
    %dma_wait3A_49 = arith.constant 0 : i32
    %dma_wait3A_50 = tpu.memref_slice %arg33[%dma_wait3A_48, %dma_wait3A_49] : memref<10240x32xf32, #tpu.memory_space<vmem_shared>> -> memref<10240x32xf32, #tpu.memory_space<vmem_shared>>
    tpu.wait_indirect_dma semaphore(%arg29 : memref<!tpu.dma_semaphore, #tpu.memory_space<semaphore_mem>>) src(%arg13 : memref<128x32xf32, #tpu.memory_space<vmem>>) dst(%dma_wait3A_50 : memref<10240x32xf32, #tpu.memory_space<vmem_shared>>)
    %dma_wait3A_51 = arith.constant 77 : i32
    %dma_wait3A_52 = arith.constant 0 : i32
    %dma_wait3A_53 = tpu.memref_slice %arg8[%dma_wait3A_51, %dma_wait3A_52] : memref<80x128xi32, #tpu.memory_space<vmem>> -> memref<1x128xi32, #tpu.memory_space<vmem>>
    %dma_wait3A_54 = tpu.memref_squeeze %dma_wait3A_53 : memref<1x128xi32, #tpu.memory_space<vmem>> -> memref<128xi32, #tpu.memory_space<vmem>>
    %dma_wait3A_55 = arith.constant 0 : i32
    %dma_wait3A_56 = arith.constant 0 : i32
    %dma_wait3A_57 = tpu.memref_slice %arg33[%dma_wait3A_55, %dma_wait3A_56] : memref<10240x32xf32, #tpu.memory_space<vmem_shared>> -> memref<10240x32xf32, #tpu.memory_space<vmem_shared>>
    tpu.wait_indirect_dma semaphore(%arg30 : memref<!tpu.dma_semaphore, #tpu.memory_space<semaphore_mem>>) src(%arg14 : memref<128x32xf32, #tpu.memory_space<vmem>>) dst(%dma_wait3A_57 : memref<10240x32xf32, #tpu.memory_space<vmem_shared>>)
    %dma_wait3A_58 = arith.constant 78 : i32
    %dma_wait3A_59 = arith.constant 0 : i32
    %dma_wait3A_60 = tpu.memref_slice %arg8[%dma_wait3A_58, %dma_wait3A_59] : memref<80x128xi32, #tpu.memory_space<vmem>> -> memref<1x128xi32, #tpu.memory_space<vmem>>
    %dma_wait3A_61 = tpu.memref_squeeze %dma_wait3A_60 : memref<1x128xi32, #tpu.memory_space<vmem>> -> memref<128xi32, #tpu.memory_space<vmem>>
    %dma_wait3A_62 = arith.constant 0 : i32
    %dma_wait3A_63 = arith.constant 0 : i32
    %dma_wait3A_64 = tpu.memref_slice %arg33[%dma_wait3A_62, %dma_wait3A_63] : memref<10240x32xf32, #tpu.memory_space<vmem_shared>> -> memref<10240x32xf32, #tpu.memory_space<vmem_shared>>
    tpu.wait_indirect_dma semaphore(%arg31 : memref<!tpu.dma_semaphore, #tpu.memory_space<semaphore_mem>>) src(%arg15 : memref<128x32xf32, #tpu.memory_space<vmem>>) dst(%dma_wait3A_64 : memref<10240x32xf32, #tpu.memory_space<vmem_shared>>)
    %dma_wait3A_65 = arith.constant 79 : i32
    %dma_wait3A_66 = arith.constant 0 : i32
    %dma_wait3A_67 = tpu.memref_slice %arg8[%dma_wait3A_65, %dma_wait3A_66] : memref<80x128xi32, #tpu.memory_space<vmem>> -> memref<1x128xi32, #tpu.memory_space<vmem>>
    %dma_wait3A_68 = tpu.memref_squeeze %dma_wait3A_67 : memref<1x128xi32, #tpu.memory_space<vmem>> -> memref<128xi32, #tpu.memory_space<vmem>>
    %dma_wait3A_69 = arith.constant 0 : i32
    %dma_wait3A_70 = arith.constant 0 : i32
    %dma_wait3A_71 = tpu.memref_slice %arg33[%dma_wait3A_69, %dma_wait3A_70] : memref<10240x32xf32, #tpu.memory_space<vmem_shared>> -> memref<10240x32xf32, #tpu.memory_space<vmem_shared>>
    tpu.wait_indirect_dma semaphore(%arg32 : memref<!tpu.dma_semaphore, #tpu.memory_space<semaphore_mem>>) src(%arg16 : memref<128x32xf32, #tpu.memory_space<vmem>>) dst(%dma_wait3A_71 : memref<10240x32xf32, #tpu.memory_space<vmem_shared>>)
    %barrier3A_72 = arith.constant 0 : index
    tpu.barrier barrier_id(%barrier3A_72)
    %mul3A_73 = arith.constant 10240 : i32
    %mul3A_74 = arith.muli %arg0, %mul3A_73 : i32
    %add3A_75 = arith.addi %mul3A_74, %mul3A_2 : i32
    "tpu.region"() ({
      %run_scoped3A = tpu.sem_alloc : memref<!tpu.dma_semaphore, #tpu.memory_space<semaphore_mem>>
      %dma_start3A_76 = arith.constant 0 : i32
      %dma_start3A_77 = tpu.memref_slice %arg6[%add3A_75, %dma_start3A_76] : memref<20480x128xf32, #tpu.memory_space<hbm>> -> memref<640x32xf32, #tpu.memory_space<hbm>>
      %dma_start3A_78 = arith.constant 0 : i32
      %dma_start3A_79 = tpu.memref_slice %arg33[%mul3A_2, %dma_start3A_78] : memref<10240x32xf32, #tpu.memory_space<vmem_shared>> -> memref<640x32xf32, #tpu.memory_space<vmem_shared>>
      tpu.enqueue_dma source(%dma_start3A_79 : memref<640x32xf32, #tpu.memory_space<vmem_shared>>) target(%dma_start3A_77 : memref<640x32xf32, #tpu.memory_space<hbm>>) target_semaphore(%run_scoped3A : memref<!tpu.dma_semaphore, #tpu.memory_space<semaphore_mem>>)
      %dma_wait3A_80 = arith.constant 0 : i32
      %dma_wait3A_81 = tpu.memref_slice %arg6[%add3A_75, %dma_wait3A_80] : memref<20480x128xf32, #tpu.memory_space<hbm>> -> memref<640x32xf32, #tpu.memory_space<hbm>>
      %dma_wait3A_82 = arith.constant 0 : i32
      %dma_wait3A_83 = tpu.memref_slice %arg33[%mul3A_2, %dma_wait3A_82] : memref<10240x32xf32, #tpu.memory_space<vmem_shared>> -> memref<640x32xf32, #tpu.memory_space<vmem_shared>>
      tpu.wait_dma2 semaphore(%run_scoped3A : memref<!tpu.dma_semaphore, #tpu.memory_space<semaphore_mem>>) src(%dma_wait3A_83 : memref<640x32xf32, #tpu.memory_space<vmem_shared>>) dst(%dma_wait3A_81 : memref<640x32xf32, #tpu.memory_space<hbm>>)
      tpu.yield
    }) : () -> ()
    return
  }
}

module attributes {stable_mosaic.version = 14 : i64} {
  func.func @_mm1_body(%arg0: i32, %arg1: memref<512x256xf32, #tpu.memory_space<vmem>>, %arg2: memref<256x128xf32, #tpu.memory_space<vmem>>, %arg3: memref<512x128xf32, #tpu.memory_space<vmem>>, %arg4: memref<512x128xf32, #tpu.memory_space<vmem>>) attributes {dimension_semantics = [#tpu.dimension_semantics<arbitrary>], iteration_bounds = array<i64: 10>, scalar_prefetch = 0 : i64, scratch_operands = 0 : i64, tpu.core_type = #tpu.core_type<tc>, window_params = [{transform_indices = @transform_0, window_bounds = array<i64: 512, 256>}, {pipeline_mode = #tpu.pipeline_mode<synchronous>, transform_indices = @transform_1, window_bounds = array<i64: 256, 128>}, {transform_indices = @transform_2, window_bounds = array<i64: 512, 128>}, {transform_indices = @transform_3, window_bounds = array<i64: 512, 128>}]} {
    %get3A = arith.constant 0 : index
    %get3A_0 = arith.constant 0 : index
    %get3A_1 = vector.load %arg1[%get3A, %get3A_0] : memref<512x256xf32, #tpu.memory_space<vmem>>, vector<512x256xf32>
    %get3A_2 = arith.constant 0 : index
    %get3A_3 = arith.constant 0 : index
    %get3A_4 = vector.load %arg2[%get3A_2, %get3A_3] : memref<256x128xf32, #tpu.memory_space<vmem>>, vector<256x128xf32>
    %dot_general3A = arith.constant dense<0.000000e+00> : vector<512x128xf32>
    %dot_general3A_5 = tpu.matmul %get3A_1, %get3A_4, %dot_general3A {dimension_numbers = #tpu.dot_dimension_numbers<[1], [0], [0], [1], [0, 0, 1, 1], [], []>, transpose_lhs_hint = false} : vector<512x256xf32>, vector<256x128xf32>, vector<512x128xf32> -> vector<512x128xf32>
    %get3A_6 = arith.constant 0 : index
    %get3A_7 = arith.constant 0 : index
    %get3A_8 = vector.load %arg3[%get3A_6, %get3A_7] : memref<512x128xf32, #tpu.memory_space<vmem>>, vector<512x128xf32>
    %mul3A = arith.mulf %dot_general3A_5, %get3A_8 : vector<512x128xf32>
    %swap3A = arith.constant 0 : index
    %swap3A_9 = arith.constant 0 : index
    %swap3A_10 = vector.load %arg4[%swap3A, %swap3A_9] : memref<512x128xf32, #tpu.memory_space<vmem>>, vector<512x128xf32>
    tpu.vector_store %arg4[%swap3A, %swap3A_9], %mul3A {strides = array<i32>} : memref<512x128xf32, #tpu.memory_space<vmem>>, vector<512x128xf32>,
    return
  }
  func.func @transform_0(%arg0: i32) -> (i32, i32) {
    %add3A = arith.constant 0 : i32
    %add3A_0 = arith.addi %arg0, %add3A : i32
    %c0_i32 = arith.constant 0 : i32
    %c0_i32_1 = arith.constant 0 : i32
    return %add3A_0, %c0_i32 : i32, i32
  }
  func.func @transform_1(%arg0: i32) -> (i32, i32) {
    %c0_i32 = arith.constant 0 : i32
    %c0_i32_0 = arith.constant 0 : i32
    %c0_i32_1 = arith.constant 0 : i32
    return %c0_i32, %c0_i32_0 : i32, i32
  }
  func.func @transform_2(%arg0: i32) -> (i32, i32) {
    %add3A = arith.constant 0 : i32
    %add3A_0 = arith.addi %arg0, %add3A : i32
    %c0_i32 = arith.constant 0 : i32
    %c0_i32_1 = arith.constant 0 : i32
    return %add3A_0, %c0_i32 : i32, i32
  }
  func.func @transform_3(%arg0: i32) -> (i32, i32) {
    %add3A = arith.constant 0 : i32
    %add3A_0 = arith.addi %arg0, %add3A : i32
    %c0_i32 = arith.constant 0 : i32
    %c0_i32_1 = arith.constant 0 : i32
    return %add3A_0, %c0_i32 : i32, i32
  }
}

module attributes {stable_mosaic.version = 14 : i64} {
  func.func @_scale_flat_body(%arg0: i32, %arg1: memref<65536xf32, #tpu.memory_space<vmem>>, %arg2: memref<65536xf32, #tpu.memory_space<vmem>>, %arg3: memref<65536xf32, #tpu.memory_space<vmem>>, %arg4: memref<65536xf32, #tpu.memory_space<vmem>>) attributes {dimension_semantics = [#tpu.dimension_semantics<arbitrary>], iteration_bounds = array<i64: 10>, scalar_prefetch = 0 : i64, scratch_operands = 0 : i64, tpu.core_type = #tpu.core_type<tc>, window_params = [{transform_indices = @transform_0, window_bounds = array<i64: 65536>}, {transform_indices = @transform_1, window_bounds = array<i64: 65536>}, {transform_indices = @transform_2, window_bounds = array<i64: 65536>}, {transform_indices = @transform_3, window_bounds = array<i64: 65536>}]} {
    %get3A = arith.constant 0 : index
    %get3A_0 = vector.load %arg3[%get3A] : memref<65536xf32, #tpu.memory_space<vmem>>, vector<65536xf32>
    %get3A_1 = arith.constant 0 : index
    %get3A_2 = vector.load %arg1[%get3A_1] : memref<65536xf32, #tpu.memory_space<vmem>>, vector<65536xf32>
    %get3A_3 = arith.constant 0 : index
    %get3A_4 = vector.load %arg2[%get3A_3] : memref<65536xf32, #tpu.memory_space<vmem>>, vector<65536xf32>
    %add3A = arith.addf %get3A_2, %get3A_4 : vector<65536xf32>
    %mul3A = arith.mulf %get3A_0, %get3A_0 : vector<65536xf32>
    %mul3A_5 = arith.mulf %add3A, %mul3A : vector<65536xf32>
    %swap3A = arith.constant 0 : index
    %swap3A_6 = vector.load %arg4[%swap3A] : memref<65536xf32, #tpu.memory_space<vmem>>, vector<65536xf32>
    tpu.vector_store %arg4[%swap3A], %mul3A_5 {strides = array<i32>} : memref<65536xf32, #tpu.memory_space<vmem>>, vector<65536xf32>,
    return
  }
  func.func @transform_0(%arg0: i32) -> i32 {
    %c0_i32 = arith.constant 0 : i32
    return %arg0 : i32
  }
  func.func @transform_1(%arg0: i32) -> i32 {
    %add3A = arith.constant 10 : i32
    %add3A_0 = arith.addi %arg0, %add3A : i32
    %c0_i32 = arith.constant 0 : i32
    return %add3A_0 : i32
  }
  func.func @transform_2(%arg0: i32) -> i32 {
    %c0_i32 = arith.constant 0 : i32
    return %arg0 : i32
  }
  func.func @transform_3(%arg0: i32) -> i32 {
    %c0_i32 = arith.constant 0 : i32
    return %arg0 : i32
  }
}

module attributes {stable_mosaic.version = 14 : i64} {
  func.func @_mm2_body(%arg0: i32, %arg1: memref<512x128xf32, #tpu.memory_space<vmem>>, %arg2: memref<512x128xf32, #tpu.memory_space<vmem>>, %arg3: memref<512x128xf32, #tpu.memory_space<vmem>>, %arg4: memref<512x64xf32, #tpu.memory_space<vmem>>, %arg5: memref<1x128xf32, #tpu.memory_space<vmem>>, %arg6: memref<128x64xf32, #tpu.memory_space<vmem>>, %arg7: memref<512x64xf32, #tpu.memory_space<vmem>>) attributes {dimension_semantics = [#tpu.dimension_semantics<arbitrary>], iteration_bounds = array<i64: 10>, scalar_prefetch = 0 : i64, scratch_operands = 0 : i64, tpu.core_type = #tpu.core_type<tc>, window_params = [{transform_indices = @transform_0, window_bounds = array<i64: 512, 128>}, {transform_indices = @transform_1, window_bounds = array<i64: 512, 128>}, {transform_indices = @transform_2, window_bounds = array<i64: 512, 128>}, {transform_indices = @transform_3, window_bounds = array<i64: 512, 64>}, {pipeline_mode = #tpu.pipeline_mode<synchronous>, transform_indices = @transform_4, window_bounds = array<i64: 1, 128>}, {pipeline_mode = #tpu.pipeline_mode<synchronous>, transform_indices = @transform_5, window_bounds = array<i64: 128, 64>}, {transform_indices = @transform_6, window_bounds = array<i64: 512, 64>}]} {
    %get3A = arith.constant 0 : index
    %get3A_0 = arith.constant 0 : index
    %get3A_1 = vector.load %arg3[%get3A, %get3A_0] : memref<512x128xf32, #tpu.memory_space<vmem>>, vector<512x128xf32>
    %get3A_2 = arith.constant 0 : index
    %get3A_3 = arith.constant 0 : index
    %get3A_4 = vector.load %arg1[%get3A_2, %get3A_3] : memref<512x128xf32, #tpu.memory_space<vmem>>, vector<512x128xf32>
    %get3A_5 = arith.constant 0 : index
    %get3A_6 = arith.constant 0 : index
    %get3A_7 = vector.load %arg2[%get3A_5, %get3A_6] : memref<512x128xf32, #tpu.memory_space<vmem>>, vector<512x128xf32>
    %add3A = arith.addf %get3A_4, %get3A_7 : vector<512x128xf32>
    %mul3A = arith.mulf %add3A, %get3A_1 : vector<512x128xf32>
    %get3A_8 = arith.constant 0 : index
    %get3A_9 = arith.constant 0 : index
    %get3A_10 = vector.load %arg5[%get3A_8, %get3A_9] : memref<1x128xf32, #tpu.memory_space<vmem>>, vector<1x128xf32>
    %add3A_11 = vector.broadcast %get3A_10 : vector<1x128xf32> to vector<512x128xf32>
    %add3A_12 = arith.addf %mul3A, %add3A_11 : vector<512x128xf32>
    %max3A = arith.constant 0.000000e+00 : f32
    %max3A_13 = vector.broadcast %max3A : f32 to vector<512x128xf32>
    %max3A_14 = arith.maximumf %add3A_12, %max3A_13 : vector<512x128xf32>
    %get3A_15 = arith.constant 0 : index
    %get3A_16 = arith.constant 0 : index
    %get3A_17 = vector.load %arg6[%get3A_15, %get3A_16] : memref<128x64xf32, #tpu.memory_space<vmem>>, vector<128x64xf32>
    %dot_general3A = arith.constant dense<0.000000e+00> : vector<512x64xf32>
    %dot_general3A_18 = tpu.matmul %max3A_14, %get3A_17, %dot_general3A {dimension_numbers = #tpu.dot_dimension_numbers<[1], [0], [0], [1], [0, 0, 1, 1], [], []>, transpose_lhs_hint = false} : vector<512x128xf32>, vector<128x64xf32>, vector<512x64xf32> -> vector<512x64xf32>
    %get3A_19 = arith.constant 0 : index
    %get3A_20 = arith.constant 0 : index
    %get3A_21 = vector.load %arg4[%get3A_19, %get3A_20] : memref<512x64xf32, #tpu.memory_space<vmem>>, vector<512x64xf32>
    %mul3A_22 = arith.mulf %dot_general3A_18, %get3A_21 : vector<512x64xf32>
    %swap3A = arith.constant 0 : index
    %swap3A_23 = arith.constant 0 : index
    %swap3A_24 = vector.load %arg7[%swap3A, %swap3A_23] : memref<512x64xf32, #tpu.memory_space<vmem>>, vector<512x64xf32>
    tpu.vector_store %arg7[%swap3A, %swap3A_23], %mul3A_22 {strides = array<i32>} : memref<512x64xf32, #tpu.memory_space<vmem>>, vector<512x64xf32>,
    return
  }
  func.func @transform_0(%arg0: i32) -> (i32, i32) {
    %add3A = arith.constant 0 : i32
    %add3A_0 = arith.addi %arg0, %add3A : i32
    %c0_i32 = arith.constant 0 : i32
    %c0_i32_1 = arith.constant 0 : i32
    return %add3A_0, %c0_i32 : i32, i32
  }
  func.func @transform_1(%arg0: i32) -> (i32, i32) {
    %add3A = arith.constant 10 : i32
    %add3A_0 = arith.addi %arg0, %add3A : i32
    %c0_i32 = arith.constant 0 : i32
    %c0_i32_1 = arith.constant 0 : i32
    return %add3A_0, %c0_i32 : i32, i32
  }
  func.func @transform_2(%arg0: i32) -> (i32, i32) {
    %add3A = arith.constant 0 : i32
    %add3A_0 = arith.addi %arg0, %add3A : i32
    %c0_i32 = arith.constant 0 : i32
    %c0_i32_1 = arith.constant 0 : i32
    return %add3A_0, %c0_i32 : i32, i32
  }
  func.func @transform_3(%arg0: i32) -> (i32, i32) {
    %add3A = arith.constant 0 : i32
    %add3A_0 = arith.addi %arg0, %add3A : i32
    %c0_i32 = arith.constant 0 : i32
    %c0_i32_1 = arith.constant 0 : i32
    return %add3A_0, %c0_i32 : i32, i32
  }
  func.func @transform_4(%arg0: i32) -> (i32, i32) {
    %c0_i32 = arith.constant 0 : i32
    %c0_i32_0 = arith.constant 0 : i32
    %c0_i32_1 = arith.constant 0 : i32
    return %c0_i32, %c0_i32_0 : i32, i32
  }
  func.func @transform_5(%arg0: i32) -> (i32, i32) {
    %c0_i32 = arith.constant 0 : i32
    %c0_i32_0 = arith.constant 0 : i32
    %c0_i32_1 = arith.constant 0 : i32
    return %c0_i32, %c0_i32_0 : i32, i32
  }
  func.func @transform_6(%arg0: i32) -> (i32, i32) {
    %add3A = arith.constant 0 : i32
    %add3A_0 = arith.addi %arg0, %add3A : i32
    %c0_i32 = arith.constant 0 : i32
    %c0_i32_1 = arith.constant 0 : i32
    return %add3A_0, %c0_i32 : i32, i32
  }
}

module attributes {stable_mosaic.version = 14 : i64} {
  func.func @_scale_flat_body(%arg0: i32, %arg1: memref<32768xf32, #tpu.memory_space<vmem>>, %arg2: memref<32768xf32, #tpu.memory_space<vmem>>, %arg3: memref<32768xf32, #tpu.memory_space<vmem>>, %arg4: memref<32768xf32, #tpu.memory_space<vmem>>) attributes {dimension_semantics = [#tpu.dimension_semantics<arbitrary>], iteration_bounds = array<i64: 10>, scalar_prefetch = 0 : i64, scratch_operands = 0 : i64, tpu.core_type = #tpu.core_type<tc>, window_params = [{transform_indices = @transform_0, window_bounds = array<i64: 32768>}, {transform_indices = @transform_1, window_bounds = array<i64: 32768>}, {transform_indices = @transform_2, window_bounds = array<i64: 32768>}, {transform_indices = @transform_3, window_bounds = array<i64: 32768>}]} {
    %get3A = arith.constant 0 : index
    %get3A_0 = vector.load %arg3[%get3A] : memref<32768xf32, #tpu.memory_space<vmem>>, vector<32768xf32>
    %get3A_1 = arith.constant 0 : index
    %get3A_2 = vector.load %arg1[%get3A_1] : memref<32768xf32, #tpu.memory_space<vmem>>, vector<32768xf32>
    %get3A_3 = arith.constant 0 : index
    %get3A_4 = vector.load %arg2[%get3A_3] : memref<32768xf32, #tpu.memory_space<vmem>>, vector<32768xf32>
    %add3A = arith.addf %get3A_2, %get3A_4 : vector<32768xf32>
    %mul3A = arith.mulf %get3A_0, %get3A_0 : vector<32768xf32>
    %mul3A_5 = arith.mulf %add3A, %mul3A : vector<32768xf32>
    %swap3A = arith.constant 0 : index
    %swap3A_6 = vector.load %arg4[%swap3A] : memref<32768xf32, #tpu.memory_space<vmem>>, vector<32768xf32>
    tpu.vector_store %arg4[%swap3A], %mul3A_5 {strides = array<i32>} : memref<32768xf32, #tpu.memory_space<vmem>>, vector<32768xf32>,
    return
  }
  func.func @transform_0(%arg0: i32) -> i32 {
    %c0_i32 = arith.constant 0 : i32
    return %arg0 : i32
  }
  func.func @transform_1(%arg0: i32) -> i32 {
    %add3A = arith.constant 10 : i32
    %add3A_0 = arith.addi %arg0, %add3A : i32
    %c0_i32 = arith.constant 0 : i32
    return %add3A_0 : i32
  }
  func.func @transform_2(%arg0: i32) -> i32 {
    %c0_i32 = arith.constant 0 : i32
    return %arg0 : i32
  }
  func.func @transform_3(%arg0: i32) -> i32 {
    %c0_i32 = arith.constant 0 : i32
    return %arg0 : i32
  }
}

module attributes {stable_mosaic.version = 14 : i64} {
  func.func @_mm3_body(%arg0: i32, %arg1: memref<1024x128xf32, #tpu.memory_space<vmem>>, %arg2: memref<1024x128xf32, #tpu.memory_space<vmem>>, %arg3: memref<1024xf32, #tpu.memory_space<vmem>>, %arg4: memref<1024xf32, #tpu.memory_space<vmem>>, %arg5: memref<1x32xf32, #tpu.memory_space<vmem>>, %arg6: memref<32x40xf32, #tpu.memory_space<vmem>>, %arg7: memref<1x40xf32, #tpu.memory_space<vmem>>, %arg8: memref<1024x32xf32, #tpu.memory_space<vmem>>, %arg9: memref<1024x40xf32, #tpu.memory_space<vmem>>) attributes {dimension_semantics = [#tpu.dimension_semantics<arbitrary>], iteration_bounds = array<i64: 10>, scalar_prefetch = 0 : i64, scratch_operands = 0 : i64, tpu.core_type = #tpu.core_type<tc>, window_params = [{transform_indices = @transform_0, window_bounds = array<i64: 1024, 128>}, {transform_indices = @transform_1, window_bounds = array<i64: 1024, 128>}, {transform_indices = @transform_2, window_bounds = array<i64: 1024>}, {transform_indices = @transform_3, window_bounds = array<i64: 1024>}, {pipeline_mode = #tpu.pipeline_mode<synchronous>, transform_indices = @transform_4, window_bounds = array<i64: 1, 32>}, {pipeline_mode = #tpu.pipeline_mode<synchronous>, transform_indices = @transform_5, window_bounds = array<i64: 32, 40>}, {pipeline_mode = #tpu.pipeline_mode<synchronous>, transform_indices = @transform_6, window_bounds = array<i64: 1, 40>}, {transform_indices = @transform_7, window_bounds = array<i64: 1024, 32>}, {transform_indices = @transform_8, window_bounds = array<i64: 1024, 40>}]} {
    %get3A = arith.constant 0 : index
    %get3A_0 = vector.load %arg3[%get3A] : memref<1024xf32, #tpu.memory_space<vmem>>, vector<1024xf32>
    %get3A_1 = arith.constant 0 : index
    %get3A_2 = vector.load %arg4[%get3A_1] : memref<1024xf32, #tpu.memory_space<vmem>>, vector<1024xf32>
    %add3A = arith.addf %get3A_0, %get3A_2 : vector<1024xf32>
    %add3A_3 = arith.constant 1.000000e+00 : f32
    %add3A_4 = vector.broadcast %add3A_3 : f32 to vector<1024xf32>
    %add3A_5 = arith.addf %add3A, %add3A_4 : vector<1024xf32>
    %reshape3A = vector.shape_cast %add3A_5 : vector<1024xf32> to vector<1024x1xf32>
    %rsqrt3A = math.rsqrt %reshape3A : vector<1024x1xf32>
    %get3A_6 = arith.constant 0 : index
    %get3A_7 = arith.constant 0 : index
    %get3A_8 = vector.load %arg1[%get3A_6, %get3A_7] : memref<1024x128xf32, #tpu.memory_space<vmem>>, vector<1024x32xf32>
    %get3A_9 = arith.constant 0 : index
    %get3A_10 = arith.constant 0 : index
    %get3A_11 = vector.load %arg2[%get3A_9, %get3A_10] : memref<1024x128xf32, #tpu.memory_space<vmem>>, vector<1024x32xf32>
    %add3A_12 = arith.addf %get3A_8, %get3A_11 : vector<1024x32xf32>
    %mul3A = vector.broadcast %rsqrt3A : vector<1024x1xf32> to vector<1024x32xf32>
    %mul3A_13 = arith.mulf %add3A_12, %mul3A : vector<1024x32xf32>
    %get3A_14 = arith.constant 0 : index
    %get3A_15 = arith.constant 0 : index
    %get3A_16 = vector.load %arg5[%get3A_14, %get3A_15] : memref<1x32xf32, #tpu.memory_space<vmem>>, vector<1x32xf32>
    %add3A_17 = vector.broadcast %get3A_16 : vector<1x32xf32> to vector<1024x32xf32>
    %add3A_18 = arith.addf %mul3A_13, %add3A_17 : vector<1024x32xf32>
    %max3A = arith.constant 0.000000e+00 : f32
    %max3A_19 = vector.broadcast %max3A : f32 to vector<1024x32xf32>
    %max3A_20 = arith.maximumf %add3A_18, %max3A_19 : vector<1024x32xf32>
    %swap3A = arith.constant 0 : index
    %swap3A_21 = arith.constant 0 : index
    %swap3A_22 = vector.load %arg8[%swap3A, %swap3A_21] : memref<1024x32xf32, #tpu.memory_space<vmem>>, vector<1024x32xf32>
    tpu.vector_store %arg8[%swap3A, %swap3A_21], %max3A_20 {strides = array<i32>} : memref<1024x32xf32, #tpu.memory_space<vmem>>, vector<1024x32xf32>,
    %get3A_23 = arith.constant 0 : index
    %get3A_24 = arith.constant 0 : index
    %get3A_25 = vector.load %arg6[%get3A_23, %get3A_24] : memref<32x40xf32, #tpu.memory_space<vmem>>, vector<32x40xf32>
    %dot_general3A = arith.constant dense<0.000000e+00> : vector<1024x40xf32>
    %dot_general3A_26 = tpu.matmul %max3A_20, %get3A_25, %dot_general3A {dimension_numbers = #tpu.dot_dimension_numbers<[1], [0], [0], [1], [0, 0, 1, 1], [], []>, transpose_lhs_hint = false} : vector<1024x32xf32>, vector<32x40xf32>, vector<1024x40xf32> -> vector<1024x40xf32>
    %get3A_27 = arith.constant 0 : index
    %get3A_28 = arith.constant 0 : index
    %get3A_29 = vector.load %arg7[%get3A_27, %get3A_28] : memref<1x40xf32, #tpu.memory_space<vmem>>, vector<1x40xf32>
    %add3A_30 = vector.broadcast %get3A_29 : vector<1x40xf32> to vector<1024x40xf32>
    %add3A_31 = arith.addf %dot_general3A_26, %add3A_30 : vector<1024x40xf32>
    %swap3A_32 = arith.constant 0 : index
    %swap3A_33 = arith.constant 0 : index
    %swap3A_34 = vector.load %arg9[%swap3A_32, %swap3A_33] : memref<1024x40xf32, #tpu.memory_space<vmem>>, vector<1024x40xf32>
    tpu.vector_store %arg9[%swap3A_32, %swap3A_33], %add3A_31 {strides = array<i32>} : memref<1024x40xf32, #tpu.memory_space<vmem>>, vector<1024x40xf32>,
    return
  }
  func.func @transform_0(%arg0: i32) -> (i32, i32) {
    %c0_i32 = arith.constant 0 : i32
    %c0_i32_0 = arith.constant 0 : i32
    return %arg0, %c0_i32 : i32, i32
  }
  func.func @transform_1(%arg0: i32) -> (i32, i32) {
    %add3A = arith.constant 10 : i32
    %add3A_0 = arith.addi %arg0, %add3A : i32
    %c0_i32 = arith.constant 0 : i32
    %c0_i32_1 = arith.constant 0 : i32
    return %add3A_0, %c0_i32 : i32, i32
  }
  func.func @transform_2(%arg0: i32) -> i32 {
    %c0_i32 = arith.constant 0 : i32
    return %arg0 : i32
  }
  func.func @transform_3(%arg0: i32) -> i32 {
    %add3A = arith.constant 10 : i32
    %add3A_0 = arith.addi %arg0, %add3A : i32
    %c0_i32 = arith.constant 0 : i32
    return %add3A_0 : i32
  }
  func.func @transform_4(%arg0: i32) -> (i32, i32) {
    %c0_i32 = arith.constant 0 : i32
    %c0_i32_0 = arith.constant 0 : i32
    %c0_i32_1 = arith.constant 0 : i32
    return %c0_i32, %c0_i32_0 : i32, i32
  }
  func.func @transform_5(%arg0: i32) -> (i32, i32) {
    %c0_i32 = arith.constant 0 : i32
    %c0_i32_0 = arith.constant 0 : i32
    %c0_i32_1 = arith.constant 0 : i32
    return %c0_i32, %c0_i32_0 : i32, i32
  }
  func.func @transform_6(%arg0: i32) -> (i32, i32) {
    %c0_i32 = arith.constant 0 : i32
    %c0_i32_0 = arith.constant 0 : i32
    %c0_i32_1 = arith.constant 0 : i32
    return %c0_i32, %c0_i32_0 : i32, i32
  }
  func.func @transform_7(%arg0: i32) -> (i32, i32) {
    %c0_i32 = arith.constant 0 : i32
    %c0_i32_0 = arith.constant 0 : i32
    return %arg0, %c0_i32 : i32, i32
  }
  func.func @transform_8(%arg0: i32) -> (i32, i32) {
    %c0_i32 = arith.constant 0 : i32
    %c0_i32_0 = arith.constant 0 : i32
    return %arg0, %c0_i32 : i32, i32
  }
}

</mosaic_0001>

<sc_bundles>
// kernel: kernel.12.cloned.1.call-start
scs
__scs_entry_jumppad:
0x0: {  	(pc) =	sbr.rel $0x88, $3  }
0x1: {  	(tag) =	ssettag $0x0;
	lr =	simm.s32 $0x1  }
0x2: {  	[smem:$0x3F99] =	sst lr;
	_ =	strace $0xD0000000  }
0x3: {  	_ = 	snop  }
0x4: {  	_ = 	snop  }
0x5: {  	_ = 	snop  }
0x6: {  	_ = 	snop  }
0x7: {  	_ = 	snop  }
__scs_overlays_trampoline_lowered:
0x8: {  	[smem:$0x3FA8] =	sst s0  }
0x9: {  	[smem:$0x3FA9] =	sst s1  }
0xa: {  	[smem:$0x3FAA] =	sst s2  }
0xb: {  	[smem:$0x3FAB] =	sst s3  }
0xc: {  	[smem:$0x3FAC] =	sst s4  }
0xd: {  	[smem:$0x3FAD] =	sst s5  }
0xe: {  	[smem:$0x3FAE] =	sst s6  }
0xf: {  	[smem:$0x3FAF] =	sst s7  }
0x10: {  	[smem:$0x3FB0] =	sst s8  }
0x11: {  	[smem:$0x3FB1] =	sst s9;
	s0 =	simm.s32 @!p0 $0x0  }
0x12: {  	s1 =	sld [smem:$0x3F97];
	s0 =	simm.s32 @p0 $0x1  }
0x13: {  	[smem:$0x3FB2] =	sst s0;
	s0 =	simm.s32 @!p1 $0x0  }
0x14: {  	s2 =	sld [smem:$0x3F96];
	s0 =	simm.s32 @p1 $0x1  }
0x15: {  	[smem:$0x3FB3] =	sst s0;
	s0 =	simm.s32 @!p2 $0x0  }
0x16: {  	s3 =	sld [smem:$0x3FDB];
	s0 =	simm.s32 @p2 $0x1  }
0x17: {  	s4 =	simm.s32 $0x1BF5;
	[smem:$0x3FB5] =	sst s0  }
0x18: {  	s0 =	sld [smem:$0x3F98];
	_ =	swait.ge [sflag:s4], $0x0  }
0x19: {  	s7 =	sld [smem:$0x3F99]  }
0x1a: {  	s8 =	sadd.s32 $0xFFFFE003, lr  }
0x1b: {  	s9 =	sadd.s32 $0xFFFFFEF7, lr;
	s5 =	simm.s32 $0xFFFFFFFF;
	p2 =	slt.u32 s8, $0xFFFFF086  }
0x1c: {  	p1 =	slt.u32 s9, $0xF7A;
	s5 =	simm.s32 @!p2 $0x0  }
0x1d: {  	s5 =	simm.s32 @p1 $0x1;
	p0 =	seq.s32 s7, s2  }
0x1e: {  	s7 =	smul.u32 @!p0 $0xF7A, s2;
	p2 =	seq.s32 @!p0 s5, $0x0  }
0x1f: {  	s9 =	smul.u32 $0xF7A, s1;
	s8 =	simm.s32 @!p0 $0x1BF5;
	p2 =	por !p2, p0  }
0x20: {  	[sflag:s8] =	ssyncset.s32 @!p0 $0xFFFFF086;
	s6 =	sadd.s32 @!p0 s3, s7;
	s7 =	simm.s32 @!p0 $0x108  }
0x21: {  	s3 =	sadd.s32 s3, s9;
	s6 =	sadd.s32 @!p0 $0x88, s6;
	s7 =	simm.s32 @p2 $0x1082  }
0x22: {  	[simem:s7], [sflag:s8] =	dma.local @!p0 [hbm:s6], $0xF7A  }
0x23: {  	s9 =	sor.u32 $0xD0000000, s2;
	s6 =	simm.s32 $0x108;
	_ =	swait.ge @!p0 [sflag:s8], $0x0  }
0x24: {  	s3 =	sadd.s32 $0x88, s3;
	s6 =	simm.s32 @!p1 $0x1082;
	[sflag:s4] =	ssyncset.s32 $0xFFFFF086  }
0x25: {  	[simem:s6], [sflag:s4] =	dma.local [hbm:s3], $0xF7A  }
0x26: {  	[smem:$0x3F99] =	sst s1;
	(tag) =	ssettag s2;
	_ =	strace s9  }
0x27: {  	s1 =	sld [smem:$0x3FA9]  }
0x28: {  	s2 =	sld [smem:$0x3FAA]  }
0x29: {  	s4 =	sld [smem:$0x3FAC]  }
0x2a: {  	p0 =	seq.s32 s5, $0x0;
	s5 =	sld [smem:$0x3FAD]  }
0x2b: {  	s6 =	sld [smem:$0x3FAE]  }
0x2c: {  	s7 =	sld [smem:$0x3FAF]  }
0x2d: {  	s3 =	simm.s32 $0x108;
	s8 =	sld [smem:$0x3FB0]  }
0x2e: {  	s3 =	simm.s32 @!p0 $0x1082;
	s9 =	sld [smem:$0x3FB1]  }
0x2f: {  	lr =	sadd.s32 s0, s3;
	s0 =	sld [smem:$0x3FA8]  }
0x30: {  	s3 =	sld [smem:$0x3FAB]  }
0x31: {  	[smem:$0x3FB4] =	sst s10  }
0x32: {  	s10 =	sld [smem:$0x3FB2];
	_ =	sdelay $0x3  }
0x33: {  	p0 =	seq.s32 s10, $0x1;
	s10 =	sld [smem:$0x3FB4];
	_ =	sdelay $0x3  }
0x34: {  	[smem:$0x3FB4] =	sst s10  }
0x35: {  	s10 =	sld [smem:$0x3FB3];
	_ =	sdelay $0x3  }
0x36: {  	p1 =	seq.s32 s10, $0x1;
	s10 =	sld [smem:$0x3FB4];
	_ =	sdelay $0x3  }
0x37: {  	[smem:$0x3FB4] =	sst s10  }
0x38: {  	s10 =	sld [smem:$0x3FB5]  }
0x39: {  	_ = 	snop;
	(pc) =	sbr.ind lr, $3  }
0x3a: {  	_ = 	snop  }
0x3b: {  	_ = 	snop  }
0x3c: {  	p2 =	seq.s32 s10, $0x1;
	s10 =	sld [smem:$0x3FB4]  }
0x3d: {  	_ =	shalt  }
0x3e: {  	_ =	shalt  }
0x3f: {  	_ =	shalt  }
0x40: {  	_ =	shalt  }
0x41: {  	_ =	shalt  }
0x42: {  	_ =	shalt  }
0x43: {  	_ =	shalt  }
0x44: {  	_ =	shalt  }
0x45: {  	_ =	shalt  }
0x46: {  	_ =	shalt  }
0x47: {  	_ =	shalt  }
0x48: {  	_ =	shalt  }
0x49: {  	_ =	shalt  }
0x4a: {  	_ =	shalt  }
0x4b: {  	_ =	shalt  }
0x4c: {  	_ =	shalt  }
0x4d: {  	_ =	shalt  }
0x4e: {  	_ =	shalt  }
0x4f: {  	_ =	shalt  }
0x50: {  	_ =	shalt  }
0x51: {  	_ =	shalt  }
0x52: {  	_ =	shalt  }
0x53: {  	_ =	shalt  }
0x54: {  	_ =	shalt  }
0x55: {  	_ =	shalt  }
0x56: {  	_ =	shalt  }
0x57: {  	_ =	shalt  }
0x58: {  	_ =	shalt  }
0x59: {  	_ =	shalt  }
0x5a: {  	_ =	shalt  }
0x5b: {  	_ =	shalt  }
0x5c: {  	_ =	shalt  }
0x5d: {  	_ =	shalt  }
0x5e: {  	_ =	shalt  }
0x5f: {  	_ =	shalt  }
0x60: {  	_ =	shalt  }
0x61: {  	_ =	shalt  }
0x62: {  	_ =	shalt  }
0x63: {  	_ =	shalt  }
0x64: {  	_ =	shalt  }
0x65: {  	_ =	shalt  }
0x66: {  	_ =	shalt  }
0x67: {  	_ =	shalt  }
0x68: {  	_ =	shalt  }
0x69: {  	_ =	shalt  }
0x6a: {  	_ =	shalt  }
0x6b: {  	_ =	shalt  }
0x6c: {  	_ =	shalt  }
0x6d: {  	_ =	shalt  }
0x6e: {  	_ =	shalt  }
0x6f: {  	_ =	shalt  }
0x70: {  	_ =	shalt  }
0x71: {  	_ =	shalt  }
0x72: {  	_ =	shalt  }
0x73: {  	_ =	shalt  }
0x74: {  	_ =	shalt  }
0x75: {  	_ =	shalt  }
0x76: {  	_ =	shalt  }
0x77: {  	_ =	shalt  }
0x78: {  	_ =	shalt  }
0x79: {  	_ =	shalt  }
0x7a: {  	_ =	shalt  }
0x7b: {  	_ =	shalt  }
0x7c: {  	_ =	shalt  }
0x7d: {  	_ =	shalt  }
0x7e: {  	_ =	shalt  }
0x7f: {  	_ =	shalt  }
0x80: {  	_ =	shalt  }
0x81: {  	_ =	shalt  }
0x82: {  	_ =	shalt  }
0x83: {  	_ =	shalt  }
0x84: {  	_ =	shalt  }
0x85: {  	_ =	shalt  }
0x86: {  	_ =	shalt  }
0x87: {  	_ =	shalt  }
.Lfunc_end0:
.L_simem_size_0:
called_computation_lowered:
.L_overlay_start_0:
0x88: {  	s2 =	sld [smem:$0x3FD9]  }
0x89: {  	s3 =	sld [smem:$0x3FFE];
	_ =	sdelay $0x1  }
0x8a: {  	s1 =	srdreg.scid  }
0x8b: {  	s0 =	sand.u32 $0x1, s1  }
0x8c: {  	s15 =	sshll.u32 s0, $0xA;
	s2 =	sadd.s32 s3, s2  }
0x8d: {  	s2 =	sadd.s32 s2, s15  }
0x8e: {  	[smem:$0x3FC0] =	sst s2  }
0x8f: {  	_ = 	snop  }
0x90: {  	s2 =	sld [smem:$0x3FD0];
	_ =	sdelay $0x2  }
0x91: {  	s16 =	simm.s32 $0xA;
	s4 =	simm.s32 $0x10  }
0x92: {  	[smem:s4], [sflag:s16] =	dma.local [hbm:s2], $0x1  }
0x93: {  	_ =	swait.eq [sflag:s16], $0x1  }
0x94: {  	[sflag:s16] =	ssyncset.done $0x0  }
0x95: {  	s17 =	sld [smem:$0x10];
	[sflag:s16] =	ssyncadd.s32 $0xFFFFFFFF  }
0x96: {  	s18 =	sld [smem:$0x11];
	(tm) =	ssettm $0x1  }
0x97: {  	s19 =	sld [smem:$0x3FFB];
	_ =	sdelay $0x3  }
0x98: {  	_ =	strace s19  }
0x99: {  	s4 =	sld [smem:$0x3FFC];
	_ =	sdelay $0x3  }
0x9a: {  	_ =	strace s4  }
0x9b: {  	s4 =	sld [smem:$0x3FFD];
	_ =	sdelay $0x3  }
0x9c: {  	_ =	strace s4  }
0x9d: {  	_ =	strace $0x8FFFFFFF  }
0x9e: {  	s20 =	sld [smem:$0x3FDB];
	_ =	sdelay $0x1  }
0x9f: {  	s5 =	simm.s32 $_scs_section_size  }
0xa0: {  	s6 =	simm.s32 $_size__tile_overlayer_lowered;
	s7 =	simm.s32 $_tile_overlayer_lowered  }
0xa1: {  	s23 =	simm.s32 $0x1BFF;
	s22 =	sshll.u32 s7, $0x1;
	s4 =	sadd.s32 s5, s20  }
0xa2: {  	s8 =	simm.s32 $0x0;
	s21 =	sshll.u32 s6, $0x1;
	s6 =	sadd.s32 s22, s4  }
0xa3: {  	[timem:s8], [sflag:s23] =	dma.local [hbm:s6], s21  }
0xa4: {  	_ =	swait.ge [sflag:s23], s21  }
0xa5: {  	s5 =	ssub.s32 $0x0, s21;
	[sflag:s23] =	ssyncset.done $0x0  }
0xa6: {  	[sflag:s23] =	ssyncadd.s32 s5;
	_ =	sdelay $0x1  }
0xa7: {  	s24 =	simm.s32 $0x1B8B  }
0xa8: {  	_ =	swait.ge [sflag:s24], $0x1  }
0xa9: {  	[sflag:s24] =	ssyncset.done $0x0  }
0xaa: {  	s25 =	simm.s32 $0x1B8E;
	[sflag:s24] =	ssyncadd.s32 $0xFFFFFFFF  }
0xab: {  	s26 =	simm.s32 $execute0_lowered;
	[smem:$0x3FD2] =	sst s25  }
0xac: {  	s5 =	sshll.u32 s26, $0x1;
	_ =	strace $0x80000046;
	[dreg:$0x1] =	wrdreg $0xFFFFFFFF  }
0xad: {  	s28 =	simm.s32 $_size_execute0_lowered;
	s4 =	sadd.s32 s4, s5;
	[dreg:$0x0] =	wrdreg $0x0  }
0xae: {  	s5 =	sshll.u32 s28, $0x1;
	[dreg:$0x2] =	wrdreg s4  }
0xaf: {  	[dreg:$0x3] =	wrdreg s5  }
0xb0: {  	[dreg:$0x4] =	wrdreg $0xC0  }
0xb1: {  	_ =	task [dreg:s8], $0x5FFFF  }
0xb2: {  	[dreg:$0x1] =	wrdreg $0xFFFFFFFF  }
0xb3: {  	[dreg:$0x0] =	wrdreg $0x60  }
0xb4: {  	[dreg:$0x2] =	wrdreg s18  }
0xb5: {  	[dreg:$0x3] =	wrdreg s17  }
0xb6: {  	[dreg:$0x4] =	wrdreg $0x2B000  }
0xb7: {  	[dreg:$0x5] =	wrdreg $0x9  }
0xb8: {  	_ =	task.clear_ibuf [dreg:s8], $0x6FFFF;
	_ =	strace $0x90000046  }
0xb9: {  	s29 =	simm.s32 $0x9;
	_ =	strace $0x80000048  }
0xba: {  	_ =	swait.ge [sflag:s29], $0x1  }
0xbb: {  	[sflag:s29] =	ssyncadd.s32 $0xFFFFFFFF  }
0xbc: {  	_ =	strace $0x90000048  }
0xbd: {  	_ =	sfence  }
0xbe: {  	s30 =	sld [smem:$0x0];
	_ =	sdelay $0x2  }
0xbf: {  	s31 =	sshll.u32 s1, $0xD;
	s1 =	sshrl.u32 s1, $0x2  }
0xc0: {  	s3 =	sand.u32 $0x4000, s31;
	s1 =	sadd.s32 s1, s30  }
0xc1: {  	s0 =	sor.u32 s3, s0;
	s1 =	sshll.u32 s1, $0x11  }
0xc2: {  	s0 =	sor.u32 s1, s0  }
0xc3: {  	s0 =	sadd.s32 $0x8F2B, s0  }
0xc4: {  	[sflag:s0] =	ssyncadd.remote.s32 $0x1  }
0xc5: {  	_ =	sfence.sel $0xFFFF  }
0xc6: {  	[dreg:$0x0] =	wrdreg $0xFFFFFFFF;
	(pc) =	sbr.abs _section_cstart, $3  }
0xc7: {  	[dreg:$0x1] =	wrdreg $0xFFFFFFFF  }
0xc8: {  	_ =	task.clear_ibuf [dreg:s8], $0x2FFFF;
	_ =	strace $0x9FFFFFFF  }
0xc9: {  	(tm) =	ssettm $0x7FFFFFFF  }
tec
execute0_lowered:
.L_overlay_start_1:
0x0: {  	(tag) =	ssettag $0x1  }
0x1: {  	s5 =	rddreg [dreg:$0x0]  }
0x2: {  	s6 =	rddreg [dreg:$0x1]  }
0x3: {  	s2 =	rddreg [dreg:$0x2]  }
0x4: {  	s3 =	srdreg.scid;
	s1 =	stileid.u32  }
0x5: {  	s0 =	rddreg [dreg:$0x3];
	s11 =	simm.s32 $0x2800;
	s14 =	simm.s32 $0x0  }
0x6: {  	s4 =	sand.u32 $0x1, s3;
	s7 =	smul.u32 $0x280, s1;
	s3 =	simm.s32 $0x0  }
0x7: {  	s12 =	sshll.u32 s1, $0x6;
	s8 =	sshll.u32 s4, $0x4;
	s9 =	smul.u32 $0x2800, s4  }
0x8: {  	[smem:$0x7FF] =	sst s3;
	s4 =	ssub.s32 $0x2, s4;
	s12 =	sor.u32 $0x1C01, s12  }
0x9: {  	s8 =	sor.u32 s1, s8;
	s10 =	sshrl.u32 s4, $0x1;
	_ =	strace $0x80000047  }
0xa: {  	s8 =	smul.u32 $0x500, s8;
	s9 =	sadd.s32 s7, s9;
	s10 =	ssub.s32 s4, s10  }
0xb: {  	s4 =	sadd.s32 s7, s2;
	s9 =	sshrl.u32 s9, $0x3;
	s7 =	smax.u32 s10, $0x1  }
0xc: {  	s10 =	simm.s32 $0x80;
	s13 =	sshrl.u32 s4, $0x3;
	s5 =	sadd.s32 s5, s8  }
0xd: {  	v0 =	vimm.f32 $1.000000000e+00;
	v1 =	vimm.f32 $0.0e+00;
	s6 =	sadd.s32 s6, s9;
	s8 =	simm.s32 $0x2880;
	s9 =	simm.s32 $0x1  }
.LBB2_1:
0xe: {  	[tilespmem:$0x2800] =	vst v0  }
0xf: {  	[tilespmem:$0x2810] =	vst v0  }
0x10: {  	[tilespmem:$0x2820] =	vst v0  }
0x11: {  	[tilespmem:$0x2830] =	vst v0  }
0x12: {  	[tilespmem:$0x2840] =	vst v0  }
0x13: {  	[tilespmem:$0x2850] =	vst v0  }
0x14: {  	[tilespmem:$0x2860] =	vst v0  }
0x15: {  	[tilespmem:$0x2870] =	vst v0  }
0x16: {  	[tilespmem:$0x2880] =	vst v1  }
0x17: {  	[tilespmem:$0x2890] =	vst v1  }
0x18: {  	[tilespmem:$0x28A0] =	vst v1  }
0x19: {  	[tilespmem:$0x28B0] =	vst v1  }
0x1a: {  	[tilespmem:$0x28C0] =	vst v1  }
0x1b: {  	[tilespmem:$0x28D0] =	vst v1  }
0x1c: {  	[tilespmem:$0x28E0] =	vst v1  }
0x1d: {  	[tilespmem:$0x28F0] =	vst v1  }
0x1e: {  	[tilespmem:$0x2900] =	vst v1  }
0x1f: {  	[tilespmem:$0x2910] =	vst v1  }
0x20: {  	[tilespmem:$0x2920] =	vst v1  }
0x21: {  	[tilespmem:$0x2930] =	vst v1  }
0x22: {  	[tilespmem:$0x2940] =	vst v1  }
0x23: {  	[tilespmem:$0x2950] =	vst v1  }
0x24: {  	[tilespmem:$0x2960] =	vst v1  }
0x25: {  	[tilespmem:$0x2970] =	vst v1  }
0x26: {  	[tilespmem:$0x2980] =	vst v1  }
0x27: {  	[tilespmem:$0x2990] =	vst v1  }
0x28: {  	[tilespmem:$0x29A0] =	vst v1  }
0x29: {  	[tilespmem:$0x29B0] =	vst v1  }
0x2a: {  	[tilespmem:$0x29C0] =	vst v1  }
0x2b: {  	[tilespmem:$0x29D0] =	vst v1  }
0x2c: {  	[tilespmem:$0x29E0] =	vst v1  }
0x2d: {  	[tilespmem:$0x29F0] =	vst v1  }
0x2e: {  	[tilespmem:$0x2A00] =	vst v1  }
0x2f: {  	[tilespmem:$0x2A10] =	vst v1  }
0x30: {  	[tilespmem:$0x2A20] =	vst v1  }
0x31: {  	[tilespmem:$0x2A30] =	vst v1  }
0x32: {  	[tilespmem:$0x2A40] =	vst v1  }
0x33: {  	[tilespmem:$0x2A50] =	vst v1  }
0x34: {  	[tilespmem:$0x2A60] =	vst v1  }
0x35: {  	[tilespmem:$0x2A70] =	vst v1  }
0x36: {  	[tilespmem:$0x2A80] =	vst v1  }
0x37: {  	[tilespmem:$0x2A90] =	vst v1  }
0x38: {  	[tilespmem:$0x2AA0] =	vst v1  }
0x39: {  	[tilespmem:$0x2AB0] =	vst v1  }
0x3a: {  	[tilespmem:$0x2AC0] =	vst v1  }
0x3b: {  	[tilespmem:$0x2AD0] =	vst v1  }
0x3c: {  	[tilespmem:$0x2AE0] =	vst v1  }
0x3d: {  	[tilespmem:$0x2AF0] =	vst v1  }
0x3e: {  	[spmem:s4] =	stream.linear.scatter [tilespmem:s8], [sflag:$0x1], $0x280, $0x38;
	[tilespmem:$0x2D80] =	vst v63  }
0x3f: {  	_ =	swait.ge [sflag:s9], $0x280  }
0x40: {  	[sflag:s9] =	ssyncset.done $0x0  }
0x41: {  	[sflag:s9] =	ssyncadd.s32 $0xFFFFFD80  }
0x42: {  	[tilespmem:s3], [sflag:$0x1] =	stream.linear.gather [hbm4b:s5+s3], $0x2800, $0x38;
	[tilespmem:$0x2D80] =	vst v63  }
0x43: {  	_ =	swait.ge [sflag:s9], $0x2800  }
0x44: {  	[sflag:s9] =	ssyncset.done $0x0  }
0x45: {  	[sflag:s9] =	ssyncadd.s32 $0xFFFFD800  }
0x46: {  	s15 =	simm.s32 $0x0;
	[bflag:$0x0] =	sbarrier.arrive $0xFFFF  }
0x47: {  	[spmem:s2] =	stream.indirect.scatter.add.f32 [tilespmem:s11], [sflag:$0x1], $0x1, s15, s10, $0xb8;
	[tilespmem:$0x2D80] =	vst v63  }
0x48: {  	_ =	swait.ge [sflag:s9], $0x80  }
0x49: {  	s15 =	simm.s32 $0x200;
	[sflag:s9] =	ssyncset.done $0x0  }
.LBB2_2:
0x4a: {  	s16 =	sshra.s32 s15, $0x2;
	[sflag:s9] =	ssyncadd.s32 $0xFFFFFF80;
	p0 =	sne.s32 s15, $0x9E00  }
0x4b: {  	[spmem:s2] =	stream.indirect.scatter.add.f32 [tilespmem:s11], [sflag:$0x1], $0x1, s16, s10, $0xb8;
	[tilespmem:$0x2D80] =	vst v63  }
.Ltmp0:
0x4c: {  	_ = 	snop;
	(pc) =	sbr.rel @p0 .LBB2_2-.Ltmp0, $4  }
0x4d: {  	_ = 	snop  }
0x4e: {  	s15 =	sadd.s32 $0x200, s15  }
0x4f: {  	_ =	swait.ge [sflag:s9], $0x80  }
0x50: {  	[sflag:s9] =	ssyncset.done $0x0  }
0x51: {  	s14 =	sadd.s32 $0x1, s14  }
0x52: {  	[sflag:s9] =	ssyncadd.s32 $0xFFFFFF80;
	p0 =	sne.s32 s14, s7  }
.Ltmp1:
0x53: {  	[bflag:$0x0] =	sbarrier.arrive $0xFFFF;
	(pc) =	sbr.rel @p0 .LBB2_1-.Ltmp1, $4  }
0x54: {  	[hbm:s6], [sflag:s12] =	dma.local [spmem:s13], $0x50  }
0x55: {  	_ =	swait.ge [sflag:s9], $0x50  }
0x56: {  	[sflag:s9] =	ssyncset.done $0x0  }
0x57: {  	[sflag:s9] =	ssyncadd.s32 $0xFFFFFFB0  }
0x58: {  	_ =	sfence.sel $0x180000  }
0x59: {  	[bflag:$0x0] =	sbarrier.arrive $0xFFFF  }
0x5a: {  	p0 =	sne.s32 s1, $0x0;
	_ =	strace $0x90000047  }
0x5b: {  	s0 =	sadd.s32 @!p0 $0x100000, s0;
	[bflag:$0x2] =	sbarrier.arrive $0xFFFF  }
0x5c: {  	[sflag:s0] =	ssyncadd.tile.s32 @!p0 $0x1;
	_ =	shalt  }
.Lfunc_end2:
_tile_overlayer_lowered:
.L_overlay_start_2:
0x5d: {  	(tag) =	ssettag $0x2  }
0x5e: {  	s0 =	rddreg [dreg:$0x0];
	s2 =	stileid.u32  }
0x5f: {  	s1 =	rddreg [dreg:$0x1];
	p0 =	sne.s32 s2, $0x0  }
0x60: {  	s3 =	rddreg [dreg:$0x2];
	[bflag:$0x3] =	sbarrier.arrive $0xFFFF;
	s2 =	simm.s32 @!p0 $0x1C01  }
0x61: {  	[timem:s3], [sflag:s2] =	dma.local @!p0 [hbm:s0], s1  }
0x62: {  	s0 =	simm.s32 @!p0 $0x1  }
0x63: {  	_ =	swait.ge @!p0 [sflag:s0], s1  }
0x64: {  	s1 =	ssub.s32 @!p0 $0x0, s1;
	[sflag:s0] =	ssyncset.done @!p0 $0x0  }
0x65: {  	[sflag:s0] =	ssyncadd.s32 @!p0 s1  }
0x66: {  	[bflag:$0x3] =	sbarrier.arrive $0xFFFF  }
0x67: {  	_ =	shalt  }

// kernel: kernel.15.cloned.1.call-start
scs
__scs_entry_jumppad:
0x0: {  	(pc) =	sbr.rel $0x88, $3  }
0x1: {  	(tag) =	ssettag $0x0;
	lr =	simm.s32 $0x1  }
0x2: {  	[smem:$0x3F99] =	sst lr;
	_ =	strace $0xD0000000  }
0x3: {  	_ = 	snop  }
0x4: {  	_ = 	snop  }
0x5: {  	_ = 	snop  }
0x6: {  	_ = 	snop  }
0x7: {  	_ = 	snop  }
__scs_overlays_trampoline_lowered:
0x8: {  	[smem:$0x3FA8] =	sst s0  }
0x9: {  	[smem:$0x3FA9] =	sst s1  }
0xa: {  	[smem:$0x3FAA] =	sst s2  }
0xb: {  	[smem:$0x3FAB] =	sst s3  }
0xc: {  	[smem:$0x3FAC] =	sst s4  }
0xd: {  	[smem:$0x3FAD] =	sst s5  }
0xe: {  	[smem:$0x3FAE] =	sst s6  }
0xf: {  	[smem:$0x3FAF] =	sst s7  }
0x10: {  	[smem:$0x3FB0] =	sst s8  }
0x11: {  	[smem:$0x3FB1] =	sst s9;
	s0 =	simm.s32 @!p0 $0x0  }
0x12: {  	s1 =	sld [smem:$0x3F97];
	s0 =	simm.s32 @p0 $0x1  }
0x13: {  	[smem:$0x3FB2] =	sst s0;
	s0 =	simm.s32 @!p1 $0x0  }
0x14: {  	s2 =	sld [smem:$0x3F96];
	s0 =	simm.s32 @p1 $0x1  }
0x15: {  	[smem:$0x3FB3] =	sst s0;
	s0 =	simm.s32 @!p2 $0x0  }
0x16: {  	s3 =	sld [smem:$0x3FDB];
	s0 =	simm.s32 @p2 $0x1  }
0x17: {  	s4 =	simm.s32 $0x1BF5;
	[smem:$0x3FB5] =	sst s0  }
0x18: {  	s0 =	sld [smem:$0x3F98];
	_ =	swait.ge [sflag:s4], $0x0  }
0x19: {  	s7 =	sld [smem:$0x3F99]  }
0x1a: {  	s8 =	sadd.s32 $0xFFFFE003, lr  }
0x1b: {  	s9 =	sadd.s32 $0xFFFFFEF7, lr;
	s5 =	simm.s32 $0xFFFFFFFF;
	p2 =	slt.u32 s8, $0xFFFFF086  }
0x1c: {  	p1 =	slt.u32 s9, $0xF7A;
	s5 =	simm.s32 @!p2 $0x0  }
0x1d: {  	s5 =	simm.s32 @p1 $0x1;
	p0 =	seq.s32 s7, s2  }
0x1e: {  	s7 =	smul.u32 @!p0 $0xF7A, s2;
	p2 =	seq.s32 @!p0 s5, $0x0  }
0x1f: {  	s9 =	smul.u32 $0xF7A, s1;
	s8 =	simm.s32 @!p0 $0x1BF5;
	p2 =	por !p2, p0  }
0x20: {  	[sflag:s8] =	ssyncset.s32 @!p0 $0xFFFFF086;
	s6 =	sadd.s32 @!p0 s3, s7;
	s7 =	simm.s32 @!p0 $0x108  }
0x21: {  	s3 =	sadd.s32 s3, s9;
	s6 =	sadd.s32 @!p0 $0x88, s6;
	s7 =	simm.s32 @p2 $0x1082  }
0x22: {  	[simem:s7], [sflag:s8] =	dma.local @!p0 [hbm:s6], $0xF7A  }
0x23: {  	s9 =	sor.u32 $0xD0000000, s2;
	s6 =	simm.s32 $0x108;
	_ =	swait.ge @!p0 [sflag:s8], $0x0  }
0x24: {  	s3 =	sadd.s32 $0x88, s3;
	s6 =	simm.s32 @!p1 $0x1082;
	[sflag:s4] =	ssyncset.s32 $0xFFFFF086  }
0x25: {  	[simem:s6], [sflag:s4] =	dma.local [hbm:s3], $0xF7A  }
0x26: {  	[smem:$0x3F99] =	sst s1;
	(tag) =	ssettag s2;
	_ =	strace s9  }
0x27: {  	s1 =	sld [smem:$0x3FA9]  }
0x28: {  	s2 =	sld [smem:$0x3FAA]  }
0x29: {  	s4 =	sld [smem:$0x3FAC]  }
0x2a: {  	p0 =	seq.s32 s5, $0x0;
	s5 =	sld [smem:$0x3FAD]  }
0x2b: {  	s6 =	sld [smem:$0x3FAE]  }
0x2c: {  	s7 =	sld [smem:$0x3FAF]  }
0x2d: {  	s3 =	simm.s32 $0x108;
	s8 =	sld [smem:$0x3FB0]  }
0x2e: {  	s3 =	simm.s32 @!p0 $0x1082;
	s9 =	sld [smem:$0x3FB1]  }
0x2f: {  	lr =	sadd.s32 s0, s3;
	s0 =	sld [smem:$0x3FA8]  }
0x30: {  	s3 =	sld [smem:$0x3FAB]  }
0x31: {  	[smem:$0x3FB4] =	sst s10  }
0x32: {  	s10 =	sld [smem:$0x3FB2];
	_ =	sdelay $0x3  }
0x33: {  	p0 =	seq.s32 s10, $0x1;
	s10 =	sld [smem:$0x3FB4];
	_ =	sdelay $0x3  }
0x34: {  	[smem:$0x3FB4] =	sst s10  }
0x35: {  	s10 =	sld [smem:$0x3FB3];
	_ =	sdelay $0x3  }
0x36: {  	p1 =	seq.s32 s10, $0x1;
	s10 =	sld [smem:$0x3FB4];
	_ =	sdelay $0x3  }
0x37: {  	[smem:$0x3FB4] =	sst s10  }
0x38: {  	s10 =	sld [smem:$0x3FB5]  }
0x39: {  	_ = 	snop;
	(pc) =	sbr.ind lr, $3  }
0x3a: {  	_ = 	snop  }
0x3b: {  	_ = 	snop  }
0x3c: {  	p2 =	seq.s32 s10, $0x1;
	s10 =	sld [smem:$0x3FB4]  }
0x3d: {  	_ =	shalt  }
0x3e: {  	_ =	shalt  }
0x3f: {  	_ =	shalt  }
0x40: {  	_ =	shalt  }
0x41: {  	_ =	shalt  }
0x42: {  	_ =	shalt  }
0x43: {  	_ =	shalt  }
0x44: {  	_ =	shalt  }
0x45: {  	_ =	shalt  }
0x46: {  	_ =	shalt  }
0x47: {  	_ =	shalt  }
0x48: {  	_ =	shalt  }
0x49: {  	_ =	shalt  }
0x4a: {  	_ =	shalt  }
0x4b: {  	_ =	shalt  }
0x4c: {  	_ =	shalt  }
0x4d: {  	_ =	shalt  }
0x4e: {  	_ =	shalt  }
0x4f: {  	_ =	shalt  }
0x50: {  	_ =	shalt  }
0x51: {  	_ =	shalt  }
0x52: {  	_ =	shalt  }
0x53: {  	_ =	shalt  }
0x54: {  	_ =	shalt  }
0x55: {  	_ =	shalt  }
0x56: {  	_ =	shalt  }
0x57: {  	_ =	shalt  }
0x58: {  	_ =	shalt  }
0x59: {  	_ =	shalt  }
0x5a: {  	_ =	shalt  }
0x5b: {  	_ =	shalt  }
0x5c: {  	_ =	shalt  }
0x5d: {  	_ =	shalt  }
0x5e: {  	_ =	shalt  }
0x5f: {  	_ =	shalt  }
0x60: {  	_ =	shalt  }
0x61: {  	_ =	shalt  }
0x62: {  	_ =	shalt  }
0x63: {  	_ =	shalt  }
0x64: {  	_ =	shalt  }
0x65: {  	_ =	shalt  }
0x66: {  	_ =	shalt  }
0x67: {  	_ =	shalt  }
0x68: {  	_ =	shalt  }
0x69: {  	_ =	shalt  }
0x6a: {  	_ =	shalt  }
0x6b: {  	_ =	shalt  }
0x6c: {  	_ =	shalt  }
0x6d: {  	_ =	shalt  }
0x6e: {  	_ =	shalt  }
0x6f: {  	_ =	shalt  }
0x70: {  	_ =	shalt  }
0x71: {  	_ =	shalt  }
0x72: {  	_ =	shalt  }
0x73: {  	_ =	shalt  }
0x74: {  	_ =	shalt  }
0x75: {  	_ =	shalt  }
0x76: {  	_ =	shalt  }
0x77: {  	_ =	shalt  }
0x78: {  	_ =	shalt  }
0x79: {  	_ =	shalt  }
0x7a: {  	_ =	shalt  }
0x7b: {  	_ =	shalt  }
0x7c: {  	_ =	shalt  }
0x7d: {  	_ =	shalt  }
0x7e: {  	_ =	shalt  }
0x7f: {  	_ =	shalt  }
0x80: {  	_ =	shalt  }
0x81: {  	_ =	shalt  }
0x82: {  	_ =	shalt  }
0x83: {  	_ =	shalt  }
0x84: {  	_ =	shalt  }
0x85: {  	_ =	shalt  }
0x86: {  	_ =	shalt  }
0x87: {  	_ =	shalt  }
.Lfunc_end0:
.L_simem_size_0:
called_computation.1_lowered:
.L_overlay_start_0:
0x88: {  	s2 =	sld [smem:$0x3FD9]  }
0x89: {  	s3 =	sld [smem:$0x3FFE];
	_ =	sdelay $0x1  }
0x8a: {  	s1 =	srdreg.scid  }
0x8b: {  	s0 =	sand.u32 $0x1, s1  }
0x8c: {  	s14 =	sshll.u32 s0, $0xA;
	s2 =	sadd.s32 s3, s2  }
0x8d: {  	s2 =	sadd.s32 s2, s14  }
0x8e: {  	[smem:$0x3FC0] =	sst s2  }
0x8f: {  	_ = 	snop  }
0x90: {  	s2 =	sld [smem:$0x3FD0];
	_ =	sdelay $0x2  }
0x91: {  	s15 =	simm.s32 $0xA;
	s4 =	simm.s32 $0x10  }
0x92: {  	[smem:s4], [sflag:s15] =	dma.local [hbm:s2], $0x1  }
0x93: {  	_ =	swait.eq [sflag:s15], $0x1  }
0x94: {  	[sflag:s15] =	ssyncset.done $0x0  }
0x95: {  	[sflag:s15] =	ssyncadd.s32 $0xFFFFFFFF  }
0x96: {  	s16 =	sld [smem:$0x11];
	(tm) =	ssettm $0x1  }
0x97: {  	s17 =	sld [smem:$0x3FFB];
	_ =	sdelay $0x3  }
0x98: {  	_ =	strace s17  }
0x99: {  	s3 =	sld [smem:$0x3FFC];
	_ =	sdelay $0x3  }
0x9a: {  	_ =	strace s3  }
0x9b: {  	s3 =	sld [smem:$0x3FFD];
	_ =	sdelay $0x3  }
0x9c: {  	_ =	strace s3  }
0x9d: {  	_ =	strace $0x8FFFFFFF  }
0x9e: {  	s18 =	sld [smem:$0x3FDB];
	_ =	sdelay $0x1  }
0x9f: {  	s19 =	simm.s32 $_scs_section_size  }
0xa0: {  	s5 =	simm.s32 $_size__tile_overlayer_lowered;
	s6 =	simm.s32 $_tile_overlayer_lowered  }
0xa1: {  	s22 =	simm.s32 $0x1BFF;
	s21 =	sshll.u32 s6, $0x1;
	s3 =	sadd.s32 s19, s18  }
0xa2: {  	s7 =	simm.s32 $0x0;
	s20 =	sshll.u32 s5, $0x1;
	s5 =	sadd.s32 s21, s3  }
0xa3: {  	[timem:s7], [sflag:s22] =	dma.local [hbm:s5], s20  }
0xa4: {  	_ =	swait.ge [sflag:s22], s20  }
0xa5: {  	s4 =	ssub.s32 $0x0, s20;
	[sflag:s22] =	ssyncset.done $0x0  }
0xa6: {  	[sflag:s22] =	ssyncadd.s32 s4;
	_ =	sdelay $0x1  }
0xa7: {  	s23 =	simm.s32 $0x1B8B  }
0xa8: {  	_ =	swait.ge [sflag:s23], $0x1  }
0xa9: {  	[sflag:s23] =	ssyncset.done $0x0  }
0xaa: {  	s25 =	simm.s32 $0x1B8E;
	s24 =	sld [smem:$0x3FFE];
	[sflag:s23] =	ssyncadd.s32 $0xFFFFFFFF  }
0xab: {  	s26 =	simm.s32 $execute0_lowered;
	[smem:$0x3FD2] =	sst s25  }
0xac: {  	s5 =	sshll.u32 s26, $0x1;
	_ =	strace $0x80000049;
	[dreg:$0x1] =	wrdreg $0xFFFFFFFF  }
0xad: {  	s28 =	simm.s32 $_size_execute0_lowered;
	s3 =	sadd.s32 s3, s5;
	[dreg:$0x0] =	wrdreg $0x0  }
0xae: {  	s5 =	sshll.u32 s28, $0x1;
	[dreg:$0x2] =	wrdreg s3  }
0xaf: {  	[dreg:$0x3] =	wrdreg s5  }
0xb0: {  	[dreg:$0x4] =	wrdreg $0xC0  }
0xb1: {  	_ =	task [dreg:s7], $0x5FFFF  }
0xb2: {  	[dreg:$0x1] =	wrdreg $0xFFFFFFFF  }
0xb3: {  	[dreg:$0x0] =	wrdreg $0x60  }
0xb4: {  	[dreg:$0x2] =	wrdreg s24  }
0xb5: {  	[dreg:$0x3] =	wrdreg s16  }
0xb6: {  	[dreg:$0x4] =	wrdreg $0x150000  }
0xb7: {  	[dreg:$0x5] =	wrdreg $0x9  }
0xb8: {  	_ =	task.clear_ibuf [dreg:s7], $0x6FFFF;
	_ =	strace $0x90000049  }
0xb9: {  	s29 =	simm.s32 $0x9;
	_ =	strace $0x8000004B  }
0xba: {  	_ =	swait.ge [sflag:s29], $0x1  }
0xbb: {  	[sflag:s29] =	ssyncadd.s32 $0xFFFFFFFF  }
0xbc: {  	_ =	strace $0x9000004B  }
0xbd: {  	_ =	sfence  }
0xbe: {  	s30 =	sld [smem:$0x0];
	_ =	sdelay $0x2  }
0xbf: {  	s31 =	sshll.u32 s1, $0xD;
	s1 =	sshrl.u32 s1, $0x2  }
0xc0: {  	s3 =	sand.u32 $0x4000, s31;
	s1 =	sadd.s32 s1, s30  }
0xc1: {  	s0 =	sor.u32 s3, s0;
	s1 =	sshll.u32 s1, $0x11  }
0xc2: {  	s0 =	sor.u32 s1, s0  }
0xc3: {  	s0 =	sadd.s32 $0x8F2B, s0  }
0xc4: {  	[sflag:s0] =	ssyncadd.remote.s32 $0x1  }
0xc5: {  	_ =	sfence.sel $0xFFFF  }
0xc6: {  	[dreg:$0x0] =	wrdreg $0xFFFFFFFF;
	(pc) =	sbr.abs _section_cstart, $3  }
0xc7: {  	[dreg:$0x1] =	wrdreg $0xFFFFFFFF  }
0xc8: {  	_ =	task.clear_ibuf [dreg:s7], $0x2FFFF;
	_ =	strace $0x9FFFFFFF  }
0xc9: {  	(tm) =	ssettm $0x7FFFFFFF  }
tec
execute0_lowered:
.L_overlay_start_1:
0x0: {  	(tag) =	ssettag $0x1  }
0x1: {  	s0 =	srdreg.scid;
	s1 =	rddreg [dreg:$0x0]  }
0x2: {  	s11 =	stileid.u32;
	s3 =	rddreg [dreg:$0x1];
	s16 =	simm.s32 $0x0  }
0x3: {  	s14 =	simm.s32 $0x80;
	s15 =	simm.s32 $0x5000;
	s25 =	simm.s32 $0xD000  }
0x4: {  	s26 =	simm.s32 $0x11000;
	s28 =	simm.s32 $0x4;
	s29 =	simm.s32 $0x9  }
0x5: {  	s30 =	simm.s32 $0x6;
	s31 =	simm.s32 $0xB;
	s6 =	smul.u32 $0x1400, s11  }
0x6: {  	s0 =	sand.u32 $0x1, s0;
	[smem:$0x7FF] =	sst s16;
	s10 =	smul.u32 $0xA000, s11  }
0x7: {  	s8 =	sadd.s32 $0x21800, s1;
	s19 =	smul.u32 $0x28000, s11;
	s21 =	sshll.u32 s11, $0x6  }
0x8: {  	s16 =	simm.s32 $0x7000;
	s2 =	sshll.u32 s0, $0x4;
	s7 =	smul.u32 $0x14000, s0  }
0x9: {  	s17 =	ssub.s32 $0x2, s0;
	s4 =	sor.u32 s11, s2;
	s2 =	rddreg [dreg:$0x2]  }
0xa: {  	p0 =	seq.s32 s0, $0x0;
	_ =	strace $0x8000004A;
	[dreg:$0x4] =	wrdreg s25  }
0xb: {  	s18 =	sshrl.u32 s17, $0x1;
	s0 =	sshrl.u32 s19, $0x2;
	[dreg:$0x5] =	wrdreg s26  }
0xc: {  	s26 =	simm.s32 $0x13000;
	s5 =	smul.u32 $0x500, s4;
	s4 =	sadd.s32 $0xD800, s1  }
0xd: {  	s6 =	sadd.s32 s6, s7;
	s20 =	sadd.s32 s10, s2;
	s10 =	sshrl.u32 s10, $0x3  }
0xe: {  	s0 =	sadd.s32 s0, s2;
	s8 =	smov.u32 @p0 s4;
	s24 =	sshrl.u32 s20, $0x3  }
0xf: {  	s20 =	simm.s32 $0xB000;
	s0 =	sshrl.u32 s0, $0x3;
	s9 =	sadd.s32 s5, s1  }
0x10: {  	s1 =	sadd.s32 s6, s1;
	s6 =	ssub.s32 s17, s18;
	[dreg:$0xc] =	wrdreg s24  }
0x11: {  	s3 =	sadd.s32 s3, s5;
	s23 =	sadd.s32 s8, s10;
	[dreg:$0xd] =	wrdreg s0  }
0x12: {  	s18 =	simm.s32 $0x9000;
	s24 =	simm.s32 $0x3;
	[dreg:$0x7] =	wrdreg s3  }
0x13: {  	s5 =	simm.s32 $0x0;
	s9 =	sadd.s32 $0x3800, s9;
	[dreg:$0xa] =	wrdreg s23  }
0x14: {  	s1 =	sadd.s32 $0x35800, s1;
	s22 =	smax.u32 s6, $0x1;
	[dreg:$0x6] =	wrdreg s9  }
0x15: {  	s3 =	sor.u32 $0x1C11, s21;
	s6 =	simm.s32 $0x11;
	[dreg:$0x8] =	wrdreg s1  }
0x16: {  	s21 =	simm.s32 $0x1;
	s23 =	simm.s32 $0x2;
	[dreg:$0x9] =	wrdreg s22  }
0x17: {  	s22 =	simm.s32 $0xF000;
	s1 =	simm.s32 $0x8;
	[dreg:$0xb] =	wrdreg s3  }
.LBB2_1:
0x18: {  	[dreg:$0xe] =	wrdreg s5  }
0x19: {  	s0 =	rddreg [dreg:$0xa]  }
0x1a: {  	s12 =	rddreg [dreg:$0xc]  }
0x1b: {  	[spmem:s12], [sflag:s3] =	dma.local [hbm:s0], $0x1400  }
0x1c: {  	_ =	swait.ge [sflag:s6], $0x1400  }
0x1d: {  	[sflag:s6] =	ssyncset.done $0x0  }
0x1e: {  	s13 =	simm.s32 $0x0;
	s17 =	rddreg [dreg:$0x6];
	[sflag:s6] =	ssyncadd.s32 $0xFFFFEC00  }
0x1f: {  	[tilespmem:s13], [sflag:$0x11] =	stream.linear.gather [hbm4b:s17+s13], $0x2800, $0x38;
	[tilespmem:$0x1F000] =	vst v63  }
0x20: {  	_ =	swait.ge [sflag:s6], $0x2800  }
0x21: {  	[sflag:s6] =	ssyncset.done $0x0  }
0x22: {  	s25 =	simm.s32 $0x2800;
	s19 =	rddreg [dreg:$0x7];
	[sflag:s6] =	ssyncadd.s32 $0xFFFFD800  }
0x23: {  	[tilespmem:s25], [sflag:$0x11] =	stream.linear.gather [hbm4b:s19+s13], $0x2800, $0x38;
	[tilespmem:$0x1F000] =	vst v63  }
0x24: {  	_ =	swait.ge [sflag:s6], $0x2800  }
0x25: {  	[sflag:s6] =	ssyncset.done $0x0  }
0x26: {  	[sflag:s6] =	ssyncadd.s32 $0xFFFFD800  }
0x27: {  	[tilespmem:s15], [sflag:$0x1] =	stream.indirect.gather [hbm4b:s4+s14], $0x40, s13, s14, $0xb8;
	[tilespmem:$0x1F000] =	vst v63  }
0x28: {  	_ = 	snop  }
0x29: {  	[tilespmem:s16], [sflag:$0x2] =	stream.indirect.gather [hbm4b:s4+s14], $0x40, s14, s14, $0xb8;
	[tilespmem:$0x1F000] =	vst v63  }
0x2a: {  	s3 =	simm.s32 $0x100  }
0x2b: {  	[tilespmem:s18], [sflag:$0x3] =	stream.indirect.gather [hbm4b:s4+s14], $0x40, s3, s14, $0xb8;
	[tilespmem:$0x1F000] =	vst v63  }
0x2c: {  	s5 =	simm.s32 $0x180;
	p0 =	por $0x1, $0x1  }
0x2d: {  	[tilespmem:s20], [sflag:$0x4] =	stream.indirect.gather [hbm4b:s4+s14], $0x40, s5, s14, $0xb8;
	[tilespmem:$0x1F000] =	vst v63  }
0x2e: {  	s0 =	simm.s32 @!p0 $0xD;
	[bflag:$0x0] =	sbarrier.arrive $0xFFFF  }
0x2f: {  	_ =	swait.ge @!p0 [sflag:s0], $0x2000  }
0x30: {  	[sflag:s0] =	ssyncset.done @!p0 $0x0  }
0x31: {  	s7 =	simm.s32 $0x200;
	s6 =	rddreg [dreg:$0x4];
	[sflag:s0] =	ssyncadd.s32 @!p0 $0xFFFFE000  }
0x32: {  	[tilespmem:s6], [sflag:$0x5] =	stream.indirect.gather [hbm4b:s4+s14], $0x40, s7, s14, $0xb8;
	[tilespmem:$0x1F000] =	vst v63  }
0x33: {  	_ =	swait.ge [sflag:s21], $0x2000  }
0x34: {  	[sflag:s21] =	ssyncset.done $0x0  }
0x35: {  	s8 =	simm.s32 $0x2800;
	s3 =	simm.s32 @!p0 $0xE;
	[sflag:s21] =	ssyncadd.s32 $0xFFFFE000  }
0x36: {  	[spmem:s2] =	stream.indirect.scatter.add.f32 [tilespmem:s15], [sflag:$0x9], $0x40, s8, s14, $0xb8;
	[tilespmem:$0x1F000] =	vst v63  }
0x37: {  	_ =	swait.ge @!p0 [sflag:s3], $0x2000  }
0x38: {  	[sflag:s3] =	ssyncset.done @!p0 $0x0  }
0x39: {  	s9 =	simm.s32 $0x280;
	[sflag:s3] =	ssyncadd.s32 @!p0 $0xFFFFE000  }
0x3a: {  	[tilespmem:s22], [sflag:$0x6] =	stream.indirect.gather [hbm4b:s4+s14], $0x40, s9, s14, $0xb8;
	[tilespmem:$0x1F000] =	vst v63  }
0x3b: {  	_ =	swait.ge [sflag:s23], $0x2000  }
0x3c: {  	[sflag:s23] =	ssyncset.done $0x0  }
0x3d: {  	s10 =	simm.s32 $0x2880;
	s3 =	simm.s32 @!p0 $0xF;
	[sflag:s23] =	ssyncadd.s32 $0xFFFFE000  }
0x3e: {  	[spmem:s2] =	stream.indirect.scatter.add.f32 [tilespmem:s16], [sflag:$0xA], $0x40, s10, s14, $0xb8;
	[tilespmem:$0x1F000] =	vst v63  }
0x3f: {  	_ =	swait.ge @!p0 [sflag:s3], $0x2000  }
0x40: {  	[sflag:s3] =	ssyncset.done @!p0 $0x0  }
0x41: {  	s12 =	simm.s32 $0x300;
	s11 =	rddreg [dreg:$0x5];
	[sflag:s3] =	ssyncadd.s32 @!p0 $0xFFFFE000  }
0x42: {  	[tilespmem:s11], [sflag:$0x7] =	stream.indirect.gather [hbm4b:s4+s14], $0x40, s12, s14, $0xb8;
	[tilespmem:$0x1F000] =	vst v63  }
0x43: {  	_ =	swait.ge [sflag:s24], $0x2000  }
0x44: {  	[sflag:s24] =	ssyncset.done $0x0  }
0x45: {  	s13 =	simm.s32 $0x2900;
	s3 =	simm.s32 @!p0 $0x10;
	[sflag:s24] =	ssyncadd.s32 $0xFFFFE000  }
0x46: {  	[spmem:s2] =	stream.indirect.scatter.add.f32 [tilespmem:s18], [sflag:$0xB], $0x40, s13, s14, $0xb8;
	[tilespmem:$0x1F000] =	vst v63  }
0x47: {  	_ =	swait.ge @!p0 [sflag:s3], $0x2000  }
0x48: {  	[sflag:s3] =	ssyncset.done @!p0 $0x0  }
0x49: {  	s17 =	simm.s32 $0x380;
	[sflag:s3] =	ssyncadd.s32 @!p0 $0xFFFFE000  }
0x4a: {  	[tilespmem:s26], [sflag:$0x8] =	stream.indirect.gather [hbm4b:s4+s14], $0x40, s17, s14, $0xb8;
	[tilespmem:$0x1F000] =	vst v63  }
0x4b: {  	_ =	swait.ge [sflag:s28], $0x2000  }
0x4c: {  	[sflag:s28] =	ssyncset.done $0x0  }
0x4d: {  	s19 =	simm.s32 $0x2980;
	[sflag:s28] =	ssyncadd.s32 $0xFFFFE000  }
0x4e: {  	[spmem:s2] =	stream.indirect.scatter.add.f32 [tilespmem:s20], [sflag:$0xC], $0x40, s19, s14, $0xb8;
	[tilespmem:$0x1F000] =	vst v63  }
0x4f: {  	_ =	swait.ge [sflag:s29], $0x2000  }
0x50: {  	p0 =	por $0x0, $0x0;
	[sflag:s29] =	ssyncset.done $0x0  }
0x51: {  	s0 =	simm.s32 @p0 $0x5;
	[sflag:s29] =	ssyncadd.s32 $0xFFFFE000  }
0x52: {  	_ =	swait.ge @p0 [sflag:s0], $0x2000  }
0x53: {  	s3 =	simm.s32 @p0 $0x2A00;
	s6 =	simm.s32 @p0 $0xA;
	[sflag:s0] =	ssyncset.done @p0 $0x0  }
0x54: {  	s7 =	simm.s32 @p0 $0xD000;
	[sflag:s0] =	ssyncadd.s32 @p0 $0xFFFFE000;
	s0 =	simm.s32 @p0 $0x80  }
0x55: {  	[spmem:s2] =	stream.indirect.scatter.add.f32 @p0 [tilespmem:s7], [sflag:$0xD], $0x40, s3, s0, $0xb8;
	[tilespmem:$0x1F000] =	vst v63  }
0x56: {  	_ =	swait.ge @p0 [sflag:s6], $0x2000  }
0x57: {  	s3 =	simm.s32 @!p0 $0x400;
	[sflag:s6] =	ssyncset.done @p0 $0x0  }
0x58: {  	s7 =	simm.s32 @!p0 $0x5000;
	[sflag:s6] =	ssyncadd.s32 @p0 $0xFFFFE000;
	s6 =	simm.s32 @!p0 $0x80  }
0x59: {  	[tilespmem:s7], [sflag:$0x1] =	stream.indirect.gather @!p0 [hbm4b:s4+s6], $0x40, s3, s6, $0xb8;
	[tilespmem:$0x1F000] =	vst v63  }
0x5a: {  	s3 =	simm.s32 @!p0 $0x5  }
0x5b: {  	_ =	swait.ge @!p0 [sflag:s3], $0x2000  }
0x5c: {  	[sflag:s3] =	ssyncset.done @!p0 $0x0  }
0x5d: {  	s7 =	simm.s32 @!p0 $0x2A00;
	[sflag:s3] =	ssyncadd.s32 @!p0 $0xFFFFE000;
	s3 =	simm.s32 @!p0 $0xD000  }
0x5e: {  	[spmem:s2] =	stream.indirect.scatter.add.f32 @!p0 [tilespmem:s3], [sflag:$0xD], $0x40, s7, s6, $0xb8;
	[tilespmem:$0x1F000] =	vst v63  }
0x5f: {  	s3 =	simm.s32 @!p0 $0xA  }
0x60: {  	_ =	swait.ge @!p0 [sflag:s3], $0x2000  }
0x61: {  	[sflag:s3] =	ssyncset.done @!p0 $0x0  }
0x62: {  	s7 =	simm.s32 @!p0 $0x480;
	[sflag:s3] =	ssyncadd.s32 @!p0 $0xFFFFE000;
	s3 =	simm.s32 @!p0 $0x7000  }
0x63: {  	[tilespmem:s3], [sflag:$0x2] =	stream.indirect.gather @!p0 [hbm4b:s4+s6], $0x40, s7, s6, $0xb8;
	[tilespmem:$0x1F000] =	vst v63  }
0x64: {  	_ =	swait.ge [sflag:s30], $0x2000  }
0x65: {  	[sflag:s30] =	ssyncset.done $0x0  }
0x66: {  	s25 =	simm.s32 $0x2A80;
	[sflag:s30] =	ssyncadd.s32 $0xFFFFE000  }
0x67: {  	[spmem:s2] =	stream.indirect.scatter.add.f32 [tilespmem:s22], [sflag:$0xE], $0x40, s25, s14, $0xb8;
	[tilespmem:$0x1F000] =	vst v63  }
0x68: {  	_ =	swait.ge [sflag:s31], $0x2000  }
0x69: {  	[sflag:s31] =	ssyncset.done $0x0  }
0x6a: {  	s3 =	simm.s32 @p0 $0x7;
	[sflag:s31] =	ssyncadd.s32 $0xFFFFE000  }
0x6b: {  	_ =	swait.ge @p0 [sflag:s3], $0x2000  }
0x6c: {  	[sflag:s3] =	ssyncset.done @p0 $0x0  }
0x6d: {  	s7 =	simm.s32 @p0 $0x2B00;
	[sflag:s3] =	ssyncadd.s32 @p0 $0xFFFFE000;
	s3 =	simm.s32 @p0 $0x11000  }
0x6e: {  	[spmem:s2] =	stream.indirect.scatter.add.f32 @p0 [tilespmem:s3], [sflag:$0xF], $0x40, s7, s0, $0xb8;
	[tilespmem:$0x1F000] =	vst v63  }
0x6f: {  	s0 =	simm.s32 @p0 $0xC  }
0x70: {  	_ =	swait.ge @p0 [sflag:s0], $0x2000  }
0x71: {  	[sflag:s0] =	ssyncset.done @p0 $0x0  }
0x72: {  	s3 =	simm.s32 @!p0 $0x500;
	[sflag:s0] =	ssyncadd.s32 @p0 $0xFFFFE000;
	s0 =	simm.s32 @!p0 $0x9000  }
0x73: {  	[tilespmem:s0], [sflag:$0x3] =	stream.indirect.gather @!p0 [hbm4b:s4+s6], $0x40, s3, s6, $0xb8;
	[tilespmem:$0x1F000] =	vst v63  }
0x74: {  	s0 =	simm.s32 @!p0 $0x7  }
0x75: {  	_ =	swait.ge @!p0 [sflag:s0], $0x2000  }
0x76: {  	[sflag:s0] =	ssyncset.done @!p0 $0x0  }
0x77: {  	s3 =	simm.s32 @!p0 $0x2B00;
	[sflag:s0] =	ssyncadd.s32 @!p0 $0xFFFFE000;
	s0 =	simm.s32 @!p0 $0x11000  }
0x78: {  	[spmem:s2] =	stream.indirect.scatter.add.f32 @!p0 [tilespmem:s0], [sflag:$0xF], $0x40, s3, s6, $0xb8;
	[tilespmem:$0x1F000] =	vst v63  }
0x79: {  	s0 =	simm.s32 @!p0 $0xC  }
0x7a: {  	_ =	swait.ge @!p0 [sflag:s0], $0x2000  }
0x7b: {  	[sflag:s0] =	ssyncset.done @!p0 $0x0  }
0x7c: {  	s3 =	simm.s32 @!p0 $0x580;
	[sflag:s0] =	ssyncadd.s32 @!p0 $0xFFFFE000;
	s0 =	simm.s32 @!p0 $0xB000  }
0x7d: {  	[tilespmem:s0], [sflag:$0x4] =	stream.indirect.gather @!p0 [hbm4b:s4+s6], $0x40, s3, s6, $0xb8;
	[tilespmem:$0x1F000] =	vst v63  }
0x7e: {  	p1 =	por $0x0, $0x0;
	s7 =	simm.s32 $0x2000;
	_ =	swait.ge [sflag:s1], $0x2000  }
0x7f: {  	s6 =	simm.s32 $0x1000;
	s0 =	simm.s32 $0x2B80;
	[sflag:s1] =	ssyncset.done $0x0  }
.LBB2_2:
0x80: {  	s3 =	simm.s32 @!p1 $0xD;
	[sflag:s1] =	ssyncadd.s32 $0xFFFFE000  }
0x81: {  	[spmem:s2] =	stream.indirect.scatter.add.f32 [tilespmem:s26], [sflag:$0x10], $0x40, s0, s14, $0xb8;
	[tilespmem:$0x1F000] =	vst v63  }
0x82: {  	_ =	swait.ge @!p1 [sflag:s3], $0x2000  }
0x83: {  	s8 =	sshra.s32 s6, $0x2;
	[sflag:s3] =	ssyncset.done @!p1 $0x0  }
0x84: {  	s19 =	sadd.s32 $0x200, s8;
	s17 =	rddreg [dreg:$0x4];
	[sflag:s3] =	ssyncadd.s32 @!p1 $0xFFFFE000  }
0x85: {  	[tilespmem:s17], [sflag:$0x5] =	stream.indirect.gather [hbm4b:s4+s14], $0x40, s19, s14, $0xb8;
	[tilespmem:$0x1F000] =	vst v63  }
0x86: {  	_ =	swait.ge [sflag:s21], $0x2000  }
0x87: {  	[sflag:s21] =	ssyncset.done $0x0  }
0x88: {  	s25 =	sadd.s32 $0x2800, s8;
	s3 =	simm.s32 @!p1 $0xE;
	[sflag:s21] =	ssyncadd.s32 $0xFFFFE000  }
0x89: {  	[spmem:s2] =	stream.indirect.scatter.add.f32 [tilespmem:s15], [sflag:$0x9], $0x40, s25, s14, $0xb8;
	[tilespmem:$0x1F000] =	vst v63  }
0x8a: {  	_ =	swait.ge @!p1 [sflag:s3], $0x2000  }
0x8b: {  	[sflag:s3] =	ssyncset.done @!p1 $0x0  }
0x8c: {  	[sflag:s3] =	ssyncadd.s32 @!p1 $0xFFFFE000;
	s3 =	sadd.s32 $0x280, s8  }
0x8d: {  	[tilespmem:s22], [sflag:$0x6] =	stream.indirect.gather [hbm4b:s4+s14], $0x40, s3, s14, $0xb8;
	[tilespmem:$0x1F000] =	vst v63  }
0x8e: {  	_ =	swait.ge [sflag:s23], $0x2000  }
0x8f: {  	[sflag:s23] =	ssyncset.done $0x0  }
0x90: {  	s5 =	sadd.s32 $0x2880, s8;
	s3 =	simm.s32 @!p1 $0xF;
	[sflag:s23] =	ssyncadd.s32 $0xFFFFE000  }
0x91: {  	[spmem:s2] =	stream.indirect.scatter.add.f32 [tilespmem:s16], [sflag:$0xA], $0x40, s5, s14, $0xb8;
	[tilespmem:$0x1F000] =	vst v63  }
0x92: {  	_ =	swait.ge @!p1 [sflag:s3], $0x2000  }
0x93: {  	[sflag:s3] =	ssyncset.done @!p1 $0x0  }
0x94: {  	s11 =	sadd.s32 $0x300, s8;
	s10 =	rddreg [dreg:$0x5];
	[sflag:s3] =	ssyncadd.s32 @!p1 $0xFFFFE000  }
0x95: {  	[tilespmem:s10], [sflag:$0x7] =	stream.indirect.gather [hbm4b:s4+s14], $0x40, s11, s14, $0xb8;
	[tilespmem:$0x1F000] =	vst v63  }
0x96: {  	_ =	swait.ge [sflag:s24], $0x2000  }
0x97: {  	[sflag:s24] =	ssyncset.done $0x0  }
0x98: {  	s12 =	sadd.s32 $0x2900, s8;
	s3 =	simm.s32 @!p1 $0x10;
	[sflag:s24] =	ssyncadd.s32 $0xFFFFE000  }
0x99: {  	[spmem:s2] =	stream.indirect.scatter.add.f32 [tilespmem:s18], [sflag:$0xB], $0x40, s12, s14, $0xb8;
	[tilespmem:$0x1F000] =	vst v63  }
0x9a: {  	_ =	swait.ge @!p1 [sflag:s3], $0x2000  }
0x9b: {  	[sflag:s3] =	ssyncset.done @!p1 $0x0  }
0x9c: {  	s13 =	sadd.s32 $0x380, s8;
	[sflag:s3] =	ssyncadd.s32 @!p1 $0xFFFFE000  }
0x9d: {  	[tilespmem:s26], [sflag:$0x8] =	stream.indirect.gather [hbm4b:s4+s14], $0x40, s13, s14, $0xb8;
	[tilespmem:$0x1F000] =	vst v63  }
0x9e: {  	_ =	swait.ge [sflag:s28], $0x2000  }
0x9f: {  	[sflag:s28] =	ssyncset.done $0x0  }
0xa0: {  	s17 =	sadd.s32 $0x2980, s8;
	[sflag:s28] =	ssyncadd.s32 $0xFFFFE000  }
0xa1: {  	[spmem:s2] =	stream.indirect.scatter.add.f32 [tilespmem:s20], [sflag:$0xC], $0x40, s17, s14, $0xb8;
	[tilespmem:$0x1F000] =	vst v63  }
0xa2: {  	_ =	swait.ge [sflag:s29], $0x2000  }
0xa3: {  	s9 =	smov.u32 s7;
	p1 =	seq.s32 s6, $0x9000;
	[sflag:s29] =	ssyncset.done $0x0  }
0xa4: {  	s0 =	simm.s32 @p1 $0x5;
	s11 =	sshra.s32 @p1 s6, $0x2;
	[sflag:s29] =	ssyncadd.s32 $0xFFFFE000  }
0xa5: {  	s6 =	sshra.s32 @!p1 s6, $0x2;
	s13 =	simm.s32 @p1 $0xA;
	_ =	swait.ge @p1 [sflag:s0], $0x2000  }
0xa6: {  	s3 =	simm.s32 @p1 $0x80;
	s12 =	simm.s32 @!p1 $0x5;
	[sflag:s0] =	ssyncset.done @p1 $0x0  }
0xa7: {  	s25 =	sadd.s32 @p1 $0x2A00, s11;
	[sflag:s0] =	ssyncadd.s32 @p1 $0xFFFFE000;
	s0 =	simm.s32 @p1 $0xD000  }
0xa8: {  	[spmem:s2] =	stream.indirect.scatter.add.f32 @p1 [tilespmem:s0], [sflag:$0xD], $0x40, s25, s3, $0xb8;
	[tilespmem:$0x1F000] =	vst v63  }
0xa9: {  	s19 =	sadd.s32 @!p1 $0x2A00, s6;
	s10 =	sadd.s32 @!p1 $0x480, s6;
	_ =	swait.ge @p1 [sflag:s13], $0x2000  }
0xaa: {  	s5 =	sadd.s32 @p1 $0x2B00, s11;
	s11 =	simm.s32 @!p1 $0x80;
	[sflag:s13] =	ssyncset.done @p1 $0x0  }
0xab: {  	s17 =	sadd.s32 @!p1 $0x400, s6;
	s0 =	simm.s32 @!p1 $0x5000;
	[sflag:s13] =	ssyncadd.s32 @p1 $0xFFFFE000  }
0xac: {  	[tilespmem:s0], [sflag:$0x1] =	stream.indirect.gather @!p1 [hbm4b:s4+s11], $0x40, s17, s11, $0xb8;
	[tilespmem:$0x1F000] =	vst v63  }
0xad: {  	s25 =	sadd.s32 @!p1 $0x580, s6;
	s13 =	sadd.s32 @!p1 $0x500, s6;
	_ =	swait.ge @!p1 [sflag:s12], $0x2000  }
0xae: {  	s0 =	sadd.s32 @!p1 $0x2B00, s6;
	s6 =	smov.u32 s9;
	[sflag:s12] =	ssyncset.done @!p1 $0x0  }
0xaf: {  	s9 =	simm.s32 @!p1 $0xD000;
	[sflag:s12] =	ssyncadd.s32 @!p1 $0xFFFFE000;
	s12 =	simm.s32 @!p1 $0xA  }
0xb0: {  	[spmem:s2] =	stream.indirect.scatter.add.f32 @!p1 [tilespmem:s9], [sflag:$0xD], $0x40, s19, s11, $0xb8;
	[tilespmem:$0x1F000] =	vst v63  }
0xb1: {  	_ =	swait.ge @!p1 [sflag:s12], $0x2000  }
0xb2: {  	[sflag:s12] =	ssyncset.done @!p1 $0x0  }
0xb3: {  	s9 =	simm.s32 @!p1 $0x7000;
	[sflag:s12] =	ssyncadd.s32 @!p1 $0xFFFFE000  }
0xb4: {  	[tilespmem:s9], [sflag:$0x2] =	stream.indirect.gather @!p1 [hbm4b:s4+s11], $0x40, s10, s11, $0xb8;
	[tilespmem:$0x1F000] =	vst v63  }
0xb5: {  	_ =	swait.ge [sflag:s30], $0x2000  }
0xb6: {  	[sflag:s30] =	ssyncset.done $0x0  }
0xb7: {  	s19 =	sadd.s32 $0x2A80, s8;
	[sflag:s30] =	ssyncadd.s32 $0xFFFFE000  }
0xb8: {  	[spmem:s2] =	stream.indirect.scatter.add.f32 [tilespmem:s22], [sflag:$0xE], $0x40, s19, s14, $0xb8;
	[tilespmem:$0x1F000] =	vst v63  }
0xb9: {  	_ =	swait.ge [sflag:s31], $0x2000  }
0xba: {  	[sflag:s31] =	ssyncset.done $0x0  }
0xbb: {  	s9 =	simm.s32 @p1 $0x7;
	[sflag:s31] =	ssyncadd.s32 $0xFFFFE000  }
0xbc: {  	_ =	swait.ge @p1 [sflag:s9], $0x2000  }
0xbd: {  	[sflag:s9] =	ssyncset.done @p1 $0x0  }
0xbe: {  	s10 =	simm.s32 @p1 $0xC;
	[sflag:s9] =	ssyncadd.s32 @p1 $0xFFFFE000;
	s9 =	simm.s32 @p1 $0x11000  }
0xbf: {  	[spmem:s2] =	stream.indirect.scatter.add.f32 @p1 [tilespmem:s9], [sflag:$0xF], $0x40, s5, s3, $0xb8;
	[tilespmem:$0x1F000] =	vst v63  }
0xc0: {  	_ =	swait.ge @p1 [sflag:s10], $0x2000  }
0xc1: {  	[sflag:s10] =	ssyncset.done @p1 $0x0  }
0xc2: {  	s3 =	simm.s32 @!p1 $0x9000;
	s5 =	simm.s32 @!p1 $0x7;
	[sflag:s10] =	ssyncadd.s32 @p1 $0xFFFFE000  }
0xc3: {  	[tilespmem:s3], [sflag:$0x3] =	stream.indirect.gather @!p1 [hbm4b:s4+s11], $0x40, s13, s11, $0xb8;
	[tilespmem:$0x1F000] =	vst v63  }
0xc4: {  	_ =	swait.ge @!p1 [sflag:s5], $0x2000  }
0xc5: {  	s7 =	sadd.s32 $0x1000, s7;
	[sflag:s5] =	ssyncset.done @!p1 $0x0  }
0xc6: {  	s3 =	simm.s32 @!p1 $0x11000;
	[sflag:s5] =	ssyncadd.s32 @!p1 $0xFFFFE000;
	s5 =	simm.s32 @!p1 $0xC  }
0xc7: {  	[spmem:s2] =	stream.indirect.scatter.add.f32 @!p1 [tilespmem:s3], [sflag:$0xF], $0x40, s0, s11, $0xb8;
	[tilespmem:$0x1F000] =	vst v63  }
0xc8: {  	p0 =	sne.s32 s7, $0xA000;
	_ =	swait.ge @!p1 [sflag:s5], $0x2000  }
.Ltmp0:
0xc9: {  	[sflag:s5] =	ssyncset.done @!p1 $0x0;
	(pc) =	sbr.rel @p0 .LBB2_2-.Ltmp0, $4  }
0xca: {  	s0 =	simm.s32 @!p1 $0xB000;
	[sflag:s5] =	ssyncadd.s32 @!p1 $0xFFFFE000  }
0xcb: {  	[tilespmem:s0], [sflag:$0x4] =	stream.indirect.gather @!p1 [hbm4b:s4+s11], $0x40, s25, s11, $0xb8;
	[tilespmem:$0x1F000] =	vst v63  }
0xcc: {  	_ =	swait.ge [sflag:s1], $0x2000  }
0xcd: {  	p1 =	seq.s32 s6, $0x0;
	s0 =	sadd.s32 $0x2B80, s8;
	[sflag:s1] =	ssyncset.done $0x0  }
0xce: {  	s3 =	simm.s32 @!p1 $0xD;
	[sflag:s1] =	ssyncadd.s32 $0xFFFFE000  }
0xcf: {  	[spmem:s2] =	stream.indirect.scatter.add.f32 [tilespmem:s26], [sflag:$0x10], $0x40, s0, s14, $0xb8;
	[tilespmem:$0x1F000] =	vst v63  }
0xd0: {  	_ =	swait.ge @!p1 [sflag:s3], $0x2000  }
0xd1: {  	s7 =	sshra.s32 s6, $0x2;
	[sflag:s3] =	ssyncset.done @!p1 $0x0  }
0xd2: {  	s5 =	sadd.s32 $0x200, s7;
	s25 =	rddreg [dreg:$0x4];
	[sflag:s3] =	ssyncadd.s32 @!p1 $0xFFFFE000  }
0xd3: {  	[tilespmem:s25], [sflag:$0x5] =	stream.indirect.gather [hbm4b:s4+s14], $0x40, s5, s14, $0xb8;
	[tilespmem:$0x1F000] =	vst v63  }
0xd4: {  	_ =	swait.ge [sflag:s21], $0x2000  }
0xd5: {  	[sflag:s21] =	ssyncset.done $0x0  }
0xd6: {  	s8 =	sadd.s32 $0x2800, s7;
	s3 =	simm.s32 @!p1 $0xE;
	[sflag:s21] =	ssyncadd.s32 $0xFFFFE000  }
0xd7: {  	[spmem:s2] =	stream.indirect.scatter.add.f32 [tilespmem:s15], [sflag:$0x9], $0x40, s8, s14, $0xb8;
	[tilespmem:$0x1F000] =	vst v63  }
0xd8: {  	_ =	swait.ge @!p1 [sflag:s3], $0x2000  }
0xd9: {  	[sflag:s3] =	ssyncset.done @!p1 $0x0  }
0xda: {  	s9 =	sadd.s32 $0x280, s7;
	[sflag:s3] =	ssyncadd.s32 @!p1 $0xFFFFE000  }
0xdb: {  	[tilespmem:s22], [sflag:$0x6] =	stream.indirect.gather [hbm4b:s4+s14], $0x40, s9, s14, $0xb8;
	[tilespmem:$0x1F000] =	vst v63  }
0xdc: {  	_ =	swait.ge [sflag:s23], $0x2000  }
0xdd: {  	[sflag:s23] =	ssyncset.done $0x0  }
0xde: {  	s10 =	sadd.s32 $0x2880, s7;
	s3 =	simm.s32 @!p1 $0xF;
	[sflag:s23] =	ssyncadd.s32 $0xFFFFE000  }
0xdf: {  	[spmem:s2] =	stream.indirect.scatter.add.f32 [tilespmem:s16], [sflag:$0xA], $0x40, s10, s14, $0xb8;
	[tilespmem:$0x1F000] =	vst v63  }
0xe0: {  	_ =	swait.ge @!p1 [sflag:s3], $0x2000  }
0xe1: {  	[sflag:s3] =	ssyncset.done @!p1 $0x0  }
0xe2: {  	s12 =	sadd.s32 $0x300, s7;
	s11 =	rddreg [dreg:$0x5];
	[sflag:s3] =	ssyncadd.s32 @!p1 $0xFFFFE000  }
0xe3: {  	[tilespmem:s11], [sflag:$0x7] =	stream.indirect.gather [hbm4b:s4+s14], $0x40, s12, s14, $0xb8;
	[tilespmem:$0x1F000] =	vst v63  }
0xe4: {  	_ =	swait.ge [sflag:s24], $0x2000  }
0xe5: {  	[sflag:s24] =	ssyncset.done $0x0  }
0xe6: {  	s13 =	sadd.s32 $0x2900, s7;
	s3 =	simm.s32 @!p1 $0x10;
	[sflag:s24] =	ssyncadd.s32 $0xFFFFE000  }
0xe7: {  	[spmem:s2] =	stream.indirect.scatter.add.f32 [tilespmem:s18], [sflag:$0xB], $0x40, s13, s14, $0xb8;
	[tilespmem:$0x1F000] =	vst v63  }
0xe8: {  	_ =	swait.ge @!p1 [sflag:s3], $0x2000  }
0xe9: {  	[sflag:s3] =	ssyncset.done @!p1 $0x0  }
0xea: {  	s17 =	sadd.s32 $0x380, s7;
	[sflag:s3] =	ssyncadd.s32 @!p1 $0xFFFFE000  }
0xeb: {  	[tilespmem:s26], [sflag:$0x8] =	stream.indirect.gather [hbm4b:s4+s14], $0x40, s17, s14, $0xb8;
	[tilespmem:$0x1F000] =	vst v63  }
0xec: {  	_ =	swait.ge [sflag:s28], $0x2000  }
0xed: {  	[sflag:s28] =	ssyncset.done $0x0  }
0xee: {  	s19 =	sadd.s32 $0x2980, s7;
	[sflag:s28] =	ssyncadd.s32 $0xFFFFE000  }
0xef: {  	[spmem:s2] =	stream.indirect.scatter.add.f32 [tilespmem:s20], [sflag:$0xC], $0x40, s19, s14, $0xb8;
	[tilespmem:$0x1F000] =	vst v63  }
0xf0: {  	_ =	swait.ge [sflag:s29], $0x2000  }
0xf1: {  	p0 =	seq.s32 s6, $0x9000;
	[sflag:s29] =	ssyncset.done $0x0  }
0xf2: {  	s0 =	simm.s32 @p0 $0x5;
	[sflag:s29] =	ssyncadd.s32 $0xFFFFE000  }
0xf3: {  	s8 =	simm.s32 @p0 $0xA;
	_ =	swait.ge @p0 [sflag:s0], $0x2000  }
0xf4: {  	s9 =	simm.s32 @p0 $0xD000;
	s3 =	sshra.s32 @p0 s6, $0x2;
	[sflag:s0] =	ssyncset.done @p0 $0x0  }
0xf5: {  	s5 =	sadd.s32 @p0 $0x2A00, s3;
	[sflag:s0] =	ssyncadd.s32 @p0 $0xFFFFE000;
	s0 =	simm.s32 @p0 $0x80  }
0xf6: {  	[spmem:s2] =	stream.indirect.scatter.add.f32 @p0 [tilespmem:s9], [sflag:$0xD], $0x40, s5, s0, $0xb8;
	[tilespmem:$0x1F000] =	vst v63  }
0xf7: {  	_ =	swait.ge @p0 [sflag:s8], $0x2000  }
0xf8: {  	s5 =	sshra.s32 @!p0 s6, $0x2;
	s9 =	simm.s32 @!p0 $0x5000;
	[sflag:s8] =	ssyncset.done @p0 $0x0  }
0xf9: {  	s6 =	sadd.s32 @!p0 $0x400, s5;
	[sflag:s8] =	ssyncadd.s32 @p0 $0xFFFFE000;
	s8 =	simm.s32 @!p0 $0x80  }
0xfa: {  	[tilespmem:s9], [sflag:$0x1] =	stream.indirect.gather @!p0 [hbm4b:s4+s8], $0x40, s6, s8, $0xb8;
	[tilespmem:$0x1F000] =	vst v63  }
0xfb: {  	s6 =	simm.s32 @!p0 $0x5  }
0xfc: {  	_ =	swait.ge @!p0 [sflag:s6], $0x2000  }
0xfd: {  	[sflag:s6] =	ssyncset.done @!p0 $0x0  }
0xfe: {  	s9 =	sadd.s32 @!p0 $0x2A00, s5;
	[sflag:s6] =	ssyncadd.s32 @!p0 $0xFFFFE000;
	s6 =	simm.s32 @!p0 $0xD000  }
0xff: {  	[spmem:s2] =	stream.indirect.scatter.add.f32 @!p0 [tilespmem:s6], [sflag:$0xD], $0x40, s9, s8, $0xb8;
	[tilespmem:$0x1F000] =	vst v63  }
0x100: {  	s6 =	simm.s32 @!p0 $0xA  }
0x101: {  	_ =	swait.ge @!p0 [sflag:s6], $0x2000  }
0x102: {  	[sflag:s6] =	ssyncset.done @!p0 $0x0  }
0x103: {  	s9 =	sadd.s32 @!p0 $0x480, s5;
	[sflag:s6] =	ssyncadd.s32 @!p0 $0xFFFFE000;
	s6 =	simm.s32 @!p0 $0x7000  }
0x104: {  	[tilespmem:s6], [sflag:$0x2] =	stream.indirect.gather @!p0 [hbm4b:s4+s8], $0x40, s9, s8, $0xb8;
	[tilespmem:$0x1F000] =	vst v63  }
0x105: {  	_ =	swait.ge [sflag:s30], $0x2000  }
0x106: {  	[sflag:s30] =	ssyncset.done $0x0  }
0x107: {  	s25 =	sadd.s32 $0x2A80, s7;
	[sflag:s30] =	ssyncadd.s32 $0xFFFFE000  }
0x108: {  	[spmem:s2] =	stream.indirect.scatter.add.f32 [tilespmem:s22], [sflag:$0xE], $0x40, s25, s14, $0xb8;
	[tilespmem:$0x1F000] =	vst v63  }
0x109: {  	_ =	swait.ge [sflag:s31], $0x2000  }
0x10a: {  	[sflag:s31] =	ssyncset.done $0x0  }
0x10b: {  	s6 =	simm.s32 @p0 $0x7;
	[sflag:s31] =	ssyncadd.s32 $0xFFFFE000  }
0x10c: {  	_ =	swait.ge @p0 [sflag:s6], $0x2000  }
0x10d: {  	[sflag:s6] =	ssyncset.done @p0 $0x0  }
0x10e: {  	s3 =	sadd.s32 @p0 $0x2B00, s3;
	[sflag:s6] =	ssyncadd.s32 @p0 $0xFFFFE000;
	s6 =	simm.s32 @p0 $0x11000  }
0x10f: {  	[spmem:s2] =	stream.indirect.scatter.add.f32 @p0 [tilespmem:s6], [sflag:$0xF], $0x40, s3, s0, $0xb8;
	[tilespmem:$0x1F000] =	vst v63  }
0x110: {  	s0 =	simm.s32 @p0 $0xC  }
0x111: {  	_ =	swait.ge @p0 [sflag:s0], $0x2000  }
0x112: {  	[sflag:s0] =	ssyncset.done @p0 $0x0  }
0x113: {  	s3 =	sadd.s32 @!p0 $0x500, s5;
	[sflag:s0] =	ssyncadd.s32 @p0 $0xFFFFE000;
	s0 =	simm.s32 @!p0 $0x9000  }
0x114: {  	[tilespmem:s0], [sflag:$0x3] =	stream.indirect.gather @!p0 [hbm4b:s4+s8], $0x40, s3, s8, $0xb8;
	[tilespmem:$0x1F000] =	vst v63  }
0x115: {  	s0 =	simm.s32 @!p0 $0x7  }
0x116: {  	_ =	swait.ge @!p0 [sflag:s0], $0x2000  }
0x117: {  	[sflag:s0] =	ssyncset.done @!p0 $0x0  }
0x118: {  	s3 =	sadd.s32 @!p0 $0x2B00, s5;
	[sflag:s0] =	ssyncadd.s32 @!p0 $0xFFFFE000;
	s0 =	simm.s32 @!p0 $0x11000  }
0x119: {  	[spmem:s2] =	stream.indirect.scatter.add.f32 @!p0 [tilespmem:s0], [sflag:$0xF], $0x40, s3, s8, $0xb8;
	[tilespmem:$0x1F000] =	vst v63  }
0x11a: {  	s0 =	simm.s32 @!p0 $0xC  }
0x11b: {  	_ =	swait.ge @!p0 [sflag:s0], $0x2000  }
0x11c: {  	[sflag:s0] =	ssyncset.done @!p0 $0x0  }
0x11d: {  	s3 =	sadd.s32 @!p0 $0x580, s5;
	[sflag:s0] =	ssyncadd.s32 @!p0 $0xFFFFE000;
	s0 =	simm.s32 @!p0 $0xB000  }
0x11e: {  	[tilespmem:s0], [sflag:$0x4] =	stream.indirect.gather @!p0 [hbm4b:s4+s8], $0x40, s3, s8, $0xb8;
	[tilespmem:$0x1F000] =	vst v63  }
0x11f: {  	_ =	swait.ge [sflag:s1], $0x2000  }
0x120: {  	[sflag:s1] =	ssyncset.done $0x0  }
0x121: {  	s9 =	simm.s32 $0xD;
	s8 =	sadd.s32 $0x2B80, s7;
	[sflag:s1] =	ssyncadd.s32 $0xFFFFE000  }
0x122: {  	[spmem:s2] =	stream.indirect.scatter.add.f32 [tilespmem:s26], [sflag:$0x10], $0x40, s8, s14, $0xb8;
	[tilespmem:$0x1F000] =	vst v63  }
0x123: {  	_ =	swait.ge [sflag:s9], $0x2000  }
0x124: {  	[sflag:s9] =	ssyncset.done $0x0  }
0x125: {  	s10 =	simm.s32 $0xE;
	[sflag:s9] =	ssyncadd.s32 $0xFFFFE000  }
0x126: {  	_ =	swait.ge [sflag:s10], $0x2000  }
0x127: {  	[sflag:s10] =	ssyncset.done $0x0  }
0x128: {  	s11 =	simm.s32 $0xF;
	[sflag:s10] =	ssyncadd.s32 $0xFFFFE000  }
0x129: {  	_ =	swait.ge [sflag:s11], $0x2000  }
0x12a: {  	[sflag:s11] =	ssyncset.done $0x0  }
0x12b: {  	s12 =	simm.s32 $0x10;
	[sflag:s11] =	ssyncadd.s32 $0xFFFFE000  }
0x12c: {  	_ =	swait.ge [sflag:s12], $0x2000  }
0x12d: {  	[sflag:s12] =	ssyncset.done $0x0  }
0x12e: {  	[sflag:s12] =	ssyncadd.s32 $0xFFFFE000  }
0x12f: {  	[bflag:$0x0] =	sbarrier.arrive $0xFFFF  }
0x130: {  	s13 =	rddreg [dreg:$0x8]  }
0x131: {  	s3 =	rddreg [dreg:$0xb]  }
0x132: {  	s6 =	simm.s32 $0x11;
	s17 =	rddreg [dreg:$0xd]  }
0x133: {  	[hbm:s13], [sflag:s3] =	dma.local [spmem:s17], $0x1400  }
0x134: {  	_ =	swait.ge [sflag:s6], $0x1400  }
0x135: {  	s19 =	rddreg [dreg:$0xe]  }
0x136: {  	s25 =	rddreg [dreg:$0x9];
	s5 =	sadd.s32 $0x1, s19  }
0x137: {  	p0 =	sne.s32 s5, s25  }
.Ltmp1:
0x138: {  	_ = 	snop;
	(pc) =	sbr.rel @p0 .LBB2_1-.Ltmp1, $3  }
0x139: {  	_ =	sdelay $0x1  }
0x13a: {  	[sflag:s6] =	ssyncset.done $0x0  }
0x13b: {  	[sflag:s6] =	ssyncadd.s32 $0xFFFFEC00  }
0x13c: {  	_ =	sfence.sel $0x180000  }
0x13d: {  	[bflag:$0x0] =	sbarrier.arrive $0xFFFF  }
0x13e: {  	_ =	strace $0x9000004A  }
0x13f: {  	s0 =	stileid.u32;
	[bflag:$0x2] =	sbarrier.arrive $0xFFFF  }
0x140: {  	p0 =	sne.s32 s0, $0x0;
	s0 =	rddreg [dreg:$0x3]  }
0x141: {  	s0 =	sadd.s32 @!p0 $0x100000, s0  }
0x142: {  	[sflag:s0] =	ssyncadd.tile.s32 @!p0 $0x1;
	_ =	shalt  }
.Lfunc_end2:
_tile_overlayer_lowered:
.L_overlay_start_2:
0x143: {  	(tag) =	ssettag $0x2  }
0x144: {  	s0 =	rddreg [dreg:$0x0];
	s2 =	stileid.u32  }
0x145: {  	s1 =	rddreg [dreg:$0x1];
	p0 =	sne.s32 s2, $0x0  }
0x146: {  	s3 =	rddreg [dreg:$0x2];
	[bflag:$0x3] =	sbarrier.arrive $0xFFFF;
	s2 =	simm.s32 @!p0 $0x1C11  }
0x147: {  	[timem:s3], [sflag:s2] =	dma.local @!p0 [hbm:s0], s1  }
0x148: {  	s0 =	simm.s32 @!p0 $0x11  }
0x149: {  	_ =	swait.ge @!p0 [sflag:s0], s1  }
0x14a: {  	s1 =	ssub.s32 @!p0 $0x0, s1;
	[sflag:s0] =	ssyncset.done @!p0 $0x0  }
0x14b: {  	[sflag:s0] =	ssyncadd.s32 @!p0 s1  }
0x14c: {  	[bflag:$0x3] =	sbarrier.arrive $0xFFFF  }
0x14d: {  	_ =	shalt  }

// kernel: kernel.18.cloned.1.call-start
scs
__scs_entry_jumppad:
0x0: {  	(pc) =	sbr.rel $0x88, $3  }
0x1: {  	(tag) =	ssettag $0x0;
	lr =	simm.s32 $0x1  }
0x2: {  	[smem:$0x3F99] =	sst lr;
	_ =	strace $0xD0000000  }
0x3: {  	_ = 	snop  }
0x4: {  	_ = 	snop  }
0x5: {  	_ = 	snop  }
0x6: {  	_ = 	snop  }
0x7: {  	_ = 	snop  }
__scs_overlays_trampoline_lowered:
0x8: {  	[smem:$0x3FA8] =	sst s0  }
0x9: {  	[smem:$0x3FA9] =	sst s1  }
0xa: {  	[smem:$0x3FAA] =	sst s2  }
0xb: {  	[smem:$0x3FAB] =	sst s3  }
0xc: {  	[smem:$0x3FAC] =	sst s4  }
0xd: {  	[smem:$0x3FAD] =	sst s5  }
0xe: {  	[smem:$0x3FAE] =	sst s6  }
0xf: {  	[smem:$0x3FAF] =	sst s7  }
0x10: {  	[smem:$0x3FB0] =	sst s8  }
0x11: {  	[smem:$0x3FB1] =	sst s9;
	s0 =	simm.s32 @!p0 $0x0  }
0x12: {  	s1 =	sld [smem:$0x3F97];
	s0 =	simm.s32 @p0 $0x1  }
0x13: {  	[smem:$0x3FB2] =	sst s0;
	s0 =	simm.s32 @!p1 $0x0  }
0x14: {  	s2 =	sld [smem:$0x3F96];
	s0 =	simm.s32 @p1 $0x1  }
0x15: {  	[smem:$0x3FB3] =	sst s0;
	s0 =	simm.s32 @!p2 $0x0  }
0x16: {  	s3 =	sld [smem:$0x3FDB];
	s0 =	simm.s32 @p2 $0x1  }
0x17: {  	s4 =	simm.s32 $0x1BF5;
	[smem:$0x3FB5] =	sst s0  }
0x18: {  	s0 =	sld [smem:$0x3F98];
	_ =	swait.ge [sflag:s4], $0x0  }
0x19: {  	s7 =	sld [smem:$0x3F99]  }
0x1a: {  	s8 =	sadd.s32 $0xFFFFE003, lr  }
0x1b: {  	s9 =	sadd.s32 $0xFFFFFEF7, lr;
	s5 =	simm.s32 $0xFFFFFFFF;
	p2 =	slt.u32 s8, $0xFFFFF086  }
0x1c: {  	p1 =	slt.u32 s9, $0xF7A;
	s5 =	simm.s32 @!p2 $0x0  }
0x1d: {  	s5 =	simm.s32 @p1 $0x1;
	p0 =	seq.s32 s7, s2  }
0x1e: {  	s7 =	smul.u32 @!p0 $0xF7A, s2;
	p2 =	seq.s32 @!p0 s5, $0x0  }
0x1f: {  	s9 =	smul.u32 $0xF7A, s1;
	s8 =	simm.s32 @!p0 $0x1BF5;
	p2 =	por !p2, p0  }
0x20: {  	[sflag:s8] =	ssyncset.s32 @!p0 $0xFFFFF086;
	s6 =	sadd.s32 @!p0 s3, s7;
	s7 =	simm.s32 @!p0 $0x108  }
0x21: {  	s3 =	sadd.s32 s3, s9;
	s6 =	sadd.s32 @!p0 $0x88, s6;
	s7 =	simm.s32 @p2 $0x1082  }
0x22: {  	[simem:s7], [sflag:s8] =	dma.local @!p0 [hbm:s6], $0xF7A  }
0x23: {  	s9 =	sor.u32 $0xD0000000, s2;
	s6 =	simm.s32 $0x108;
	_ =	swait.ge @!p0 [sflag:s8], $0x0  }
0x24: {  	s3 =	sadd.s32 $0x88, s3;
	s6 =	simm.s32 @!p1 $0x1082;
	[sflag:s4] =	ssyncset.s32 $0xFFFFF086  }
0x25: {  	[simem:s6], [sflag:s4] =	dma.local [hbm:s3], $0xF7A  }
0x26: {  	[smem:$0x3F99] =	sst s1;
	(tag) =	ssettag s2;
	_ =	strace s9  }
0x27: {  	s1 =	sld [smem:$0x3FA9]  }
0x28: {  	s2 =	sld [smem:$0x3FAA]  }
0x29: {  	s4 =	sld [smem:$0x3FAC]  }
0x2a: {  	p0 =	seq.s32 s5, $0x0;
	s5 =	sld [smem:$0x3FAD]  }
0x2b: {  	s6 =	sld [smem:$0x3FAE]  }
0x2c: {  	s7 =	sld [smem:$0x3FAF]  }
0x2d: {  	s3 =	simm.s32 $0x108;
	s8 =	sld [smem:$0x3FB0]  }
0x2e: {  	s3 =	simm.s32 @!p0 $0x1082;
	s9 =	sld [smem:$0x3FB1]  }
0x2f: {  	lr =	sadd.s32 s0, s3;
	s0 =	sld [smem:$0x3FA8]  }
0x30: {  	s3 =	sld [smem:$0x3FAB]  }
0x31: {  	[smem:$0x3FB4] =	sst s10  }
0x32: {  	s10 =	sld [smem:$0x3FB2];
	_ =	sdelay $0x3  }
0x33: {  	p0 =	seq.s32 s10, $0x1;
	s10 =	sld [smem:$0x3FB4];
	_ =	sdelay $0x3  }
0x34: {  	[smem:$0x3FB4] =	sst s10  }
0x35: {  	s10 =	sld [smem:$0x3FB3];
	_ =	sdelay $0x3  }
0x36: {  	p1 =	seq.s32 s10, $0x1;
	s10 =	sld [smem:$0x3FB4];
	_ =	sdelay $0x3  }
0x37: {  	[smem:$0x3FB4] =	sst s10  }
0x38: {  	s10 =	sld [smem:$0x3FB5]  }
0x39: {  	_ = 	snop;
	(pc) =	sbr.ind lr, $3  }
0x3a: {  	_ = 	snop  }
0x3b: {  	_ = 	snop  }
0x3c: {  	p2 =	seq.s32 s10, $0x1;
	s10 =	sld [smem:$0x3FB4]  }
0x3d: {  	_ =	shalt  }
0x3e: {  	_ =	shalt  }
0x3f: {  	_ =	shalt  }
0x40: {  	_ =	shalt  }
0x41: {  	_ =	shalt  }
0x42: {  	_ =	shalt  }
0x43: {  	_ =	shalt  }
0x44: {  	_ =	shalt  }
0x45: {  	_ =	shalt  }
0x46: {  	_ =	shalt  }
0x47: {  	_ =	shalt  }
0x48: {  	_ =	shalt  }
0x49: {  	_ =	shalt  }
0x4a: {  	_ =	shalt  }
0x4b: {  	_ =	shalt  }
0x4c: {  	_ =	shalt  }
0x4d: {  	_ =	shalt  }
0x4e: {  	_ =	shalt  }
0x4f: {  	_ =	shalt  }
0x50: {  	_ =	shalt  }
0x51: {  	_ =	shalt  }
0x52: {  	_ =	shalt  }
0x53: {  	_ =	shalt  }
0x54: {  	_ =	shalt  }
0x55: {  	_ =	shalt  }
0x56: {  	_ =	shalt  }
0x57: {  	_ =	shalt  }
0x58: {  	_ =	shalt  }
0x59: {  	_ =	shalt  }
0x5a: {  	_ =	shalt  }
0x5b: {  	_ =	shalt  }
0x5c: {  	_ =	shalt  }
0x5d: {  	_ =	shalt  }
0x5e: {  	_ =	shalt  }
0x5f: {  	_ =	shalt  }
0x60: {  	_ =	shalt  }
0x61: {  	_ =	shalt  }
0x62: {  	_ =	shalt  }
0x63: {  	_ =	shalt  }
0x64: {  	_ =	shalt  }
0x65: {  	_ =	shalt  }
0x66: {  	_ =	shalt  }
0x67: {  	_ =	shalt  }
0x68: {  	_ =	shalt  }
0x69: {  	_ =	shalt  }
0x6a: {  	_ =	shalt  }
0x6b: {  	_ =	shalt  }
0x6c: {  	_ =	shalt  }
0x6d: {  	_ =	shalt  }
0x6e: {  	_ =	shalt  }
0x6f: {  	_ =	shalt  }
0x70: {  	_ =	shalt  }
0x71: {  	_ =	shalt  }
0x72: {  	_ =	shalt  }
0x73: {  	_ =	shalt  }
0x74: {  	_ =	shalt  }
0x75: {  	_ =	shalt  }
0x76: {  	_ =	shalt  }
0x77: {  	_ =	shalt  }
0x78: {  	_ =	shalt  }
0x79: {  	_ =	shalt  }
0x7a: {  	_ =	shalt  }
0x7b: {  	_ =	shalt  }
0x7c: {  	_ =	shalt  }
0x7d: {  	_ =	shalt  }
0x7e: {  	_ =	shalt  }
0x7f: {  	_ =	shalt  }
0x80: {  	_ =	shalt  }
0x81: {  	_ =	shalt  }
0x82: {  	_ =	shalt  }
0x83: {  	_ =	shalt  }
0x84: {  	_ =	shalt  }
0x85: {  	_ =	shalt  }
0x86: {  	_ =	shalt  }
0x87: {  	_ =	shalt  }
.Lfunc_end0:
.L_simem_size_0:
called_computation.2_lowered:
.L_overlay_start_0:
0x88: {  	s2 =	sld [smem:$0x3FD9]  }
0x89: {  	s3 =	sld [smem:$0x3FFE];
	_ =	sdelay $0x1  }
0x8a: {  	s1 =	srdreg.scid  }
0x8b: {  	s0 =	sand.u32 $0x1, s1  }
0x8c: {  	s14 =	sshll.u32 s0, $0xA;
	s2 =	sadd.s32 s3, s2  }
0x8d: {  	s2 =	sadd.s32 s2, s14  }
0x8e: {  	[smem:$0x3FC0] =	sst s2  }
0x8f: {  	_ = 	snop  }
0x90: {  	s2 =	sld [smem:$0x3FD0];
	_ =	sdelay $0x2  }
0x91: {  	s15 =	simm.s32 $0xA;
	s4 =	simm.s32 $0x10  }
0x92: {  	[smem:s4], [sflag:s15] =	dma.local [hbm:s2], $0x1  }
0x93: {  	_ =	swait.eq [sflag:s15], $0x1  }
0x94: {  	[sflag:s15] =	ssyncset.done $0x0  }
0x95: {  	[sflag:s15] =	ssyncadd.s32 $0xFFFFFFFF  }
0x96: {  	s16 =	sld [smem:$0x11];
	(tm) =	ssettm $0x1  }
0x97: {  	s17 =	sld [smem:$0x3FFB];
	_ =	sdelay $0x3  }
0x98: {  	_ =	strace s17  }
0x99: {  	s3 =	sld [smem:$0x3FFC];
	_ =	sdelay $0x3  }
0x9a: {  	_ =	strace s3  }
0x9b: {  	s3 =	sld [smem:$0x3FFD];
	_ =	sdelay $0x3  }
0x9c: {  	_ =	strace s3  }
0x9d: {  	_ =	strace $0x8FFFFFFF  }
0x9e: {  	s18 =	sld [smem:$0x3FDB];
	_ =	sdelay $0x1  }
0x9f: {  	s19 =	simm.s32 $_scs_section_size  }
0xa0: {  	s5 =	simm.s32 $_size__tile_overlayer_lowered;
	s6 =	simm.s32 $_tile_overlayer_lowered  }
0xa1: {  	s22 =	simm.s32 $0x1BFF;
	s21 =	sshll.u32 s6, $0x1;
	s3 =	sadd.s32 s19, s18  }
0xa2: {  	s7 =	simm.s32 $0x0;
	s20 =	sshll.u32 s5, $0x1;
	s5 =	sadd.s32 s21, s3  }
0xa3: {  	[timem:s7], [sflag:s22] =	dma.local [hbm:s5], s20  }
0xa4: {  	_ =	swait.ge [sflag:s22], s20  }
0xa5: {  	s4 =	ssub.s32 $0x0, s20;
	[sflag:s22] =	ssyncset.done $0x0  }
0xa6: {  	[sflag:s22] =	ssyncadd.s32 s4;
	_ =	sdelay $0x1  }
0xa7: {  	s23 =	simm.s32 $0x1B8B  }
0xa8: {  	_ =	swait.ge [sflag:s23], $0x1  }
0xa9: {  	[sflag:s23] =	ssyncset.done $0x0  }
0xaa: {  	s25 =	simm.s32 $0x1B8E;
	s24 =	sld [smem:$0x3FFE];
	[sflag:s23] =	ssyncadd.s32 $0xFFFFFFFF  }
0xab: {  	s26 =	simm.s32 $execute0_lowered;
	[smem:$0x3FD2] =	sst s25  }
0xac: {  	s5 =	sshll.u32 s26, $0x1;
	_ =	strace $0x8000004C;
	[dreg:$0x1] =	wrdreg $0xFFFFFFFF  }
0xad: {  	s28 =	simm.s32 $_size_execute0_lowered;
	s3 =	sadd.s32 s3, s5;
	[dreg:$0x0] =	wrdreg $0x0  }
0xae: {  	s5 =	sshll.u32 s28, $0x1;
	[dreg:$0x2] =	wrdreg s3  }
0xaf: {  	[dreg:$0x3] =	wrdreg s5  }
0xb0: {  	[dreg:$0x4] =	wrdreg $0xC0  }
0xb1: {  	_ =	task [dreg:s7], $0x5FFFF  }
0xb2: {  	[dreg:$0x1] =	wrdreg $0xFFFFFFFF  }
0xb3: {  	[dreg:$0x0] =	wrdreg $0x60  }
0xb4: {  	[dreg:$0x2] =	wrdreg s24  }
0xb5: {  	[dreg:$0x3] =	wrdreg s16  }
0xb6: {  	[dreg:$0x4] =	wrdreg $0x150000  }
0xb7: {  	[dreg:$0x5] =	wrdreg $0x9  }
0xb8: {  	_ =	task.clear_ibuf [dreg:s7], $0x6FFFF;
	_ =	strace $0x9000004C  }
0xb9: {  	s29 =	simm.s32 $0x9;
	_ =	strace $0x8000004E  }
0xba: {  	_ =	swait.ge [sflag:s29], $0x1  }
0xbb: {  	[sflag:s29] =	ssyncadd.s32 $0xFFFFFFFF  }
0xbc: {  	_ =	strace $0x9000004E  }
0xbd: {  	_ =	sfence  }
0xbe: {  	s30 =	sld [smem:$0x0];
	_ =	sdelay $0x2  }
0xbf: {  	s31 =	sshll.u32 s1, $0xD;
	s1 =	sshrl.u32 s1, $0x2  }
0xc0: {  	s3 =	sand.u32 $0x4000, s31;
	s1 =	sadd.s32 s1, s30  }
0xc1: {  	s0 =	sor.u32 s3, s0;
	s1 =	sshll.u32 s1, $0x11  }
0xc2: {  	s0 =	sor.u32 s1, s0  }
0xc3: {  	s0 =	sadd.s32 $0x8F2B, s0  }
0xc4: {  	[sflag:s0] =	ssyncadd.remote.s32 $0x1  }
0xc5: {  	_ =	sfence.sel $0xFFFF  }
0xc6: {  	[dreg:$0x0] =	wrdreg $0xFFFFFFFF;
	(pc) =	sbr.abs _section_cstart, $3  }
0xc7: {  	[dreg:$0x1] =	wrdreg $0xFFFFFFFF  }
0xc8: {  	_ =	task.clear_ibuf [dreg:s7], $0x2FFFF;
	_ =	strace $0x9FFFFFFF  }
0xc9: {  	(tm) =	ssettm $0x7FFFFFFF  }
tec
execute0_lowered:
.L_overlay_start_1:
0x0: {  	(tag) =	ssettag $0x1  }
0x1: {  	s0 =	srdreg.scid;
	s1 =	rddreg [dreg:$0x0]  }
0x2: {  	s11 =	stileid.u32;
	s3 =	rddreg [dreg:$0x1];
	s16 =	simm.s32 $0x0  }
0x3: {  	s14 =	simm.s32 $0x80;
	s15 =	simm.s32 $0x5000;
	s25 =	simm.s32 $0xD000  }
0x4: {  	s26 =	simm.s32 $0x11000;
	s28 =	simm.s32 $0x4;
	s29 =	simm.s32 $0x9  }
0x5: {  	s30 =	simm.s32 $0x6;
	s31 =	simm.s32 $0xB;
	s6 =	smul.u32 $0x1400, s11  }
0x6: {  	s0 =	sand.u32 $0x1, s0;
	[smem:$0x7FF] =	sst s16;
	s10 =	smul.u32 $0xA000, s11  }
0x7: {  	s8 =	sadd.s32 $0x21800, s1;
	s19 =	smul.u32 $0x28000, s11;
	s21 =	sshll.u32 s11, $0x6  }
0x8: {  	s16 =	simm.s32 $0x7000;
	s2 =	sshll.u32 s0, $0x4;
	s7 =	smul.u32 $0x14000, s0  }
0x9: {  	s17 =	ssub.s32 $0x2, s0;
	s4 =	sor.u32 s11, s2;
	s2 =	rddreg [dreg:$0x2]  }
0xa: {  	p0 =	seq.s32 s0, $0x0;
	_ =	strace $0x8000004D;
	[dreg:$0x4] =	wrdreg s25  }
0xb: {  	s18 =	sshrl.u32 s17, $0x1;
	s0 =	sshrl.u32 s19, $0x2;
	[dreg:$0x5] =	wrdreg s26  }
0xc: {  	s26 =	simm.s32 $0x13000;
	s5 =	smul.u32 $0x500, s4;
	s4 =	sadd.s32 $0xD800, s1  }
0xd: {  	s6 =	sadd.s32 s6, s7;
	s20 =	sadd.s32 s10, s2;
	s10 =	sshrl.u32 s10, $0x3  }
0xe: {  	s0 =	sadd.s32 s0, s2;
	s8 =	smov.u32 @p0 s4;
	s24 =	sshrl.u32 s20, $0x3  }
0xf: {  	s20 =	simm.s32 $0xB000;
	s0 =	sshrl.u32 s0, $0x3;
	s9 =	sadd.s32 s5, s1  }
0x10: {  	s1 =	sadd.s32 s6, s1;
	s6 =	ssub.s32 s17, s18;
	[dreg:$0xc] =	wrdreg s24  }
0x11: {  	s3 =	sadd.s32 s3, s5;
	s23 =	sadd.s32 s8, s10;
	[dreg:$0xd] =	wrdreg s0  }
0x12: {  	s18 =	simm.s32 $0x9000;
	s24 =	simm.s32 $0x3;
	[dreg:$0x7] =	wrdreg s3  }
0x13: {  	s5 =	simm.s32 $0x0;
	s9 =	sadd.s32 $0x3800, s9;
	[dreg:$0xa] =	wrdreg s23  }
0x14: {  	s1 =	sadd.s32 $0x35800, s1;
	s22 =	smax.u32 s6, $0x1;
	[dreg:$0x6] =	wrdreg s9  }
0x15: {  	s3 =	sor.u32 $0x1C11, s21;
	s6 =	simm.s32 $0x11;
	[dreg:$0x8] =	wrdreg s1  }
0x16: {  	s21 =	simm.s32 $0x1;
	s23 =	simm.s32 $0x2;
	[dreg:$0x9] =	wrdreg s22  }
0x17: {  	s22 =	simm.s32 $0xF000;
	s1 =	simm.s32 $0x8;
	[dreg:$0xb] =	wrdreg s3  }
.LBB2_1:
0x18: {  	[dreg:$0xe] =	wrdreg s5  }
0x19: {  	s0 =	rddreg [dreg:$0xa]  }
0x1a: {  	s12 =	rddreg [dreg:$0xc]  }
0x1b: {  	[spmem:s12], [sflag:s3] =	dma.local [hbm:s0], $0x1400  }
0x1c: {  	_ =	swait.ge [sflag:s6], $0x1400  }
0x1d: {  	[sflag:s6] =	ssyncset.done $0x0  }
0x1e: {  	s13 =	simm.s32 $0x0;
	s17 =	rddreg [dreg:$0x6];
	[sflag:s6] =	ssyncadd.s32 $0xFFFFEC00  }
0x1f: {  	[tilespmem:s13], [sflag:$0x11] =	stream.linear.gather [hbm4b:s17+s13], $0x2800, $0x38;
	[tilespmem:$0x1F000] =	vst v63  }
0x20: {  	_ =	swait.ge [sflag:s6], $0x2800  }
0x21: {  	[sflag:s6] =	ssyncset.done $0x0  }
0x22: {  	s25 =	simm.s32 $0x2800;
	s19 =	rddreg [dreg:$0x7];
	[sflag:s6] =	ssyncadd.s32 $0xFFFFD800  }
0x23: {  	[tilespmem:s25], [sflag:$0x11] =	stream.linear.gather [hbm4b:s19+s13], $0x2800, $0x38;
	[tilespmem:$0x1F000] =	vst v63  }
0x24: {  	_ =	swait.ge [sflag:s6], $0x2800  }
0x25: {  	[sflag:s6] =	ssyncset.done $0x0  }
0x26: {  	[sflag:s6] =	ssyncadd.s32 $0xFFFFD800  }
0x27: {  	[tilespmem:s15], [sflag:$0x1] =	stream.indirect.gather [hbm4b:s4+s14], $0x40, s13, s14, $0xb8;
	[tilespmem:$0x1F000] =	vst v63  }
0x28: {  	_ = 	snop  }
0x29: {  	[tilespmem:s16], [sflag:$0x2] =	stream.indirect.gather [hbm4b:s4+s14], $0x40, s14, s14, $0xb8;
	[tilespmem:$0x1F000] =	vst v63  }
0x2a: {  	s3 =	simm.s32 $0x100  }
0x2b: {  	[tilespmem:s18], [sflag:$0x3] =	stream.indirect.gather [hbm4b:s4+s14], $0x40, s3, s14, $0xb8;
	[tilespmem:$0x1F000] =	vst v63  }
0x2c: {  	s5 =	simm.s32 $0x180;
	p0 =	por $0x1, $0x1  }
0x2d: {  	[tilespmem:s20], [sflag:$0x4] =	stream.indirect.gather [hbm4b:s4+s14], $0x40, s5, s14, $0xb8;
	[tilespmem:$0x1F000] =	vst v63  }
0x2e: {  	s0 =	simm.s32 @!p0 $0xD;
	[bflag:$0x0] =	sbarrier.arrive $0xFFFF  }
0x2f: {  	_ =	swait.ge @!p0 [sflag:s0], $0x2000  }
0x30: {  	[sflag:s0] =	ssyncset.done @!p0 $0x0  }
0x31: {  	s7 =	simm.s32 $0x200;
	s6 =	rddreg [dreg:$0x4];
	[sflag:s0] =	ssyncadd.s32 @!p0 $0xFFFFE000  }
0x32: {  	[tilespmem:s6], [sflag:$0x5] =	stream.indirect.gather [hbm4b:s4+s14], $0x40, s7, s14, $0xb8;
	[tilespmem:$0x1F000] =	vst v63  }
0x33: {  	_ =	swait.ge [sflag:s21], $0x2000  }
0x34: {  	[sflag:s21] =	ssyncset.done $0x0  }
0x35: {  	s8 =	simm.s32 $0x2800;
	s3 =	simm.s32 @!p0 $0xE;
	[sflag:s21] =	ssyncadd.s32 $0xFFFFE000  }
0x36: {  	[spmem:s2] =	stream.indirect.scatter.add.f32 [tilespmem:s15], [sflag:$0x9], $0x40, s8, s14, $0xb8;
	[tilespmem:$0x1F000] =	vst v63  }
0x37: {  	_ =	swait.ge @!p0 [sflag:s3], $0x2000  }
0x38: {  	[sflag:s3] =	ssyncset.done @!p0 $0x0  }
0x39: {  	s9 =	simm.s32 $0x280;
	[sflag:s3] =	ssyncadd.s32 @!p0 $0xFFFFE000  }
0x3a: {  	[tilespmem:s22], [sflag:$0x6] =	stream.indirect.gather [hbm4b:s4+s14], $0x40, s9, s14, $0xb8;
	[tilespmem:$0x1F000] =	vst v63  }
0x3b: {  	_ =	swait.ge [sflag:s23], $0x2000  }
0x3c: {  	[sflag:s23] =	ssyncset.done $0x0  }
0x3d: {  	s10 =	simm.s32 $0x2880;
	s3 =	simm.s32 @!p0 $0xF;
	[sflag:s23] =	ssyncadd.s32 $0xFFFFE000  }
0x3e: {  	[spmem:s2] =	stream.indirect.scatter.add.f32 [tilespmem:s16], [sflag:$0xA], $0x40, s10, s14, $0xb8;
	[tilespmem:$0x1F000] =	vst v63  }
0x3f: {  	_ =	swait.ge @!p0 [sflag:s3], $0x2000  }
0x40: {  	[sflag:s3] =	ssyncset.done @!p0 $0x0  }
0x41: {  	s12 =	simm.s32 $0x300;
	s11 =	rddreg [dreg:$0x5];
	[sflag:s3] =	ssyncadd.s32 @!p0 $0xFFFFE000  }
0x42: {  	[tilespmem:s11], [sflag:$0x7] =	stream.indirect.gather [hbm4b:s4+s14], $0x40, s12, s14, $0xb8;
	[tilespmem:$0x1F000] =	vst v63  }
0x43: {  	_ =	swait.ge [sflag:s24], $0x2000  }
0x44: {  	[sflag:s24] =	ssyncset.done $0x0  }
0x45: {  	s13 =	simm.s32 $0x2900;
	s3 =	simm.s32 @!p0 $0x10;
	[sflag:s24] =	ssyncadd.s32 $0xFFFFE000  }
0x46: {  	[spmem:s2] =	stream.indirect.scatter.add.f32 [tilespmem:s18], [sflag:$0xB], $0x40, s13, s14, $0xb8;
	[tilespmem:$0x1F000] =	vst v63  }
0x47: {  	_ =	swait.ge @!p0 [sflag:s3], $0x2000  }
0x48: {  	[sflag:s3] =	ssyncset.done @!p0 $0x0  }
0x49: {  	s17 =	simm.s32 $0x380;
	[sflag:s3] =	ssyncadd.s32 @!p0 $0xFFFFE000  }
0x4a: {  	[tilespmem:s26], [sflag:$0x8] =	stream.indirect.gather [hbm4b:s4+s14], $0x40, s17, s14, $0xb8;
	[tilespmem:$0x1F000] =	vst v63  }
0x4b: {  	_ =	swait.ge [sflag:s28], $0x2000  }
0x4c: {  	[sflag:s28] =	ssyncset.done $0x0  }
0x4d: {  	s19 =	simm.s32 $0x2980;
	[sflag:s28] =	ssyncadd.s32 $0xFFFFE000  }
0x4e: {  	[spmem:s2] =	stream.indirect.scatter.add.f32 [tilespmem:s20], [sflag:$0xC], $0x40, s19, s14, $0xb8;
	[tilespmem:$0x1F000] =	vst v63  }
0x4f: {  	_ =	swait.ge [sflag:s29], $0x2000  }
0x50: {  	p0 =	por $0x0, $0x0;
	[sflag:s29] =	ssyncset.done $0x0  }
0x51: {  	s0 =	simm.s32 @p0 $0x5;
	[sflag:s29] =	ssyncadd.s32 $0xFFFFE000  }
0x52: {  	_ =	swait.ge @p0 [sflag:s0], $0x2000  }
0x53: {  	s3 =	simm.s32 @p0 $0x2A00;
	s6 =	simm.s32 @p0 $0xA;
	[sflag:s0] =	ssyncset.done @p0 $0x0  }
0x54: {  	s7 =	simm.s32 @p0 $0xD000;
	[sflag:s0] =	ssyncadd.s32 @p0 $0xFFFFE000;
	s0 =	simm.s32 @p0 $0x80  }
0x55: {  	[spmem:s2] =	stream.indirect.scatter.add.f32 @p0 [tilespmem:s7], [sflag:$0xD], $0x40, s3, s0, $0xb8;
	[tilespmem:$0x1F000] =	vst v63  }
0x56: {  	_ =	swait.ge @p0 [sflag:s6], $0x2000  }
0x57: {  	s3 =	simm.s32 @!p0 $0x400;
	[sflag:s6] =	ssyncset.done @p0 $0x0  }
0x58: {  	s7 =	simm.s32 @!p0 $0x5000;
	[sflag:s6] =	ssyncadd.s32 @p0 $0xFFFFE000;
	s6 =	simm.s32 @!p0 $0x80  }
0x59: {  	[tilespmem:s7], [sflag:$0x1] =	stream.indirect.gather @!p0 [hbm4b:s4+s6], $0x40, s3, s6, $0xb8;
	[tilespmem:$0x1F000] =	vst v63  }
0x5a: {  	s3 =	simm.s32 @!p0 $0x5  }
0x5b: {  	_ =	swait.ge @!p0 [sflag:s3], $0x2000  }
0x5c: {  	[sflag:s3] =	ssyncset.done @!p0 $0x0  }
0x5d: {  	s7 =	simm.s32 @!p0 $0x2A00;
	[sflag:s3] =	ssyncadd.s32 @!p0 $0xFFFFE000;
	s3 =	simm.s32 @!p0 $0xD000  }
0x5e: {  	[spmem:s2] =	stream.indirect.scatter.add.f32 @!p0 [tilespmem:s3], [sflag:$0xD], $0x40, s7, s6, $0xb8;
	[tilespmem:$0x1F000] =	vst v63  }
0x5f: {  	s3 =	simm.s32 @!p0 $0xA  }
0x60: {  	_ =	swait.ge @!p0 [sflag:s3], $0x2000  }
0x61: {  	[sflag:s3] =	ssyncset.done @!p0 $0x0  }
0x62: {  	s7 =	simm.s32 @!p0 $0x480;
	[sflag:s3] =	ssyncadd.s32 @!p0 $0xFFFFE000;
	s3 =	simm.s32 @!p0 $0x7000  }
0x63: {  	[tilespmem:s3], [sflag:$0x2] =	stream.indirect.gather @!p0 [hbm4b:s4+s6], $0x40, s7, s6, $0xb8;
	[tilespmem:$0x1F000] =	vst v63  }
0x64: {  	_ =	swait.ge [sflag:s30], $0x2000  }
0x65: {  	[sflag:s30] =	ssyncset.done $0x0  }
0x66: {  	s25 =	simm.s32 $0x2A80;
	[sflag:s30] =	ssyncadd.s32 $0xFFFFE000  }
0x67: {  	[spmem:s2] =	stream.indirect.scatter.add.f32 [tilespmem:s22], [sflag:$0xE], $0x40, s25, s14, $0xb8;
	[tilespmem:$0x1F000] =	vst v63  }
0x68: {  	_ =	swait.ge [sflag:s31], $0x2000  }
0x69: {  	[sflag:s31] =	ssyncset.done $0x0  }
0x6a: {  	s3 =	simm.s32 @p0 $0x7;
	[sflag:s31] =	ssyncadd.s32 $0xFFFFE000  }
0x6b: {  	_ =	swait.ge @p0 [sflag:s3], $0x2000  }
0x6c: {  	[sflag:s3] =	ssyncset.done @p0 $0x0  }
0x6d: {  	s7 =	simm.s32 @p0 $0x2B00;
	[sflag:s3] =	ssyncadd.s32 @p0 $0xFFFFE000;
	s3 =	simm.s32 @p0 $0x11000  }
0x6e: {  	[spmem:s2] =	stream.indirect.scatter.add.f32 @p0 [tilespmem:s3], [sflag:$0xF], $0x40, s7, s0, $0xb8;
	[tilespmem:$0x1F000] =	vst v63  }
0x6f: {  	s0 =	simm.s32 @p0 $0xC  }
0x70: {  	_ =	swait.ge @p0 [sflag:s0], $0x2000  }
0x71: {  	[sflag:s0] =	ssyncset.done @p0 $0x0  }
0x72: {  	s3 =	simm.s32 @!p0 $0x500;
	[sflag:s0] =	ssyncadd.s32 @p0 $0xFFFFE000;
	s0 =	simm.s32 @!p0 $0x9000  }
0x73: {  	[tilespmem:s0], [sflag:$0x3] =	stream.indirect.gather @!p0 [hbm4b:s4+s6], $0x40, s3, s6, $0xb8;
	[tilespmem:$0x1F000] =	vst v63  }
0x74: {  	s0 =	simm.s32 @!p0 $0x7  }
0x75: {  	_ =	swait.ge @!p0 [sflag:s0], $0x2000  }
0x76: {  	[sflag:s0] =	ssyncset.done @!p0 $0x0  }
0x77: {  	s3 =	simm.s32 @!p0 $0x2B00;
	[sflag:s0] =	ssyncadd.s32 @!p0 $0xFFFFE000;
	s0 =	simm.s32 @!p0 $0x11000  }
0x78: {  	[spmem:s2] =	stream.indirect.scatter.add.f32 @!p0 [tilespmem:s0], [sflag:$0xF], $0x40, s3, s6, $0xb8;
	[tilespmem:$0x1F000] =	vst v63  }
0x79: {  	s0 =	simm.s32 @!p0 $0xC  }
0x7a: {  	_ =	swait.ge @!p0 [sflag:s0], $0x2000  }
0x7b: {  	[sflag:s0] =	ssyncset.done @!p0 $0x0  }
0x7c: {  	s3 =	simm.s32 @!p0 $0x580;
	[sflag:s0] =	ssyncadd.s32 @!p0 $0xFFFFE000;
	s0 =	simm.s32 @!p0 $0xB000  }
0x7d: {  	[tilespmem:s0], [sflag:$0x4] =	stream.indirect.gather @!p0 [hbm4b:s4+s6], $0x40, s3, s6, $0xb8;
	[tilespmem:$0x1F000] =	vst v63  }
0x7e: {  	p1 =	por $0x0, $0x0;
	s7 =	simm.s32 $0x2000;
	_ =	swait.ge [sflag:s1], $0x2000  }
0x7f: {  	s6 =	simm.s32 $0x1000;
	s0 =	simm.s32 $0x2B80;
	[sflag:s1] =	ssyncset.done $0x0  }
.LBB2_2:
0x80: {  	s3 =	simm.s32 @!p1 $0xD;
	[sflag:s1] =	ssyncadd.s32 $0xFFFFE000  }
0x81: {  	[spmem:s2] =	stream.indirect.scatter.add.f32 [tilespmem:s26], [sflag:$0x10], $0x40, s0, s14, $0xb8;
	[tilespmem:$0x1F000] =	vst v63  }
0x82: {  	_ =	swait.ge @!p1 [sflag:s3], $0x2000  }
0x83: {  	s8 =	sshra.s32 s6, $0x2;
	[sflag:s3] =	ssyncset.done @!p1 $0x0  }
0x84: {  	s19 =	sadd.s32 $0x200, s8;
	s17 =	rddreg [dreg:$0x4];
	[sflag:s3] =	ssyncadd.s32 @!p1 $0xFFFFE000  }
0x85: {  	[tilespmem:s17], [sflag:$0x5] =	stream.indirect.gather [hbm4b:s4+s14], $0x40, s19, s14, $0xb8;
	[tilespmem:$0x1F000] =	vst v63  }
0x86: {  	_ =	swait.ge [sflag:s21], $0x2000  }
0x87: {  	[sflag:s21] =	ssyncset.done $0x0  }
0x88: {  	s25 =	sadd.s32 $0x2800, s8;
	s3 =	simm.s32 @!p1 $0xE;
	[sflag:s21] =	ssyncadd.s32 $0xFFFFE000  }
0x89: {  	[spmem:s2] =	stream.indirect.scatter.add.f32 [tilespmem:s15], [sflag:$0x9], $0x40, s25, s14, $0xb8;
	[tilespmem:$0x1F000] =	vst v63  }
0x8a: {  	_ =	swait.ge @!p1 [sflag:s3], $0x2000  }
0x8b: {  	[sflag:s3] =	ssyncset.done @!p1 $0x0  }
0x8c: {  	[sflag:s3] =	ssyncadd.s32 @!p1 $0xFFFFE000;
	s3 =	sadd.s32 $0x280, s8  }
0x8d: {  	[tilespmem:s22], [sflag:$0x6] =	stream.indirect.gather [hbm4b:s4+s14], $0x40, s3, s14, $0xb8;
	[tilespmem:$0x1F000] =	vst v63  }
0x8e: {  	_ =	swait.ge [sflag:s23], $0x2000  }
0x8f: {  	[sflag:s23] =	ssyncset.done $0x0  }
0x90: {  	s5 =	sadd.s32 $0x2880, s8;
	s3 =	simm.s32 @!p1 $0xF;
	[sflag:s23] =	ssyncadd.s32 $0xFFFFE000  }
0x91: {  	[spmem:s2] =	stream.indirect.scatter.add.f32 [tilespmem:s16], [sflag:$0xA], $0x40, s5, s14, $0xb8;
	[tilespmem:$0x1F000] =	vst v63  }
0x92: {  	_ =	swait.ge @!p1 [sflag:s3], $0x2000  }
0x93: {  	[sflag:s3] =	ssyncset.done @!p1 $0x0  }
0x94: {  	s11 =	sadd.s32 $0x300, s8;
	s10 =	rddreg [dreg:$0x5];
	[sflag:s3] =	ssyncadd.s32 @!p1 $0xFFFFE000  }
0x95: {  	[tilespmem:s10], [sflag:$0x7] =	stream.indirect.gather [hbm4b:s4+s14], $0x40, s11, s14, $0xb8;
	[tilespmem:$0x1F000] =	vst v63  }
0x96: {  	_ =	swait.ge [sflag:s24], $0x2000  }
0x97: {  	[sflag:s24] =	ssyncset.done $0x0  }
0x98: {  	s12 =	sadd.s32 $0x2900, s8;
	s3 =	simm.s32 @!p1 $0x10;
	[sflag:s24] =	ssyncadd.s32 $0xFFFFE000  }
0x99: {  	[spmem:s2] =	stream.indirect.scatter.add.f32 [tilespmem:s18], [sflag:$0xB], $0x40, s12, s14, $0xb8;
	[tilespmem:$0x1F000] =	vst v63  }
0x9a: {  	_ =	swait.ge @!p1 [sflag:s3], $0x2000  }
0x9b: {  	[sflag:s3] =	ssyncset.done @!p1 $0x0  }
0x9c: {  	s13 =	sadd.s32 $0x380, s8;
	[sflag:s3] =	ssyncadd.s32 @!p1 $0xFFFFE000  }
0x9d: {  	[tilespmem:s26], [sflag:$0x8] =	stream.indirect.gather [hbm4b:s4+s14], $0x40, s13, s14, $0xb8;
	[tilespmem:$0x1F000] =	vst v63  }
0x9e: {  	_ =	swait.ge [sflag:s28], $0x2000  }
0x9f: {  	[sflag:s28] =	ssyncset.done $0x0  }
0xa0: {  	s17 =	sadd.s32 $0x2980, s8;
	[sflag:s28] =	ssyncadd.s32 $0xFFFFE000  }
0xa1: {  	[spmem:s2] =	stream.indirect.scatter.add.f32 [tilespmem:s20], [sflag:$0xC], $0x40, s17, s14, $0xb8;
	[tilespmem:$0x1F000] =	vst v63  }
0xa2: {  	_ =	swait.ge [sflag:s29], $0x2000  }
0xa3: {  	s9 =	smov.u32 s7;
	p1 =	seq.s32 s6, $0x9000;
	[sflag:s29] =	ssyncset.done $0x0  }
0xa4: {  	s0 =	simm.s32 @p1 $0x5;
	s11 =	sshra.s32 @p1 s6, $0x2;
	[sflag:s29] =	ssyncadd.s32 $0xFFFFE000  }
0xa5: {  	s6 =	sshra.s32 @!p1 s6, $0x2;
	s13 =	simm.s32 @p1 $0xA;
	_ =	swait.ge @p1 [sflag:s0], $0x2000  }
0xa6: {  	s3 =	simm.s32 @p1 $0x80;
	s12 =	simm.s32 @!p1 $0x5;
	[sflag:s0] =	ssyncset.done @p1 $0x0  }
0xa7: {  	s25 =	sadd.s32 @p1 $0x2A00, s11;
	[sflag:s0] =	ssyncadd.s32 @p1 $0xFFFFE000;
	s0 =	simm.s32 @p1 $0xD000  }
0xa8: {  	[spmem:s2] =	stream.indirect.scatter.add.f32 @p1 [tilespmem:s0], [sflag:$0xD], $0x40, s25, s3, $0xb8;
	[tilespmem:$0x1F000] =	vst v63  }
0xa9: {  	s19 =	sadd.s32 @!p1 $0x2A00, s6;
	s10 =	sadd.s32 @!p1 $0x480, s6;
	_ =	swait.ge @p1 [sflag:s13], $0x2000  }
0xaa: {  	s5 =	sadd.s32 @p1 $0x2B00, s11;
	s11 =	simm.s32 @!p1 $0x80;
	[sflag:s13] =	ssyncset.done @p1 $0x0  }
0xab: {  	s17 =	sadd.s32 @!p1 $0x400, s6;
	s0 =	simm.s32 @!p1 $0x5000;
	[sflag:s13] =	ssyncadd.s32 @p1 $0xFFFFE000  }
0xac: {  	[tilespmem:s0], [sflag:$0x1] =	stream.indirect.gather @!p1 [hbm4b:s4+s11], $0x40, s17, s11, $0xb8;
	[tilespmem:$0x1F000] =	vst v63  }
0xad: {  	s25 =	sadd.s32 @!p1 $0x580, s6;
	s13 =	sadd.s32 @!p1 $0x500, s6;
	_ =	swait.ge @!p1 [sflag:s12], $0x2000  }
0xae: {  	s0 =	sadd.s32 @!p1 $0x2B00, s6;
	s6 =	smov.u32 s9;
	[sflag:s12] =	ssyncset.done @!p1 $0x0  }
0xaf: {  	s9 =	simm.s32 @!p1 $0xD000;
	[sflag:s12] =	ssyncadd.s32 @!p1 $0xFFFFE000;
	s12 =	simm.s32 @!p1 $0xA  }
0xb0: {  	[spmem:s2] =	stream.indirect.scatter.add.f32 @!p1 [tilespmem:s9], [sflag:$0xD], $0x40, s19, s11, $0xb8;
	[tilespmem:$0x1F000] =	vst v63  }
0xb1: {  	_ =	swait.ge @!p1 [sflag:s12], $0x2000  }
0xb2: {  	[sflag:s12] =	ssyncset.done @!p1 $0x0  }
0xb3: {  	s9 =	simm.s32 @!p1 $0x7000;
	[sflag:s12] =	ssyncadd.s32 @!p1 $0xFFFFE000  }
0xb4: {  	[tilespmem:s9], [sflag:$0x2] =	stream.indirect.gather @!p1 [hbm4b:s4+s11], $0x40, s10, s11, $0xb8;
	[tilespmem:$0x1F000] =	vst v63  }
0xb5: {  	_ =	swait.ge [sflag:s30], $0x2000  }
0xb6: {  	[sflag:s30] =	ssyncset.done $0x0  }
0xb7: {  	s19 =	sadd.s32 $0x2A80, s8;
	[sflag:s30] =	ssyncadd.s32 $0xFFFFE000  }
0xb8: {  	[spmem:s2] =	stream.indirect.scatter.add.f32 [tilespmem:s22], [sflag:$0xE], $0x40, s19, s14, $0xb8;
	[tilespmem:$0x1F000] =	vst v63  }
0xb9: {  	_ =	swait.ge [sflag:s31], $0x2000  }
0xba: {  	[sflag:s31] =	ssyncset.done $0x0  }
0xbb: {  	s9 =	simm.s32 @p1 $0x7;
	[sflag:s31] =	ssyncadd.s32 $0xFFFFE000  }
0xbc: {  	_ =	swait.ge @p1 [sflag:s9], $0x2000  }
0xbd: {  	[sflag:s9] =	ssyncset.done @p1 $0x0  }
0xbe: {  	s10 =	simm.s32 @p1 $0xC;
	[sflag:s9] =	ssyncadd.s32 @p1 $0xFFFFE000;
	s9 =	simm.s32 @p1 $0x11000  }
0xbf: {  	[spmem:s2] =	stream.indirect.scatter.add.f32 @p1 [tilespmem:s9], [sflag:$0xF], $0x40, s5, s3, $0xb8;
	[tilespmem:$0x1F000] =	vst v63  }
0xc0: {  	_ =	swait.ge @p1 [sflag:s10], $0x2000  }
0xc1: {  	[sflag:s10] =	ssyncset.done @p1 $0x0  }
0xc2: {  	s3 =	simm.s32 @!p1 $0x9000;
	s5 =	simm.s32 @!p1 $0x7;
	[sflag:s10] =	ssyncadd.s32 @p1 $0xFFFFE000  }
0xc3: {  	[tilespmem:s3], [sflag:$0x3] =	stream.indirect.gather @!p1 [hbm4b:s4+s11], $0x40, s13, s11, $0xb8;
	[tilespmem:$0x1F000] =	vst v63  }
0xc4: {  	_ =	swait.ge @!p1 [sflag:s5], $0x2000  }
0xc5: {  	s7 =	sadd.s32 $0x1000, s7;
	[sflag:s5] =	ssyncset.done @!p1 $0x0  }
0xc6: {  	s3 =	simm.s32 @!p1 $0x11000;
	[sflag:s5] =	ssyncadd.s32 @!p1 $0xFFFFE000;
	s5 =	simm.s32 @!p1 $0xC  }
0xc7: {  	[spmem:s2] =	stream.indirect.scatter.add.f32 @!p1 [tilespmem:s3], [sflag:$0xF], $0x40, s0, s11, $0xb8;
	[tilespmem:$0x1F000] =	vst v63  }
0xc8: {  	p0 =	sne.s32 s7, $0xA000;
	_ =	swait.ge @!p1 [sflag:s5], $0x2000  }
.Ltmp0:
0xc9: {  	[sflag:s5] =	ssyncset.done @!p1 $0x0;
	(pc) =	sbr.rel @p0 .LBB2_2-.Ltmp0, $4  }
0xca: {  	s0 =	simm.s32 @!p1 $0xB000;
	[sflag:s5] =	ssyncadd.s32 @!p1 $0xFFFFE000  }
0xcb: {  	[tilespmem:s0], [sflag:$0x4] =	stream.indirect.gather @!p1 [hbm4b:s4+s11], $0x40, s25, s11, $0xb8;
	[tilespmem:$0x1F000] =	vst v63  }
0xcc: {  	_ =	swait.ge [sflag:s1], $0x2000  }
0xcd: {  	p1 =	seq.s32 s6, $0x0;
	s0 =	sadd.s32 $0x2B80, s8;
	[sflag:s1] =	ssyncset.done $0x0  }
0xce: {  	s3 =	simm.s32 @!p1 $0xD;
	[sflag:s1] =	ssyncadd.s32 $0xFFFFE000  }
0xcf: {  	[spmem:s2] =	stream.indirect.scatter.add.f32 [tilespmem:s26], [sflag:$0x10], $0x40, s0, s14, $0xb8;
	[tilespmem:$0x1F000] =	vst v63  }
0xd0: {  	_ =	swait.ge @!p1 [sflag:s3], $0x2000  }
0xd1: {  	s7 =	sshra.s32 s6, $0x2;
	[sflag:s3] =	ssyncset.done @!p1 $0x0  }
0xd2: {  	s5 =	sadd.s32 $0x200, s7;
	s25 =	rddreg [dreg:$0x4];
	[sflag:s3] =	ssyncadd.s32 @!p1 $0xFFFFE000  }
0xd3: {  	[tilespmem:s25], [sflag:$0x5] =	stream.indirect.gather [hbm4b:s4+s14], $0x40, s5, s14, $0xb8;
	[tilespmem:$0x1F000] =	vst v63  }
0xd4: {  	_ =	swait.ge [sflag:s21], $0x2000  }
0xd5: {  	[sflag:s21] =	ssyncset.done $0x0  }
0xd6: {  	s8 =	sadd.s32 $0x2800, s7;
	s3 =	simm.s32 @!p1 $0xE;
	[sflag:s21] =	ssyncadd.s32 $0xFFFFE000  }
0xd7: {  	[spmem:s2] =	stream.indirect.scatter.add.f32 [tilespmem:s15], [sflag:$0x9], $0x40, s8, s14, $0xb8;
	[tilespmem:$0x1F000] =	vst v63  }
0xd8: {  	_ =	swait.ge @!p1 [sflag:s3], $0x2000  }
0xd9: {  	[sflag:s3] =	ssyncset.done @!p1 $0x0  }
0xda: {  	s9 =	sadd.s32 $0x280, s7;
	[sflag:s3] =	ssyncadd.s32 @!p1 $0xFFFFE000  }
0xdb: {  	[tilespmem:s22], [sflag:$0x6] =	stream.indirect.gather [hbm4b:s4+s14], $0x40, s9, s14, $0xb8;
	[tilespmem:$0x1F000] =	vst v63  }
0xdc: {  	_ =	swait.ge [sflag:s23], $0x2000  }
0xdd: {  	[sflag:s23] =	ssyncset.done $0x0  }
0xde: {  	s10 =	sadd.s32 $0x2880, s7;
	s3 =	simm.s32 @!p1 $0xF;
	[sflag:s23] =	ssyncadd.s32 $0xFFFFE000  }
0xdf: {  	[spmem:s2] =	stream.indirect.scatter.add.f32 [tilespmem:s16], [sflag:$0xA], $0x40, s10, s14, $0xb8;
	[tilespmem:$0x1F000] =	vst v63  }
0xe0: {  	_ =	swait.ge @!p1 [sflag:s3], $0x2000  }
0xe1: {  	[sflag:s3] =	ssyncset.done @!p1 $0x0  }
0xe2: {  	s12 =	sadd.s32 $0x300, s7;
	s11 =	rddreg [dreg:$0x5];
	[sflag:s3] =	ssyncadd.s32 @!p1 $0xFFFFE000  }
0xe3: {  	[tilespmem:s11], [sflag:$0x7] =	stream.indirect.gather [hbm4b:s4+s14], $0x40, s12, s14, $0xb8;
	[tilespmem:$0x1F000] =	vst v63  }
0xe4: {  	_ =	swait.ge [sflag:s24], $0x2000  }
0xe5: {  	[sflag:s24] =	ssyncset.done $0x0  }
0xe6: {  	s13 =	sadd.s32 $0x2900, s7;
	s3 =	simm.s32 @!p1 $0x10;
	[sflag:s24] =	ssyncadd.s32 $0xFFFFE000  }
0xe7: {  	[spmem:s2] =	stream.indirect.scatter.add.f32 [tilespmem:s18], [sflag:$0xB], $0x40, s13, s14, $0xb8;
	[tilespmem:$0x1F000] =	vst v63  }
0xe8: {  	_ =	swait.ge @!p1 [sflag:s3], $0x2000  }
0xe9: {  	[sflag:s3] =	ssyncset.done @!p1 $0x0  }
0xea: {  	s17 =	sadd.s32 $0x380, s7;
	[sflag:s3] =	ssyncadd.s32 @!p1 $0xFFFFE000  }
0xeb: {  	[tilespmem:s26], [sflag:$0x8] =	stream.indirect.gather [hbm4b:s4+s14], $0x40, s17, s14, $0xb8;
	[tilespmem:$0x1F000] =	vst v63  }
0xec: {  	_ =	swait.ge [sflag:s28], $0x2000  }
0xed: {  	[sflag:s28] =	ssyncset.done $0x0  }
0xee: {  	s19 =	sadd.s32 $0x2980, s7;
	[sflag:s28] =	ssyncadd.s32 $0xFFFFE000  }
0xef: {  	[spmem:s2] =	stream.indirect.scatter.add.f32 [tilespmem:s20], [sflag:$0xC], $0x40, s19, s14, $0xb8;
	[tilespmem:$0x1F000] =	vst v63  }
0xf0: {  	_ =	swait.ge [sflag:s29], $0x2000  }
0xf1: {  	p0 =	seq.s32 s6, $0x9000;
	[sflag:s29] =	ssyncset.done $0x0  }
0xf2: {  	s0 =	simm.s32 @p0 $0x5;
	[sflag:s29] =	ssyncadd.s32 $0xFFFFE000  }
0xf3: {  	s8 =	simm.s32 @p0 $0xA;
	_ =	swait.ge @p0 [sflag:s0], $0x2000  }
0xf4: {  	s9 =	simm.s32 @p0 $0xD000;
	s3 =	sshra.s32 @p0 s6, $0x2;
	[sflag:s0] =	ssyncset.done @p0 $0x0  }
0xf5: {  	s5 =	sadd.s32 @p0 $0x2A00, s3;
	[sflag:s0] =	ssyncadd.s32 @p0 $0xFFFFE000;
	s0 =	simm.s32 @p0 $0x80  }
0xf6: {  	[spmem:s2] =	stream.indirect.scatter.add.f32 @p0 [tilespmem:s9], [sflag:$0xD], $0x40, s5, s0, $0xb8;
	[tilespmem:$0x1F000] =	vst v63  }
0xf7: {  	_ =	swait.ge @p0 [sflag:s8], $0x2000  }
0xf8: {  	s5 =	sshra.s32 @!p0 s6, $0x2;
	s9 =	simm.s32 @!p0 $0x5000;
	[sflag:s8] =	ssyncset.done @p0 $0x0  }
0xf9: {  	s6 =	sadd.s32 @!p0 $0x400, s5;
	[sflag:s8] =	ssyncadd.s32 @p0 $0xFFFFE000;
	s8 =	simm.s32 @!p0 $0x80  }
0xfa: {  	[tilespmem:s9], [sflag:$0x1] =	stream.indirect.gather @!p0 [hbm4b:s4+s8], $0x40, s6, s8, $0xb8;
	[tilespmem:$0x1F000] =	vst v63  }
0xfb: {  	s6 =	simm.s32 @!p0 $0x5  }
0xfc: {  	_ =	swait.ge @!p0 [sflag:s6], $0x2000  }
0xfd: {  	[sflag:s6] =	ssyncset.done @!p0 $0x0  }
0xfe: {  	s9 =	sadd.s32 @!p0 $0x2A00, s5;
	[sflag:s6] =	ssyncadd.s32 @!p0 $0xFFFFE000;
	s6 =	simm.s32 @!p0 $0xD000  }
0xff: {  	[spmem:s2] =	stream.indirect.scatter.add.f32 @!p0 [tilespmem:s6], [sflag:$0xD], $0x40, s9, s8, $0xb8;
	[tilespmem:$0x1F000] =	vst v63  }
0x100: {  	s6 =	simm.s32 @!p0 $0xA  }
0x101: {  	_ =	swait.ge @!p0 [sflag:s6], $0x2000  }
0x102: {  	[sflag:s6] =	ssyncset.done @!p0 $0x0  }
0x103: {  	s9 =	sadd.s32 @!p0 $0x480, s5;
	[sflag:s6] =	ssyncadd.s32 @!p0 $0xFFFFE000;
	s6 =	simm.s32 @!p0 $0x7000  }
0x104: {  	[tilespmem:s6], [sflag:$0x2] =	stream.indirect.gather @!p0 [hbm4b:s4+s8], $0x40, s9, s8, $0xb8;
	[tilespmem:$0x1F000] =	vst v63  }
0x105: {  	_ =	swait.ge [sflag:s30], $0x2000  }
0x106: {  	[sflag:s30] =	ssyncset.done $0x0  }
0x107: {  	s25 =	sadd.s32 $0x2A80, s7;
	[sflag:s30] =	ssyncadd.s32 $0xFFFFE000  }
0x108: {  	[spmem:s2] =	stream.indirect.scatter.add.f32 [tilespmem:s22], [sflag:$0xE], $0x40, s25, s14, $0xb8;
	[tilespmem:$0x1F000] =	vst v63  }
0x109: {  	_ =	swait.ge [sflag:s31], $0x2000  }
0x10a: {  	[sflag:s31] =	ssyncset.done $0x0  }
0x10b: {  	s6 =	simm.s32 @p0 $0x7;
	[sflag:s31] =	ssyncadd.s32 $0xFFFFE000  }
0x10c: {  	_ =	swait.ge @p0 [sflag:s6], $0x2000  }
0x10d: {  	[sflag:s6] =	ssyncset.done @p0 $0x0  }
0x10e: {  	s3 =	sadd.s32 @p0 $0x2B00, s3;
	[sflag:s6] =	ssyncadd.s32 @p0 $0xFFFFE000;
	s6 =	simm.s32 @p0 $0x11000  }
0x10f: {  	[spmem:s2] =	stream.indirect.scatter.add.f32 @p0 [tilespmem:s6], [sflag:$0xF], $0x40, s3, s0, $0xb8;
	[tilespmem:$0x1F000] =	vst v63  }
0x110: {  	s0 =	simm.s32 @p0 $0xC  }
0x111: {  	_ =	swait.ge @p0 [sflag:s0], $0x2000  }
0x112: {  	[sflag:s0] =	ssyncset.done @p0 $0x0  }
0x113: {  	s3 =	sadd.s32 @!p0 $0x500, s5;
	[sflag:s0] =	ssyncadd.s32 @p0 $0xFFFFE000;
	s0 =	simm.s32 @!p0 $0x9000  }
0x114: {  	[tilespmem:s0], [sflag:$0x3] =	stream.indirect.gather @!p0 [hbm4b:s4+s8], $0x40, s3, s8, $0xb8;
	[tilespmem:$0x1F000] =	vst v63  }
0x115: {  	s0 =	simm.s32 @!p0 $0x7  }
0x116: {  	_ =	swait.ge @!p0 [sflag:s0], $0x2000  }
0x117: {  	[sflag:s0] =	ssyncset.done @!p0 $0x0  }
0x118: {  	s3 =	sadd.s32 @!p0 $0x2B00, s5;
	[sflag:s0] =	ssyncadd.s32 @!p0 $0xFFFFE000;
	s0 =	simm.s32 @!p0 $0x11000  }
0x119: {  	[spmem:s2] =	stream.indirect.scatter.add.f32 @!p0 [tilespmem:s0], [sflag:$0xF], $0x40, s3, s8, $0xb8;
	[tilespmem:$0x1F000] =	vst v63  }
0x11a: {  	s0 =	simm.s32 @!p0 $0xC  }
0x11b: {  	_ =	swait.ge @!p0 [sflag:s0], $0x2000  }
0x11c: {  	[sflag:s0] =	ssyncset.done @!p0 $0x0  }
0x11d: {  	s3 =	sadd.s32 @!p0 $0x580, s5;
	[sflag:s0] =	ssyncadd.s32 @!p0 $0xFFFFE000;
	s0 =	simm.s32 @!p0 $0xB000  }
0x11e: {  	[tilespmem:s0], [sflag:$0x4] =	stream.indirect.gather @!p0 [hbm4b:s4+s8], $0x40, s3, s8, $0xb8;
	[tilespmem:$0x1F000] =	vst v63  }
0x11f: {  	_ =	swait.ge [sflag:s1], $0x2000  }
0x120: {  	[sflag:s1] =	ssyncset.done $0x0  }
0x121: {  	s9 =	simm.s32 $0xD;
	s8 =	sadd.s32 $0x2B80, s7;
	[sflag:s1] =	ssyncadd.s32 $0xFFFFE000  }
0x122: {  	[spmem:s2] =	stream.indirect.scatter.add.f32 [tilespmem:s26], [sflag:$0x10], $0x40, s8, s14, $0xb8;
	[tilespmem:$0x1F000] =	vst v63  }
0x123: {  	_ =	swait.ge [sflag:s9], $0x2000  }
0x124: {  	[sflag:s9] =	ssyncset.done $0x0  }
0x125: {  	s10 =	simm.s32 $0xE;
	[sflag:s9] =	ssyncadd.s32 $0xFFFFE000  }
0x126: {  	_ =	swait.ge [sflag:s10], $0x2000  }
0x127: {  	[sflag:s10] =	ssyncset.done $0x0  }
0x128: {  	s11 =	simm.s32 $0xF;
	[sflag:s10] =	ssyncadd.s32 $0xFFFFE000  }
0x129: {  	_ =	swait.ge [sflag:s11], $0x2000  }
0x12a: {  	[sflag:s11] =	ssyncset.done $0x0  }
0x12b: {  	s12 =	simm.s32 $0x10;
	[sflag:s11] =	ssyncadd.s32 $0xFFFFE000  }
0x12c: {  	_ =	swait.ge [sflag:s12], $0x2000  }
0x12d: {  	[sflag:s12] =	ssyncset.done $0x0  }
0x12e: {  	[sflag:s12] =	ssyncadd.s32 $0xFFFFE000  }
0x12f: {  	[bflag:$0x0] =	sbarrier.arrive $0xFFFF  }
0x130: {  	s13 =	rddreg [dreg:$0x8]  }
0x131: {  	s3 =	rddreg [dreg:$0xb]  }
0x132: {  	s6 =	simm.s32 $0x11;
	s17 =	rddreg [dreg:$0xd]  }
0x133: {  	[hbm:s13], [sflag:s3] =	dma.local [spmem:s17], $0x1400  }
0x134: {  	_ =	swait.ge [sflag:s6], $0x1400  }
0x135: {  	s19 =	rddreg [dreg:$0xe]  }
0x136: {  	s25 =	rddreg [dreg:$0x9];
	s5 =	sadd.s32 $0x1, s19  }
0x137: {  	p0 =	sne.s32 s5, s25  }
.Ltmp1:
0x138: {  	_ = 	snop;
	(pc) =	sbr.rel @p0 .LBB2_1-.Ltmp1, $3  }
0x139: {  	_ =	sdelay $0x1  }
0x13a: {  	[sflag:s6] =	ssyncset.done $0x0  }
0x13b: {  	[sflag:s6] =	ssyncadd.s32 $0xFFFFEC00  }
0x13c: {  	_ =	sfence.sel $0x180000  }
0x13d: {  	[bflag:$0x0] =	sbarrier.arrive $0xFFFF  }
0x13e: {  	_ =	strace $0x9000004D  }
0x13f: {  	s0 =	stileid.u32;
	[bflag:$0x2] =	sbarrier.arrive $0xFFFF  }
0x140: {  	p0 =	sne.s32 s0, $0x0;
	s0 =	rddreg [dreg:$0x3]  }
0x141: {  	s0 =	sadd.s32 @!p0 $0x100000, s0  }
0x142: {  	[sflag:s0] =	ssyncadd.tile.s32 @!p0 $0x1;
	_ =	shalt  }
.Lfunc_end2:
_tile_overlayer_lowered:
.L_overlay_start_2:
0x143: {  	(tag) =	ssettag $0x2  }
0x144: {  	s0 =	rddreg [dreg:$0x0];
	s2 =	stileid.u32  }
0x145: {  	s1 =	rddreg [dreg:$0x1];
	p0 =	sne.s32 s2, $0x0  }
0x146: {  	s3 =	rddreg [dreg:$0x2];
	[bflag:$0x3] =	sbarrier.arrive $0xFFFF;
	s2 =	simm.s32 @!p0 $0x1C11  }
0x147: {  	[timem:s3], [sflag:s2] =	dma.local @!p0 [hbm:s0], s1  }
0x148: {  	s0 =	simm.s32 @!p0 $0x11  }
0x149: {  	_ =	swait.ge @!p0 [sflag:s0], s1  }
0x14a: {  	s1 =	ssub.s32 @!p0 $0x0, s1;
	[sflag:s0] =	ssyncset.done @!p0 $0x0  }
0x14b: {  	[sflag:s0] =	ssyncadd.s32 @!p0 s1  }
0x14c: {  	[bflag:$0x3] =	sbarrier.arrive $0xFFFF  }
0x14d: {  	_ =	shalt  }

// kernel: kernel.21.cloned.1.call-start
scs
__scs_entry_jumppad:
0x0: {  	(pc) =	sbr.rel $0x88, $3  }
0x1: {  	(tag) =	ssettag $0x0;
	lr =	simm.s32 $0x1  }
0x2: {  	[smem:$0x3F99] =	sst lr;
	_ =	strace $0xD0000000  }
0x3: {  	_ = 	snop  }
0x4: {  	_ = 	snop  }
0x5: {  	_ = 	snop  }
0x6: {  	_ = 	snop  }
0x7: {  	_ = 	snop  }
__scs_overlays_trampoline_lowered:
0x8: {  	[smem:$0x3FA8] =	sst s0  }
0x9: {  	[smem:$0x3FA9] =	sst s1  }
0xa: {  	[smem:$0x3FAA] =	sst s2  }
0xb: {  	[smem:$0x3FAB] =	sst s3  }
0xc: {  	[smem:$0x3FAC] =	sst s4  }
0xd: {  	[smem:$0x3FAD] =	sst s5  }
0xe: {  	[smem:$0x3FAE] =	sst s6  }
0xf: {  	[smem:$0x3FAF] =	sst s7  }
0x10: {  	[smem:$0x3FB0] =	sst s8  }
0x11: {  	[smem:$0x3FB1] =	sst s9;
	s0 =	simm.s32 @!p0 $0x0  }
0x12: {  	s1 =	sld [smem:$0x3F97];
	s0 =	simm.s32 @p0 $0x1  }
0x13: {  	[smem:$0x3FB2] =	sst s0;
	s0 =	simm.s32 @!p1 $0x0  }
0x14: {  	s2 =	sld [smem:$0x3F96];
	s0 =	simm.s32 @p1 $0x1  }
0x15: {  	[smem:$0x3FB3] =	sst s0;
	s0 =	simm.s32 @!p2 $0x0  }
0x16: {  	s3 =	sld [smem:$0x3FDB];
	s0 =	simm.s32 @p2 $0x1  }
0x17: {  	s4 =	simm.s32 $0x1BF5;
	[smem:$0x3FB5] =	sst s0  }
0x18: {  	s0 =	sld [smem:$0x3F98];
	_ =	swait.ge [sflag:s4], $0x0  }
0x19: {  	s7 =	sld [smem:$0x3F99]  }
0x1a: {  	s8 =	sadd.s32 $0xFFFFE003, lr  }
0x1b: {  	s9 =	sadd.s32 $0xFFFFFEF7, lr;
	s5 =	simm.s32 $0xFFFFFFFF;
	p2 =	slt.u32 s8, $0xFFFFF086  }
0x1c: {  	p1 =	slt.u32 s9, $0xF7A;
	s5 =	simm.s32 @!p2 $0x0  }
0x1d: {  	s5 =	simm.s32 @p1 $0x1;
	p0 =	seq.s32 s7, s2  }
0x1e: {  	s7 =	smul.u32 @!p0 $0xF7A, s2;
	p2 =	seq.s32 @!p0 s5, $0x0  }
0x1f: {  	s9 =	smul.u32 $0xF7A, s1;
	s8 =	simm.s32 @!p0 $0x1BF5;
	p2 =	por !p2, p0  }
0x20: {  	[sflag:s8] =	ssyncset.s32 @!p0 $0xFFFFF086;
	s6 =	sadd.s32 @!p0 s3, s7;
	s7 =	simm.s32 @!p0 $0x108  }
0x21: {  	s3 =	sadd.s32 s3, s9;
	s6 =	sadd.s32 @!p0 $0x88, s6;
	s7 =	simm.s32 @p2 $0x1082  }
0x22: {  	[simem:s7], [sflag:s8] =	dma.local @!p0 [hbm:s6], $0xF7A  }
0x23: {  	s9 =	sor.u32 $0xD0000000, s2;
	s6 =	simm.s32 $0x108;
	_ =	swait.ge @!p0 [sflag:s8], $0x0  }
0x24: {  	s3 =	sadd.s32 $0x88, s3;
	s6 =	simm.s32 @!p1 $0x1082;
	[sflag:s4] =	ssyncset.s32 $0xFFFFF086  }
0x25: {  	[simem:s6], [sflag:s4] =	dma.local [hbm:s3], $0xF7A  }
0x26: {  	[smem:$0x3F99] =	sst s1;
	(tag) =	ssettag s2;
	_ =	strace s9  }
0x27: {  	s1 =	sld [smem:$0x3FA9]  }
0x28: {  	s2 =	sld [smem:$0x3FAA]  }
0x29: {  	s4 =	sld [smem:$0x3FAC]  }
0x2a: {  	p0 =	seq.s32 s5, $0x0;
	s5 =	sld [smem:$0x3FAD]  }
0x2b: {  	s6 =	sld [smem:$0x3FAE]  }
0x2c: {  	s7 =	sld [smem:$0x3FAF]  }
0x2d: {  	s3 =	simm.s32 $0x108;
	s8 =	sld [smem:$0x3FB0]  }
0x2e: {  	s3 =	simm.s32 @!p0 $0x1082;
	s9 =	sld [smem:$0x3FB1]  }
0x2f: {  	lr =	sadd.s32 s0, s3;
	s0 =	sld [smem:$0x3FA8]  }
0x30: {  	s3 =	sld [smem:$0x3FAB]  }
0x31: {  	[smem:$0x3FB4] =	sst s10  }
0x32: {  	s10 =	sld [smem:$0x3FB2];
	_ =	sdelay $0x3  }
0x33: {  	p0 =	seq.s32 s10, $0x1;
	s10 =	sld [smem:$0x3FB4];
	_ =	sdelay $0x3  }
0x34: {  	[smem:$0x3FB4] =	sst s10  }
0x35: {  	s10 =	sld [smem:$0x3FB3];
	_ =	sdelay $0x3  }
0x36: {  	p1 =	seq.s32 s10, $0x1;
	s10 =	sld [smem:$0x3FB4];
	_ =	sdelay $0x3  }
0x37: {  	[smem:$0x3FB4] =	sst s10  }
0x38: {  	s10 =	sld [smem:$0x3FB5]  }
0x39: {  	_ = 	snop;
	(pc) =	sbr.ind lr, $3  }
0x3a: {  	_ = 	snop  }
0x3b: {  	_ = 	snop  }
0x3c: {  	p2 =	seq.s32 s10, $0x1;
	s10 =	sld [smem:$0x3FB4]  }
0x3d: {  	_ =	shalt  }
0x3e: {  	_ =	shalt  }
0x3f: {  	_ =	shalt  }
0x40: {  	_ =	shalt  }
0x41: {  	_ =	shalt  }
0x42: {  	_ =	shalt  }
0x43: {  	_ =	shalt  }
0x44: {  	_ =	shalt  }
0x45: {  	_ =	shalt  }
0x46: {  	_ =	shalt  }
0x47: {  	_ =	shalt  }
0x48: {  	_ =	shalt  }
0x49: {  	_ =	shalt  }
0x4a: {  	_ =	shalt  }
0x4b: {  	_ =	shalt  }
0x4c: {  	_ =	shalt  }
0x4d: {  	_ =	shalt  }
0x4e: {  	_ =	shalt  }
0x4f: {  	_ =	shalt  }
0x50: {  	_ =	shalt  }
0x51: {  	_ =	shalt  }
0x52: {  	_ =	shalt  }
0x53: {  	_ =	shalt  }
0x54: {  	_ =	shalt  }
0x55: {  	_ =	shalt  }
0x56: {  	_ =	shalt  }
0x57: {  	_ =	shalt  }
0x58: {  	_ =	shalt  }
0x59: {  	_ =	shalt  }
0x5a: {  	_ =	shalt  }
0x5b: {  	_ =	shalt  }
0x5c: {  	_ =	shalt  }
0x5d: {  	_ =	shalt  }
0x5e: {  	_ =	shalt  }
0x5f: {  	_ =	shalt  }
0x60: {  	_ =	shalt  }
0x61: {  	_ =	shalt  }
0x62: {  	_ =	shalt  }
0x63: {  	_ =	shalt  }
0x64: {  	_ =	shalt  }
0x65: {  	_ =	shalt  }
0x66: {  	_ =	shalt  }
0x67: {  	_ =	shalt  }
0x68: {  	_ =	shalt  }
0x69: {  	_ =	shalt  }
0x6a: {  	_ =	shalt  }
0x6b: {  	_ =	shalt  }
0x6c: {  	_ =	shalt  }
0x6d: {  	_ =	shalt  }
0x6e: {  	_ =	shalt  }
0x6f: {  	_ =	shalt  }
0x70: {  	_ =	shalt  }
0x71: {  	_ =	shalt  }
0x72: {  	_ =	shalt  }
0x73: {  	_ =	shalt  }
0x74: {  	_ =	shalt  }
0x75: {  	_ =	shalt  }
0x76: {  	_ =	shalt  }
0x77: {  	_ =	shalt  }
0x78: {  	_ =	shalt  }
0x79: {  	_ =	shalt  }
0x7a: {  	_ =	shalt  }
0x7b: {  	_ =	shalt  }
0x7c: {  	_ =	shalt  }
0x7d: {  	_ =	shalt  }
0x7e: {  	_ =	shalt  }
0x7f: {  	_ =	shalt  }
0x80: {  	_ =	shalt  }
0x81: {  	_ =	shalt  }
0x82: {  	_ =	shalt  }
0x83: {  	_ =	shalt  }
0x84: {  	_ =	shalt  }
0x85: {  	_ =	shalt  }
0x86: {  	_ =	shalt  }
0x87: {  	_ =	shalt  }
.Lfunc_end0:
.L_simem_size_0:
called_computation.3_lowered:
.L_overlay_start_0:
0x88: {  	s2 =	sld [smem:$0x3FD9]  }
0x89: {  	s3 =	sld [smem:$0x3FFE];
	_ =	sdelay $0x1  }
0x8a: {  	s1 =	srdreg.scid  }
0x8b: {  	s0 =	sand.u32 $0x1, s1  }
0x8c: {  	s14 =	sshll.u32 s0, $0xA;
	s2 =	sadd.s32 s3, s2  }
0x8d: {  	s2 =	sadd.s32 s2, s14  }
0x8e: {  	[smem:$0x3FC0] =	sst s2  }
0x8f: {  	_ = 	snop  }
0x90: {  	s2 =	sld [smem:$0x3FD0];
	_ =	sdelay $0x2  }
0x91: {  	s15 =	simm.s32 $0xA;
	s4 =	simm.s32 $0x10  }
0x92: {  	[smem:s4], [sflag:s15] =	dma.local [hbm:s2], $0x1  }
0x93: {  	_ =	swait.eq [sflag:s15], $0x1  }
0x94: {  	[sflag:s15] =	ssyncset.done $0x0  }
0x95: {  	[sflag:s15] =	ssyncadd.s32 $0xFFFFFFFF  }
0x96: {  	s16 =	sld [smem:$0x11];
	(tm) =	ssettm $0x1  }
0x97: {  	s17 =	sld [smem:$0x3FFB];
	_ =	sdelay $0x3  }
0x98: {  	_ =	strace s17  }
0x99: {  	s3 =	sld [smem:$0x3FFC];
	_ =	sdelay $0x3  }
0x9a: {  	_ =	strace s3  }
0x9b: {  	s3 =	sld [smem:$0x3FFD];
	_ =	sdelay $0x3  }
0x9c: {  	_ =	strace s3  }
0x9d: {  	_ =	strace $0x8FFFFFFF  }
0x9e: {  	s18 =	sld [smem:$0x3FDB];
	_ =	sdelay $0x1  }
0x9f: {  	s19 =	simm.s32 $_scs_section_size  }
0xa0: {  	s5 =	simm.s32 $_size__tile_overlayer_lowered;
	s6 =	simm.s32 $_tile_overlayer_lowered  }
0xa1: {  	s22 =	simm.s32 $0x1BFF;
	s21 =	sshll.u32 s6, $0x1;
	s3 =	sadd.s32 s19, s18  }
0xa2: {  	s7 =	simm.s32 $0x0;
	s20 =	sshll.u32 s5, $0x1;
	s5 =	sadd.s32 s21, s3  }
0xa3: {  	[timem:s7], [sflag:s22] =	dma.local [hbm:s5], s20  }
0xa4: {  	_ =	swait.ge [sflag:s22], s20  }
0xa5: {  	s4 =	ssub.s32 $0x0, s20;
	[sflag:s22] =	ssyncset.done $0x0  }
0xa6: {  	[sflag:s22] =	ssyncadd.s32 s4;
	_ =	sdelay $0x1  }
0xa7: {  	s23 =	simm.s32 $0x1B8B  }
0xa8: {  	_ =	swait.ge [sflag:s23], $0x1  }
0xa9: {  	[sflag:s23] =	ssyncset.done $0x0  }
0xaa: {  	s25 =	simm.s32 $0x1B8E;
	s24 =	sld [smem:$0x3FFE];
	[sflag:s23] =	ssyncadd.s32 $0xFFFFFFFF  }
0xab: {  	s26 =	simm.s32 $execute0_lowered;
	[smem:$0x3FD2] =	sst s25  }
0xac: {  	s5 =	sshll.u32 s26, $0x1;
	_ =	strace $0x8000004F;
	[dreg:$0x1] =	wrdreg $0xFFFFFFFF  }
0xad: {  	s28 =	simm.s32 $_size_execute0_lowered;
	s3 =	sadd.s32 s3, s5;
	[dreg:$0x0] =	wrdreg $0x0  }
0xae: {  	s5 =	sshll.u32 s28, $0x1;
	[dreg:$0x2] =	wrdreg s3  }
0xaf: {  	[dreg:$0x3] =	wrdreg s5  }
0xb0: {  	[dreg:$0x4] =	wrdreg $0xC0  }
0xb1: {  	_ =	task [dreg:s7], $0x5FFFF  }
0xb2: {  	[dreg:$0x1] =	wrdreg $0xFFFFFFFF  }
0xb3: {  	[dreg:$0x0] =	wrdreg $0x60  }
0xb4: {  	[dreg:$0x2] =	wrdreg s24  }
0xb5: {  	[dreg:$0x3] =	wrdreg s16  }
0xb6: {  	[dreg:$0x4] =	wrdreg $0xD0000  }
0xb7: {  	[dreg:$0x5] =	wrdreg $0x9  }
0xb8: {  	_ =	task.clear_ibuf [dreg:s7], $0x6FFFF;
	_ =	strace $0x9000004F  }
0xb9: {  	s29 =	simm.s32 $0x9;
	_ =	strace $0x80000051  }
0xba: {  	_ =	swait.ge [sflag:s29], $0x1  }
0xbb: {  	[sflag:s29] =	ssyncadd.s32 $0xFFFFFFFF  }
0xbc: {  	_ =	strace $0x90000051  }
0xbd: {  	_ =	sfence  }
0xbe: {  	s30 =	sld [smem:$0x0];
	_ =	sdelay $0x2  }
0xbf: {  	s31 =	sshll.u32 s1, $0xD;
	s1 =	sshrl.u32 s1, $0x2  }
0xc0: {  	s3 =	sand.u32 $0x4000, s31;
	s1 =	sadd.s32 s1, s30  }
0xc1: {  	s0 =	sor.u32 s3, s0;
	s1 =	sshll.u32 s1, $0x11  }
0xc2: {  	s0 =	sor.u32 s1, s0  }
0xc3: {  	s0 =	sadd.s32 $0x8F2B, s0  }
0xc4: {  	[sflag:s0] =	ssyncadd.remote.s32 $0x1  }
0xc5: {  	_ =	sfence.sel $0xFFFF  }
0xc6: {  	[dreg:$0x0] =	wrdreg $0xFFFFFFFF;
	(pc) =	sbr.abs _section_cstart, $3  }
0xc7: {  	[dreg:$0x1] =	wrdreg $0xFFFFFFFF  }
0xc8: {  	_ =	task.clear_ibuf [dreg:s7], $0x2FFFF;
	_ =	strace $0x9FFFFFFF  }
0xc9: {  	(tm) =	ssettm $0x7FFFFFFF  }
tec
execute0_lowered:
.L_overlay_start_1:
0x0: {  	(tag) =	ssettag $0x1  }
0x1: {  	s0 =	srdreg.scid;
	s1 =	rddreg [dreg:$0x0]  }
0x2: {  	s11 =	stileid.u32;
	s3 =	rddreg [dreg:$0x1];
	s16 =	simm.s32 $0x0  }
0x3: {  	s14 =	simm.s32 $0x80;
	s15 =	simm.s32 $0x5000;
	s25 =	simm.s32 $0x9000  }
0x4: {  	s26 =	simm.s32 $0xB000;
	s28 =	simm.s32 $0x4;
	s29 =	simm.s32 $0x9  }
0x5: {  	s30 =	simm.s32 $0x6;
	s31 =	simm.s32 $0xB;
	s6 =	smul.u32 $0xA00, s11  }
0x6: {  	s0 =	sand.u32 $0x1, s0;
	[smem:$0x7FF] =	sst s16;
	s10 =	smul.u32 $0x5000, s11  }
0x7: {  	s8 =	sadd.s32 $0x17800, s1;
	s19 =	smul.u32 $0x14000, s11;
	s21 =	sshll.u32 s11, $0x6  }
0x8: {  	s16 =	simm.s32 $0x6000;
	s2 =	sshll.u32 s0, $0x4;
	s7 =	smul.u32 $0xA000, s0  }
0x9: {  	s17 =	ssub.s32 $0x2, s0;
	s4 =	sor.u32 s11, s2;
	s2 =	rddreg [dreg:$0x2]  }
0xa: {  	p0 =	seq.s32 s0, $0x0;
	_ =	strace $0x80000050;
	[dreg:$0x4] =	wrdreg s25  }
0xb: {  	s18 =	sshrl.u32 s17, $0x1;
	s0 =	sshrl.u32 s19, $0x2;
	[dreg:$0x5] =	wrdreg s26  }
0xc: {  	s26 =	simm.s32 $0xC000;
	s5 =	smul.u32 $0x500, s4;
	s4 =	sadd.s32 $0xD800, s1  }
0xd: {  	s6 =	sadd.s32 s6, s7;
	s20 =	sadd.s32 s10, s2;
	s10 =	sshrl.u32 s10, $0x3  }
0xe: {  	s0 =	sadd.s32 s0, s2;
	s8 =	smov.u32 @p0 s4;
	s24 =	sshrl.u32 s20, $0x3  }
0xf: {  	s20 =	simm.s32 $0x8000;
	s0 =	sshrl.u32 s0, $0x3;
	s9 =	sadd.s32 s5, s1  }
0x10: {  	s1 =	sadd.s32 s6, s1;
	s6 =	ssub.s32 s17, s18;
	[dreg:$0xc] =	wrdreg s24  }
0x11: {  	s3 =	sadd.s32 s3, s5;
	s23 =	sadd.s32 s8, s10;
	[dreg:$0xd] =	wrdreg s0  }
0x12: {  	s18 =	simm.s32 $0x7000;
	s24 =	simm.s32 $0x3;
	[dreg:$0x7] =	wrdreg s3  }
0x13: {  	s5 =	simm.s32 $0x0;
	s9 =	sadd.s32 $0x3800, s9;
	[dreg:$0xa] =	wrdreg s23  }
0x14: {  	s1 =	sadd.s32 $0x21800, s1;
	s22 =	smax.u32 s6, $0x1;
	[dreg:$0x6] =	wrdreg s9  }
0x15: {  	s3 =	sor.u32 $0x1C11, s21;
	s6 =	simm.s32 $0x11;
	[dreg:$0x8] =	wrdreg s1  }
0x16: {  	s21 =	simm.s32 $0x1;
	s23 =	simm.s32 $0x2;
	[dreg:$0x9] =	wrdreg s22  }
0x17: {  	s22 =	simm.s32 $0xA000;
	s1 =	simm.s32 $0x8;
	[dreg:$0xb] =	wrdreg s3  }
.LBB2_1:
0x18: {  	[dreg:$0xe] =	wrdreg s5  }
0x19: {  	s0 =	rddreg [dreg:$0xa]  }
0x1a: {  	s12 =	rddreg [dreg:$0xc]  }
0x1b: {  	[spmem:s12], [sflag:s3] =	dma.local [hbm:s0], $0xA00  }
0x1c: {  	_ =	swait.ge [sflag:s6], $0xA00  }
0x1d: {  	[sflag:s6] =	ssyncset.done $0x0  }
0x1e: {  	s13 =	simm.s32 $0x0;
	s17 =	rddreg [dreg:$0x6];
	[sflag:s6] =	ssyncadd.s32 $0xFFFFF600  }
0x1f: {  	[tilespmem:s13], [sflag:$0x11] =	stream.linear.gather [hbm4b:s17+s13], $0x2800, $0x38;
	[tilespmem:$0x12000] =	vst v63  }
0x20: {  	_ =	swait.ge [sflag:s6], $0x2800  }
0x21: {  	[sflag:s6] =	ssyncset.done $0x0  }
0x22: {  	s25 =	simm.s32 $0x2800;
	s19 =	rddreg [dreg:$0x7];
	[sflag:s6] =	ssyncadd.s32 $0xFFFFD800  }
0x23: {  	[tilespmem:s25], [sflag:$0x11] =	stream.linear.gather [hbm4b:s19+s13], $0x2800, $0x38;
	[tilespmem:$0x12000] =	vst v63  }
0x24: {  	_ =	swait.ge [sflag:s6], $0x2800  }
0x25: {  	[sflag:s6] =	ssyncset.done $0x0  }
0x26: {  	[sflag:s6] =	ssyncadd.s32 $0xFFFFD800  }
0x27: {  	[tilespmem:s15], [sflag:$0x1] =	stream.indirect.gather [hbm4b:s4+s14], $0x20, s13, s14, $0xb8;
	[tilespmem:$0x12000] =	vst v63  }
0x28: {  	_ = 	snop  }
0x29: {  	[tilespmem:s16], [sflag:$0x2] =	stream.indirect.gather [hbm4b:s4+s14], $0x20, s14, s14, $0xb8;
	[tilespmem:$0x12000] =	vst v63  }
0x2a: {  	s3 =	simm.s32 $0x100  }
0x2b: {  	[tilespmem:s18], [sflag:$0x3] =	stream.indirect.gather [hbm4b:s4+s14], $0x20, s3, s14, $0xb8;
	[tilespmem:$0x12000] =	vst v63  }
0x2c: {  	s5 =	simm.s32 $0x180;
	p0 =	por $0x1, $0x1  }
0x2d: {  	[tilespmem:s20], [sflag:$0x4] =	stream.indirect.gather [hbm4b:s4+s14], $0x20, s5, s14, $0xb8;
	[tilespmem:$0x12000] =	vst v63  }
0x2e: {  	s0 =	simm.s32 @!p0 $0xD;
	[bflag:$0x0] =	sbarrier.arrive $0xFFFF  }
0x2f: {  	_ =	swait.ge @!p0 [sflag:s0], $0x1000  }
0x30: {  	[sflag:s0] =	ssyncset.done @!p0 $0x0  }
0x31: {  	s7 =	simm.s32 $0x200;
	s6 =	rddreg [dreg:$0x4];
	[sflag:s0] =	ssyncadd.s32 @!p0 $0xFFFFF000  }
0x32: {  	[tilespmem:s6], [sflag:$0x5] =	stream.indirect.gather [hbm4b:s4+s14], $0x20, s7, s14, $0xb8;
	[tilespmem:$0x12000] =	vst v63  }
0x33: {  	_ =	swait.ge [sflag:s21], $0x1000  }
0x34: {  	[sflag:s21] =	ssyncset.done $0x0  }
0x35: {  	s8 =	simm.s32 $0x2800;
	s3 =	simm.s32 @!p0 $0xE;
	[sflag:s21] =	ssyncadd.s32 $0xFFFFF000  }
0x36: {  	[spmem:s2] =	stream.indirect.scatter.add.f32 [tilespmem:s15], [sflag:$0x9], $0x20, s8, s14, $0xb8;
	[tilespmem:$0x12000] =	vst v63  }
0x37: {  	_ =	swait.ge @!p0 [sflag:s3], $0x1000  }
0x38: {  	[sflag:s3] =	ssyncset.done @!p0 $0x0  }
0x39: {  	s9 =	simm.s32 $0x280;
	[sflag:s3] =	ssyncadd.s32 @!p0 $0xFFFFF000  }
0x3a: {  	[tilespmem:s22], [sflag:$0x6] =	stream.indirect.gather [hbm4b:s4+s14], $0x20, s9, s14, $0xb8;
	[tilespmem:$0x12000] =	vst v63  }
0x3b: {  	_ =	swait.ge [sflag:s23], $0x1000  }
0x3c: {  	[sflag:s23] =	ssyncset.done $0x0  }
0x3d: {  	s10 =	simm.s32 $0x2880;
	s3 =	simm.s32 @!p0 $0xF;
	[sflag:s23] =	ssyncadd.s32 $0xFFFFF000  }
0x3e: {  	[spmem:s2] =	stream.indirect.scatter.add.f32 [tilespmem:s16], [sflag:$0xA], $0x20, s10, s14, $0xb8;
	[tilespmem:$0x12000] =	vst v63  }
0x3f: {  	_ =	swait.ge @!p0 [sflag:s3], $0x1000  }
0x40: {  	[sflag:s3] =	ssyncset.done @!p0 $0x0  }
0x41: {  	s12 =	simm.s32 $0x300;
	s11 =	rddreg [dreg:$0x5];
	[sflag:s3] =	ssyncadd.s32 @!p0 $0xFFFFF000  }
0x42: {  	[tilespmem:s11], [sflag:$0x7] =	stream.indirect.gather [hbm4b:s4+s14], $0x20, s12, s14, $0xb8;
	[tilespmem:$0x12000] =	vst v63  }
0x43: {  	_ =	swait.ge [sflag:s24], $0x1000  }
0x44: {  	[sflag:s24] =	ssyncset.done $0x0  }
0x45: {  	s13 =	simm.s32 $0x2900;
	s3 =	simm.s32 @!p0 $0x10;
	[sflag:s24] =	ssyncadd.s32 $0xFFFFF000  }
0x46: {  	[spmem:s2] =	stream.indirect.scatter.add.f32 [tilespmem:s18], [sflag:$0xB], $0x20, s13, s14, $0xb8;
	[tilespmem:$0x12000] =	vst v63  }
0x47: {  	_ =	swait.ge @!p0 [sflag:s3], $0x1000  }
0x48: {  	[sflag:s3] =	ssyncset.done @!p0 $0x0  }
0x49: {  	s17 =	simm.s32 $0x380;
	[sflag:s3] =	ssyncadd.s32 @!p0 $0xFFFFF000  }
0x4a: {  	[tilespmem:s26], [sflag:$0x8] =	stream.indirect.gather [hbm4b:s4+s14], $0x20, s17, s14, $0xb8;
	[tilespmem:$0x12000] =	vst v63  }
0x4b: {  	_ =	swait.ge [sflag:s28], $0x1000  }
0x4c: {  	[sflag:s28] =	ssyncset.done $0x0  }
0x4d: {  	s19 =	simm.s32 $0x2980;
	[sflag:s28] =	ssyncadd.s32 $0xFFFFF000  }
0x4e: {  	[spmem:s2] =	stream.indirect.scatter.add.f32 [tilespmem:s20], [sflag:$0xC], $0x20, s19, s14, $0xb8;
	[tilespmem:$0x12000] =	vst v63  }
0x4f: {  	_ =	swait.ge [sflag:s29], $0x1000  }
0x50: {  	p0 =	por $0x0, $0x0;
	[sflag:s29] =	ssyncset.done $0x0  }
0x51: {  	s0 =	simm.s32 @p0 $0x5;
	[sflag:s29] =	ssyncadd.s32 $0xFFFFF000  }
0x52: {  	_ =	swait.ge @p0 [sflag:s0], $0x1000  }
0x53: {  	s3 =	simm.s32 @p0 $0x2A00;
	s6 =	simm.s32 @p0 $0xA;
	[sflag:s0] =	ssyncset.done @p0 $0x0  }
0x54: {  	s7 =	simm.s32 @p0 $0x9000;
	[sflag:s0] =	ssyncadd.s32 @p0 $0xFFFFF000;
	s0 =	simm.s32 @p0 $0x80  }
0x55: {  	[spmem:s2] =	stream.indirect.scatter.add.f32 @p0 [tilespmem:s7], [sflag:$0xD], $0x20, s3, s0, $0xb8;
	[tilespmem:$0x12000] =	vst v63  }
0x56: {  	_ =	swait.ge @p0 [sflag:s6], $0x1000  }
0x57: {  	s3 =	simm.s32 @!p0 $0x400;
	[sflag:s6] =	ssyncset.done @p0 $0x0  }
0x58: {  	s7 =	simm.s32 @!p0 $0x5000;
	[sflag:s6] =	ssyncadd.s32 @p0 $0xFFFFF000;
	s6 =	simm.s32 @!p0 $0x80  }
0x59: {  	[tilespmem:s7], [sflag:$0x1] =	stream.indirect.gather @!p0 [hbm4b:s4+s6], $0x20, s3, s6, $0xb8;
	[tilespmem:$0x12000] =	vst v63  }
0x5a: {  	s3 =	simm.s32 @!p0 $0x5  }
0x5b: {  	_ =	swait.ge @!p0 [sflag:s3], $0x1000  }
0x5c: {  	[sflag:s3] =	ssyncset.done @!p0 $0x0  }
0x5d: {  	s7 =	simm.s32 @!p0 $0x2A00;
	[sflag:s3] =	ssyncadd.s32 @!p0 $0xFFFFF000;
	s3 =	simm.s32 @!p0 $0x9000  }
0x5e: {  	[spmem:s2] =	stream.indirect.scatter.add.f32 @!p0 [tilespmem:s3], [sflag:$0xD], $0x20, s7, s6, $0xb8;
	[tilespmem:$0x12000] =	vst v63  }
0x5f: {  	s3 =	simm.s32 @!p0 $0xA  }
0x60: {  	_ =	swait.ge @!p0 [sflag:s3], $0x1000  }
0x61: {  	[sflag:s3] =	ssyncset.done @!p0 $0x0  }
0x62: {  	s7 =	simm.s32 @!p0 $0x480;
	[sflag:s3] =	ssyncadd.s32 @!p0 $0xFFFFF000;
	s3 =	simm.s32 @!p0 $0x6000  }
0x63: {  	[tilespmem:s3], [sflag:$0x2] =	stream.indirect.gather @!p0 [hbm4b:s4+s6], $0x20, s7, s6, $0xb8;
	[tilespmem:$0x12000] =	vst v63  }
0x64: {  	_ =	swait.ge [sflag:s30], $0x1000  }
0x65: {  	[sflag:s30] =	ssyncset.done $0x0  }
0x66: {  	s25 =	simm.s32 $0x2A80;
	[sflag:s30] =	ssyncadd.s32 $0xFFFFF000  }
0x67: {  	[spmem:s2] =	stream.indirect.scatter.add.f32 [tilespmem:s22], [sflag:$0xE], $0x20, s25, s14, $0xb8;
	[tilespmem:$0x12000] =	vst v63  }
0x68: {  	_ =	swait.ge [sflag:s31], $0x1000  }
0x69: {  	[sflag:s31] =	ssyncset.done $0x0  }
0x6a: {  	s3 =	simm.s32 @p0 $0x7;
	[sflag:s31] =	ssyncadd.s32 $0xFFFFF000  }
0x6b: {  	_ =	swait.ge @p0 [sflag:s3], $0x1000  }
0x6c: {  	[sflag:s3] =	ssyncset.done @p0 $0x0  }
0x6d: {  	s7 =	simm.s32 @p0 $0x2B00;
	[sflag:s3] =	ssyncadd.s32 @p0 $0xFFFFF000;
	s3 =	simm.s32 @p0 $0xB000  }
0x6e: {  	[spmem:s2] =	stream.indirect.scatter.add.f32 @p0 [tilespmem:s3], [sflag:$0xF], $0x20, s7, s0, $0xb8;
	[tilespmem:$0x12000] =	vst v63  }
0x6f: {  	s0 =	simm.s32 @p0 $0xC  }
0x70: {  	_ =	swait.ge @p0 [sflag:s0], $0x1000  }
0x71: {  	[sflag:s0] =	ssyncset.done @p0 $0x0  }
0x72: {  	s3 =	simm.s32 @!p0 $0x500;
	[sflag:s0] =	ssyncadd.s32 @p0 $0xFFFFF000;
	s0 =	simm.s32 @!p0 $0x7000  }
0x73: {  	[tilespmem:s0], [sflag:$0x3] =	stream.indirect.gather @!p0 [hbm4b:s4+s6], $0x20, s3, s6, $0xb8;
	[tilespmem:$0x12000] =	vst v63  }
0x74: {  	s0 =	simm.s32 @!p0 $0x7  }
0x75: {  	_ =	swait.ge @!p0 [sflag:s0], $0x1000  }
0x76: {  	[sflag:s0] =	ssyncset.done @!p0 $0x0  }
0x77: {  	s3 =	simm.s32 @!p0 $0x2B00;
	[sflag:s0] =	ssyncadd.s32 @!p0 $0xFFFFF000;
	s0 =	simm.s32 @!p0 $0xB000  }
0x78: {  	[spmem:s2] =	stream.indirect.scatter.add.f32 @!p0 [tilespmem:s0], [sflag:$0xF], $0x20, s3, s6, $0xb8;
	[tilespmem:$0x12000] =	vst v63  }
0x79: {  	s0 =	simm.s32 @!p0 $0xC  }
0x7a: {  	_ =	swait.ge @!p0 [sflag:s0], $0x1000  }
0x7b: {  	[sflag:s0] =	ssyncset.done @!p0 $0x0  }
0x7c: {  	s3 =	simm.s32 @!p0 $0x580;
	[sflag:s0] =	ssyncadd.s32 @!p0 $0xFFFFF000;
	s0 =	simm.s32 @!p0 $0x8000  }
0x7d: {  	[tilespmem:s0], [sflag:$0x4] =	stream.indirect.gather @!p0 [hbm4b:s4+s6], $0x20, s3, s6, $0xb8;
	[tilespmem:$0x12000] =	vst v63  }
0x7e: {  	p1 =	por $0x0, $0x0;
	s7 =	simm.s32 $0x2000;
	_ =	swait.ge [sflag:s1], $0x1000  }
0x7f: {  	s6 =	simm.s32 $0x1000;
	s0 =	simm.s32 $0x2B80;
	[sflag:s1] =	ssyncset.done $0x0  }
.LBB2_2:
0x80: {  	s3 =	simm.s32 @!p1 $0xD;
	[sflag:s1] =	ssyncadd.s32 $0xFFFFF000  }
0x81: {  	[spmem:s2] =	stream.indirect.scatter.add.f32 [tilespmem:s26], [sflag:$0x10], $0x20, s0, s14, $0xb8;
	[tilespmem:$0x12000] =	vst v63  }
0x82: {  	_ =	swait.ge @!p1 [sflag:s3], $0x1000  }
0x83: {  	s8 =	sshra.s32 s6, $0x2;
	[sflag:s3] =	ssyncset.done @!p1 $0x0  }
0x84: {  	s19 =	sadd.s32 $0x200, s8;
	s17 =	rddreg [dreg:$0x4];
	[sflag:s3] =	ssyncadd.s32 @!p1 $0xFFFFF000  }
0x85: {  	[tilespmem:s17], [sflag:$0x5] =	stream.indirect.gather [hbm4b:s4+s14], $0x20, s19, s14, $0xb8;
	[tilespmem:$0x12000] =	vst v63  }
0x86: {  	_ =	swait.ge [sflag:s21], $0x1000  }
0x87: {  	[sflag:s21] =	ssyncset.done $0x0  }
0x88: {  	s25 =	sadd.s32 $0x2800, s8;
	s3 =	simm.s32 @!p1 $0xE;
	[sflag:s21] =	ssyncadd.s32 $0xFFFFF000  }
0x89: {  	[spmem:s2] =	stream.indirect.scatter.add.f32 [tilespmem:s15], [sflag:$0x9], $0x20, s25, s14, $0xb8;
	[tilespmem:$0x12000] =	vst v63  }
0x8a: {  	_ =	swait.ge @!p1 [sflag:s3], $0x1000  }
0x8b: {  	[sflag:s3] =	ssyncset.done @!p1 $0x0  }
0x8c: {  	[sflag:s3] =	ssyncadd.s32 @!p1 $0xFFFFF000;
	s3 =	sadd.s32 $0x280, s8  }
0x8d: {  	[tilespmem:s22], [sflag:$0x6] =	stream.indirect.gather [hbm4b:s4+s14], $0x20, s3, s14, $0xb8;
	[tilespmem:$0x12000] =	vst v63  }
0x8e: {  	_ =	swait.ge [sflag:s23], $0x1000  }
0x8f: {  	[sflag:s23] =	ssyncset.done $0x0  }
0x90: {  	s5 =	sadd.s32 $0x2880, s8;
	s3 =	simm.s32 @!p1 $0xF;
	[sflag:s23] =	ssyncadd.s32 $0xFFFFF000  }
0x91: {  	[spmem:s2] =	stream.indirect.scatter.add.f32 [tilespmem:s16], [sflag:$0xA], $0x20, s5, s14, $0xb8;
	[tilespmem:$0x12000] =	vst v63  }
0x92: {  	_ =	swait.ge @!p1 [sflag:s3], $0x1000  }
0x93: {  	[sflag:s3] =	ssyncset.done @!p1 $0x0  }
0x94: {  	s11 =	sadd.s32 $0x300, s8;
	s10 =	rddreg [dreg:$0x5];
	[sflag:s3] =	ssyncadd.s32 @!p1 $0xFFFFF000  }
0x95: {  	[tilespmem:s10], [sflag:$0x7] =	stream.indirect.gather [hbm4b:s4+s14], $0x20, s11, s14, $0xb8;
	[tilespmem:$0x12000] =	vst v63  }
0x96: {  	_ =	swait.ge [sflag:s24], $0x1000  }
0x97: {  	[sflag:s24] =	ssyncset.done $0x0  }
0x98: {  	s12 =	sadd.s32 $0x2900, s8;
	s3 =	simm.s32 @!p1 $0x10;
	[sflag:s24] =	ssyncadd.s32 $0xFFFFF000  }
0x99: {  	[spmem:s2] =	stream.indirect.scatter.add.f32 [tilespmem:s18], [sflag:$0xB], $0x20, s12, s14, $0xb8;
	[tilespmem:$0x12000] =	vst v63  }
0x9a: {  	_ =	swait.ge @!p1 [sflag:s3], $0x1000  }
0x9b: {  	[sflag:s3] =	ssyncset.done @!p1 $0x0  }
0x9c: {  	s13 =	sadd.s32 $0x380, s8;
	[sflag:s3] =	ssyncadd.s32 @!p1 $0xFFFFF000  }
0x9d: {  	[tilespmem:s26], [sflag:$0x8] =	stream.indirect.gather [hbm4b:s4+s14], $0x20, s13, s14, $0xb8;
	[tilespmem:$0x12000] =	vst v63  }
0x9e: {  	_ =	swait.ge [sflag:s28], $0x1000  }
0x9f: {  	[sflag:s28] =	ssyncset.done $0x0  }
0xa0: {  	s17 =	sadd.s32 $0x2980, s8;
	[sflag:s28] =	ssyncadd.s32 $0xFFFFF000  }
0xa1: {  	[spmem:s2] =	stream.indirect.scatter.add.f32 [tilespmem:s20], [sflag:$0xC], $0x20, s17, s14, $0xb8;
	[tilespmem:$0x12000] =	vst v63  }
0xa2: {  	_ =	swait.ge [sflag:s29], $0x1000  }
0xa3: {  	s9 =	smov.u32 s7;
	p1 =	seq.s32 s6, $0x9000;
	[sflag:s29] =	ssyncset.done $0x0  }
0xa4: {  	s0 =	simm.s32 @p1 $0x5;
	s11 =	sshra.s32 @p1 s6, $0x2;
	[sflag:s29] =	ssyncadd.s32 $0xFFFFF000  }
0xa5: {  	s6 =	sshra.s32 @!p1 s6, $0x2;
	s13 =	simm.s32 @p1 $0xA;
	_ =	swait.ge @p1 [sflag:s0], $0x1000  }
0xa6: {  	s3 =	simm.s32 @p1 $0x80;
	s12 =	simm.s32 @!p1 $0x5;
	[sflag:s0] =	ssyncset.done @p1 $0x0  }
0xa7: {  	s25 =	sadd.s32 @p1 $0x2A00, s11;
	[sflag:s0] =	ssyncadd.s32 @p1 $0xFFFFF000;
	s0 =	simm.s32 @p1 $0x9000  }
0xa8: {  	[spmem:s2] =	stream.indirect.scatter.add.f32 @p1 [tilespmem:s0], [sflag:$0xD], $0x20, s25, s3, $0xb8;
	[tilespmem:$0x12000] =	vst v63  }
0xa9: {  	s19 =	sadd.s32 @!p1 $0x2A00, s6;
	s10 =	sadd.s32 @!p1 $0x480, s6;
	_ =	swait.ge @p1 [sflag:s13], $0x1000  }
0xaa: {  	s5 =	sadd.s32 @p1 $0x2B00, s11;
	s11 =	simm.s32 @!p1 $0x80;
	[sflag:s13] =	ssyncset.done @p1 $0x0  }
0xab: {  	s17 =	sadd.s32 @!p1 $0x400, s6;
	s0 =	simm.s32 @!p1 $0x5000;
	[sflag:s13] =	ssyncadd.s32 @p1 $0xFFFFF000  }
0xac: {  	[tilespmem:s0], [sflag:$0x1] =	stream.indirect.gather @!p1 [hbm4b:s4+s11], $0x20, s17, s11, $0xb8;
	[tilespmem:$0x12000] =	vst v63  }
0xad: {  	s25 =	sadd.s32 @!p1 $0x580, s6;
	s13 =	sadd.s32 @!p1 $0x500, s6;
	_ =	swait.ge @!p1 [sflag:s12], $0x1000  }
0xae: {  	s0 =	sadd.s32 @!p1 $0x2B00, s6;
	s6 =	smov.u32 s9;
	[sflag:s12] =	ssyncset.done @!p1 $0x0  }
0xaf: {  	s9 =	simm.s32 @!p1 $0x9000;
	[sflag:s12] =	ssyncadd.s32 @!p1 $0xFFFFF000;
	s12 =	simm.s32 @!p1 $0xA  }
0xb0: {  	[spmem:s2] =	stream.indirect.scatter.add.f32 @!p1 [tilespmem:s9], [sflag:$0xD], $0x20, s19, s11, $0xb8;
	[tilespmem:$0x12000] =	vst v63  }
0xb1: {  	_ =	swait.ge @!p1 [sflag:s12], $0x1000  }
0xb2: {  	[sflag:s12] =	ssyncset.done @!p1 $0x0  }
0xb3: {  	s9 =	simm.s32 @!p1 $0x6000;
	[sflag:s12] =	ssyncadd.s32 @!p1 $0xFFFFF000  }
0xb4: {  	[tilespmem:s9], [sflag:$0x2] =	stream.indirect.gather @!p1 [hbm4b:s4+s11], $0x20, s10, s11, $0xb8;
	[tilespmem:$0x12000] =	vst v63  }
0xb5: {  	_ =	swait.ge [sflag:s30], $0x1000  }
0xb6: {  	[sflag:s30] =	ssyncset.done $0x0  }
0xb7: {  	s19 =	sadd.s32 $0x2A80, s8;
	[sflag:s30] =	ssyncadd.s32 $0xFFFFF000  }
0xb8: {  	[spmem:s2] =	stream.indirect.scatter.add.f32 [tilespmem:s22], [sflag:$0xE], $0x20, s19, s14, $0xb8;
	[tilespmem:$0x12000] =	vst v63  }
0xb9: {  	_ =	swait.ge [sflag:s31], $0x1000  }
0xba: {  	[sflag:s31] =	ssyncset.done $0x0  }
0xbb: {  	s9 =	simm.s32 @p1 $0x7;
	[sflag:s31] =	ssyncadd.s32 $0xFFFFF000  }
0xbc: {  	_ =	swait.ge @p1 [sflag:s9], $0x1000  }
0xbd: {  	[sflag:s9] =	ssyncset.done @p1 $0x0  }
0xbe: {  	s10 =	simm.s32 @p1 $0xC;
	[sflag:s9] =	ssyncadd.s32 @p1 $0xFFFFF000;
	s9 =	simm.s32 @p1 $0xB000  }
0xbf: {  	[spmem:s2] =	stream.indirect.scatter.add.f32 @p1 [tilespmem:s9], [sflag:$0xF], $0x20, s5, s3, $0xb8;
	[tilespmem:$0x12000] =	vst v63  }
0xc0: {  	_ =	swait.ge @p1 [sflag:s10], $0x1000  }
0xc1: {  	[sflag:s10] =	ssyncset.done @p1 $0x0  }
0xc2: {  	s3 =	simm.s32 @!p1 $0x7000;
	s5 =	simm.s32 @!p1 $0x7;
	[sflag:s10] =	ssyncadd.s32 @p1 $0xFFFFF000  }
0xc3: {  	[tilespmem:s3], [sflag:$0x3] =	stream.indirect.gather @!p1 [hbm4b:s4+s11], $0x20, s13, s11, $0xb8;
	[tilespmem:$0x12000] =	vst v63  }
0xc4: {  	_ =	swait.ge @!p1 [sflag:s5], $0x1000  }
0xc5: {  	s7 =	sadd.s32 $0x1000, s7;
	[sflag:s5] =	ssyncset.done @!p1 $0x0  }
0xc6: {  	s3 =	simm.s32 @!p1 $0xB000;
	[sflag:s5] =	ssyncadd.s32 @!p1 $0xFFFFF000;
	s5 =	simm.s32 @!p1 $0xC  }
0xc7: {  	[spmem:s2] =	stream.indirect.scatter.add.f32 @!p1 [tilespmem:s3], [sflag:$0xF], $0x20, s0, s11, $0xb8;
	[tilespmem:$0x12000] =	vst v63  }
0xc8: {  	p0 =	sne.s32 s7, $0xA000;
	_ =	swait.ge @!p1 [sflag:s5], $0x1000  }
.Ltmp0:
0xc9: {  	[sflag:s5] =	ssyncset.done @!p1 $0x0;
	(pc) =	sbr.rel @p0 .LBB2_2-.Ltmp0, $4  }
0xca: {  	s0 =	simm.s32 @!p1 $0x8000;
	[sflag:s5] =	ssyncadd.s32 @!p1 $0xFFFFF000  }
0xcb: {  	[tilespmem:s0], [sflag:$0x4] =	stream.indirect.gather @!p1 [hbm4b:s4+s11], $0x20, s25, s11, $0xb8;
	[tilespmem:$0x12000] =	vst v63  }
0xcc: {  	_ =	swait.ge [sflag:s1], $0x1000  }
0xcd: {  	p1 =	seq.s32 s6, $0x0;
	s0 =	sadd.s32 $0x2B80, s8;
	[sflag:s1] =	ssyncset.done $0x0  }
0xce: {  	s3 =	simm.s32 @!p1 $0xD;
	[sflag:s1] =	ssyncadd.s32 $0xFFFFF000  }
0xcf: {  	[spmem:s2] =	stream.indirect.scatter.add.f32 [tilespmem:s26], [sflag:$0x10], $0x20, s0, s14, $0xb8;
	[tilespmem:$0x12000] =	vst v63  }
0xd0: {  	_ =	swait.ge @!p1 [sflag:s3], $0x1000  }
0xd1: {  	s7 =	sshra.s32 s6, $0x2;
	[sflag:s3] =	ssyncset.done @!p1 $0x0  }
0xd2: {  	s5 =	sadd.s32 $0x200, s7;
	s25 =	rddreg [dreg:$0x4];
	[sflag:s3] =	ssyncadd.s32 @!p1 $0xFFFFF000  }
0xd3: {  	[tilespmem:s25], [sflag:$0x5] =	stream.indirect.gather [hbm4b:s4+s14], $0x20, s5, s14, $0xb8;
	[tilespmem:$0x12000] =	vst v63  }
0xd4: {  	_ =	swait.ge [sflag:s21], $0x1000  }
0xd5: {  	[sflag:s21] =	ssyncset.done $0x0  }
0xd6: {  	s8 =	sadd.s32 $0x2800, s7;
	s3 =	simm.s32 @!p1 $0xE;
	[sflag:s21] =	ssyncadd.s32 $0xFFFFF000  }
0xd7: {  	[spmem:s2] =	stream.indirect.scatter.add.f32 [tilespmem:s15], [sflag:$0x9], $0x20, s8, s14, $0xb8;
	[tilespmem:$0x12000] =	vst v63  }
0xd8: {  	_ =	swait.ge @!p1 [sflag:s3], $0x1000  }
0xd9: {  	[sflag:s3] =	ssyncset.done @!p1 $0x0  }
0xda: {  	s9 =	sadd.s32 $0x280, s7;
	[sflag:s3] =	ssyncadd.s32 @!p1 $0xFFFFF000  }
0xdb: {  	[tilespmem:s22], [sflag:$0x6] =	stream.indirect.gather [hbm4b:s4+s14], $0x20, s9, s14, $0xb8;
	[tilespmem:$0x12000] =	vst v63  }
0xdc: {  	_ =	swait.ge [sflag:s23], $0x1000  }
0xdd: {  	[sflag:s23] =	ssyncset.done $0x0  }
0xde: {  	s10 =	sadd.s32 $0x2880, s7;
	s3 =	simm.s32 @!p1 $0xF;
	[sflag:s23] =	ssyncadd.s32 $0xFFFFF000  }
0xdf: {  	[spmem:s2] =	stream.indirect.scatter.add.f32 [tilespmem:s16], [sflag:$0xA], $0x20, s10, s14, $0xb8;
	[tilespmem:$0x12000] =	vst v63  }
0xe0: {  	_ =	swait.ge @!p1 [sflag:s3], $0x1000  }
0xe1: {  	[sflag:s3] =	ssyncset.done @!p1 $0x0  }
0xe2: {  	s12 =	sadd.s32 $0x300, s7;
	s11 =	rddreg [dreg:$0x5];
	[sflag:s3] =	ssyncadd.s32 @!p1 $0xFFFFF000  }
0xe3: {  	[tilespmem:s11], [sflag:$0x7] =	stream.indirect.gather [hbm4b:s4+s14], $0x20, s12, s14, $0xb8;
	[tilespmem:$0x12000] =	vst v63  }
0xe4: {  	_ =	swait.ge [sflag:s24], $0x1000  }
0xe5: {  	[sflag:s24] =	ssyncset.done $0x0  }
0xe6: {  	s13 =	sadd.s32 $0x2900, s7;
	s3 =	simm.s32 @!p1 $0x10;
	[sflag:s24] =	ssyncadd.s32 $0xFFFFF000  }
0xe7: {  	[spmem:s2] =	stream.indirect.scatter.add.f32 [tilespmem:s18], [sflag:$0xB], $0x20, s13, s14, $0xb8;
	[tilespmem:$0x12000] =	vst v63  }
0xe8: {  	_ =	swait.ge @!p1 [sflag:s3], $0x1000  }
0xe9: {  	[sflag:s3] =	ssyncset.done @!p1 $0x0  }
0xea: {  	s17 =	sadd.s32 $0x380, s7;
	[sflag:s3] =	ssyncadd.s32 @!p1 $0xFFFFF000  }
0xeb: {  	[tilespmem:s26], [sflag:$0x8] =	stream.indirect.gather [hbm4b:s4+s14], $0x20, s17, s14, $0xb8;
	[tilespmem:$0x12000] =	vst v63  }
0xec: {  	_ =	swait.ge [sflag:s28], $0x1000  }
0xed: {  	[sflag:s28] =	ssyncset.done $0x0  }
0xee: {  	s19 =	sadd.s32 $0x2980, s7;
	[sflag:s28] =	ssyncadd.s32 $0xFFFFF000  }
0xef: {  	[spmem:s2] =	stream.indirect.scatter.add.f32 [tilespmem:s20], [sflag:$0xC], $0x20, s19, s14, $0xb8;
	[tilespmem:$0x12000] =	vst v63  }
0xf0: {  	_ =	swait.ge [sflag:s29], $0x1000  }
0xf1: {  	p0 =	seq.s32 s6, $0x9000;
	[sflag:s29] =	ssyncset.done $0x0  }
0xf2: {  	s0 =	simm.s32 @p0 $0x5;
	[sflag:s29] =	ssyncadd.s32 $0xFFFFF000  }
0xf3: {  	s8 =	simm.s32 @p0 $0xA;
	_ =	swait.ge @p0 [sflag:s0], $0x1000  }
0xf4: {  	s9 =	simm.s32 @p0 $0x9000;
	s3 =	sshra.s32 @p0 s6, $0x2;
	[sflag:s0] =	ssyncset.done @p0 $0x0  }
0xf5: {  	s5 =	sadd.s32 @p0 $0x2A00, s3;
	[sflag:s0] =	ssyncadd.s32 @p0 $0xFFFFF000;
	s0 =	simm.s32 @p0 $0x80  }
0xf6: {  	[spmem:s2] =	stream.indirect.scatter.add.f32 @p0 [tilespmem:s9], [sflag:$0xD], $0x20, s5, s0, $0xb8;
	[tilespmem:$0x12000] =	vst v63  }
0xf7: {  	_ =	swait.ge @p0 [sflag:s8], $0x1000  }
0xf8: {  	s5 =	sshra.s32 @!p0 s6, $0x2;
	s9 =	simm.s32 @!p0 $0x5000;
	[sflag:s8] =	ssyncset.done @p0 $0x0  }
0xf9: {  	s6 =	sadd.s32 @!p0 $0x400, s5;
	[sflag:s8] =	ssyncadd.s32 @p0 $0xFFFFF000;
	s8 =	simm.s32 @!p0 $0x80  }
0xfa: {  	[tilespmem:s9], [sflag:$0x1] =	stream.indirect.gather @!p0 [hbm4b:s4+s8], $0x20, s6, s8, $0xb8;
	[tilespmem:$0x12000] =	vst v63  }
0xfb: {  	s6 =	simm.s32 @!p0 $0x5  }
0xfc: {  	_ =	swait.ge @!p0 [sflag:s6], $0x1000  }
0xfd: {  	[sflag:s6] =	ssyncset.done @!p0 $0x0  }
0xfe: {  	s9 =	sadd.s32 @!p0 $0x2A00, s5;
	[sflag:s6] =	ssyncadd.s32 @!p0 $0xFFFFF000;
	s6 =	simm.s32 @!p0 $0x9000  }
0xff: {  	[spmem:s2] =	stream.indirect.scatter.add.f32 @!p0 [tilespmem:s6], [sflag:$0xD], $0x20, s9, s8, $0xb8;
	[tilespmem:$0x12000] =	vst v63  }
0x100: {  	s6 =	simm.s32 @!p0 $0xA  }
0x101: {  	_ =	swait.ge @!p0 [sflag:s6], $0x1000  }
0x102: {  	[sflag:s6] =	ssyncset.done @!p0 $0x0  }
0x103: {  	s9 =	sadd.s32 @!p0 $0x480, s5;
	[sflag:s6] =	ssyncadd.s32 @!p0 $0xFFFFF000;
	s6 =	simm.s32 @!p0 $0x6000  }
0x104: {  	[tilespmem:s6], [sflag:$0x2] =	stream.indirect.gather @!p0 [hbm4b:s4+s8], $0x20, s9, s8, $0xb8;
	[tilespmem:$0x12000] =	vst v63  }
0x105: {  	_ =	swait.ge [sflag:s30], $0x1000  }
0x106: {  	[sflag:s30] =	ssyncset.done $0x0  }
0x107: {  	s25 =	sadd.s32 $0x2A80, s7;
	[sflag:s30] =	ssyncadd.s32 $0xFFFFF000  }
0x108: {  	[spmem:s2] =	stream.indirect.scatter.add.f32 [tilespmem:s22], [sflag:$0xE], $0x20, s25, s14, $0xb8;
	[tilespmem:$0x12000] =	vst v63  }
0x109: {  	_ =	swait.ge [sflag:s31], $0x1000  }
0x10a: {  	[sflag:s31] =	ssyncset.done $0x0  }
0x10b: {  	s6 =	simm.s32 @p0 $0x7;
	[sflag:s31] =	ssyncadd.s32 $0xFFFFF000  }
0x10c: {  	_ =	swait.ge @p0 [sflag:s6], $0x1000  }
0x10d: {  	[sflag:s6] =	ssyncset.done @p0 $0x0  }
0x10e: {  	s3 =	sadd.s32 @p0 $0x2B00, s3;
	[sflag:s6] =	ssyncadd.s32 @p0 $0xFFFFF000;
	s6 =	simm.s32 @p0 $0xB000  }
0x10f: {  	[spmem:s2] =	stream.indirect.scatter.add.f32 @p0 [tilespmem:s6], [sflag:$0xF], $0x20, s3, s0, $0xb8;
	[tilespmem:$0x12000] =	vst v63  }
0x110: {  	s0 =	simm.s32 @p0 $0xC  }
0x111: {  	_ =	swait.ge @p0 [sflag:s0], $0x1000  }
0x112: {  	[sflag:s0] =	ssyncset.done @p0 $0x0  }
0x113: {  	s3 =	sadd.s32 @!p0 $0x500, s5;
	[sflag:s0] =	ssyncadd.s32 @p0 $0xFFFFF000;
	s0 =	simm.s32 @!p0 $0x7000  }
0x114: {  	[tilespmem:s0], [sflag:$0x3] =	stream.indirect.gather @!p0 [hbm4b:s4+s8], $0x20, s3, s8, $0xb8;
	[tilespmem:$0x12000] =	vst v63  }
0x115: {  	s0 =	simm.s32 @!p0 $0x7  }
0x116: {  	_ =	swait.ge @!p0 [sflag:s0], $0x1000  }
0x117: {  	[sflag:s0] =	ssyncset.done @!p0 $0x0  }
0x118: {  	s3 =	sadd.s32 @!p0 $0x2B00, s5;
	[sflag:s0] =	ssyncadd.s32 @!p0 $0xFFFFF000;
	s0 =	simm.s32 @!p0 $0xB000  }
0x119: {  	[spmem:s2] =	stream.indirect.scatter.add.f32 @!p0 [tilespmem:s0], [sflag:$0xF], $0x20, s3, s8, $0xb8;
	[tilespmem:$0x12000] =	vst v63  }
0x11a: {  	s0 =	simm.s32 @!p0 $0xC  }
0x11b: {  	_ =	swait.ge @!p0 [sflag:s0], $0x1000  }
0x11c: {  	[sflag:s0] =	ssyncset.done @!p0 $0x0  }
0x11d: {  	s3 =	sadd.s32 @!p0 $0x580, s5;
	[sflag:s0] =	ssyncadd.s32 @!p0 $0xFFFFF000;
	s0 =	simm.s32 @!p0 $0x8000  }
0x11e: {  	[tilespmem:s0], [sflag:$0x4] =	stream.indirect.gather @!p0 [hbm4b:s4+s8], $0x20, s3, s8, $0xb8;
	[tilespmem:$0x12000] =	vst v63  }
0x11f: {  	_ =	swait.ge [sflag:s1], $0x1000  }
0x120: {  	[sflag:s1] =	ssyncset.done $0x0  }
0x121: {  	s9 =	simm.s32 $0xD;
	s8 =	sadd.s32 $0x2B80, s7;
	[sflag:s1] =	ssyncadd.s32 $0xFFFFF000  }
0x122: {  	[spmem:s2] =	stream.indirect.scatter.add.f32 [tilespmem:s26], [sflag:$0x10], $0x20, s8, s14, $0xb8;
	[tilespmem:$0x12000] =	vst v63  }
0x123: {  	_ =	swait.ge [sflag:s9], $0x1000  }
0x124: {  	[sflag:s9] =	ssyncset.done $0x0  }
0x125: {  	s10 =	simm.s32 $0xE;
	[sflag:s9] =	ssyncadd.s32 $0xFFFFF000  }
0x126: {  	_ =	swait.ge [sflag:s10], $0x1000  }
0x127: {  	[sflag:s10] =	ssyncset.done $0x0  }
0x128: {  	s11 =	simm.s32 $0xF;
	[sflag:s10] =	ssyncadd.s32 $0xFFFFF000  }
0x129: {  	_ =	swait.ge [sflag:s11], $0x1000  }
0x12a: {  	[sflag:s11] =	ssyncset.done $0x0  }
0x12b: {  	s12 =	simm.s32 $0x10;
	[sflag:s11] =	ssyncadd.s32 $0xFFFFF000  }
0x12c: {  	_ =	swait.ge [sflag:s12], $0x1000  }
0x12d: {  	[sflag:s12] =	ssyncset.done $0x0  }
0x12e: {  	[sflag:s12] =	ssyncadd.s32 $0xFFFFF000  }
0x12f: {  	[bflag:$0x0] =	sbarrier.arrive $0xFFFF  }
0x130: {  	s13 =	rddreg [dreg:$0x8]  }
0x131: {  	s3 =	rddreg [dreg:$0xb]  }
0x132: {  	s6 =	simm.s32 $0x11;
	s17 =	rddreg [dreg:$0xd]  }
0x133: {  	[hbm:s13], [sflag:s3] =	dma.local [spmem:s17], $0xA00  }
0x134: {  	_ =	swait.ge [sflag:s6], $0xA00  }
0x135: {  	s19 =	rddreg [dreg:$0xe]  }
0x136: {  	s25 =	rddreg [dreg:$0x9];
	s5 =	sadd.s32 $0x1, s19  }
0x137: {  	p0 =	sne.s32 s5, s25  }
.Ltmp1:
0x138: {  	_ = 	snop;
	(pc) =	sbr.rel @p0 .LBB2_1-.Ltmp1, $3  }
0x139: {  	_ =	sdelay $0x1  }
0x13a: {  	[sflag:s6] =	ssyncset.done $0x0  }
0x13b: {  	[sflag:s6] =	ssyncadd.s32 $0xFFFFF600  }
0x13c: {  	_ =	sfence.sel $0x180000  }
0x13d: {  	[bflag:$0x0] =	sbarrier.arrive $0xFFFF  }
0x13e: {  	_ =	strace $0x90000050  }
0x13f: {  	s0 =	stileid.u32;
	[bflag:$0x2] =	sbarrier.arrive $0xFFFF  }
0x140: {  	p0 =	sne.s32 s0, $0x0;
	s0 =	rddreg [dreg:$0x3]  }
0x141: {  	s0 =	sadd.s32 @!p0 $0x100000, s0  }
0x142: {  	[sflag:s0] =	ssyncadd.tile.s32 @!p0 $0x1;
	_ =	shalt  }
.Lfunc_end2:
_tile_overlayer_lowered:
.L_overlay_start_2:
0x143: {  	(tag) =	ssettag $0x2  }
0x144: {  	s0 =	rddreg [dreg:$0x0];
	s2 =	stileid.u32  }
0x145: {  	s1 =	rddreg [dreg:$0x1];
	p0 =	sne.s32 s2, $0x0  }
0x146: {  	s3 =	rddreg [dreg:$0x2];
	[bflag:$0x3] =	sbarrier.arrive $0xFFFF;
	s2 =	simm.s32 @!p0 $0x1C11  }
0x147: {  	[timem:s3], [sflag:s2] =	dma.local @!p0 [hbm:s0], s1  }
0x148: {  	s0 =	simm.s32 @!p0 $0x11  }
0x149: {  	_ =	swait.ge @!p0 [sflag:s0], s1  }
0x14a: {  	s1 =	ssub.s32 @!p0 $0x0, s1;
	[sflag:s0] =	ssyncset.done @!p0 $0x0  }
0x14b: {  	[sflag:s0] =	ssyncadd.s32 @!p0 s1  }
0x14c: {  	[bflag:$0x3] =	sbarrier.arrive $0xFFFF  }
0x14d: {  	_ =	shalt  }

// kernel: kernel.24.cloned.1.call-start
scs
__scs_entry_jumppad:
0x0: {  	(pc) =	sbr.rel $0x88, $3  }
0x1: {  	(tag) =	ssettag $0x0;
	lr =	simm.s32 $0x1  }
0x2: {  	[smem:$0x3F99] =	sst lr;
	_ =	strace $0xD0000000  }
0x3: {  	_ = 	snop  }
0x4: {  	_ = 	snop  }
0x5: {  	_ = 	snop  }
0x6: {  	_ = 	snop  }
0x7: {  	_ = 	snop  }
__scs_overlays_trampoline_lowered:
0x8: {  	[smem:$0x3FA8] =	sst s0  }
0x9: {  	[smem:$0x3FA9] =	sst s1  }
0xa: {  	[smem:$0x3FAA] =	sst s2  }
0xb: {  	[smem:$0x3FAB] =	sst s3  }
0xc: {  	[smem:$0x3FAC] =	sst s4  }
0xd: {  	[smem:$0x3FAD] =	sst s5  }
0xe: {  	[smem:$0x3FAE] =	sst s6  }
0xf: {  	[smem:$0x3FAF] =	sst s7  }
0x10: {  	[smem:$0x3FB0] =	sst s8  }
0x11: {  	[smem:$0x3FB1] =	sst s9;
	s0 =	simm.s32 @!p0 $0x0  }
0x12: {  	s1 =	sld [smem:$0x3F97];
	s0 =	simm.s32 @p0 $0x1  }
0x13: {  	[smem:$0x3FB2] =	sst s0;
	s0 =	simm.s32 @!p1 $0x0  }
0x14: {  	s2 =	sld [smem:$0x3F96];
	s0 =	simm.s32 @p1 $0x1  }
0x15: {  	[smem:$0x3FB3] =	sst s0;
	s0 =	simm.s32 @!p2 $0x0  }
0x16: {  	s3 =	sld [smem:$0x3FDB];
	s0 =	simm.s32 @p2 $0x1  }
0x17: {  	s4 =	simm.s32 $0x1BF5;
	[smem:$0x3FB5] =	sst s0  }
0x18: {  	s0 =	sld [smem:$0x3F98];
	_ =	swait.ge [sflag:s4], $0x0  }
0x19: {  	s7 =	sld [smem:$0x3F99]  }
0x1a: {  	s8 =	sadd.s32 $0xFFFFE003, lr  }
0x1b: {  	s9 =	sadd.s32 $0xFFFFFEF7, lr;
	s5 =	simm.s32 $0xFFFFFFFF;
	p2 =	slt.u32 s8, $0xFFFFF086  }
0x1c: {  	p1 =	slt.u32 s9, $0xF7A;
	s5 =	simm.s32 @!p2 $0x0  }
0x1d: {  	s5 =	simm.s32 @p1 $0x1;
	p0 =	seq.s32 s7, s2  }
0x1e: {  	s7 =	smul.u32 @!p0 $0xF7A, s2;
	p2 =	seq.s32 @!p0 s5, $0x0  }
0x1f: {  	s9 =	smul.u32 $0xF7A, s1;
	s8 =	simm.s32 @!p0 $0x1BF5;
	p2 =	por !p2, p0  }
0x20: {  	[sflag:s8] =	ssyncset.s32 @!p0 $0xFFFFF086;
	s6 =	sadd.s32 @!p0 s3, s7;
	s7 =	simm.s32 @!p0 $0x108  }
0x21: {  	s3 =	sadd.s32 s3, s9;
	s6 =	sadd.s32 @!p0 $0x88, s6;
	s7 =	simm.s32 @p2 $0x1082  }
0x22: {  	[simem:s7], [sflag:s8] =	dma.local @!p0 [hbm:s6], $0xF7A  }
0x23: {  	s9 =	sor.u32 $0xD0000000, s2;
	s6 =	simm.s32 $0x108;
	_ =	swait.ge @!p0 [sflag:s8], $0x0  }
0x24: {  	s3 =	sadd.s32 $0x88, s3;
	s6 =	simm.s32 @!p1 $0x1082;
	[sflag:s4] =	ssyncset.s32 $0xFFFFF086  }
0x25: {  	[simem:s6], [sflag:s4] =	dma.local [hbm:s3], $0xF7A  }
0x26: {  	[smem:$0x3F99] =	sst s1;
	(tag) =	ssettag s2;
	_ =	strace s9  }
0x27: {  	s1 =	sld [smem:$0x3FA9]  }
0x28: {  	s2 =	sld [smem:$0x3FAA]  }
0x29: {  	s4 =	sld [smem:$0x3FAC]  }
0x2a: {  	p0 =	seq.s32 s5, $0x0;
	s5 =	sld [smem:$0x3FAD]  }
0x2b: {  	s6 =	sld [smem:$0x3FAE]  }
0x2c: {  	s7 =	sld [smem:$0x3FAF]  }
0x2d: {  	s3 =	simm.s32 $0x108;
	s8 =	sld [smem:$0x3FB0]  }
0x2e: {  	s3 =	simm.s32 @!p0 $0x1082;
	s9 =	sld [smem:$0x3FB1]  }
0x2f: {  	lr =	sadd.s32 s0, s3;
	s0 =	sld [smem:$0x3FA8]  }
0x30: {  	s3 =	sld [smem:$0x3FAB]  }
0x31: {  	[smem:$0x3FB4] =	sst s10  }
0x32: {  	s10 =	sld [smem:$0x3FB2];
	_ =	sdelay $0x3  }
0x33: {  	p0 =	seq.s32 s10, $0x1;
	s10 =	sld [smem:$0x3FB4];
	_ =	sdelay $0x3  }
0x34: {  	[smem:$0x3FB4] =	sst s10  }
0x35: {  	s10 =	sld [smem:$0x3FB3];
	_ =	sdelay $0x3  }
0x36: {  	p1 =	seq.s32 s10, $0x1;
	s10 =	sld [smem:$0x3FB4];
	_ =	sdelay $0x3  }
0x37: {  	[smem:$0x3FB4] =	sst s10  }
0x38: {  	s10 =	sld [smem:$0x3FB5]  }
0x39: {  	_ = 	snop;
	(pc) =	sbr.ind lr, $3  }
0x3a: {  	_ = 	snop  }
0x3b: {  	_ = 	snop  }
0x3c: {  	p2 =	seq.s32 s10, $0x1;
	s10 =	sld [smem:$0x3FB4]  }
0x3d: {  	_ =	shalt  }
0x3e: {  	_ =	shalt  }
0x3f: {  	_ =	shalt  }
0x40: {  	_ =	shalt  }
0x41: {  	_ =	shalt  }
0x42: {  	_ =	shalt  }
0x43: {  	_ =	shalt  }
0x44: {  	_ =	shalt  }
0x45: {  	_ =	shalt  }
0x46: {  	_ =	shalt  }
0x47: {  	_ =	shalt  }
0x48: {  	_ =	shalt  }
0x49: {  	_ =	shalt  }
0x4a: {  	_ =	shalt  }
0x4b: {  	_ =	shalt  }
0x4c: {  	_ =	shalt  }
0x4d: {  	_ =	shalt  }
0x4e: {  	_ =	shalt  }
0x4f: {  	_ =	shalt  }
0x50: {  	_ =	shalt  }
0x51: {  	_ =	shalt  }
0x52: {  	_ =	shalt  }
0x53: {  	_ =	shalt  }
0x54: {  	_ =	shalt  }
0x55: {  	_ =	shalt  }
0x56: {  	_ =	shalt  }
0x57: {  	_ =	shalt  }
0x58: {  	_ =	shalt  }
0x59: {  	_ =	shalt  }
0x5a: {  	_ =	shalt  }
0x5b: {  	_ =	shalt  }
0x5c: {  	_ =	shalt  }
0x5d: {  	_ =	shalt  }
0x5e: {  	_ =	shalt  }
0x5f: {  	_ =	shalt  }
0x60: {  	_ =	shalt  }
0x61: {  	_ =	shalt  }
0x62: {  	_ =	shalt  }
0x63: {  	_ =	shalt  }
0x64: {  	_ =	shalt  }
0x65: {  	_ =	shalt  }
0x66: {  	_ =	shalt  }
0x67: {  	_ =	shalt  }
0x68: {  	_ =	shalt  }
0x69: {  	_ =	shalt  }
0x6a: {  	_ =	shalt  }
0x6b: {  	_ =	shalt  }
0x6c: {  	_ =	shalt  }
0x6d: {  	_ =	shalt  }
0x6e: {  	_ =	shalt  }
0x6f: {  	_ =	shalt  }
0x70: {  	_ =	shalt  }
0x71: {  	_ =	shalt  }
0x72: {  	_ =	shalt  }
0x73: {  	_ =	shalt  }
0x74: {  	_ =	shalt  }
0x75: {  	_ =	shalt  }
0x76: {  	_ =	shalt  }
0x77: {  	_ =	shalt  }
0x78: {  	_ =	shalt  }
0x79: {  	_ =	shalt  }
0x7a: {  	_ =	shalt  }
0x7b: {  	_ =	shalt  }
0x7c: {  	_ =	shalt  }
0x7d: {  	_ =	shalt  }
0x7e: {  	_ =	shalt  }
0x7f: {  	_ =	shalt  }
0x80: {  	_ =	shalt  }
0x81: {  	_ =	shalt  }
0x82: {  	_ =	shalt  }
0x83: {  	_ =	shalt  }
0x84: {  	_ =	shalt  }
0x85: {  	_ =	shalt  }
0x86: {  	_ =	shalt  }
0x87: {  	_ =	shalt  }
.Lfunc_end0:
.L_simem_size_0:
called_computation.4_lowered:
.L_overlay_start_0:
0x88: {  	s2 =	sld [smem:$0x3FD9]  }
0x89: {  	s3 =	sld [smem:$0x3FFE];
	_ =	sdelay $0x1  }
0x8a: {  	s1 =	srdreg.scid  }
0x8b: {  	s0 =	sand.u32 $0x1, s1  }
0x8c: {  	s14 =	sshll.u32 s0, $0xA;
	s2 =	sadd.s32 s3, s2  }
0x8d: {  	s2 =	sadd.s32 s2, s14  }
0x8e: {  	[smem:$0x3FC0] =	sst s2  }
0x8f: {  	_ = 	snop  }
0x90: {  	s2 =	sld [smem:$0x3FD0];
	_ =	sdelay $0x2  }
0x91: {  	s15 =	simm.s32 $0xA;
	s4 =	simm.s32 $0x10  }
0x92: {  	[smem:s4], [sflag:s15] =	dma.local [hbm:s2], $0x1  }
0x93: {  	_ =	swait.eq [sflag:s15], $0x1  }
0x94: {  	[sflag:s15] =	ssyncset.done $0x0  }
0x95: {  	[sflag:s15] =	ssyncadd.s32 $0xFFFFFFFF  }
0x96: {  	s16 =	sld [smem:$0x11];
	(tm) =	ssettm $0x1  }
0x97: {  	s17 =	sld [smem:$0x3FFB];
	_ =	sdelay $0x3  }
0x98: {  	_ =	strace s17  }
0x99: {  	s3 =	sld [smem:$0x3FFC];
	_ =	sdelay $0x3  }
0x9a: {  	_ =	strace s3  }
0x9b: {  	s3 =	sld [smem:$0x3FFD];
	_ =	sdelay $0x3  }
0x9c: {  	_ =	strace s3  }
0x9d: {  	_ =	strace $0x8FFFFFFF  }
0x9e: {  	s18 =	sld [smem:$0x3FDB];
	_ =	sdelay $0x1  }
0x9f: {  	s19 =	simm.s32 $_scs_section_size  }
0xa0: {  	s5 =	simm.s32 $_size__tile_overlayer_lowered;
	s6 =	simm.s32 $_tile_overlayer_lowered  }
0xa1: {  	s22 =	simm.s32 $0x1BFF;
	s21 =	sshll.u32 s6, $0x1;
	s3 =	sadd.s32 s19, s18  }
0xa2: {  	s7 =	simm.s32 $0x0;
	s20 =	sshll.u32 s5, $0x1;
	s5 =	sadd.s32 s21, s3  }
0xa3: {  	[timem:s7], [sflag:s22] =	dma.local [hbm:s5], s20  }
0xa4: {  	_ =	swait.ge [sflag:s22], s20  }
0xa5: {  	s4 =	ssub.s32 $0x0, s20;
	[sflag:s22] =	ssyncset.done $0x0  }
0xa6: {  	[sflag:s22] =	ssyncadd.s32 s4;
	_ =	sdelay $0x1  }
0xa7: {  	s23 =	simm.s32 $0x1B8B  }
0xa8: {  	_ =	swait.ge [sflag:s23], $0x1  }
0xa9: {  	[sflag:s23] =	ssyncset.done $0x0  }
0xaa: {  	s25 =	simm.s32 $0x1B8E;
	s24 =	sld [smem:$0x3FFE];
	[sflag:s23] =	ssyncadd.s32 $0xFFFFFFFF  }
0xab: {  	s26 =	simm.s32 $execute0_lowered;
	[smem:$0x3FD2] =	sst s25  }
0xac: {  	s5 =	sshll.u32 s26, $0x1;
	_ =	strace $0x80000052;
	[dreg:$0x1] =	wrdreg $0xFFFFFFFF  }
0xad: {  	s28 =	simm.s32 $_size_execute0_lowered;
	s3 =	sadd.s32 s3, s5;
	[dreg:$0x0] =	wrdreg $0x0  }
0xae: {  	s5 =	sshll.u32 s28, $0x1;
	[dreg:$0x2] =	wrdreg s3  }
0xaf: {  	[dreg:$0x3] =	wrdreg s5  }
0xb0: {  	[dreg:$0x4] =	wrdreg $0xC0  }
0xb1: {  	_ =	task [dreg:s7], $0x5FFFF  }
0xb2: {  	[dreg:$0x1] =	wrdreg $0xFFFFFFFF  }
0xb3: {  	[dreg:$0x0] =	wrdreg $0x60  }
0xb4: {  	[dreg:$0x2] =	wrdreg s24  }
0xb5: {  	[dreg:$0x3] =	wrdreg s16  }
0xb6: {  	[dreg:$0x4] =	wrdreg $0xD0000  }
0xb7: {  	[dreg:$0x5] =	wrdreg $0x9  }
0xb8: {  	_ =	task.clear_ibuf [dreg:s7], $0x6FFFF;
	_ =	strace $0x90000052  }
0xb9: {  	s29 =	simm.s32 $0x9;
	_ =	strace $0x80000054  }
0xba: {  	_ =	swait.ge [sflag:s29], $0x1  }
0xbb: {  	[sflag:s29] =	ssyncadd.s32 $0xFFFFFFFF  }
0xbc: {  	_ =	strace $0x90000054  }
0xbd: {  	_ =	sfence  }
0xbe: {  	s30 =	sld [smem:$0x0];
	_ =	sdelay $0x2  }
0xbf: {  	s31 =	sshll.u32 s1, $0xD;
	s1 =	sshrl.u32 s1, $0x2  }
0xc0: {  	s3 =	sand.u32 $0x4000, s31;
	s1 =	sadd.s32 s1, s30  }
0xc1: {  	s0 =	sor.u32 s3, s0;
	s1 =	sshll.u32 s1, $0x11  }
0xc2: {  	s0 =	sor.u32 s1, s0  }
0xc3: {  	s0 =	sadd.s32 $0x8F2B, s0  }
0xc4: {  	[sflag:s0] =	ssyncadd.remote.s32 $0x1  }
0xc5: {  	_ =	sfence.sel $0xFFFF  }
0xc6: {  	[dreg:$0x0] =	wrdreg $0xFFFFFFFF;
	(pc) =	sbr.abs _section_cstart, $3  }
0xc7: {  	[dreg:$0x1] =	wrdreg $0xFFFFFFFF  }
0xc8: {  	_ =	task.clear_ibuf [dreg:s7], $0x2FFFF;
	_ =	strace $0x9FFFFFFF  }
0xc9: {  	(tm) =	ssettm $0x7FFFFFFF  }
tec
execute0_lowered:
.L_overlay_start_1:
0x0: {  	(tag) =	ssettag $0x1  }
0x1: {  	s0 =	srdreg.scid;
	s1 =	rddreg [dreg:$0x0]  }
0x2: {  	s11 =	stileid.u32;
	s3 =	rddreg [dreg:$0x1];
	s16 =	simm.s32 $0x0  }
0x3: {  	s14 =	simm.s32 $0x80;
	s15 =	simm.s32 $0x5000;
	s25 =	simm.s32 $0x9000  }
0x4: {  	s26 =	simm.s32 $0xB000;
	s28 =	simm.s32 $0x4;
	s29 =	simm.s32 $0x9  }
0x5: {  	s30 =	simm.s32 $0x6;
	s31 =	simm.s32 $0xB;
	s6 =	smul.u32 $0x2800, s11  }
0x6: {  	s0 =	sand.u32 $0x1, s0;
	[smem:$0x7FF] =	sst s16;
	s10 =	smul.u32 $0x5000, s11  }
0x7: {  	s8 =	sadd.s32 $0x17800, s1;
	s19 =	smul.u32 $0x14000, s11;
	s21 =	sshll.u32 s11, $0x6  }
0x8: {  	s16 =	simm.s32 $0x6000;
	s2 =	sshll.u32 s0, $0x4;
	s7 =	smul.u32 $0x28000, s0  }
0x9: {  	s17 =	ssub.s32 $0x2, s0;
	s4 =	sor.u32 s11, s2;
	s2 =	rddreg [dreg:$0x2]  }
0xa: {  	p0 =	seq.s32 s0, $0x0;
	_ =	strace $0x80000053;
	[dreg:$0x4] =	wrdreg s25  }
0xb: {  	s18 =	sshrl.u32 s17, $0x1;
	s0 =	sshrl.u32 s19, $0x2;
	[dreg:$0x5] =	wrdreg s26  }
0xc: {  	s26 =	simm.s32 $0xC000;
	s5 =	smul.u32 $0x500, s4;
	s4 =	sadd.s32 $0xD800, s1  }
0xd: {  	s6 =	sadd.s32 s6, s7;
	s20 =	sadd.s32 s10, s2;
	s10 =	sshrl.u32 s10, $0x3  }
0xe: {  	s0 =	sadd.s32 s0, s2;
	s8 =	smov.u32 @p0 s4;
	s24 =	sshrl.u32 s20, $0x3  }
0xf: {  	s20 =	simm.s32 $0x8000;
	s0 =	sshrl.u32 s0, $0x3;
	s9 =	sadd.s32 s5, s1  }
0x10: {  	s1 =	sadd.s32 s6, s1;
	s6 =	ssub.s32 s17, s18;
	[dreg:$0xc] =	wrdreg s24  }
0x11: {  	s3 =	sadd.s32 s3, s5;
	s23 =	sadd.s32 s8, s10;
	[dreg:$0xd] =	wrdreg s0  }
0x12: {  	s18 =	simm.s32 $0x7000;
	s24 =	simm.s32 $0x3;
	[dreg:$0x7] =	wrdreg s3  }
0x13: {  	s5 =	simm.s32 $0x0;
	s9 =	sadd.s32 $0x3800, s9;
	[dreg:$0xa] =	wrdreg s23  }
0x14: {  	s1 =	sadd.s32 $0x21800, s1;
	s22 =	smax.u32 s6, $0x1;
	[dreg:$0x6] =	wrdreg s9  }
0x15: {  	s3 =	sor.u32 $0x1C11, s21;
	s6 =	simm.s32 $0x11;
	[dreg:$0x8] =	wrdreg s1  }
0x16: {  	s21 =	simm.s32 $0x1;
	s23 =	simm.s32 $0x2;
	[dreg:$0x9] =	wrdreg s22  }
0x17: {  	s22 =	simm.s32 $0xA000;
	s1 =	simm.s32 $0x8;
	[dreg:$0xb] =	wrdreg s3  }
.LBB2_1:
0x18: {  	[dreg:$0xe] =	wrdreg s5  }
0x19: {  	s0 =	rddreg [dreg:$0xa]  }
0x1a: {  	s12 =	rddreg [dreg:$0xc]  }
0x1b: {  	[spmem:s12], [sflag:s3] =	dma.local [hbm:s0], $0xA00  }
0x1c: {  	_ =	swait.ge [sflag:s6], $0xA00  }
0x1d: {  	[sflag:s6] =	ssyncset.done $0x0  }
0x1e: {  	s13 =	simm.s32 $0x0;
	s17 =	rddreg [dreg:$0x6];
	[sflag:s6] =	ssyncadd.s32 $0xFFFFF600  }
0x1f: {  	[tilespmem:s13], [sflag:$0x11] =	stream.linear.gather [hbm4b:s17+s13], $0x2800, $0x38;
	[tilespmem:$0x12000] =	vst v63  }
0x20: {  	_ =	swait.ge [sflag:s6], $0x2800  }
0x21: {  	[sflag:s6] =	ssyncset.done $0x0  }
0x22: {  	s25 =	simm.s32 $0x2800;
	s19 =	rddreg [dreg:$0x7];
	[sflag:s6] =	ssyncadd.s32 $0xFFFFD800  }
0x23: {  	[tilespmem:s25], [sflag:$0x11] =	stream.linear.gather [hbm4b:s19+s13], $0x2800, $0x38;
	[tilespmem:$0x12000] =	vst v63  }
0x24: {  	_ =	swait.ge [sflag:s6], $0x2800  }
0x25: {  	[sflag:s6] =	ssyncset.done $0x0  }
0x26: {  	[sflag:s6] =	ssyncadd.s32 $0xFFFFD800  }
0x27: {  	[tilespmem:s15], [sflag:$0x1] =	stream.indirect.gather [hbm4b:s4+s14], $0x20, s13, s14, $0xb8;
	[tilespmem:$0x12000] =	vst v63  }
0x28: {  	_ = 	snop  }
0x29: {  	[tilespmem:s16], [sflag:$0x2] =	stream.indirect.gather [hbm4b:s4+s14], $0x20, s14, s14, $0xb8;
	[tilespmem:$0x12000] =	vst v63  }
0x2a: {  	s3 =	simm.s32 $0x100  }
0x2b: {  	[tilespmem:s18], [sflag:$0x3] =	stream.indirect.gather [hbm4b:s4+s14], $0x20, s3, s14, $0xb8;
	[tilespmem:$0x12000] =	vst v63  }
0x2c: {  	s5 =	simm.s32 $0x180;
	p0 =	por $0x1, $0x1  }
0x2d: {  	[tilespmem:s20], [sflag:$0x4] =	stream.indirect.gather [hbm4b:s4+s14], $0x20, s5, s14, $0xb8;
	[tilespmem:$0x12000] =	vst v63  }
0x2e: {  	s0 =	simm.s32 @!p0 $0xD;
	[bflag:$0x0] =	sbarrier.arrive $0xFFFF  }
0x2f: {  	_ =	swait.ge @!p0 [sflag:s0], $0x1000  }
0x30: {  	[sflag:s0] =	ssyncset.done @!p0 $0x0  }
0x31: {  	s7 =	simm.s32 $0x200;
	s6 =	rddreg [dreg:$0x4];
	[sflag:s0] =	ssyncadd.s32 @!p0 $0xFFFFF000  }
0x32: {  	[tilespmem:s6], [sflag:$0x5] =	stream.indirect.gather [hbm4b:s4+s14], $0x20, s7, s14, $0xb8;
	[tilespmem:$0x12000] =	vst v63  }
0x33: {  	_ =	swait.ge [sflag:s21], $0x1000  }
0x34: {  	[sflag:s21] =	ssyncset.done $0x0  }
0x35: {  	s8 =	simm.s32 $0x2800;
	s3 =	simm.s32 @!p0 $0xE;
	[sflag:s21] =	ssyncadd.s32 $0xFFFFF000  }
0x36: {  	[spmem:s2] =	stream.indirect.scatter.add.f32 [tilespmem:s15], [sflag:$0x9], $0x20, s8, s14, $0xb8;
	[tilespmem:$0x12000] =	vst v63  }
0x37: {  	_ =	swait.ge @!p0 [sflag:s3], $0x1000  }
0x38: {  	[sflag:s3] =	ssyncset.done @!p0 $0x0  }
0x39: {  	s9 =	simm.s32 $0x280;
	[sflag:s3] =	ssyncadd.s32 @!p0 $0xFFFFF000  }
0x3a: {  	[tilespmem:s22], [sflag:$0x6] =	stream.indirect.gather [hbm4b:s4+s14], $0x20, s9, s14, $0xb8;
	[tilespmem:$0x12000] =	vst v63  }
0x3b: {  	_ =	swait.ge [sflag:s23], $0x1000  }
0x3c: {  	[sflag:s23] =	ssyncset.done $0x0  }
0x3d: {  	s10 =	simm.s32 $0x2880;
	s3 =	simm.s32 @!p0 $0xF;
	[sflag:s23] =	ssyncadd.s32 $0xFFFFF000  }
0x3e: {  	[spmem:s2] =	stream.indirect.scatter.add.f32 [tilespmem:s16], [sflag:$0xA], $0x20, s10, s14, $0xb8;
	[tilespmem:$0x12000] =	vst v63  }
0x3f: {  	_ =	swait.ge @!p0 [sflag:s3], $0x1000  }
0x40: {  	[sflag:s3] =	ssyncset.done @!p0 $0x0  }
0x41: {  	s12 =	simm.s32 $0x300;
	s11 =	rddreg [dreg:$0x5];
	[sflag:s3] =	ssyncadd.s32 @!p0 $0xFFFFF000  }
0x42: {  	[tilespmem:s11], [sflag:$0x7] =	stream.indirect.gather [hbm4b:s4+s14], $0x20, s12, s14, $0xb8;
	[tilespmem:$0x12000] =	vst v63  }
0x43: {  	_ =	swait.ge [sflag:s24], $0x1000  }
0x44: {  	[sflag:s24] =	ssyncset.done $0x0  }
0x45: {  	s13 =	simm.s32 $0x2900;
	s3 =	simm.s32 @!p0 $0x10;
	[sflag:s24] =	ssyncadd.s32 $0xFFFFF000  }
0x46: {  	[spmem:s2] =	stream.indirect.scatter.add.f32 [tilespmem:s18], [sflag:$0xB], $0x20, s13, s14, $0xb8;
	[tilespmem:$0x12000] =	vst v63  }
0x47: {  	_ =	swait.ge @!p0 [sflag:s3], $0x1000  }
0x48: {  	[sflag:s3] =	ssyncset.done @!p0 $0x0  }
0x49: {  	s17 =	simm.s32 $0x380;
	[sflag:s3] =	ssyncadd.s32 @!p0 $0xFFFFF000  }
0x4a: {  	[tilespmem:s26], [sflag:$0x8] =	stream.indirect.gather [hbm4b:s4+s14], $0x20, s17, s14, $0xb8;
	[tilespmem:$0x12000] =	vst v63  }
0x4b: {  	_ =	swait.ge [sflag:s28], $0x1000  }
0x4c: {  	[sflag:s28] =	ssyncset.done $0x0  }
0x4d: {  	s19 =	simm.s32 $0x2980;
	[sflag:s28] =	ssyncadd.s32 $0xFFFFF000  }
0x4e: {  	[spmem:s2] =	stream.indirect.scatter.add.f32 [tilespmem:s20], [sflag:$0xC], $0x20, s19, s14, $0xb8;
	[tilespmem:$0x12000] =	vst v63  }
0x4f: {  	_ =	swait.ge [sflag:s29], $0x1000  }
0x50: {  	p0 =	por $0x0, $0x0;
	[sflag:s29] =	ssyncset.done $0x0  }
0x51: {  	s0 =	simm.s32 @p0 $0x5;
	[sflag:s29] =	ssyncadd.s32 $0xFFFFF000  }
0x52: {  	_ =	swait.ge @p0 [sflag:s0], $0x1000  }
0x53: {  	s3 =	simm.s32 @p0 $0x2A00;
	s6 =	simm.s32 @p0 $0xA;
	[sflag:s0] =	ssyncset.done @p0 $0x0  }
0x54: {  	s7 =	simm.s32 @p0 $0x9000;
	[sflag:s0] =	ssyncadd.s32 @p0 $0xFFFFF000;
	s0 =	simm.s32 @p0 $0x80  }
0x55: {  	[spmem:s2] =	stream.indirect.scatter.add.f32 @p0 [tilespmem:s7], [sflag:$0xD], $0x20, s3, s0, $0xb8;
	[tilespmem:$0x12000] =	vst v63  }
0x56: {  	_ =	swait.ge @p0 [sflag:s6], $0x1000  }
0x57: {  	s3 =	simm.s32 @!p0 $0x400;
	[sflag:s6] =	ssyncset.done @p0 $0x0  }
0x58: {  	s7 =	simm.s32 @!p0 $0x5000;
	[sflag:s6] =	ssyncadd.s32 @p0 $0xFFFFF000;
	s6 =	simm.s32 @!p0 $0x80  }
0x59: {  	[tilespmem:s7], [sflag:$0x1] =	stream.indirect.gather @!p0 [hbm4b:s4+s6], $0x20, s3, s6, $0xb8;
	[tilespmem:$0x12000] =	vst v63  }
0x5a: {  	s3 =	simm.s32 @!p0 $0x5  }
0x5b: {  	_ =	swait.ge @!p0 [sflag:s3], $0x1000  }
0x5c: {  	[sflag:s3] =	ssyncset.done @!p0 $0x0  }
0x5d: {  	s7 =	simm.s32 @!p0 $0x2A00;
	[sflag:s3] =	ssyncadd.s32 @!p0 $0xFFFFF000;
	s3 =	simm.s32 @!p0 $0x9000  }
0x5e: {  	[spmem:s2] =	stream.indirect.scatter.add.f32 @!p0 [tilespmem:s3], [sflag:$0xD], $0x20, s7, s6, $0xb8;
	[tilespmem:$0x12000] =	vst v63  }
0x5f: {  	s3 =	simm.s32 @!p0 $0xA  }
0x60: {  	_ =	swait.ge @!p0 [sflag:s3], $0x1000  }
0x61: {  	[sflag:s3] =	ssyncset.done @!p0 $0x0  }
0x62: {  	s7 =	simm.s32 @!p0 $0x480;
	[sflag:s3] =	ssyncadd.s32 @!p0 $0xFFFFF000;
	s3 =	simm.s32 @!p0 $0x6000  }
0x63: {  	[tilespmem:s3], [sflag:$0x2] =	stream.indirect.gather @!p0 [hbm4b:s4+s6], $0x20, s7, s6, $0xb8;
	[tilespmem:$0x12000] =	vst v63  }
0x64: {  	_ =	swait.ge [sflag:s30], $0x1000  }
0x65: {  	[sflag:s30] =	ssyncset.done $0x0  }
0x66: {  	s25 =	simm.s32 $0x2A80;
	[sflag:s30] =	ssyncadd.s32 $0xFFFFF000  }
0x67: {  	[spmem:s2] =	stream.indirect.scatter.add.f32 [tilespmem:s22], [sflag:$0xE], $0x20, s25, s14, $0xb8;
	[tilespmem:$0x12000] =	vst v63  }
0x68: {  	_ =	swait.ge [sflag:s31], $0x1000  }
0x69: {  	[sflag:s31] =	ssyncset.done $0x0  }
0x6a: {  	s3 =	simm.s32 @p0 $0x7;
	[sflag:s31] =	ssyncadd.s32 $0xFFFFF000  }
0x6b: {  	_ =	swait.ge @p0 [sflag:s3], $0x1000  }
0x6c: {  	[sflag:s3] =	ssyncset.done @p0 $0x0  }
0x6d: {  	s7 =	simm.s32 @p0 $0x2B00;
	[sflag:s3] =	ssyncadd.s32 @p0 $0xFFFFF000;
	s3 =	simm.s32 @p0 $0xB000  }
0x6e: {  	[spmem:s2] =	stream.indirect.scatter.add.f32 @p0 [tilespmem:s3], [sflag:$0xF], $0x20, s7, s0, $0xb8;
	[tilespmem:$0x12000] =	vst v63  }
0x6f: {  	s0 =	simm.s32 @p0 $0xC  }
0x70: {  	_ =	swait.ge @p0 [sflag:s0], $0x1000  }
0x71: {  	[sflag:s0] =	ssyncset.done @p0 $0x0  }
0x72: {  	s3 =	simm.s32 @!p0 $0x500;
	[sflag:s0] =	ssyncadd.s32 @p0 $0xFFFFF000;
	s0 =	simm.s32 @!p0 $0x7000  }
0x73: {  	[tilespmem:s0], [sflag:$0x3] =	stream.indirect.gather @!p0 [hbm4b:s4+s6], $0x20, s3, s6, $0xb8;
	[tilespmem:$0x12000] =	vst v63  }
0x74: {  	s0 =	simm.s32 @!p0 $0x7  }
0x75: {  	_ =	swait.ge @!p0 [sflag:s0], $0x1000  }
0x76: {  	[sflag:s0] =	ssyncset.done @!p0 $0x0  }
0x77: {  	s3 =	simm.s32 @!p0 $0x2B00;
	[sflag:s0] =	ssyncadd.s32 @!p0 $0xFFFFF000;
	s0 =	simm.s32 @!p0 $0xB000  }
0x78: {  	[spmem:s2] =	stream.indirect.scatter.add.f32 @!p0 [tilespmem:s0], [sflag:$0xF], $0x20, s3, s6, $0xb8;
	[tilespmem:$0x12000] =	vst v63  }
0x79: {  	s0 =	simm.s32 @!p0 $0xC  }
0x7a: {  	_ =	swait.ge @!p0 [sflag:s0], $0x1000  }
0x7b: {  	[sflag:s0] =	ssyncset.done @!p0 $0x0  }
0x7c: {  	s3 =	simm.s32 @!p0 $0x580;
	[sflag:s0] =	ssyncadd.s32 @!p0 $0xFFFFF000;
	s0 =	simm.s32 @!p0 $0x8000  }
0x7d: {  	[tilespmem:s0], [sflag:$0x4] =	stream.indirect.gather @!p0 [hbm4b:s4+s6], $0x20, s3, s6, $0xb8;
	[tilespmem:$0x12000] =	vst v63  }
0x7e: {  	p1 =	por $0x0, $0x0;
	s7 =	simm.s32 $0x2000;
	_ =	swait.ge [sflag:s1], $0x1000  }
0x7f: {  	s6 =	simm.s32 $0x1000;
	s0 =	simm.s32 $0x2B80;
	[sflag:s1] =	ssyncset.done $0x0  }
.LBB2_2:
0x80: {  	s3 =	simm.s32 @!p1 $0xD;
	[sflag:s1] =	ssyncadd.s32 $0xFFFFF000  }
0x81: {  	[spmem:s2] =	stream.indirect.scatter.add.f32 [tilespmem:s26], [sflag:$0x10], $0x20, s0, s14, $0xb8;
	[tilespmem:$0x12000] =	vst v63  }
0x82: {  	_ =	swait.ge @!p1 [sflag:s3], $0x1000  }
0x83: {  	s8 =	sshra.s32 s6, $0x2;
	[sflag:s3] =	ssyncset.done @!p1 $0x0  }
0x84: {  	s19 =	sadd.s32 $0x200, s8;
	s17 =	rddreg [dreg:$0x4];
	[sflag:s3] =	ssyncadd.s32 @!p1 $0xFFFFF000  }
0x85: {  	[tilespmem:s17], [sflag:$0x5] =	stream.indirect.gather [hbm4b:s4+s14], $0x20, s19, s14, $0xb8;
	[tilespmem:$0x12000] =	vst v63  }
0x86: {  	_ =	swait.ge [sflag:s21], $0x1000  }
0x87: {  	[sflag:s21] =	ssyncset.done $0x0  }
0x88: {  	s25 =	sadd.s32 $0x2800, s8;
	s3 =	simm.s32 @!p1 $0xE;
	[sflag:s21] =	ssyncadd.s32 $0xFFFFF000  }
0x89: {  	[spmem:s2] =	stream.indirect.scatter.add.f32 [tilespmem:s15], [sflag:$0x9], $0x20, s25, s14, $0xb8;
	[tilespmem:$0x12000] =	vst v63  }
0x8a: {  	_ =	swait.ge @!p1 [sflag:s3], $0x1000  }
0x8b: {  	[sflag:s3] =	ssyncset.done @!p1 $0x0  }
0x8c: {  	[sflag:s3] =	ssyncadd.s32 @!p1 $0xFFFFF000;
	s3 =	sadd.s32 $0x280, s8  }
0x8d: {  	[tilespmem:s22], [sflag:$0x6] =	stream.indirect.gather [hbm4b:s4+s14], $0x20, s3, s14, $0xb8;
	[tilespmem:$0x12000] =	vst v63  }
0x8e: {  	_ =	swait.ge [sflag:s23], $0x1000  }
0x8f: {  	[sflag:s23] =	ssyncset.done $0x0  }
0x90: {  	s5 =	sadd.s32 $0x2880, s8;
	s3 =	simm.s32 @!p1 $0xF;
	[sflag:s23] =	ssyncadd.s32 $0xFFFFF000  }
0x91: {  	[spmem:s2] =	stream.indirect.scatter.add.f32 [tilespmem:s16], [sflag:$0xA], $0x20, s5, s14, $0xb8;
	[tilespmem:$0x12000] =	vst v63  }
0x92: {  	_ =	swait.ge @!p1 [sflag:s3], $0x1000  }
0x93: {  	[sflag:s3] =	ssyncset.done @!p1 $0x0  }
0x94: {  	s11 =	sadd.s32 $0x300, s8;
	s10 =	rddreg [dreg:$0x5];
	[sflag:s3] =	ssyncadd.s32 @!p1 $0xFFFFF000  }
0x95: {  	[tilespmem:s10], [sflag:$0x7] =	stream.indirect.gather [hbm4b:s4+s14], $0x20, s11, s14, $0xb8;
	[tilespmem:$0x12000] =	vst v63  }
0x96: {  	_ =	swait.ge [sflag:s24], $0x1000  }
0x97: {  	[sflag:s24] =	ssyncset.done $0x0  }
0x98: {  	s12 =	sadd.s32 $0x2900, s8;
	s3 =	simm.s32 @!p1 $0x10;
	[sflag:s24] =	ssyncadd.s32 $0xFFFFF000  }
0x99: {  	[spmem:s2] =	stream.indirect.scatter.add.f32 [tilespmem:s18], [sflag:$0xB], $0x20, s12, s14, $0xb8;
	[tilespmem:$0x12000] =	vst v63  }
0x9a: {  	_ =	swait.ge @!p1 [sflag:s3], $0x1000  }
0x9b: {  	[sflag:s3] =	ssyncset.done @!p1 $0x0  }
0x9c: {  	s13 =	sadd.s32 $0x380, s8;
	[sflag:s3] =	ssyncadd.s32 @!p1 $0xFFFFF000  }
0x9d: {  	[tilespmem:s26], [sflag:$0x8] =	stream.indirect.gather [hbm4b:s4+s14], $0x20, s13, s14, $0xb8;
	[tilespmem:$0x12000] =	vst v63  }
0x9e: {  	_ =	swait.ge [sflag:s28], $0x1000  }
0x9f: {  	[sflag:s28] =	ssyncset.done $0x0  }
0xa0: {  	s17 =	sadd.s32 $0x2980, s8;
	[sflag:s28] =	ssyncadd.s32 $0xFFFFF000  }
0xa1: {  	[spmem:s2] =	stream.indirect.scatter.add.f32 [tilespmem:s20], [sflag:$0xC], $0x20, s17, s14, $0xb8;
	[tilespmem:$0x12000] =	vst v63  }
0xa2: {  	_ =	swait.ge [sflag:s29], $0x1000  }
0xa3: {  	s9 =	smov.u32 s7;
	p1 =	seq.s32 s6, $0x9000;
	[sflag:s29] =	ssyncset.done $0x0  }
0xa4: {  	s0 =	simm.s32 @p1 $0x5;
	s11 =	sshra.s32 @p1 s6, $0x2;
	[sflag:s29] =	ssyncadd.s32 $0xFFFFF000  }
0xa5: {  	s6 =	sshra.s32 @!p1 s6, $0x2;
	s13 =	simm.s32 @p1 $0xA;
	_ =	swait.ge @p1 [sflag:s0], $0x1000  }
0xa6: {  	s3 =	simm.s32 @p1 $0x80;
	s12 =	simm.s32 @!p1 $0x5;
	[sflag:s0] =	ssyncset.done @p1 $0x0  }
0xa7: {  	s25 =	sadd.s32 @p1 $0x2A00, s11;
	[sflag:s0] =	ssyncadd.s32 @p1 $0xFFFFF000;
	s0 =	simm.s32 @p1 $0x9000  }
0xa8: {  	[spmem:s2] =	stream.indirect.scatter.add.f32 @p1 [tilespmem:s0], [sflag:$0xD], $0x20, s25, s3, $0xb8;
	[tilespmem:$0x12000] =	vst v63  }
0xa9: {  	s10 =	sadd.s32 @!p1 $0x2A00, s6;
	s19 =	sadd.s32 @!p1 $0x480, s6;
	_ =	swait.ge @p1 [sflag:s13], $0x1000  }
0xaa: {  	s5 =	sadd.s32 @p1 $0x2B00, s11;
	s11 =	simm.s32 @!p1 $0x80;
	[sflag:s13] =	ssyncset.done @p1 $0x0  }
0xab: {  	s17 =	sadd.s32 @!p1 $0x400, s6;
	s0 =	simm.s32 @!p1 $0x5000;
	[sflag:s13] =	ssyncadd.s32 @p1 $0xFFFFF000  }
0xac: {  	[tilespmem:s0], [sflag:$0x1] =	stream.indirect.gather @!p1 [hbm4b:s4+s11], $0x20, s17, s11, $0xb8;
	[tilespmem:$0x12000] =	vst v63  }
0xad: {  	s25 =	sadd.s32 @!p1 $0x580, s6;
	s13 =	sadd.s32 @!p1 $0x500, s6;
	_ =	swait.ge @!p1 [sflag:s12], $0x1000  }
0xae: {  	s0 =	sadd.s32 @!p1 $0x2B00, s6;
	s6 =	smov.u32 s9;
	[sflag:s12] =	ssyncset.done @!p1 $0x0  }
0xaf: {  	s9 =	simm.s32 @!p1 $0x9000;
	[sflag:s12] =	ssyncadd.s32 @!p1 $0xFFFFF000;
	s12 =	simm.s32 @!p1 $0xA  }
0xb0: {  	[spmem:s2] =	stream.indirect.scatter.add.f32 @!p1 [tilespmem:s9], [sflag:$0xD], $0x20, s10, s11, $0xb8;
	[tilespmem:$0x12000] =	vst v63  }
0xb1: {  	_ =	swait.ge @!p1 [sflag:s12], $0x1000  }
0xb2: {  	[sflag:s12] =	ssyncset.done @!p1 $0x0  }
0xb3: {  	s9 =	simm.s32 @!p1 $0x6000;
	[sflag:s12] =	ssyncadd.s32 @!p1 $0xFFFFF000  }
0xb4: {  	[tilespmem:s9], [sflag:$0x2] =	stream.indirect.gather @!p1 [hbm4b:s4+s11], $0x20, s19, s11, $0xb8;
	[tilespmem:$0x12000] =	vst v63  }
0xb5: {  	_ =	swait.ge [sflag:s30], $0x1000  }
0xb6: {  	[sflag:s30] =	ssyncset.done $0x0  }
0xb7: {  	s19 =	sadd.s32 $0x2A80, s8;
	[sflag:s30] =	ssyncadd.s32 $0xFFFFF000  }
0xb8: {  	[spmem:s2] =	stream.indirect.scatter.add.f32 [tilespmem:s22], [sflag:$0xE], $0x20, s19, s14, $0xb8;
	[tilespmem:$0x12000] =	vst v63  }
0xb9: {  	_ =	swait.ge [sflag:s31], $0x1000  }
0xba: {  	[sflag:s31] =	ssyncset.done $0x0  }
0xbb: {  	s9 =	simm.s32 @p1 $0x7;
	[sflag:s31] =	ssyncadd.s32 $0xFFFFF000  }
0xbc: {  	_ =	swait.ge @p1 [sflag:s9], $0x1000  }
0xbd: {  	[sflag:s9] =	ssyncset.done @p1 $0x0  }
0xbe: {  	s10 =	simm.s32 @p1 $0xC;
	[sflag:s9] =	ssyncadd.s32 @p1 $0xFFFFF000;
	s9 =	simm.s32 @p1 $0xB000  }
0xbf: {  	[spmem:s2] =	stream.indirect.scatter.add.f32 @p1 [tilespmem:s9], [sflag:$0xF], $0x20, s5, s3, $0xb8;
	[tilespmem:$0x12000] =	vst v63  }
0xc0: {  	_ =	swait.ge @p1 [sflag:s10], $0x1000  }
0xc1: {  	[sflag:s10] =	ssyncset.done @p1 $0x0  }
0xc2: {  	s3 =	simm.s32 @!p1 $0x7000;
	s5 =	simm.s32 @!p1 $0x7;
	[sflag:s10] =	ssyncadd.s32 @p1 $0xFFFFF000  }
0xc3: {  	[tilespmem:s3], [sflag:$0x3] =	stream.indirect.gather @!p1 [hbm4b:s4+s11], $0x20, s13, s11, $0xb8;
	[tilespmem:$0x12000] =	vst v63  }
0xc4: {  	_ =	swait.ge @!p1 [sflag:s5], $0x1000  }
0xc5: {  	s7 =	sadd.s32 $0x1000, s7;
	[sflag:s5] =	ssyncset.done @!p1 $0x0  }
0xc6: {  	s3 =	simm.s32 @!p1 $0xB000;
	[sflag:s5] =	ssyncadd.s32 @!p1 $0xFFFFF000;
	s5 =	simm.s32 @!p1 $0xC  }
0xc7: {  	[spmem:s2] =	stream.indirect.scatter.add.f32 @!p1 [tilespmem:s3], [sflag:$0xF], $0x20, s0, s11, $0xb8;
	[tilespmem:$0x12000] =	vst v63  }
0xc8: {  	p0 =	sne.s32 s7, $0xA000;
	_ =	swait.ge @!p1 [sflag:s5], $0x1000  }
.Ltmp0:
0xc9: {  	[sflag:s5] =	ssyncset.done @!p1 $0x0;
	(pc) =	sbr.rel @p0 .LBB2_2-.Ltmp0, $4  }
0xca: {  	s0 =	simm.s32 @!p1 $0x8000;
	[sflag:s5] =	ssyncadd.s32 @!p1 $0xFFFFF000  }
0xcb: {  	[tilespmem:s0], [sflag:$0x4] =	stream.indirect.gather @!p1 [hbm4b:s4+s11], $0x20, s25, s11, $0xb8;
	[tilespmem:$0x12000] =	vst v63  }
0xcc: {  	_ =	swait.ge [sflag:s1], $0x1000  }
0xcd: {  	p1 =	seq.s32 s6, $0x0;
	s0 =	sadd.s32 $0x2B80, s8;
	[sflag:s1] =	ssyncset.done $0x0  }
0xce: {  	s3 =	simm.s32 @!p1 $0xD;
	[sflag:s1] =	ssyncadd.s32 $0xFFFFF000  }
0xcf: {  	[spmem:s2] =	stream.indirect.scatter.add.f32 [tilespmem:s26], [sflag:$0x10], $0x20, s0, s14, $0xb8;
	[tilespmem:$0x12000] =	vst v63  }
0xd0: {  	_ =	swait.ge @!p1 [sflag:s3], $0x1000  }
0xd1: {  	s7 =	sshra.s32 s6, $0x2;
	[sflag:s3] =	ssyncset.done @!p1 $0x0  }
0xd2: {  	s5 =	sadd.s32 $0x200, s7;
	s25 =	rddreg [dreg:$0x4];
	[sflag:s3] =	ssyncadd.s32 @!p1 $0xFFFFF000  }
0xd3: {  	[tilespmem:s25], [sflag:$0x5] =	stream.indirect.gather [hbm4b:s4+s14], $0x20, s5, s14, $0xb8;
	[tilespmem:$0x12000] =	vst v63  }
0xd4: {  	_ =	swait.ge [sflag:s21], $0x1000  }
0xd5: {  	[sflag:s21] =	ssyncset.done $0x0  }
0xd6: {  	s8 =	sadd.s32 $0x2800, s7;
	s3 =	simm.s32 @!p1 $0xE;
	[sflag:s21] =	ssyncadd.s32 $0xFFFFF000  }
0xd7: {  	[spmem:s2] =	stream.indirect.scatter.add.f32 [tilespmem:s15], [sflag:$0x9], $0x20, s8, s14, $0xb8;
	[tilespmem:$0x12000] =	vst v63  }
0xd8: {  	_ =	swait.ge @!p1 [sflag:s3], $0x1000  }
0xd9: {  	[sflag:s3] =	ssyncset.done @!p1 $0x0  }
0xda: {  	s9 =	sadd.s32 $0x280, s7;
	[sflag:s3] =	ssyncadd.s32 @!p1 $0xFFFFF000  }
0xdb: {  	[tilespmem:s22], [sflag:$0x6] =	stream.indirect.gather [hbm4b:s4+s14], $0x20, s9, s14, $0xb8;
	[tilespmem:$0x12000] =	vst v63  }
0xdc: {  	_ =	swait.ge [sflag:s23], $0x1000  }
0xdd: {  	[sflag:s23] =	ssyncset.done $0x0  }
0xde: {  	s10 =	sadd.s32 $0x2880, s7;
	s3 =	simm.s32 @!p1 $0xF;
	[sflag:s23] =	ssyncadd.s32 $0xFFFFF000  }
0xdf: {  	[spmem:s2] =	stream.indirect.scatter.add.f32 [tilespmem:s16], [sflag:$0xA], $0x20, s10, s14, $0xb8;
	[tilespmem:$0x12000] =	vst v63  }
0xe0: {  	_ =	swait.ge @!p1 [sflag:s3], $0x1000  }
0xe1: {  	[sflag:s3] =	ssyncset.done @!p1 $0x0  }
0xe2: {  	s12 =	sadd.s32 $0x300, s7;
	s11 =	rddreg [dreg:$0x5];
	[sflag:s3] =	ssyncadd.s32 @!p1 $0xFFFFF000  }
0xe3: {  	[tilespmem:s11], [sflag:$0x7] =	stream.indirect.gather [hbm4b:s4+s14], $0x20, s12, s14, $0xb8;
	[tilespmem:$0x12000] =	vst v63  }
0xe4: {  	_ =	swait.ge [sflag:s24], $0x1000  }
0xe5: {  	[sflag:s24] =	ssyncset.done $0x0  }
0xe6: {  	s13 =	sadd.s32 $0x2900, s7;
	s3 =	simm.s32 @!p1 $0x10;
	[sflag:s24] =	ssyncadd.s32 $0xFFFFF000  }
0xe7: {  	[spmem:s2] =	stream.indirect.scatter.add.f32 [tilespmem:s18], [sflag:$0xB], $0x20, s13, s14, $0xb8;
	[tilespmem:$0x12000] =	vst v63  }
0xe8: {  	_ =	swait.ge @!p1 [sflag:s3], $0x1000  }
0xe9: {  	[sflag:s3] =	ssyncset.done @!p1 $0x0  }
0xea: {  	s17 =	sadd.s32 $0x380, s7;
	[sflag:s3] =	ssyncadd.s32 @!p1 $0xFFFFF000  }
0xeb: {  	[tilespmem:s26], [sflag:$0x8] =	stream.indirect.gather [hbm4b:s4+s14], $0x20, s17, s14, $0xb8;
	[tilespmem:$0x12000] =	vst v63  }
0xec: {  	_ =	swait.ge [sflag:s28], $0x1000  }
0xed: {  	[sflag:s28] =	ssyncset.done $0x0  }
0xee: {  	s19 =	sadd.s32 $0x2980, s7;
	[sflag:s28] =	ssyncadd.s32 $0xFFFFF000  }
0xef: {  	[spmem:s2] =	stream.indirect.scatter.add.f32 [tilespmem:s20], [sflag:$0xC], $0x20, s19, s14, $0xb8;
	[tilespmem:$0x12000] =	vst v63  }
0xf0: {  	_ =	swait.ge [sflag:s29], $0x1000  }
0xf1: {  	p0 =	seq.s32 s6, $0x9000;
	[sflag:s29] =	ssyncset.done $0x0  }
0xf2: {  	s0 =	simm.s32 @p0 $0x5;
	[sflag:s29] =	ssyncadd.s32 $0xFFFFF000  }
0xf3: {  	s8 =	simm.s32 @p0 $0xA;
	_ =	swait.ge @p0 [sflag:s0], $0x1000  }
0xf4: {  	s9 =	simm.s32 @p0 $0x9000;
	s3 =	sshra.s32 @p0 s6, $0x2;
	[sflag:s0] =	ssyncset.done @p0 $0x0  }
0xf5: {  	s5 =	sadd.s32 @p0 $0x2A00, s3;
	[sflag:s0] =	ssyncadd.s32 @p0 $0xFFFFF000;
	s0 =	simm.s32 @p0 $0x80  }
0xf6: {  	[spmem:s2] =	stream.indirect.scatter.add.f32 @p0 [tilespmem:s9], [sflag:$0xD], $0x20, s5, s0, $0xb8;
	[tilespmem:$0x12000] =	vst v63  }
0xf7: {  	_ =	swait.ge @p0 [sflag:s8], $0x1000  }
0xf8: {  	s5 =	sshra.s32 @!p0 s6, $0x2;
	s9 =	simm.s32 @!p0 $0x5000;
	[sflag:s8] =	ssyncset.done @p0 $0x0  }
0xf9: {  	s6 =	sadd.s32 @!p0 $0x400, s5;
	[sflag:s8] =	ssyncadd.s32 @p0 $0xFFFFF000;
	s8 =	simm.s32 @!p0 $0x80  }
0xfa: {  	[tilespmem:s9], [sflag:$0x1] =	stream.indirect.gather @!p0 [hbm4b:s4+s8], $0x20, s6, s8, $0xb8;
	[tilespmem:$0x12000] =	vst v63  }
0xfb: {  	s6 =	simm.s32 @!p0 $0x5  }
0xfc: {  	_ =	swait.ge @!p0 [sflag:s6], $0x1000  }
0xfd: {  	[sflag:s6] =	ssyncset.done @!p0 $0x0  }
0xfe: {  	s9 =	sadd.s32 @!p0 $0x2A00, s5;
	[sflag:s6] =	ssyncadd.s32 @!p0 $0xFFFFF000;
	s6 =	simm.s32 @!p0 $0x9000  }
0xff: {  	[spmem:s2] =	stream.indirect.scatter.add.f32 @!p0 [tilespmem:s6], [sflag:$0xD], $0x20, s9, s8, $0xb8;
	[tilespmem:$0x12000] =	vst v63  }
0x100: {  	s6 =	simm.s32 @!p0 $0xA  }
0x101: {  	_ =	swait.ge @!p0 [sflag:s6], $0x1000  }
0x102: {  	[sflag:s6] =	ssyncset.done @!p0 $0x0  }
0x103: {  	s9 =	sadd.s32 @!p0 $0x480, s5;
	[sflag:s6] =	ssyncadd.s32 @!p0 $0xFFFFF000;
	s6 =	simm.s32 @!p0 $0x6000  }
0x104: {  	[tilespmem:s6], [sflag:$0x2] =	stream.indirect.gather @!p0 [hbm4b:s4+s8], $0x20, s9, s8, $0xb8;
	[tilespmem:$0x12000] =	vst v63  }
0x105: {  	_ =	swait.ge [sflag:s30], $0x1000  }
0x106: {  	[sflag:s30] =	ssyncset.done $0x0  }
0x107: {  	s25 =	sadd.s32 $0x2A80, s7;
	[sflag:s30] =	ssyncadd.s32 $0xFFFFF000  }
0x108: {  	[spmem:s2] =	stream.indirect.scatter.add.f32 [tilespmem:s22], [sflag:$0xE], $0x20, s25, s14, $0xb8;
	[tilespmem:$0x12000] =	vst v63  }
0x109: {  	_ =	swait.ge [sflag:s31], $0x1000  }
0x10a: {  	[sflag:s31] =	ssyncset.done $0x0  }
0x10b: {  	s6 =	simm.s32 @p0 $0x7;
	[sflag:s31] =	ssyncadd.s32 $0xFFFFF000  }
0x10c: {  	_ =	swait.ge @p0 [sflag:s6], $0x1000  }
0x10d: {  	[sflag:s6] =	ssyncset.done @p0 $0x0  }
0x10e: {  	s3 =	sadd.s32 @p0 $0x2B00, s3;
	[sflag:s6] =	ssyncadd.s32 @p0 $0xFFFFF000;
	s6 =	simm.s32 @p0 $0xB000  }
0x10f: {  	[spmem:s2] =	stream.indirect.scatter.add.f32 @p0 [tilespmem:s6], [sflag:$0xF], $0x20, s3, s0, $0xb8;
	[tilespmem:$0x12000] =	vst v63  }
0x110: {  	s0 =	simm.s32 @p0 $0xC  }
0x111: {  	_ =	swait.ge @p0 [sflag:s0], $0x1000  }
0x112: {  	[sflag:s0] =	ssyncset.done @p0 $0x0  }
0x113: {  	s3 =	sadd.s32 @!p0 $0x500, s5;
	[sflag:s0] =	ssyncadd.s32 @p0 $0xFFFFF000;
	s0 =	simm.s32 @!p0 $0x7000  }
0x114: {  	[tilespmem:s0], [sflag:$0x3] =	stream.indirect.gather @!p0 [hbm4b:s4+s8], $0x20, s3, s8, $0xb8;
	[tilespmem:$0x12000] =	vst v63  }
0x115: {  	s0 =	simm.s32 @!p0 $0x7  }
0x116: {  	_ =	swait.ge @!p0 [sflag:s0], $0x1000  }
0x117: {  	[sflag:s0] =	ssyncset.done @!p0 $0x0  }
0x118: {  	s3 =	sadd.s32 @!p0 $0x2B00, s5;
	[sflag:s0] =	ssyncadd.s32 @!p0 $0xFFFFF000;
	s0 =	simm.s32 @!p0 $0xB000  }
0x119: {  	[spmem:s2] =	stream.indirect.scatter.add.f32 @!p0 [tilespmem:s0], [sflag:$0xF], $0x20, s3, s8, $0xb8;
	[tilespmem:$0x12000] =	vst v63  }
0x11a: {  	s0 =	simm.s32 @!p0 $0xC  }
0x11b: {  	_ =	swait.ge @!p0 [sflag:s0], $0x1000  }
0x11c: {  	[sflag:s0] =	ssyncset.done @!p0 $0x0  }
0x11d: {  	s3 =	sadd.s32 @!p0 $0x580, s5;
	[sflag:s0] =	ssyncadd.s32 @!p0 $0xFFFFF000;
	s0 =	simm.s32 @!p0 $0x8000  }
0x11e: {  	[tilespmem:s0], [sflag:$0x4] =	stream.indirect.gather @!p0 [hbm4b:s4+s8], $0x20, s3, s8, $0xb8;
	[tilespmem:$0x12000] =	vst v63  }
0x11f: {  	_ =	swait.ge [sflag:s1], $0x1000  }
0x120: {  	[sflag:s1] =	ssyncset.done $0x0  }
0x121: {  	s9 =	simm.s32 $0xD;
	s8 =	sadd.s32 $0x2B80, s7;
	[sflag:s1] =	ssyncadd.s32 $0xFFFFF000  }
0x122: {  	[spmem:s2] =	stream.indirect.scatter.add.f32 [tilespmem:s26], [sflag:$0x10], $0x20, s8, s14, $0xb8;
	[tilespmem:$0x12000] =	vst v63  }
0x123: {  	_ =	swait.ge [sflag:s9], $0x1000  }
0x124: {  	[sflag:s9] =	ssyncset.done $0x0  }
0x125: {  	s10 =	simm.s32 $0xE;
	[sflag:s9] =	ssyncadd.s32 $0xFFFFF000  }
0x126: {  	_ =	swait.ge [sflag:s10], $0x1000  }
0x127: {  	[sflag:s10] =	ssyncset.done $0x0  }
0x128: {  	s11 =	simm.s32 $0xF;
	[sflag:s10] =	ssyncadd.s32 $0xFFFFF000  }
0x129: {  	_ =	swait.ge [sflag:s11], $0x1000  }
0x12a: {  	[sflag:s11] =	ssyncset.done $0x0  }
0x12b: {  	s12 =	simm.s32 $0x10;
	[sflag:s11] =	ssyncadd.s32 $0xFFFFF000  }
0x12c: {  	_ =	swait.ge [sflag:s12], $0x1000  }
0x12d: {  	[sflag:s12] =	ssyncset.done $0x0  }
0x12e: {  	[sflag:s12] =	ssyncadd.s32 $0xFFFFF000  }
0x12f: {  	[bflag:$0x0] =	sbarrier.arrive $0xFFFF  }
0x130: {  	s13 =	rddreg [dreg:$0x8]  }
0x131: {  	s3 =	rddreg [dreg:$0xb]  }
0x132: {  	s6 =	simm.s32 $0x11;
	s17 =	rddreg [dreg:$0xd]  }
0x133: {  	[hbm:s13@s12], [sflag:s3] =	dma.strided [spmem:s17@s28], $0xA00, s21, $0x4   }
0x134: {  	_ =	swait.ge [sflag:s6], $0xA00  }
0x135: {  	s19 =	rddreg [dreg:$0xe]  }
0x136: {  	s25 =	rddreg [dreg:$0x9];
	s5 =	sadd.s32 $0x1, s19  }
0x137: {  	p0 =	sne.s32 s5, s25  }
.Ltmp1:
0x138: {  	_ = 	snop;
	(pc) =	sbr.rel @p0 .LBB2_1-.Ltmp1, $3  }
0x139: {  	_ =	sdelay $0x1  }
0x13a: {  	[sflag:s6] =	ssyncset.done $0x0  }
0x13b: {  	[sflag:s6] =	ssyncadd.s32 $0xFFFFF600  }
0x13c: {  	_ =	sfence.sel $0x180000  }
0x13d: {  	[bflag:$0x0] =	sbarrier.arrive $0xFFFF  }
0x13e: {  	_ =	strace $0x90000053  }
0x13f: {  	s0 =	stileid.u32;
	[bflag:$0x2] =	sbarrier.arrive $0xFFFF  }
0x140: {  	p0 =	sne.s32 s0, $0x0;
	s0 =	rddreg [dreg:$0x3]  }
0x141: {  	s0 =	sadd.s32 @!p0 $0x100000, s0  }
0x142: {  	[sflag:s0] =	ssyncadd.tile.s32 @!p0 $0x1;
	_ =	shalt  }
.Lfunc_end2:
_tile_overlayer_lowered:
.L_overlay_start_2:
0x143: {  	(tag) =	ssettag $0x2  }
0x144: {  	s0 =	rddreg [dreg:$0x0];
	s2 =	stileid.u32  }
0x145: {  	s1 =	rddreg [dreg:$0x1];
	p0 =	sne.s32 s2, $0x0  }
0x146: {  	s3 =	rddreg [dreg:$0x2];
	[bflag:$0x3] =	sbarrier.arrive $0xFFFF;
	s2 =	simm.s32 @!p0 $0x1C11  }
0x147: {  	[timem:s3], [sflag:s2] =	dma.local @!p0 [hbm:s0], s1  }
0x148: {  	s0 =	simm.s32 @!p0 $0x11  }
0x149: {  	_ =	swait.ge @!p0 [sflag:s0], s1  }
0x14a: {  	s1 =	ssub.s32 @!p0 $0x0, s1;
	[sflag:s0] =	ssyncset.done @!p0 $0x0  }
0x14b: {  	[sflag:s0] =	ssyncadd.s32 @!p0 s1  }
0x14c: {  	[bflag:$0x3] =	sbarrier.arrive $0xFFFF  }
0x14d: {  	_ =	shalt  }

</sc_bundles>
